<compile_context>
chip_gen: v7x
topology: tpu7x:2x2x1
jax: 0.10.2.dev20260603
libtpu: 0.0.44.dev20260713+nightly
codegen_flags: <defaults>
</compile_context>

<pallas_src>
import functools

import jax
import jax.numpy as jnp
from jax import lax
from jax.experimental import pallas as pl
from jax.experimental.pallas import tpu as pltpu
from jax.experimental.pallas import tpu_sc as plsc

B = 16384
D = 32
L = 16

_MESH = dict(core_axis_name="c", subcore_axis_name="s")


def _user_gather(user_ids, uembT):
    info = plsc.get_sparse_core_info()
    nc, ns = info.num_cores, info.num_subcores
    bpw = B // (nc * ns)

    @functools.partial(
        pl.kernel,
        mesh=plsc.VectorSubcoreMesh(**_MESH),
        compiler_params=pltpu.CompilerParams(
            needs_layout_passes=False, disable_bounds_checks=True),
        out_type=jax.ShapeDtypeStruct((B * D,), jnp.float32),
        scratch_types=[
            pltpu.VMEM((bpw,), jnp.int32),
            *[pltpu.VMEM((D, 128), jnp.float32) for _ in range(L)],
            pltpu.VMEM((bpw * D,), jnp.float32),
            pltpu.SemaphoreType.DMA,
        ],
    )
    def ka(uids_hbm, uembT_hbm, out_hbm, uidx, *rest):
        ubuf = rest[:L]
        urows, usem = rest[L:]
        wid = lax.axis_index("s") * nc + lax.axis_index("c")
        base = wid * bpw

        pltpu.sync_copy(uids_hbm.at[pl.ds(base, bpw)], uidx)
        dlo = lax.iota(jnp.int32, L)
        dhi = dlo + L
        ngrp = bpw // L

        def wait_one(r):
            pltpu.make_async_copy(
                uembT_hbm.at[pl.ds(0, D), pl.ds(0, 128)], ubuf[r], usem).wait()

        def extract(uvec, g, r):
            ul = jnp.full((L,), uvec[r] & 127, jnp.int32)
            i = g * L + r
            urows[pl.ds(i * D, L)] = plsc.load_gather(ubuf[r], [dlo, ul])
            urows[pl.ds(i * D + L, L)] = plsc.load_gather(ubuf[r], [dhi, ul])

        def group(g, _):
            cur = uidx[pl.ds(g * L, L)]
            prv = uidx[pl.ds(jnp.maximum(g - 1, 0) * L, L)]
            for r in range(L):
                @pl.when(g > 0)
                def _():
                    wait_one(r)
                    extract(prv, g - 1, r)

                blk = pl.multiple_of((cur[r] >> 7) * 128, 128)
                pltpu.async_copy(
                    uembT_hbm.at[pl.ds(0, D), pl.ds(blk, 128)], ubuf[r], usem)
            return 0

        lax.fori_loop(0, ngrp, group, 0)
        lastv = uidx[pl.ds((ngrp - 1) * L, L)]
        for r in range(L):
            wait_one(r)
            extract(lastv, ngrp - 1, r)
        pltpu.sync_copy(urows, out_hbm.at[pl.ds(base * D, bpw * D)])

    return ka(user_ids, uembT)


def _dot_bias(user_rows_flat, user_ids, movie_ids, memb, ub1d, mb1d):
    info = plsc.get_sparse_core_info()
    nc, ns = info.num_cores, info.num_subcores
    bpw = B // (nc * ns)

    @functools.partial(
        pl.kernel,
        mesh=plsc.VectorSubcoreMesh(**_MESH),
        compiler_params=pltpu.CompilerParams(needs_layout_passes=False),
        out_type=jax.ShapeDtypeStruct((B,), jnp.float32),
        scratch_types=[
            pltpu.VMEM((bpw,), jnp.int32),
            pltpu.VMEM((bpw,), jnp.int32),
            *[pltpu.VMEM((8, D), jnp.float32) for _ in range(L)],
            pltpu.VMEM((bpw * D,), jnp.float32),
            pltpu.VMEM((bpw,), jnp.float32),
            pltpu.VMEM((bpw,), jnp.float32),
            pltpu.VMEM((bpw,), jnp.float32),
            pltpu.SemaphoreType.DMA,
            pltpu.SemaphoreType.DMA,
        ],
    )
    def kb(urows_hbm, uids_hbm, mids_hbm, memb_hbm, ub_hbm, mb_hbm, out_hbm,
           uidx, midx, *rest):
        mbuf = rest[:L]
        urows, ubias, mbias, outv, sem, msem = rest[L:]
        wid = lax.axis_index("s") * nc + lax.axis_index("c")
        base = wid * bpw

        pltpu.sync_copy(uids_hbm.at[pl.ds(base, bpw)], uidx)
        pltpu.sync_copy(mids_hbm.at[pl.ds(base, bpw)], midx)
        cu = pltpu.async_copy(
            urows_hbm.at[pl.ds(base * D, bpw * D)], urows, sem)
        cb1 = pltpu.async_copy(ub_hbm.at[uidx], ubias, sem)
        cb2 = pltpu.async_copy(mb_hbm.at[midx], mbias, sem)
        lane = lax.iota(jnp.int32, L)
        ngrp = bpw // L
        cu.wait()

        def wait_slab(r):
            pltpu.make_async_copy(
                memb_hbm.at[pl.ds(0, 8), pl.ds(0, D)], mbuf[r], msem).wait()

        def dot_one(mvec, g, r):
            i = g * L + r
            ms = mvec[r] & 7
            m0 = mbuf[r][ms, pl.ds(0, L)]
            m1 = mbuf[r][ms, pl.ds(L, L)]
            u0 = urows[pl.ds(i * D, L)]
            u1 = urows[pl.ds(i * D + L, L)]
            s = u0 * m0 + u1 * m1
            return jnp.sum(s)

        def group(g, _):
            gp = jnp.maximum(g - 1, 0)
            cur = midx[pl.ds(g * L, L)]
            prv = midx[pl.ds(gp * L, L)]
            acc = jnp.zeros((L,), jnp.float32)
            for r in range(L):
                @pl.when(g > 0)
                def _():
                    wait_slab(r)

                acc = acc + jnp.where(
                    (lane == r) & (g > 0), dot_one(prv, gp, r), 0.0)
                row8 = pl.multiple_of((cur[r] >> 3) * 8, 8)
                pltpu.async_copy(
                    memb_hbm.at[pl.ds(row8, 8), pl.ds(0, D)], mbuf[r], msem)

            @pl.when(g > 0)
            def _():
                outv[pl.ds(gp * L, L)] = acc

            return 0

        lax.fori_loop(0, ngrp, group, 0)
        lastv = midx[pl.ds((ngrp - 1) * L, L)]
        accl = jnp.zeros((L,), jnp.float32)
        for r in range(L):
            wait_slab(r)
            accl = accl + jnp.where(lane == r, dot_one(lastv, ngrp - 1, r), 0.0)
        outv[pl.ds((ngrp - 1) * L, L)] = accl

        cb1.wait()
        cb2.wait()

        def badd(j, _):
            sl = pl.ds(j * L, L)
            outv[sl] = outv[sl] + mbias[sl] + ubias[sl]
            return 0

        lax.fori_loop(0, bpw // L, badd, 0, unroll=4)

        pltpu.sync_copy(outv, out_hbm.at[pl.ds(base, bpw)])

    return kb(user_rows_flat, user_ids, movie_ids, memb, ub1d, mb1d)


def kernel(user_ids, movie_ids, user_emb, movie_emb, user_bias, movie_bias):
    uids = user_ids.astype(jnp.int32)
    mids = movie_ids.astype(jnp.int32)
    urows_flat = _user_gather(uids, user_emb.T)
    return _dot_bias(
        urows_flat,
        uids,
        mids,
        movie_emb,
        user_bias.reshape(-1),
        movie_bias.reshape(-1),
    )

# --- scband reference (transcript-rebuilt; emitter-appended) ---
"""Pipeline reference for scband-recommender-61555471286929 (READ-ONLY COPY).

The authoritative reference and input builder live on the scoring server;
editing this copy changes nothing except your own understanding.
"""

import jax, jax.numpy as jnp
import numpy as np

N_USERS = 1000000
N_MOVIES = 100000
EMBED_DIM = 32
BATCH = 16384


def setup_inputs(seed: int = 0) -> dict:
    key = jax.random.key(seed)
    k1, k2, k3, k4 = jax.random.split(key, 4)
    user_ids = jax.random.randint(k1, (BATCH,), 0, N_USERS, dtype=jnp.int64 if jax.config.jax_enable_x64 else jnp.int32)
    movie_ids = jax.random.randint(k2, (BATCH,), 0, N_MOVIES, dtype=jnp.int64 if jax.config.jax_enable_x64 else jnp.int32)
    # learned parameters, initialized like the torch module
    user_emb = jax.random.normal(k3, (N_USERS, EMBED_DIM), dtype=jnp.float32) * 0.1
    movie_emb = jax.random.normal(k4, (N_MOVIES, EMBED_DIM), dtype=jnp.float32) * 0.1
    user_bias = jnp.zeros((N_USERS, 1), dtype=jnp.float32)
    movie_bias = jnp.zeros((N_MOVIES, 1), dtype=jnp.float32)
    return {
        "user_ids": user_ids,
        "movie_ids": movie_ids,
        "user_emb": user_emb,
        "movie_emb": movie_emb,
        "user_bias": user_bias,
        "movie_bias": movie_bias,
    }


def reference(user_ids, movie_ids, user_emb, movie_emb, user_bias, movie_bias):
    # embedding lookups (gather)
    user_vecs = jnp.take(user_emb, user_ids, axis=0)      # [B, D]
    movie_vecs = jnp.take(movie_emb, movie_ids, axis=0)   # [B, D]
    dot = jnp.sum(user_vecs * movie_vecs, axis=1, keepdims=True)  # [B, 1]
    preds = dot + jnp.take(user_bias, user_ids, axis=0) + jnp.take(movie_bias, movie_ids, axis=0)
    return jnp.squeeze(preds)

if __name__ == "__main__":
    import jax
    _d = setup_inputs()
    print(jax.jit(kernel)(*tuple(_d.values())))

</pallas_src>

<mosaic_0001>
#map = affine_map<(d0, d1) -> (0)>
#map1 = affine_map<(d0, d1) -> (0, 0)>
module attributes {stable_mosaic.version = 14 : i64} {
  func.func @kb(%arg0: i32, %arg1: i32, %arg2: memref<524288xf32, #tpu.memory_space<hbm>>, %arg3: memref<16384xi32, #tpu.memory_space<hbm>>, %arg4: memref<16384xi32, #tpu.memory_space<hbm>>, %arg5: memref<100000x32xf32, #tpu.memory_space<hbm>>, %arg6: memref<1000000xf32, #tpu.memory_space<hbm>>, %arg7: memref<100000xf32, #tpu.memory_space<hbm>>, %arg8: memref<16384xf32, #tpu.memory_space<hbm>>, %arg9: memref<512xi32, #tpu.memory_space<vmem>>, %arg10: memref<512xi32, #tpu.memory_space<vmem>>, %arg11: memref<8x32xf32, #tpu.memory_space<vmem>>, %arg12: memref<8x32xf32, #tpu.memory_space<vmem>>, %arg13: memref<8x32xf32, #tpu.memory_space<vmem>>, %arg14: memref<8x32xf32, #tpu.memory_space<vmem>>, %arg15: memref<8x32xf32, #tpu.memory_space<vmem>>, %arg16: memref<8x32xf32, #tpu.memory_space<vmem>>, %arg17: memref<8x32xf32, #tpu.memory_space<vmem>>, %arg18: memref<8x32xf32, #tpu.memory_space<vmem>>, %arg19: memref<8x32xf32, #tpu.memory_space<vmem>>, %arg20: memref<8x32xf32, #tpu.memory_space<vmem>>, %arg21: memref<8x32xf32, #tpu.memory_space<vmem>>, %arg22: memref<8x32xf32, #tpu.memory_space<vmem>>, %arg23: memref<8x32xf32, #tpu.memory_space<vmem>>, %arg24: memref<8x32xf32, #tpu.memory_space<vmem>>, %arg25: memref<8x32xf32, #tpu.memory_space<vmem>>, %arg26: memref<8x32xf32, #tpu.memory_space<vmem>>, %arg27: memref<16384xf32, #tpu.memory_space<vmem>>, %arg28: memref<512xf32, #tpu.memory_space<vmem>>, %arg29: memref<512xf32, #tpu.memory_space<vmem>>, %arg30: memref<512xf32, #tpu.memory_space<vmem>>, %arg31: memref<!tpu.dma_semaphore, #tpu.memory_space<semaphore_mem>>, %arg32: memref<!tpu.dma_semaphore, #tpu.memory_space<semaphore_mem>>) attributes {dimension_semantics = [#tpu.dimension_semantics<core_parallel>, #tpu.dimension_semantics<subcore_parallel>], iteration_bounds = array<i64: 2, 16>, scalar_prefetch = 0 : i64, scratch_operands = 24 : i64, tpu.core_type = #tpu.core_type<sc_vector_subcore>, window_params = [{transform_indices = #map}, {transform_indices = #map}, {transform_indices = #map}, {transform_indices = #map1}, {transform_indices = #map}, {transform_indices = #map}, {transform_indices = #map}]} {
    %mul3A = arith.constant 2 : i32
    %mul3A_0 = arith.muli %arg1, %mul3A : i32
    %add3A = arith.addi %mul3A_0, %arg0 : i32
    %mul3A_1 = arith.constant 512 : i32
    %mul3A_2 = arith.muli %add3A, %mul3A_1 : i32
    "tpu.region"() ({
      %run_scoped3A = tpu.sem_alloc : memref<!tpu.dma_semaphore, #tpu.memory_space<semaphore_mem>>
      %dma_start3A_584 = tpu.memref_slice %arg3[%mul3A_2] : memref<16384xi32, #tpu.memory_space<hbm>> -> memref<512xi32, #tpu.memory_space<hbm>>
      %dma_start3A_585 = tpu.memref_slice %arg3[%mul3A_2] : memref<16384xi32, #tpu.memory_space<hbm>> -> memref<512xi32, #tpu.memory_space<hbm>>
      tpu.enqueue_dma source(%dma_start3A_585 : memref<512xi32, #tpu.memory_space<hbm>>) target(%arg9 : memref<512xi32, #tpu.memory_space<vmem>>) target_semaphore(%run_scoped3A : memref<!tpu.dma_semaphore, #tpu.memory_space<semaphore_mem>>)
      %dma_wait3A_586 = tpu.memref_slice %arg3[%mul3A_2] : memref<16384xi32, #tpu.memory_space<hbm>> -> memref<512xi32, #tpu.memory_space<hbm>>
      %dma_wait3A_587 = tpu.memref_slice %arg3[%mul3A_2] : memref<16384xi32, #tpu.memory_space<hbm>> -> memref<512xi32, #tpu.memory_space<hbm>>
      tpu.wait_dma2 semaphore(%run_scoped3A : memref<!tpu.dma_semaphore, #tpu.memory_space<semaphore_mem>>) src(%dma_wait3A_587 : memref<512xi32, #tpu.memory_space<hbm>>) dst(%arg9 : memref<512xi32, #tpu.memory_space<vmem>>)
      tpu.yield
    }) : () -> ()
    "tpu.region"() ({
      %run_scoped3A = tpu.sem_alloc : memref<!tpu.dma_semaphore, #tpu.memory_space<semaphore_mem>>
      %dma_start3A_584 = tpu.memref_slice %arg4[%mul3A_2] : memref<16384xi32, #tpu.memory_space<hbm>> -> memref<512xi32, #tpu.memory_space<hbm>>
      %dma_start3A_585 = tpu.memref_slice %arg4[%mul3A_2] : memref<16384xi32, #tpu.memory_space<hbm>> -> memref<512xi32, #tpu.memory_space<hbm>>
      tpu.enqueue_dma source(%dma_start3A_585 : memref<512xi32, #tpu.memory_space<hbm>>) target(%arg10 : memref<512xi32, #tpu.memory_space<vmem>>) target_semaphore(%run_scoped3A : memref<!tpu.dma_semaphore, #tpu.memory_space<semaphore_mem>>)
      %dma_wait3A_586 = tpu.memref_slice %arg4[%mul3A_2] : memref<16384xi32, #tpu.memory_space<hbm>> -> memref<512xi32, #tpu.memory_space<hbm>>
      %dma_wait3A_587 = tpu.memref_slice %arg4[%mul3A_2] : memref<16384xi32, #tpu.memory_space<hbm>> -> memref<512xi32, #tpu.memory_space<hbm>>
      tpu.wait_dma2 semaphore(%run_scoped3A : memref<!tpu.dma_semaphore, #tpu.memory_space<semaphore_mem>>) src(%dma_wait3A_587 : memref<512xi32, #tpu.memory_space<hbm>>) dst(%arg10 : memref<512xi32, #tpu.memory_space<vmem>>)
      tpu.yield
    }) : () -> ()
    %mul3A_3 = arith.constant 32 : i32
    %mul3A_4 = arith.muli %mul3A_2, %mul3A_3 : i32
    %dma_start3A = tpu.memref_slice %arg2[%mul3A_4] : memref<524288xf32, #tpu.memory_space<hbm>> -> memref<16384xf32, #tpu.memory_space<hbm>>
    %dma_start3A_5 = tpu.memref_slice %arg2[%mul3A_4] : memref<524288xf32, #tpu.memory_space<hbm>> -> memref<16384xf32, #tpu.memory_space<hbm>>
    tpu.enqueue_dma source(%dma_start3A_5 : memref<16384xf32, #tpu.memory_space<hbm>>) target(%arg27 : memref<16384xf32, #tpu.memory_space<vmem>>) target_semaphore(%arg31 : memref<!tpu.dma_semaphore, #tpu.memory_space<semaphore_mem>>)
    %dma_start3A_6 = arith.constant 0 : i32
    %dma_start3A_7 = tpu.memref_slice %arg6[%dma_start3A_6] : memref<1000000xf32, #tpu.memory_space<hbm>> -> memref<1000000xf32, #tpu.memory_space<hbm>>
    tpu.enqueue_indirect_dma source(%dma_start3A_7 : memref<1000000xf32, #tpu.memory_space<hbm>>) target(%arg28 : memref<512xf32, #tpu.memory_space<vmem>>) offsets(%arg9 : memref<512xi32, #tpu.memory_space<vmem>>) semaphore(%arg31 : memref<!tpu.dma_semaphore, #tpu.memory_space<semaphore_mem>>)
    %dma_start3A_8 = arith.constant 0 : i32
    %dma_start3A_9 = tpu.memref_slice %arg7[%dma_start3A_8] : memref<100000xf32, #tpu.memory_space<hbm>> -> memref<100000xf32, #tpu.memory_space<hbm>>
    tpu.enqueue_indirect_dma source(%dma_start3A_9 : memref<100000xf32, #tpu.memory_space<hbm>>) target(%arg29 : memref<512xf32, #tpu.memory_space<vmem>>) offsets(%arg10 : memref<512xi32, #tpu.memory_space<vmem>>) semaphore(%arg31 : memref<!tpu.dma_semaphore, #tpu.memory_space<semaphore_mem>>)
    %iota3A = tpu.iota {dimensions = array<i32: 0>} : vector<16xi32>
    %dma_wait3A = tpu.memref_slice %arg2[%mul3A_4] : memref<524288xf32, #tpu.memory_space<hbm>> -> memref<16384xf32, #tpu.memory_space<hbm>>
    %dma_wait3A_10 = tpu.memref_slice %arg2[%mul3A_4] : memref<524288xf32, #tpu.memory_space<hbm>> -> memref<16384xf32, #tpu.memory_space<hbm>>
    tpu.wait_dma2 semaphore(%arg31 : memref<!tpu.dma_semaphore, #tpu.memory_space<semaphore_mem>>) src(%dma_wait3A_10 : memref<16384xf32, #tpu.memory_space<hbm>>) dst(%arg27 : memref<16384xf32, #tpu.memory_space<vmem>>)
    %scan3A = arith.constant 0 : i32
    %scan3A_11 = arith.constant 0 : i32
    %scan3A_12 = arith.constant 32 : i32
    %scan3A_13 = arith.addi %scan3A_11, %scan3A_12 : i32
    %scan3A_14 = arith.constant 1 : i32
    %scan3A_15 = scf.for %scan3A_584 = %scan3A_11 to %scan3A_13 step %scan3A_14 iter_args(%scan3A_585 = %scan3A) -> (i32)  : i32 {
      %sub3A = arith.constant 1 : i32
      %sub3A_586 = arith.subi %scan3A_584, %sub3A : i32
      %max3A = arith.constant 0 : i32
      %max3A_587 = arith.maxsi %sub3A_586, %max3A : i32
      %mul3A_588 = arith.constant 16 : i32
      %mul3A_589 = arith.muli %scan3A_584, %mul3A_588 : i32
      %get3A_590 = arith.index_cast %mul3A_589 : i32 to index
      %get3A_591 = tpu.vector_load %arg10[%get3A_590] {strides = array<i32>} : memref<512xi32, #tpu.memory_space<vmem>>, vector<16xi32>,
      %mul3A_592 = arith.constant 16 : i32
      %mul3A_593 = arith.muli %max3A_587, %mul3A_592 : i32
      %get3A_594 = arith.index_cast %mul3A_593 : i32 to index
      %get3A_595 = tpu.vector_load %arg10[%get3A_594] {strides = array<i32>} : memref<512xi32, #tpu.memory_space<vmem>>, vector<16xi32>,
      %broadcast_in_dim3A_596 = arith.constant 0.000000e+00 : f32
      %broadcast_in_dim3A_597 = vector.broadcast %broadcast_in_dim3A_596 : f32 to vector<16xf32>
      %gt3A = arith.constant 0 : i32
      %gt3A_598 = arith.cmpi sgt, %scan3A_584, %gt3A : i32
      %convert_element_type3A = arith.extui %gt3A_598 : i1 to i32
      %cond3A = arith.constant 0 : i32
      %cond3A_599 = arith.cmpi ne, %convert_element_type3A, %cond3A : i32
      scf.if %cond3A_599 {
        %dma_wait3A_1543 = arith.constant 0 : i32
        %dma_wait3A_1544 = arith.constant 0 : i32
        %dma_wait3A_1545 = tpu.memref_slice %arg5[%dma_wait3A_1543, %dma_wait3A_1544] : memref<100000x32xf32, #tpu.memory_space<hbm>> -> memref<8x32xf32, #tpu.memory_space<hbm>>
        %dma_wait3A_1546 = arith.constant 0 : i32
        %dma_wait3A_1547 = arith.constant 0 : i32
        %dma_wait3A_1548 = tpu.memref_slice %arg5[%dma_wait3A_1546, %dma_wait3A_1547] : memref<100000x32xf32, #tpu.memory_space<hbm>> -> memref<8x32xf32, #tpu.memory_space<hbm>>
        tpu.wait_dma2 semaphore(%arg32 : memref<!tpu.dma_semaphore, #tpu.memory_space<semaphore_mem>>) src(%dma_wait3A_1548 : memref<8x32xf32, #tpu.memory_space<hbm>>) dst(%arg11 : memref<8x32xf32, #tpu.memory_space<vmem>>)
      } else {
      }
      %eq3A_600 = arith.constant 0 : i32
      %eq3A_601 = vector.broadcast %eq3A_600 : i32 to vector<16xi32>
      %eq3A_602 = arith.cmpi eq, %iota3A, %eq3A_601 : vector<16xi32>
      %gt3A_603 = arith.constant 0 : i32
      %gt3A_604 = arith.cmpi sgt, %scan3A_584, %gt3A_603 : i32
      %and3A_605 = vector.broadcast %gt3A_604 : i1 to vector<16xi1>
      %and3A_606 = arith.andi %eq3A_602, %and3A_605 : vector<16xi1>
      %mul3A_607 = arith.constant 16 : i32
      %mul3A_608 = arith.muli %max3A_587, %mul3A_607 : i32
      %add3A_609 = arith.constant 0 : i32
      %add3A_610 = arith.addi %mul3A_608, %add3A_609 : i32
      %slice3A_611 = vector.extract_strided_slice %get3A_595 {offsets = [0], sizes = [1], strides = [1]} : vector<16xi32> to vector<1xi32>
      %squeeze3A_612 = vector.extract %slice3A_611[0] : i32 from vector<1xi32>
      %and3A_613 = arith.constant 7 : i32
      %and3A_614 = arith.andi %squeeze3A_612, %and3A_613 : i32
      %get3A_615 = arith.index_cast %and3A_614 : i32 to index
      %get3A_616 = arith.constant 0 : index
      %get3A_617 = tpu.vector_load %arg11[%get3A_615, %get3A_616] {strides = array<i32>} : memref<8x32xf32, #tpu.memory_space<vmem>>, vector<16xf32>,
      %get3A_618 = arith.index_cast %and3A_614 : i32 to index
      %get3A_619 = arith.constant 16 : index
      %get3A_620 = tpu.vector_load %arg11[%get3A_618, %get3A_619] {strides = array<i32>} : memref<8x32xf32, #tpu.memory_space<vmem>>, vector<16xf32>,
      %mul3A_621 = arith.constant 32 : i32
      %mul3A_622 = arith.muli %add3A_610, %mul3A_621 : i32
      %get3A_623 = arith.index_cast %mul3A_622 : i32 to index
      %get3A_624 = tpu.vector_load %arg27[%get3A_623] {strides = array<i32>} : memref<16384xf32, #tpu.memory_space<vmem>>, vector<16xf32>,
      %mul3A_625 = arith.constant 32 : i32
      %mul3A_626 = arith.muli %add3A_610, %mul3A_625 : i32
      %add3A_627 = arith.constant 16 : i32
      %add3A_628 = arith.addi %mul3A_626, %add3A_627 : i32
      %get3A_629 = arith.index_cast %add3A_628 : i32 to index
      %get3A_630 = tpu.vector_load %arg27[%get3A_629] {strides = array<i32>} : memref<16384xf32, #tpu.memory_space<vmem>>, vector<16xf32>,
      %mul3A_631 = arith.mulf %get3A_624, %get3A_617 : vector<16xf32>
      %mul3A_632 = arith.mulf %get3A_630, %get3A_620 : vector<16xf32>
      %add3A_633 = arith.addf %mul3A_631, %mul3A_632 : vector<16xf32>
      %reduce_sum3A_634 = arith.constant true
      %reduce_sum3A_635 = vector.broadcast %reduce_sum3A_634 : i1 to vector<16xi1>
      %reduce_sum3A_636 = tpu.scan <sum>, %add3A_633 masked %reduce_sum3A_635 : vector<16xf32>, vector<16xi1> -> vector<16xf32>
      %reduce_sum3A_637 = vector.extract %reduce_sum3A_636[15] : f32 from vector<16xf32>
      %jit3A_638 = arith.constant 0.000000e+00 : f32
      %broadcast_in_dim3A_639 = vector.broadcast %reduce_sum3A_637 : f32 to vector<16xf32>
      %broadcast_in_dim3A_640 = vector.broadcast %jit3A_638 : f32 to vector<16xf32>
      %select_n3A_641 = arith.select %and3A_606, %broadcast_in_dim3A_639, %broadcast_in_dim3A_640 : vector<16xi1>, vector<16xf32>
      %add3A_642 = arith.addf %broadcast_in_dim3A_597, %select_n3A_641 : vector<16xf32>
      %slice3A_643 = vector.extract_strided_slice %get3A_591 {offsets = [0], sizes = [1], strides = [1]} : vector<16xi32> to vector<1xi32>
      %squeeze3A_644 = vector.extract %slice3A_643[0] : i32 from vector<1xi32>
      %shift_right_arithmetic3A = arith.constant 3 : i32
      %shift_right_arithmetic3A_645 = arith.shrsi %squeeze3A_644, %shift_right_arithmetic3A : i32
      %mul3A_646 = arith.constant 8 : i32
      %mul3A_647 = arith.muli %shift_right_arithmetic3A_645, %mul3A_646 : i32
      %multiple_of3A = tpu.assume_multiple %mul3A_647, 8 : i32
      %dma_start3A_648 = arith.constant 0 : i32
      %dma_start3A_649 = tpu.memref_slice %arg5[%multiple_of3A, %dma_start3A_648] : memref<100000x32xf32, #tpu.memory_space<hbm>> -> memref<8x32xf32, #tpu.memory_space<hbm>>
      %dma_start3A_650 = arith.constant 0 : i32
      %dma_start3A_651 = tpu.memref_slice %arg5[%multiple_of3A, %dma_start3A_650] : memref<100000x32xf32, #tpu.memory_space<hbm>> -> memref<8x32xf32, #tpu.memory_space<hbm>>
      tpu.enqueue_dma source(%dma_start3A_651 : memref<8x32xf32, #tpu.memory_space<hbm>>) target(%arg11 : memref<8x32xf32, #tpu.memory_space<vmem>>) target_semaphore(%arg32 : memref<!tpu.dma_semaphore, #tpu.memory_space<semaphore_mem>>)
      %gt3A_652 = arith.constant 0 : i32
      %gt3A_653 = arith.cmpi sgt, %scan3A_584, %gt3A_652 : i32
      %convert_element_type3A_654 = arith.extui %gt3A_653 : i1 to i32
      %cond3A_655 = arith.constant 0 : i32
      %cond3A_656 = arith.cmpi ne, %convert_element_type3A_654, %cond3A_655 : i32
      scf.if %cond3A_656 {
        %dma_wait3A_1543 = arith.constant 0 : i32
        %dma_wait3A_1544 = arith.constant 0 : i32
        %dma_wait3A_1545 = tpu.memref_slice %arg5[%dma_wait3A_1543, %dma_wait3A_1544] : memref<100000x32xf32, #tpu.memory_space<hbm>> -> memref<8x32xf32, #tpu.memory_space<hbm>>
        %dma_wait3A_1546 = arith.constant 0 : i32
        %dma_wait3A_1547 = arith.constant 0 : i32
        %dma_wait3A_1548 = tpu.memref_slice %arg5[%dma_wait3A_1546, %dma_wait3A_1547] : memref<100000x32xf32, #tpu.memory_space<hbm>> -> memref<8x32xf32, #tpu.memory_space<hbm>>
        tpu.wait_dma2 semaphore(%arg32 : memref<!tpu.dma_semaphore, #tpu.memory_space<semaphore_mem>>) src(%dma_wait3A_1548 : memref<8x32xf32, #tpu.memory_space<hbm>>) dst(%arg12 : memref<8x32xf32, #tpu.memory_space<vmem>>)
      } else {
      }
      %eq3A_657 = arith.constant 1 : i32
      %eq3A_658 = vector.broadcast %eq3A_657 : i32 to vector<16xi32>
      %eq3A_659 = arith.cmpi eq, %iota3A, %eq3A_658 : vector<16xi32>
      %gt3A_660 = arith.constant 0 : i32
      %gt3A_661 = arith.cmpi sgt, %scan3A_584, %gt3A_660 : i32
      %and3A_662 = vector.broadcast %gt3A_661 : i1 to vector<16xi1>
      %and3A_663 = arith.andi %eq3A_659, %and3A_662 : vector<16xi1>
      %mul3A_664 = arith.constant 16 : i32
      %mul3A_665 = arith.muli %max3A_587, %mul3A_664 : i32
      %add3A_666 = arith.constant 1 : i32
      %add3A_667 = arith.addi %mul3A_665, %add3A_666 : i32
      %slice3A_668 = vector.extract_strided_slice %get3A_595 {offsets = [1], sizes = [1], strides = [1]} : vector<16xi32> to vector<1xi32>
      %squeeze3A_669 = vector.extract %slice3A_668[0] : i32 from vector<1xi32>
      %and3A_670 = arith.constant 7 : i32
      %and3A_671 = arith.andi %squeeze3A_669, %and3A_670 : i32
      %get3A_672 = arith.index_cast %and3A_671 : i32 to index
      %get3A_673 = arith.constant 0 : index
      %get3A_674 = tpu.vector_load %arg12[%get3A_672, %get3A_673] {strides = array<i32>} : memref<8x32xf32, #tpu.memory_space<vmem>>, vector<16xf32>,
      %get3A_675 = arith.index_cast %and3A_671 : i32 to index
      %get3A_676 = arith.constant 16 : index
      %get3A_677 = tpu.vector_load %arg12[%get3A_675, %get3A_676] {strides = array<i32>} : memref<8x32xf32, #tpu.memory_space<vmem>>, vector<16xf32>,
      %mul3A_678 = arith.constant 32 : i32
      %mul3A_679 = arith.muli %add3A_667, %mul3A_678 : i32
      %get3A_680 = arith.index_cast %mul3A_679 : i32 to index
      %get3A_681 = tpu.vector_load %arg27[%get3A_680] {strides = array<i32>} : memref<16384xf32, #tpu.memory_space<vmem>>, vector<16xf32>,
      %mul3A_682 = arith.constant 32 : i32
      %mul3A_683 = arith.muli %add3A_667, %mul3A_682 : i32
      %add3A_684 = arith.constant 16 : i32
      %add3A_685 = arith.addi %mul3A_683, %add3A_684 : i32
      %get3A_686 = arith.index_cast %add3A_685 : i32 to index
      %get3A_687 = tpu.vector_load %arg27[%get3A_686] {strides = array<i32>} : memref<16384xf32, #tpu.memory_space<vmem>>, vector<16xf32>,
      %mul3A_688 = arith.mulf %get3A_681, %get3A_674 : vector<16xf32>
      %mul3A_689 = arith.mulf %get3A_687, %get3A_677 : vector<16xf32>
      %add3A_690 = arith.addf %mul3A_688, %mul3A_689 : vector<16xf32>
      %reduce_sum3A_691 = arith.constant true
      %reduce_sum3A_692 = vector.broadcast %reduce_sum3A_691 : i1 to vector<16xi1>
      %reduce_sum3A_693 = tpu.scan <sum>, %add3A_690 masked %reduce_sum3A_692 : vector<16xf32>, vector<16xi1> -> vector<16xf32>
      %reduce_sum3A_694 = vector.extract %reduce_sum3A_693[15] : f32 from vector<16xf32>
      %jit3A_695 = arith.constant 0.000000e+00 : f32
      %broadcast_in_dim3A_696 = vector.broadcast %reduce_sum3A_694 : f32 to vector<16xf32>
      %broadcast_in_dim3A_697 = vector.broadcast %jit3A_695 : f32 to vector<16xf32>
      %select_n3A_698 = arith.select %and3A_663, %broadcast_in_dim3A_696, %broadcast_in_dim3A_697 : vector<16xi1>, vector<16xf32>
      %add3A_699 = arith.addf %add3A_642, %select_n3A_698 : vector<16xf32>
      %slice3A_700 = vector.extract_strided_slice %get3A_591 {offsets = [1], sizes = [1], strides = [1]} : vector<16xi32> to vector<1xi32>
      %squeeze3A_701 = vector.extract %slice3A_700[0] : i32 from vector<1xi32>
      %shift_right_arithmetic3A_702 = arith.constant 3 : i32
      %shift_right_arithmetic3A_703 = arith.shrsi %squeeze3A_701, %shift_right_arithmetic3A_702 : i32
      %mul3A_704 = arith.constant 8 : i32
      %mul3A_705 = arith.muli %shift_right_arithmetic3A_703, %mul3A_704 : i32
      %multiple_of3A_706 = tpu.assume_multiple %mul3A_705, 8 : i32
      %dma_start3A_707 = arith.constant 0 : i32
      %dma_start3A_708 = tpu.memref_slice %arg5[%multiple_of3A_706, %dma_start3A_707] : memref<100000x32xf32, #tpu.memory_space<hbm>> -> memref<8x32xf32, #tpu.memory_space<hbm>>
      %dma_start3A_709 = arith.constant 0 : i32
      %dma_start3A_710 = tpu.memref_slice %arg5[%multiple_of3A_706, %dma_start3A_709] : memref<100000x32xf32, #tpu.memory_space<hbm>> -> memref<8x32xf32, #tpu.memory_space<hbm>>
      tpu.enqueue_dma source(%dma_start3A_710 : memref<8x32xf32, #tpu.memory_space<hbm>>) target(%arg12 : memref<8x32xf32, #tpu.memory_space<vmem>>) target_semaphore(%arg32 : memref<!tpu.dma_semaphore, #tpu.memory_space<semaphore_mem>>)
      %gt3A_711 = arith.constant 0 : i32
      %gt3A_712 = arith.cmpi sgt, %scan3A_584, %gt3A_711 : i32
      %convert_element_type3A_713 = arith.extui %gt3A_712 : i1 to i32
      %cond3A_714 = arith.constant 0 : i32
      %cond3A_715 = arith.cmpi ne, %convert_element_type3A_713, %cond3A_714 : i32
      scf.if %cond3A_715 {
        %dma_wait3A_1543 = arith.constant 0 : i32
        %dma_wait3A_1544 = arith.constant 0 : i32
        %dma_wait3A_1545 = tpu.memref_slice %arg5[%dma_wait3A_1543, %dma_wait3A_1544] : memref<100000x32xf32, #tpu.memory_space<hbm>> -> memref<8x32xf32, #tpu.memory_space<hbm>>
        %dma_wait3A_1546 = arith.constant 0 : i32
        %dma_wait3A_1547 = arith.constant 0 : i32
        %dma_wait3A_1548 = tpu.memref_slice %arg5[%dma_wait3A_1546, %dma_wait3A_1547] : memref<100000x32xf32, #tpu.memory_space<hbm>> -> memref<8x32xf32, #tpu.memory_space<hbm>>
        tpu.wait_dma2 semaphore(%arg32 : memref<!tpu.dma_semaphore, #tpu.memory_space<semaphore_mem>>) src(%dma_wait3A_1548 : memref<8x32xf32, #tpu.memory_space<hbm>>) dst(%arg13 : memref<8x32xf32, #tpu.memory_space<vmem>>)
      } else {
      }
      %eq3A_716 = arith.constant 2 : i32
      %eq3A_717 = vector.broadcast %eq3A_716 : i32 to vector<16xi32>
      %eq3A_718 = arith.cmpi eq, %iota3A, %eq3A_717 : vector<16xi32>
      %gt3A_719 = arith.constant 0 : i32
      %gt3A_720 = arith.cmpi sgt, %scan3A_584, %gt3A_719 : i32
      %and3A_721 = vector.broadcast %gt3A_720 : i1 to vector<16xi1>
      %and3A_722 = arith.andi %eq3A_718, %and3A_721 : vector<16xi1>
      %mul3A_723 = arith.constant 16 : i32
      %mul3A_724 = arith.muli %max3A_587, %mul3A_723 : i32
      %add3A_725 = arith.constant 2 : i32
      %add3A_726 = arith.addi %mul3A_724, %add3A_725 : i32
      %slice3A_727 = vector.extract_strided_slice %get3A_595 {offsets = [2], sizes = [1], strides = [1]} : vector<16xi32> to vector<1xi32>
      %squeeze3A_728 = vector.extract %slice3A_727[0] : i32 from vector<1xi32>
      %and3A_729 = arith.constant 7 : i32
      %and3A_730 = arith.andi %squeeze3A_728, %and3A_729 : i32
      %get3A_731 = arith.index_cast %and3A_730 : i32 to index
      %get3A_732 = arith.constant 0 : index
      %get3A_733 = tpu.vector_load %arg13[%get3A_731, %get3A_732] {strides = array<i32>} : memref<8x32xf32, #tpu.memory_space<vmem>>, vector<16xf32>,
      %get3A_734 = arith.index_cast %and3A_730 : i32 to index
      %get3A_735 = arith.constant 16 : index
      %get3A_736 = tpu.vector_load %arg13[%get3A_734, %get3A_735] {strides = array<i32>} : memref<8x32xf32, #tpu.memory_space<vmem>>, vector<16xf32>,
      %mul3A_737 = arith.constant 32 : i32
      %mul3A_738 = arith.muli %add3A_726, %mul3A_737 : i32
      %get3A_739 = arith.index_cast %mul3A_738 : i32 to index
      %get3A_740 = tpu.vector_load %arg27[%get3A_739] {strides = array<i32>} : memref<16384xf32, #tpu.memory_space<vmem>>, vector<16xf32>,
      %mul3A_741 = arith.constant 32 : i32
      %mul3A_742 = arith.muli %add3A_726, %mul3A_741 : i32
      %add3A_743 = arith.constant 16 : i32
      %add3A_744 = arith.addi %mul3A_742, %add3A_743 : i32
      %get3A_745 = arith.index_cast %add3A_744 : i32 to index
      %get3A_746 = tpu.vector_load %arg27[%get3A_745] {strides = array<i32>} : memref<16384xf32, #tpu.memory_space<vmem>>, vector<16xf32>,
      %mul3A_747 = arith.mulf %get3A_740, %get3A_733 : vector<16xf32>
      %mul3A_748 = arith.mulf %get3A_746, %get3A_736 : vector<16xf32>
      %add3A_749 = arith.addf %mul3A_747, %mul3A_748 : vector<16xf32>
      %reduce_sum3A_750 = arith.constant true
      %reduce_sum3A_751 = vector.broadcast %reduce_sum3A_750 : i1 to vector<16xi1>
      %reduce_sum3A_752 = tpu.scan <sum>, %add3A_749 masked %reduce_sum3A_751 : vector<16xf32>, vector<16xi1> -> vector<16xf32>
      %reduce_sum3A_753 = vector.extract %reduce_sum3A_752[15] : f32 from vector<16xf32>
      %jit3A_754 = arith.constant 0.000000e+00 : f32
      %broadcast_in_dim3A_755 = vector.broadcast %reduce_sum3A_753 : f32 to vector<16xf32>
      %broadcast_in_dim3A_756 = vector.broadcast %jit3A_754 : f32 to vector<16xf32>
      %select_n3A_757 = arith.select %and3A_722, %broadcast_in_dim3A_755, %broadcast_in_dim3A_756 : vector<16xi1>, vector<16xf32>
      %add3A_758 = arith.addf %add3A_699, %select_n3A_757 : vector<16xf32>
      %slice3A_759 = vector.extract_strided_slice %get3A_591 {offsets = [2], sizes = [1], strides = [1]} : vector<16xi32> to vector<1xi32>
      %squeeze3A_760 = vector.extract %slice3A_759[0] : i32 from vector<1xi32>
      %shift_right_arithmetic3A_761 = arith.constant 3 : i32
      %shift_right_arithmetic3A_762 = arith.shrsi %squeeze3A_760, %shift_right_arithmetic3A_761 : i32
      %mul3A_763 = arith.constant 8 : i32
      %mul3A_764 = arith.muli %shift_right_arithmetic3A_762, %mul3A_763 : i32
      %multiple_of3A_765 = tpu.assume_multiple %mul3A_764, 8 : i32
      %dma_start3A_766 = arith.constant 0 : i32
      %dma_start3A_767 = tpu.memref_slice %arg5[%multiple_of3A_765, %dma_start3A_766] : memref<100000x32xf32, #tpu.memory_space<hbm>> -> memref<8x32xf32, #tpu.memory_space<hbm>>
      %dma_start3A_768 = arith.constant 0 : i32
      %dma_start3A_769 = tpu.memref_slice %arg5[%multiple_of3A_765, %dma_start3A_768] : memref<100000x32xf32, #tpu.memory_space<hbm>> -> memref<8x32xf32, #tpu.memory_space<hbm>>
      tpu.enqueue_dma source(%dma_start3A_769 : memref<8x32xf32, #tpu.memory_space<hbm>>) target(%arg13 : memref<8x32xf32, #tpu.memory_space<vmem>>) target_semaphore(%arg32 : memref<!tpu.dma_semaphore, #tpu.memory_space<semaphore_mem>>)
      %gt3A_770 = arith.constant 0 : i32
      %gt3A_771 = arith.cmpi sgt, %scan3A_584, %gt3A_770 : i32
      %convert_element_type3A_772 = arith.extui %gt3A_771 : i1 to i32
      %cond3A_773 = arith.constant 0 : i32
      %cond3A_774 = arith.cmpi ne, %convert_element_type3A_772, %cond3A_773 : i32
      scf.if %cond3A_774 {
        %dma_wait3A_1543 = arith.constant 0 : i32
        %dma_wait3A_1544 = arith.constant 0 : i32
        %dma_wait3A_1545 = tpu.memref_slice %arg5[%dma_wait3A_1543, %dma_wait3A_1544] : memref<100000x32xf32, #tpu.memory_space<hbm>> -> memref<8x32xf32, #tpu.memory_space<hbm>>
        %dma_wait3A_1546 = arith.constant 0 : i32
        %dma_wait3A_1547 = arith.constant 0 : i32
        %dma_wait3A_1548 = tpu.memref_slice %arg5[%dma_wait3A_1546, %dma_wait3A_1547] : memref<100000x32xf32, #tpu.memory_space<hbm>> -> memref<8x32xf32, #tpu.memory_space<hbm>>
        tpu.wait_dma2 semaphore(%arg32 : memref<!tpu.dma_semaphore, #tpu.memory_space<semaphore_mem>>) src(%dma_wait3A_1548 : memref<8x32xf32, #tpu.memory_space<hbm>>) dst(%arg14 : memref<8x32xf32, #tpu.memory_space<vmem>>)
      } else {
      }
      %eq3A_775 = arith.constant 3 : i32
      %eq3A_776 = vector.broadcast %eq3A_775 : i32 to vector<16xi32>
      %eq3A_777 = arith.cmpi eq, %iota3A, %eq3A_776 : vector<16xi32>
      %gt3A_778 = arith.constant 0 : i32
      %gt3A_779 = arith.cmpi sgt, %scan3A_584, %gt3A_778 : i32
      %and3A_780 = vector.broadcast %gt3A_779 : i1 to vector<16xi1>
      %and3A_781 = arith.andi %eq3A_777, %and3A_780 : vector<16xi1>
      %mul3A_782 = arith.constant 16 : i32
      %mul3A_783 = arith.muli %max3A_587, %mul3A_782 : i32
      %add3A_784 = arith.constant 3 : i32
      %add3A_785 = arith.addi %mul3A_783, %add3A_784 : i32
      %slice3A_786 = vector.extract_strided_slice %get3A_595 {offsets = [3], sizes = [1], strides = [1]} : vector<16xi32> to vector<1xi32>
      %squeeze3A_787 = vector.extract %slice3A_786[0] : i32 from vector<1xi32>
      %and3A_788 = arith.constant 7 : i32
      %and3A_789 = arith.andi %squeeze3A_787, %and3A_788 : i32
      %get3A_790 = arith.index_cast %and3A_789 : i32 to index
      %get3A_791 = arith.constant 0 : index
      %get3A_792 = tpu.vector_load %arg14[%get3A_790, %get3A_791] {strides = array<i32>} : memref<8x32xf32, #tpu.memory_space<vmem>>, vector<16xf32>,
      %get3A_793 = arith.index_cast %and3A_789 : i32 to index
      %get3A_794 = arith.constant 16 : index
      %get3A_795 = tpu.vector_load %arg14[%get3A_793, %get3A_794] {strides = array<i32>} : memref<8x32xf32, #tpu.memory_space<vmem>>, vector<16xf32>,
      %mul3A_796 = arith.constant 32 : i32
      %mul3A_797 = arith.muli %add3A_785, %mul3A_796 : i32
      %get3A_798 = arith.index_cast %mul3A_797 : i32 to index
      %get3A_799 = tpu.vector_load %arg27[%get3A_798] {strides = array<i32>} : memref<16384xf32, #tpu.memory_space<vmem>>, vector<16xf32>,
      %mul3A_800 = arith.constant 32 : i32
      %mul3A_801 = arith.muli %add3A_785, %mul3A_800 : i32
      %add3A_802 = arith.constant 16 : i32
      %add3A_803 = arith.addi %mul3A_801, %add3A_802 : i32
      %get3A_804 = arith.index_cast %add3A_803 : i32 to index
      %get3A_805 = tpu.vector_load %arg27[%get3A_804] {strides = array<i32>} : memref<16384xf32, #tpu.memory_space<vmem>>, vector<16xf32>,
      %mul3A_806 = arith.mulf %get3A_799, %get3A_792 : vector<16xf32>
      %mul3A_807 = arith.mulf %get3A_805, %get3A_795 : vector<16xf32>
      %add3A_808 = arith.addf %mul3A_806, %mul3A_807 : vector<16xf32>
      %reduce_sum3A_809 = arith.constant true
      %reduce_sum3A_810 = vector.broadcast %reduce_sum3A_809 : i1 to vector<16xi1>
      %reduce_sum3A_811 = tpu.scan <sum>, %add3A_808 masked %reduce_sum3A_810 : vector<16xf32>, vector<16xi1> -> vector<16xf32>
      %reduce_sum3A_812 = vector.extract %reduce_sum3A_811[15] : f32 from vector<16xf32>
      %jit3A_813 = arith.constant 0.000000e+00 : f32
      %broadcast_in_dim3A_814 = vector.broadcast %reduce_sum3A_812 : f32 to vector<16xf32>
      %broadcast_in_dim3A_815 = vector.broadcast %jit3A_813 : f32 to vector<16xf32>
      %select_n3A_816 = arith.select %and3A_781, %broadcast_in_dim3A_814, %broadcast_in_dim3A_815 : vector<16xi1>, vector<16xf32>
      %add3A_817 = arith.addf %add3A_758, %select_n3A_816 : vector<16xf32>
      %slice3A_818 = vector.extract_strided_slice %get3A_591 {offsets = [3], sizes = [1], strides = [1]} : vector<16xi32> to vector<1xi32>
      %squeeze3A_819 = vector.extract %slice3A_818[0] : i32 from vector<1xi32>
      %shift_right_arithmetic3A_820 = arith.constant 3 : i32
      %shift_right_arithmetic3A_821 = arith.shrsi %squeeze3A_819, %shift_right_arithmetic3A_820 : i32
      %mul3A_822 = arith.constant 8 : i32
      %mul3A_823 = arith.muli %shift_right_arithmetic3A_821, %mul3A_822 : i32
      %multiple_of3A_824 = tpu.assume_multiple %mul3A_823, 8 : i32
      %dma_start3A_825 = arith.constant 0 : i32
      %dma_start3A_826 = tpu.memref_slice %arg5[%multiple_of3A_824, %dma_start3A_825] : memref<100000x32xf32, #tpu.memory_space<hbm>> -> memref<8x32xf32, #tpu.memory_space<hbm>>
      %dma_start3A_827 = arith.constant 0 : i32
      %dma_start3A_828 = tpu.memref_slice %arg5[%multiple_of3A_824, %dma_start3A_827] : memref<100000x32xf32, #tpu.memory_space<hbm>> -> memref<8x32xf32, #tpu.memory_space<hbm>>
      tpu.enqueue_dma source(%dma_start3A_828 : memref<8x32xf32, #tpu.memory_space<hbm>>) target(%arg14 : memref<8x32xf32, #tpu.memory_space<vmem>>) target_semaphore(%arg32 : memref<!tpu.dma_semaphore, #tpu.memory_space<semaphore_mem>>)
      %gt3A_829 = arith.constant 0 : i32
      %gt3A_830 = arith.cmpi sgt, %scan3A_584, %gt3A_829 : i32
      %convert_element_type3A_831 = arith.extui %gt3A_830 : i1 to i32
      %cond3A_832 = arith.constant 0 : i32
      %cond3A_833 = arith.cmpi ne, %convert_element_type3A_831, %cond3A_832 : i32
      scf.if %cond3A_833 {
        %dma_wait3A_1543 = arith.constant 0 : i32
        %dma_wait3A_1544 = arith.constant 0 : i32
        %dma_wait3A_1545 = tpu.memref_slice %arg5[%dma_wait3A_1543, %dma_wait3A_1544] : memref<100000x32xf32, #tpu.memory_space<hbm>> -> memref<8x32xf32, #tpu.memory_space<hbm>>
        %dma_wait3A_1546 = arith.constant 0 : i32
        %dma_wait3A_1547 = arith.constant 0 : i32
        %dma_wait3A_1548 = tpu.memref_slice %arg5[%dma_wait3A_1546, %dma_wait3A_1547] : memref<100000x32xf32, #tpu.memory_space<hbm>> -> memref<8x32xf32, #tpu.memory_space<hbm>>
        tpu.wait_dma2 semaphore(%arg32 : memref<!tpu.dma_semaphore, #tpu.memory_space<semaphore_mem>>) src(%dma_wait3A_1548 : memref<8x32xf32, #tpu.memory_space<hbm>>) dst(%arg15 : memref<8x32xf32, #tpu.memory_space<vmem>>)
      } else {
      }
      %eq3A_834 = arith.constant 4 : i32
      %eq3A_835 = vector.broadcast %eq3A_834 : i32 to vector<16xi32>
      %eq3A_836 = arith.cmpi eq, %iota3A, %eq3A_835 : vector<16xi32>
      %gt3A_837 = arith.constant 0 : i32
      %gt3A_838 = arith.cmpi sgt, %scan3A_584, %gt3A_837 : i32
      %and3A_839 = vector.broadcast %gt3A_838 : i1 to vector<16xi1>
      %and3A_840 = arith.andi %eq3A_836, %and3A_839 : vector<16xi1>
      %mul3A_841 = arith.constant 16 : i32
      %mul3A_842 = arith.muli %max3A_587, %mul3A_841 : i32
      %add3A_843 = arith.constant 4 : i32
      %add3A_844 = arith.addi %mul3A_842, %add3A_843 : i32
      %slice3A_845 = vector.extract_strided_slice %get3A_595 {offsets = [4], sizes = [1], strides = [1]} : vector<16xi32> to vector<1xi32>
      %squeeze3A_846 = vector.extract %slice3A_845[0] : i32 from vector<1xi32>
      %and3A_847 = arith.constant 7 : i32
      %and3A_848 = arith.andi %squeeze3A_846, %and3A_847 : i32
      %get3A_849 = arith.index_cast %and3A_848 : i32 to index
      %get3A_850 = arith.constant 0 : index
      %get3A_851 = tpu.vector_load %arg15[%get3A_849, %get3A_850] {strides = array<i32>} : memref<8x32xf32, #tpu.memory_space<vmem>>, vector<16xf32>,
      %get3A_852 = arith.index_cast %and3A_848 : i32 to index
      %get3A_853 = arith.constant 16 : index
      %get3A_854 = tpu.vector_load %arg15[%get3A_852, %get3A_853] {strides = array<i32>} : memref<8x32xf32, #tpu.memory_space<vmem>>, vector<16xf32>,
      %mul3A_855 = arith.constant 32 : i32
      %mul3A_856 = arith.muli %add3A_844, %mul3A_855 : i32
      %get3A_857 = arith.index_cast %mul3A_856 : i32 to index
      %get3A_858 = tpu.vector_load %arg27[%get3A_857] {strides = array<i32>} : memref<16384xf32, #tpu.memory_space<vmem>>, vector<16xf32>,
      %mul3A_859 = arith.constant 32 : i32
      %mul3A_860 = arith.muli %add3A_844, %mul3A_859 : i32
      %add3A_861 = arith.constant 16 : i32
      %add3A_862 = arith.addi %mul3A_860, %add3A_861 : i32
      %get3A_863 = arith.index_cast %add3A_862 : i32 to index
      %get3A_864 = tpu.vector_load %arg27[%get3A_863] {strides = array<i32>} : memref<16384xf32, #tpu.memory_space<vmem>>, vector<16xf32>,
      %mul3A_865 = arith.mulf %get3A_858, %get3A_851 : vector<16xf32>
      %mul3A_866 = arith.mulf %get3A_864, %get3A_854 : vector<16xf32>
      %add3A_867 = arith.addf %mul3A_865, %mul3A_866 : vector<16xf32>
      %reduce_sum3A_868 = arith.constant true
      %reduce_sum3A_869 = vector.broadcast %reduce_sum3A_868 : i1 to vector<16xi1>
      %reduce_sum3A_870 = tpu.scan <sum>, %add3A_867 masked %reduce_sum3A_869 : vector<16xf32>, vector<16xi1> -> vector<16xf32>
      %reduce_sum3A_871 = vector.extract %reduce_sum3A_870[15] : f32 from vector<16xf32>
      %jit3A_872 = arith.constant 0.000000e+00 : f32
      %broadcast_in_dim3A_873 = vector.broadcast %reduce_sum3A_871 : f32 to vector<16xf32>
      %broadcast_in_dim3A_874 = vector.broadcast %jit3A_872 : f32 to vector<16xf32>
      %select_n3A_875 = arith.select %and3A_840, %broadcast_in_dim3A_873, %broadcast_in_dim3A_874 : vector<16xi1>, vector<16xf32>
      %add3A_876 = arith.addf %add3A_817, %select_n3A_875 : vector<16xf32>
      %slice3A_877 = vector.extract_strided_slice %get3A_591 {offsets = [4], sizes = [1], strides = [1]} : vector<16xi32> to vector<1xi32>
      %squeeze3A_878 = vector.extract %slice3A_877[0] : i32 from vector<1xi32>
      %shift_right_arithmetic3A_879 = arith.constant 3 : i32
      %shift_right_arithmetic3A_880 = arith.shrsi %squeeze3A_878, %shift_right_arithmetic3A_879 : i32
      %mul3A_881 = arith.constant 8 : i32
      %mul3A_882 = arith.muli %shift_right_arithmetic3A_880, %mul3A_881 : i32
      %multiple_of3A_883 = tpu.assume_multiple %mul3A_882, 8 : i32
      %dma_start3A_884 = arith.constant 0 : i32
      %dma_start3A_885 = tpu.memref_slice %arg5[%multiple_of3A_883, %dma_start3A_884] : memref<100000x32xf32, #tpu.memory_space<hbm>> -> memref<8x32xf32, #tpu.memory_space<hbm>>
      %dma_start3A_886 = arith.constant 0 : i32
      %dma_start3A_887 = tpu.memref_slice %arg5[%multiple_of3A_883, %dma_start3A_886] : memref<100000x32xf32, #tpu.memory_space<hbm>> -> memref<8x32xf32, #tpu.memory_space<hbm>>
      tpu.enqueue_dma source(%dma_start3A_887 : memref<8x32xf32, #tpu.memory_space<hbm>>) target(%arg15 : memref<8x32xf32, #tpu.memory_space<vmem>>) target_semaphore(%arg32 : memref<!tpu.dma_semaphore, #tpu.memory_space<semaphore_mem>>)
      %gt3A_888 = arith.constant 0 : i32
      %gt3A_889 = arith.cmpi sgt, %scan3A_584, %gt3A_888 : i32
      %convert_element_type3A_890 = arith.extui %gt3A_889 : i1 to i32
      %cond3A_891 = arith.constant 0 : i32
      %cond3A_892 = arith.cmpi ne, %convert_element_type3A_890, %cond3A_891 : i32
      scf.if %cond3A_892 {
        %dma_wait3A_1543 = arith.constant 0 : i32
        %dma_wait3A_1544 = arith.constant 0 : i32
        %dma_wait3A_1545 = tpu.memref_slice %arg5[%dma_wait3A_1543, %dma_wait3A_1544] : memref<100000x32xf32, #tpu.memory_space<hbm>> -> memref<8x32xf32, #tpu.memory_space<hbm>>
        %dma_wait3A_1546 = arith.constant 0 : i32
        %dma_wait3A_1547 = arith.constant 0 : i32
        %dma_wait3A_1548 = tpu.memref_slice %arg5[%dma_wait3A_1546, %dma_wait3A_1547] : memref<100000x32xf32, #tpu.memory_space<hbm>> -> memref<8x32xf32, #tpu.memory_space<hbm>>
        tpu.wait_dma2 semaphore(%arg32 : memref<!tpu.dma_semaphore, #tpu.memory_space<semaphore_mem>>) src(%dma_wait3A_1548 : memref<8x32xf32, #tpu.memory_space<hbm>>) dst(%arg16 : memref<8x32xf32, #tpu.memory_space<vmem>>)
      } else {
      }
      %eq3A_893 = arith.constant 5 : i32
      %eq3A_894 = vector.broadcast %eq3A_893 : i32 to vector<16xi32>
      %eq3A_895 = arith.cmpi eq, %iota3A, %eq3A_894 : vector<16xi32>
      %gt3A_896 = arith.constant 0 : i32
      %gt3A_897 = arith.cmpi sgt, %scan3A_584, %gt3A_896 : i32
      %and3A_898 = vector.broadcast %gt3A_897 : i1 to vector<16xi1>
      %and3A_899 = arith.andi %eq3A_895, %and3A_898 : vector<16xi1>
      %mul3A_900 = arith.constant 16 : i32
      %mul3A_901 = arith.muli %max3A_587, %mul3A_900 : i32
      %add3A_902 = arith.constant 5 : i32
      %add3A_903 = arith.addi %mul3A_901, %add3A_902 : i32
      %slice3A_904 = vector.extract_strided_slice %get3A_595 {offsets = [5], sizes = [1], strides = [1]} : vector<16xi32> to vector<1xi32>
      %squeeze3A_905 = vector.extract %slice3A_904[0] : i32 from vector<1xi32>
      %and3A_906 = arith.constant 7 : i32
      %and3A_907 = arith.andi %squeeze3A_905, %and3A_906 : i32
      %get3A_908 = arith.index_cast %and3A_907 : i32 to index
      %get3A_909 = arith.constant 0 : index
      %get3A_910 = tpu.vector_load %arg16[%get3A_908, %get3A_909] {strides = array<i32>} : memref<8x32xf32, #tpu.memory_space<vmem>>, vector<16xf32>,
      %get3A_911 = arith.index_cast %and3A_907 : i32 to index
      %get3A_912 = arith.constant 16 : index
      %get3A_913 = tpu.vector_load %arg16[%get3A_911, %get3A_912] {strides = array<i32>} : memref<8x32xf32, #tpu.memory_space<vmem>>, vector<16xf32>,
      %mul3A_914 = arith.constant 32 : i32
      %mul3A_915 = arith.muli %add3A_903, %mul3A_914 : i32
      %get3A_916 = arith.index_cast %mul3A_915 : i32 to index
      %get3A_917 = tpu.vector_load %arg27[%get3A_916] {strides = array<i32>} : memref<16384xf32, #tpu.memory_space<vmem>>, vector<16xf32>,
      %mul3A_918 = arith.constant 32 : i32
      %mul3A_919 = arith.muli %add3A_903, %mul3A_918 : i32
      %add3A_920 = arith.constant 16 : i32
      %add3A_921 = arith.addi %mul3A_919, %add3A_920 : i32
      %get3A_922 = arith.index_cast %add3A_921 : i32 to index
      %get3A_923 = tpu.vector_load %arg27[%get3A_922] {strides = array<i32>} : memref<16384xf32, #tpu.memory_space<vmem>>, vector<16xf32>,
      %mul3A_924 = arith.mulf %get3A_917, %get3A_910 : vector<16xf32>
      %mul3A_925 = arith.mulf %get3A_923, %get3A_913 : vector<16xf32>
      %add3A_926 = arith.addf %mul3A_924, %mul3A_925 : vector<16xf32>
      %reduce_sum3A_927 = arith.constant true
      %reduce_sum3A_928 = vector.broadcast %reduce_sum3A_927 : i1 to vector<16xi1>
      %reduce_sum3A_929 = tpu.scan <sum>, %add3A_926 masked %reduce_sum3A_928 : vector<16xf32>, vector<16xi1> -> vector<16xf32>
      %reduce_sum3A_930 = vector.extract %reduce_sum3A_929[15] : f32 from vector<16xf32>
      %jit3A_931 = arith.constant 0.000000e+00 : f32
      %broadcast_in_dim3A_932 = vector.broadcast %reduce_sum3A_930 : f32 to vector<16xf32>
      %broadcast_in_dim3A_933 = vector.broadcast %jit3A_931 : f32 to vector<16xf32>
      %select_n3A_934 = arith.select %and3A_899, %broadcast_in_dim3A_932, %broadcast_in_dim3A_933 : vector<16xi1>, vector<16xf32>
      %add3A_935 = arith.addf %add3A_876, %select_n3A_934 : vector<16xf32>
      %slice3A_936 = vector.extract_strided_slice %get3A_591 {offsets = [5], sizes = [1], strides = [1]} : vector<16xi32> to vector<1xi32>
      %squeeze3A_937 = vector.extract %slice3A_936[0] : i32 from vector<1xi32>
      %shift_right_arithmetic3A_938 = arith.constant 3 : i32
      %shift_right_arithmetic3A_939 = arith.shrsi %squeeze3A_937, %shift_right_arithmetic3A_938 : i32
      %mul3A_940 = arith.constant 8 : i32
      %mul3A_941 = arith.muli %shift_right_arithmetic3A_939, %mul3A_940 : i32
      %multiple_of3A_942 = tpu.assume_multiple %mul3A_941, 8 : i32
      %dma_start3A_943 = arith.constant 0 : i32
      %dma_start3A_944 = tpu.memref_slice %arg5[%multiple_of3A_942, %dma_start3A_943] : memref<100000x32xf32, #tpu.memory_space<hbm>> -> memref<8x32xf32, #tpu.memory_space<hbm>>
      %dma_start3A_945 = arith.constant 0 : i32
      %dma_start3A_946 = tpu.memref_slice %arg5[%multiple_of3A_942, %dma_start3A_945] : memref<100000x32xf32, #tpu.memory_space<hbm>> -> memref<8x32xf32, #tpu.memory_space<hbm>>
      tpu.enqueue_dma source(%dma_start3A_946 : memref<8x32xf32, #tpu.memory_space<hbm>>) target(%arg16 : memref<8x32xf32, #tpu.memory_space<vmem>>) target_semaphore(%arg32 : memref<!tpu.dma_semaphore, #tpu.memory_space<semaphore_mem>>)
      %gt3A_947 = arith.constant 0 : i32
      %gt3A_948 = arith.cmpi sgt, %scan3A_584, %gt3A_947 : i32
      %convert_element_type3A_949 = arith.extui %gt3A_948 : i1 to i32
      %cond3A_950 = arith.constant 0 : i32
      %cond3A_951 = arith.cmpi ne, %convert_element_type3A_949, %cond3A_950 : i32
      scf.if %cond3A_951 {
        %dma_wait3A_1543 = arith.constant 0 : i32
        %dma_wait3A_1544 = arith.constant 0 : i32
        %dma_wait3A_1545 = tpu.memref_slice %arg5[%dma_wait3A_1543, %dma_wait3A_1544] : memref<100000x32xf32, #tpu.memory_space<hbm>> -> memref<8x32xf32, #tpu.memory_space<hbm>>
        %dma_wait3A_1546 = arith.constant 0 : i32
        %dma_wait3A_1547 = arith.constant 0 : i32
        %dma_wait3A_1548 = tpu.memref_slice %arg5[%dma_wait3A_1546, %dma_wait3A_1547] : memref<100000x32xf32, #tpu.memory_space<hbm>> -> memref<8x32xf32, #tpu.memory_space<hbm>>
        tpu.wait_dma2 semaphore(%arg32 : memref<!tpu.dma_semaphore, #tpu.memory_space<semaphore_mem>>) src(%dma_wait3A_1548 : memref<8x32xf32, #tpu.memory_space<hbm>>) dst(%arg17 : memref<8x32xf32, #tpu.memory_space<vmem>>)
      } else {
      }
      %eq3A_952 = arith.constant 6 : i32
      %eq3A_953 = vector.broadcast %eq3A_952 : i32 to vector<16xi32>
      %eq3A_954 = arith.cmpi eq, %iota3A, %eq3A_953 : vector<16xi32>
      %gt3A_955 = arith.constant 0 : i32
      %gt3A_956 = arith.cmpi sgt, %scan3A_584, %gt3A_955 : i32
      %and3A_957 = vector.broadcast %gt3A_956 : i1 to vector<16xi1>
      %and3A_958 = arith.andi %eq3A_954, %and3A_957 : vector<16xi1>
      %mul3A_959 = arith.constant 16 : i32
      %mul3A_960 = arith.muli %max3A_587, %mul3A_959 : i32
      %add3A_961 = arith.constant 6 : i32
      %add3A_962 = arith.addi %mul3A_960, %add3A_961 : i32
      %slice3A_963 = vector.extract_strided_slice %get3A_595 {offsets = [6], sizes = [1], strides = [1]} : vector<16xi32> to vector<1xi32>
      %squeeze3A_964 = vector.extract %slice3A_963[0] : i32 from vector<1xi32>
      %and3A_965 = arith.constant 7 : i32
      %and3A_966 = arith.andi %squeeze3A_964, %and3A_965 : i32
      %get3A_967 = arith.index_cast %and3A_966 : i32 to index
      %get3A_968 = arith.constant 0 : index
      %get3A_969 = tpu.vector_load %arg17[%get3A_967, %get3A_968] {strides = array<i32>} : memref<8x32xf32, #tpu.memory_space<vmem>>, vector<16xf32>,
      %get3A_970 = arith.index_cast %and3A_966 : i32 to index
      %get3A_971 = arith.constant 16 : index
      %get3A_972 = tpu.vector_load %arg17[%get3A_970, %get3A_971] {strides = array<i32>} : memref<8x32xf32, #tpu.memory_space<vmem>>, vector<16xf32>,
      %mul3A_973 = arith.constant 32 : i32
      %mul3A_974 = arith.muli %add3A_962, %mul3A_973 : i32
      %get3A_975 = arith.index_cast %mul3A_974 : i32 to index
      %get3A_976 = tpu.vector_load %arg27[%get3A_975] {strides = array<i32>} : memref<16384xf32, #tpu.memory_space<vmem>>, vector<16xf32>,
      %mul3A_977 = arith.constant 32 : i32
      %mul3A_978 = arith.muli %add3A_962, %mul3A_977 : i32
      %add3A_979 = arith.constant 16 : i32
      %add3A_980 = arith.addi %mul3A_978, %add3A_979 : i32
      %get3A_981 = arith.index_cast %add3A_980 : i32 to index
      %get3A_982 = tpu.vector_load %arg27[%get3A_981] {strides = array<i32>} : memref<16384xf32, #tpu.memory_space<vmem>>, vector<16xf32>,
      %mul3A_983 = arith.mulf %get3A_976, %get3A_969 : vector<16xf32>
      %mul3A_984 = arith.mulf %get3A_982, %get3A_972 : vector<16xf32>
      %add3A_985 = arith.addf %mul3A_983, %mul3A_984 : vector<16xf32>
      %reduce_sum3A_986 = arith.constant true
      %reduce_sum3A_987 = vector.broadcast %reduce_sum3A_986 : i1 to vector<16xi1>
      %reduce_sum3A_988 = tpu.scan <sum>, %add3A_985 masked %reduce_sum3A_987 : vector<16xf32>, vector<16xi1> -> vector<16xf32>
      %reduce_sum3A_989 = vector.extract %reduce_sum3A_988[15] : f32 from vector<16xf32>
      %jit3A_990 = arith.constant 0.000000e+00 : f32
      %broadcast_in_dim3A_991 = vector.broadcast %reduce_sum3A_989 : f32 to vector<16xf32>
      %broadcast_in_dim3A_992 = vector.broadcast %jit3A_990 : f32 to vector<16xf32>
      %select_n3A_993 = arith.select %and3A_958, %broadcast_in_dim3A_991, %broadcast_in_dim3A_992 : vector<16xi1>, vector<16xf32>
      %add3A_994 = arith.addf %add3A_935, %select_n3A_993 : vector<16xf32>
      %slice3A_995 = vector.extract_strided_slice %get3A_591 {offsets = [6], sizes = [1], strides = [1]} : vector<16xi32> to vector<1xi32>
      %squeeze3A_996 = vector.extract %slice3A_995[0] : i32 from vector<1xi32>
      %shift_right_arithmetic3A_997 = arith.constant 3 : i32
      %shift_right_arithmetic3A_998 = arith.shrsi %squeeze3A_996, %shift_right_arithmetic3A_997 : i32
      %mul3A_999 = arith.constant 8 : i32
      %mul3A_1000 = arith.muli %shift_right_arithmetic3A_998, %mul3A_999 : i32
      %multiple_of3A_1001 = tpu.assume_multiple %mul3A_1000, 8 : i32
      %dma_start3A_1002 = arith.constant 0 : i32
      %dma_start3A_1003 = tpu.memref_slice %arg5[%multiple_of3A_1001, %dma_start3A_1002] : memref<100000x32xf32, #tpu.memory_space<hbm>> -> memref<8x32xf32, #tpu.memory_space<hbm>>
      %dma_start3A_1004 = arith.constant 0 : i32
      %dma_start3A_1005 = tpu.memref_slice %arg5[%multiple_of3A_1001, %dma_start3A_1004] : memref<100000x32xf32, #tpu.memory_space<hbm>> -> memref<8x32xf32, #tpu.memory_space<hbm>>
      tpu.enqueue_dma source(%dma_start3A_1005 : memref<8x32xf32, #tpu.memory_space<hbm>>) target(%arg17 : memref<8x32xf32, #tpu.memory_space<vmem>>) target_semaphore(%arg32 : memref<!tpu.dma_semaphore, #tpu.memory_space<semaphore_mem>>)
      %gt3A_1006 = arith.constant 0 : i32
      %gt3A_1007 = arith.cmpi sgt, %scan3A_584, %gt3A_1006 : i32
      %convert_element_type3A_1008 = arith.extui %gt3A_1007 : i1 to i32
      %cond3A_1009 = arith.constant 0 : i32
      %cond3A_1010 = arith.cmpi ne, %convert_element_type3A_1008, %cond3A_1009 : i32
      scf.if %cond3A_1010 {
        %dma_wait3A_1543 = arith.constant 0 : i32
        %dma_wait3A_1544 = arith.constant 0 : i32
        %dma_wait3A_1545 = tpu.memref_slice %arg5[%dma_wait3A_1543, %dma_wait3A_1544] : memref<100000x32xf32, #tpu.memory_space<hbm>> -> memref<8x32xf32, #tpu.memory_space<hbm>>
        %dma_wait3A_1546 = arith.constant 0 : i32
        %dma_wait3A_1547 = arith.constant 0 : i32
        %dma_wait3A_1548 = tpu.memref_slice %arg5[%dma_wait3A_1546, %dma_wait3A_1547] : memref<100000x32xf32, #tpu.memory_space<hbm>> -> memref<8x32xf32, #tpu.memory_space<hbm>>
        tpu.wait_dma2 semaphore(%arg32 : memref<!tpu.dma_semaphore, #tpu.memory_space<semaphore_mem>>) src(%dma_wait3A_1548 : memref<8x32xf32, #tpu.memory_space<hbm>>) dst(%arg18 : memref<8x32xf32, #tpu.memory_space<vmem>>)
      } else {
      }
      %eq3A_1011 = arith.constant 7 : i32
      %eq3A_1012 = vector.broadcast %eq3A_1011 : i32 to vector<16xi32>
      %eq3A_1013 = arith.cmpi eq, %iota3A, %eq3A_1012 : vector<16xi32>
      %gt3A_1014 = arith.constant 0 : i32
      %gt3A_1015 = arith.cmpi sgt, %scan3A_584, %gt3A_1014 : i32
      %and3A_1016 = vector.broadcast %gt3A_1015 : i1 to vector<16xi1>
      %and3A_1017 = arith.andi %eq3A_1013, %and3A_1016 : vector<16xi1>
      %mul3A_1018 = arith.constant 16 : i32
      %mul3A_1019 = arith.muli %max3A_587, %mul3A_1018 : i32
      %add3A_1020 = arith.constant 7 : i32
      %add3A_1021 = arith.addi %mul3A_1019, %add3A_1020 : i32
      %slice3A_1022 = vector.extract_strided_slice %get3A_595 {offsets = [7], sizes = [1], strides = [1]} : vector<16xi32> to vector<1xi32>
      %squeeze3A_1023 = vector.extract %slice3A_1022[0] : i32 from vector<1xi32>
      %and3A_1024 = arith.constant 7 : i32
      %and3A_1025 = arith.andi %squeeze3A_1023, %and3A_1024 : i32
      %get3A_1026 = arith.index_cast %and3A_1025 : i32 to index
      %get3A_1027 = arith.constant 0 : index
      %get3A_1028 = tpu.vector_load %arg18[%get3A_1026, %get3A_1027] {strides = array<i32>} : memref<8x32xf32, #tpu.memory_space<vmem>>, vector<16xf32>,
      %get3A_1029 = arith.index_cast %and3A_1025 : i32 to index
      %get3A_1030 = arith.constant 16 : index
      %get3A_1031 = tpu.vector_load %arg18[%get3A_1029, %get3A_1030] {strides = array<i32>} : memref<8x32xf32, #tpu.memory_space<vmem>>, vector<16xf32>,
      %mul3A_1032 = arith.constant 32 : i32
      %mul3A_1033 = arith.muli %add3A_1021, %mul3A_1032 : i32
      %get3A_1034 = arith.index_cast %mul3A_1033 : i32 to index
      %get3A_1035 = tpu.vector_load %arg27[%get3A_1034] {strides = array<i32>} : memref<16384xf32, #tpu.memory_space<vmem>>, vector<16xf32>,
      %mul3A_1036 = arith.constant 32 : i32
      %mul3A_1037 = arith.muli %add3A_1021, %mul3A_1036 : i32
      %add3A_1038 = arith.constant 16 : i32
      %add3A_1039 = arith.addi %mul3A_1037, %add3A_1038 : i32
      %get3A_1040 = arith.index_cast %add3A_1039 : i32 to index
      %get3A_1041 = tpu.vector_load %arg27[%get3A_1040] {strides = array<i32>} : memref<16384xf32, #tpu.memory_space<vmem>>, vector<16xf32>,
      %mul3A_1042 = arith.mulf %get3A_1035, %get3A_1028 : vector<16xf32>
      %mul3A_1043 = arith.mulf %get3A_1041, %get3A_1031 : vector<16xf32>
      %add3A_1044 = arith.addf %mul3A_1042, %mul3A_1043 : vector<16xf32>
      %reduce_sum3A_1045 = arith.constant true
      %reduce_sum3A_1046 = vector.broadcast %reduce_sum3A_1045 : i1 to vector<16xi1>
      %reduce_sum3A_1047 = tpu.scan <sum>, %add3A_1044 masked %reduce_sum3A_1046 : vector<16xf32>, vector<16xi1> -> vector<16xf32>
      %reduce_sum3A_1048 = vector.extract %reduce_sum3A_1047[15] : f32 from vector<16xf32>
      %jit3A_1049 = arith.constant 0.000000e+00 : f32
      %broadcast_in_dim3A_1050 = vector.broadcast %reduce_sum3A_1048 : f32 to vector<16xf32>
      %broadcast_in_dim3A_1051 = vector.broadcast %jit3A_1049 : f32 to vector<16xf32>
      %select_n3A_1052 = arith.select %and3A_1017, %broadcast_in_dim3A_1050, %broadcast_in_dim3A_1051 : vector<16xi1>, vector<16xf32>
      %add3A_1053 = arith.addf %add3A_994, %select_n3A_1052 : vector<16xf32>
      %slice3A_1054 = vector.extract_strided_slice %get3A_591 {offsets = [7], sizes = [1], strides = [1]} : vector<16xi32> to vector<1xi32>
      %squeeze3A_1055 = vector.extract %slice3A_1054[0] : i32 from vector<1xi32>
      %shift_right_arithmetic3A_1056 = arith.constant 3 : i32
      %shift_right_arithmetic3A_1057 = arith.shrsi %squeeze3A_1055, %shift_right_arithmetic3A_1056 : i32
      %mul3A_1058 = arith.constant 8 : i32
      %mul3A_1059 = arith.muli %shift_right_arithmetic3A_1057, %mul3A_1058 : i32
      %multiple_of3A_1060 = tpu.assume_multiple %mul3A_1059, 8 : i32
      %dma_start3A_1061 = arith.constant 0 : i32
      %dma_start3A_1062 = tpu.memref_slice %arg5[%multiple_of3A_1060, %dma_start3A_1061] : memref<100000x32xf32, #tpu.memory_space<hbm>> -> memref<8x32xf32, #tpu.memory_space<hbm>>
      %dma_start3A_1063 = arith.constant 0 : i32
      %dma_start3A_1064 = tpu.memref_slice %arg5[%multiple_of3A_1060, %dma_start3A_1063] : memref<100000x32xf32, #tpu.memory_space<hbm>> -> memref<8x32xf32, #tpu.memory_space<hbm>>
      tpu.enqueue_dma source(%dma_start3A_1064 : memref<8x32xf32, #tpu.memory_space<hbm>>) target(%arg18 : memref<8x32xf32, #tpu.memory_space<vmem>>) target_semaphore(%arg32 : memref<!tpu.dma_semaphore, #tpu.memory_space<semaphore_mem>>)
      %gt3A_1065 = arith.constant 0 : i32
      %gt3A_1066 = arith.cmpi sgt, %scan3A_584, %gt3A_1065 : i32
      %convert_element_type3A_1067 = arith.extui %gt3A_1066 : i1 to i32
      %cond3A_1068 = arith.constant 0 : i32
      %cond3A_1069 = arith.cmpi ne, %convert_element_type3A_1067, %cond3A_1068 : i32
      scf.if %cond3A_1069 {
        %dma_wait3A_1543 = arith.constant 0 : i32
        %dma_wait3A_1544 = arith.constant 0 : i32
        %dma_wait3A_1545 = tpu.memref_slice %arg5[%dma_wait3A_1543, %dma_wait3A_1544] : memref<100000x32xf32, #tpu.memory_space<hbm>> -> memref<8x32xf32, #tpu.memory_space<hbm>>
        %dma_wait3A_1546 = arith.constant 0 : i32
        %dma_wait3A_1547 = arith.constant 0 : i32
        %dma_wait3A_1548 = tpu.memref_slice %arg5[%dma_wait3A_1546, %dma_wait3A_1547] : memref<100000x32xf32, #tpu.memory_space<hbm>> -> memref<8x32xf32, #tpu.memory_space<hbm>>
        tpu.wait_dma2 semaphore(%arg32 : memref<!tpu.dma_semaphore, #tpu.memory_space<semaphore_mem>>) src(%dma_wait3A_1548 : memref<8x32xf32, #tpu.memory_space<hbm>>) dst(%arg19 : memref<8x32xf32, #tpu.memory_space<vmem>>)
      } else {
      }
      %eq3A_1070 = arith.constant 8 : i32
      %eq3A_1071 = vector.broadcast %eq3A_1070 : i32 to vector<16xi32>
      %eq3A_1072 = arith.cmpi eq, %iota3A, %eq3A_1071 : vector<16xi32>
      %gt3A_1073 = arith.constant 0 : i32
      %gt3A_1074 = arith.cmpi sgt, %scan3A_584, %gt3A_1073 : i32
      %and3A_1075 = vector.broadcast %gt3A_1074 : i1 to vector<16xi1>
      %and3A_1076 = arith.andi %eq3A_1072, %and3A_1075 : vector<16xi1>
      %mul3A_1077 = arith.constant 16 : i32
      %mul3A_1078 = arith.muli %max3A_587, %mul3A_1077 : i32
      %add3A_1079 = arith.constant 8 : i32
      %add3A_1080 = arith.addi %mul3A_1078, %add3A_1079 : i32
      %slice3A_1081 = vector.extract_strided_slice %get3A_595 {offsets = [8], sizes = [1], strides = [1]} : vector<16xi32> to vector<1xi32>
      %squeeze3A_1082 = vector.extract %slice3A_1081[0] : i32 from vector<1xi32>
      %and3A_1083 = arith.constant 7 : i32
      %and3A_1084 = arith.andi %squeeze3A_1082, %and3A_1083 : i32
      %get3A_1085 = arith.index_cast %and3A_1084 : i32 to index
      %get3A_1086 = arith.constant 0 : index
      %get3A_1087 = tpu.vector_load %arg19[%get3A_1085, %get3A_1086] {strides = array<i32>} : memref<8x32xf32, #tpu.memory_space<vmem>>, vector<16xf32>,
      %get3A_1088 = arith.index_cast %and3A_1084 : i32 to index
      %get3A_1089 = arith.constant 16 : index
      %get3A_1090 = tpu.vector_load %arg19[%get3A_1088, %get3A_1089] {strides = array<i32>} : memref<8x32xf32, #tpu.memory_space<vmem>>, vector<16xf32>,
      %mul3A_1091 = arith.constant 32 : i32
      %mul3A_1092 = arith.muli %add3A_1080, %mul3A_1091 : i32
      %get3A_1093 = arith.index_cast %mul3A_1092 : i32 to index
      %get3A_1094 = tpu.vector_load %arg27[%get3A_1093] {strides = array<i32>} : memref<16384xf32, #tpu.memory_space<vmem>>, vector<16xf32>,
      %mul3A_1095 = arith.constant 32 : i32
      %mul3A_1096 = arith.muli %add3A_1080, %mul3A_1095 : i32
      %add3A_1097 = arith.constant 16 : i32
      %add3A_1098 = arith.addi %mul3A_1096, %add3A_1097 : i32
      %get3A_1099 = arith.index_cast %add3A_1098 : i32 to index
      %get3A_1100 = tpu.vector_load %arg27[%get3A_1099] {strides = array<i32>} : memref<16384xf32, #tpu.memory_space<vmem>>, vector<16xf32>,
      %mul3A_1101 = arith.mulf %get3A_1094, %get3A_1087 : vector<16xf32>
      %mul3A_1102 = arith.mulf %get3A_1100, %get3A_1090 : vector<16xf32>
      %add3A_1103 = arith.addf %mul3A_1101, %mul3A_1102 : vector<16xf32>
      %reduce_sum3A_1104 = arith.constant true
      %reduce_sum3A_1105 = vector.broadcast %reduce_sum3A_1104 : i1 to vector<16xi1>
      %reduce_sum3A_1106 = tpu.scan <sum>, %add3A_1103 masked %reduce_sum3A_1105 : vector<16xf32>, vector<16xi1> -> vector<16xf32>
      %reduce_sum3A_1107 = vector.extract %reduce_sum3A_1106[15] : f32 from vector<16xf32>
      %jit3A_1108 = arith.constant 0.000000e+00 : f32
      %broadcast_in_dim3A_1109 = vector.broadcast %reduce_sum3A_1107 : f32 to vector<16xf32>
      %broadcast_in_dim3A_1110 = vector.broadcast %jit3A_1108 : f32 to vector<16xf32>
      %select_n3A_1111 = arith.select %and3A_1076, %broadcast_in_dim3A_1109, %broadcast_in_dim3A_1110 : vector<16xi1>, vector<16xf32>
      %add3A_1112 = arith.addf %add3A_1053, %select_n3A_1111 : vector<16xf32>
      %slice3A_1113 = vector.extract_strided_slice %get3A_591 {offsets = [8], sizes = [1], strides = [1]} : vector<16xi32> to vector<1xi32>
      %squeeze3A_1114 = vector.extract %slice3A_1113[0] : i32 from vector<1xi32>
      %shift_right_arithmetic3A_1115 = arith.constant 3 : i32
      %shift_right_arithmetic3A_1116 = arith.shrsi %squeeze3A_1114, %shift_right_arithmetic3A_1115 : i32
      %mul3A_1117 = arith.constant 8 : i32
      %mul3A_1118 = arith.muli %shift_right_arithmetic3A_1116, %mul3A_1117 : i32
      %multiple_of3A_1119 = tpu.assume_multiple %mul3A_1118, 8 : i32
      %dma_start3A_1120 = arith.constant 0 : i32
      %dma_start3A_1121 = tpu.memref_slice %arg5[%multiple_of3A_1119, %dma_start3A_1120] : memref<100000x32xf32, #tpu.memory_space<hbm>> -> memref<8x32xf32, #tpu.memory_space<hbm>>
      %dma_start3A_1122 = arith.constant 0 : i32
      %dma_start3A_1123 = tpu.memref_slice %arg5[%multiple_of3A_1119, %dma_start3A_1122] : memref<100000x32xf32, #tpu.memory_space<hbm>> -> memref<8x32xf32, #tpu.memory_space<hbm>>
      tpu.enqueue_dma source(%dma_start3A_1123 : memref<8x32xf32, #tpu.memory_space<hbm>>) target(%arg19 : memref<8x32xf32, #tpu.memory_space<vmem>>) target_semaphore(%arg32 : memref<!tpu.dma_semaphore, #tpu.memory_space<semaphore_mem>>)
      %gt3A_1124 = arith.constant 0 : i32
      %gt3A_1125 = arith.cmpi sgt, %scan3A_584, %gt3A_1124 : i32
      %convert_element_type3A_1126 = arith.extui %gt3A_1125 : i1 to i32
      %cond3A_1127 = arith.constant 0 : i32
      %cond3A_1128 = arith.cmpi ne, %convert_element_type3A_1126, %cond3A_1127 : i32
      scf.if %cond3A_1128 {
        %dma_wait3A_1543 = arith.constant 0 : i32
        %dma_wait3A_1544 = arith.constant 0 : i32
        %dma_wait3A_1545 = tpu.memref_slice %arg5[%dma_wait3A_1543, %dma_wait3A_1544] : memref<100000x32xf32, #tpu.memory_space<hbm>> -> memref<8x32xf32, #tpu.memory_space<hbm>>
        %dma_wait3A_1546 = arith.constant 0 : i32
        %dma_wait3A_1547 = arith.constant 0 : i32
        %dma_wait3A_1548 = tpu.memref_slice %arg5[%dma_wait3A_1546, %dma_wait3A_1547] : memref<100000x32xf32, #tpu.memory_space<hbm>> -> memref<8x32xf32, #tpu.memory_space<hbm>>
        tpu.wait_dma2 semaphore(%arg32 : memref<!tpu.dma_semaphore, #tpu.memory_space<semaphore_mem>>) src(%dma_wait3A_1548 : memref<8x32xf32, #tpu.memory_space<hbm>>) dst(%arg20 : memref<8x32xf32, #tpu.memory_space<vmem>>)
      } else {
      }
      %eq3A_1129 = arith.constant 9 : i32
      %eq3A_1130 = vector.broadcast %eq3A_1129 : i32 to vector<16xi32>
      %eq3A_1131 = arith.cmpi eq, %iota3A, %eq3A_1130 : vector<16xi32>
      %gt3A_1132 = arith.constant 0 : i32
      %gt3A_1133 = arith.cmpi sgt, %scan3A_584, %gt3A_1132 : i32
      %and3A_1134 = vector.broadcast %gt3A_1133 : i1 to vector<16xi1>
      %and3A_1135 = arith.andi %eq3A_1131, %and3A_1134 : vector<16xi1>
      %mul3A_1136 = arith.constant 16 : i32
      %mul3A_1137 = arith.muli %max3A_587, %mul3A_1136 : i32
      %add3A_1138 = arith.constant 9 : i32
      %add3A_1139 = arith.addi %mul3A_1137, %add3A_1138 : i32
      %slice3A_1140 = vector.extract_strided_slice %get3A_595 {offsets = [9], sizes = [1], strides = [1]} : vector<16xi32> to vector<1xi32>
      %squeeze3A_1141 = vector.extract %slice3A_1140[0] : i32 from vector<1xi32>
      %and3A_1142 = arith.constant 7 : i32
      %and3A_1143 = arith.andi %squeeze3A_1141, %and3A_1142 : i32
      %get3A_1144 = arith.index_cast %and3A_1143 : i32 to index
      %get3A_1145 = arith.constant 0 : index
      %get3A_1146 = tpu.vector_load %arg20[%get3A_1144, %get3A_1145] {strides = array<i32>} : memref<8x32xf32, #tpu.memory_space<vmem>>, vector<16xf32>,
      %get3A_1147 = arith.index_cast %and3A_1143 : i32 to index
      %get3A_1148 = arith.constant 16 : index
      %get3A_1149 = tpu.vector_load %arg20[%get3A_1147, %get3A_1148] {strides = array<i32>} : memref<8x32xf32, #tpu.memory_space<vmem>>, vector<16xf32>,
      %mul3A_1150 = arith.constant 32 : i32
      %mul3A_1151 = arith.muli %add3A_1139, %mul3A_1150 : i32
      %get3A_1152 = arith.index_cast %mul3A_1151 : i32 to index
      %get3A_1153 = tpu.vector_load %arg27[%get3A_1152] {strides = array<i32>} : memref<16384xf32, #tpu.memory_space<vmem>>, vector<16xf32>,
      %mul3A_1154 = arith.constant 32 : i32
      %mul3A_1155 = arith.muli %add3A_1139, %mul3A_1154 : i32
      %add3A_1156 = arith.constant 16 : i32
      %add3A_1157 = arith.addi %mul3A_1155, %add3A_1156 : i32
      %get3A_1158 = arith.index_cast %add3A_1157 : i32 to index
      %get3A_1159 = tpu.vector_load %arg27[%get3A_1158] {strides = array<i32>} : memref<16384xf32, #tpu.memory_space<vmem>>, vector<16xf32>,
      %mul3A_1160 = arith.mulf %get3A_1153, %get3A_1146 : vector<16xf32>
      %mul3A_1161 = arith.mulf %get3A_1159, %get3A_1149 : vector<16xf32>
      %add3A_1162 = arith.addf %mul3A_1160, %mul3A_1161 : vector<16xf32>
      %reduce_sum3A_1163 = arith.constant true
      %reduce_sum3A_1164 = vector.broadcast %reduce_sum3A_1163 : i1 to vector<16xi1>
      %reduce_sum3A_1165 = tpu.scan <sum>, %add3A_1162 masked %reduce_sum3A_1164 : vector<16xf32>, vector<16xi1> -> vector<16xf32>
      %reduce_sum3A_1166 = vector.extract %reduce_sum3A_1165[15] : f32 from vector<16xf32>
      %jit3A_1167 = arith.constant 0.000000e+00 : f32
      %broadcast_in_dim3A_1168 = vector.broadcast %reduce_sum3A_1166 : f32 to vector<16xf32>
      %broadcast_in_dim3A_1169 = vector.broadcast %jit3A_1167 : f32 to vector<16xf32>
      %select_n3A_1170 = arith.select %and3A_1135, %broadcast_in_dim3A_1168, %broadcast_in_dim3A_1169 : vector<16xi1>, vector<16xf32>
      %add3A_1171 = arith.addf %add3A_1112, %select_n3A_1170 : vector<16xf32>
      %slice3A_1172 = vector.extract_strided_slice %get3A_591 {offsets = [9], sizes = [1], strides = [1]} : vector<16xi32> to vector<1xi32>
      %squeeze3A_1173 = vector.extract %slice3A_1172[0] : i32 from vector<1xi32>
      %shift_right_arithmetic3A_1174 = arith.constant 3 : i32
      %shift_right_arithmetic3A_1175 = arith.shrsi %squeeze3A_1173, %shift_right_arithmetic3A_1174 : i32
      %mul3A_1176 = arith.constant 8 : i32
      %mul3A_1177 = arith.muli %shift_right_arithmetic3A_1175, %mul3A_1176 : i32
      %multiple_of3A_1178 = tpu.assume_multiple %mul3A_1177, 8 : i32
      %dma_start3A_1179 = arith.constant 0 : i32
      %dma_start3A_1180 = tpu.memref_slice %arg5[%multiple_of3A_1178, %dma_start3A_1179] : memref<100000x32xf32, #tpu.memory_space<hbm>> -> memref<8x32xf32, #tpu.memory_space<hbm>>
      %dma_start3A_1181 = arith.constant 0 : i32
      %dma_start3A_1182 = tpu.memref_slice %arg5[%multiple_of3A_1178, %dma_start3A_1181] : memref<100000x32xf32, #tpu.memory_space<hbm>> -> memref<8x32xf32, #tpu.memory_space<hbm>>
      tpu.enqueue_dma source(%dma_start3A_1182 : memref<8x32xf32, #tpu.memory_space<hbm>>) target(%arg20 : memref<8x32xf32, #tpu.memory_space<vmem>>) target_semaphore(%arg32 : memref<!tpu.dma_semaphore, #tpu.memory_space<semaphore_mem>>)
      %gt3A_1183 = arith.constant 0 : i32
      %gt3A_1184 = arith.cmpi sgt, %scan3A_584, %gt3A_1183 : i32
      %convert_element_type3A_1185 = arith.extui %gt3A_1184 : i1 to i32
      %cond3A_1186 = arith.constant 0 : i32
      %cond3A_1187 = arith.cmpi ne, %convert_element_type3A_1185, %cond3A_1186 : i32
      scf.if %cond3A_1187 {
        %dma_wait3A_1543 = arith.constant 0 : i32
        %dma_wait3A_1544 = arith.constant 0 : i32
        %dma_wait3A_1545 = tpu.memref_slice %arg5[%dma_wait3A_1543, %dma_wait3A_1544] : memref<100000x32xf32, #tpu.memory_space<hbm>> -> memref<8x32xf32, #tpu.memory_space<hbm>>
        %dma_wait3A_1546 = arith.constant 0 : i32
        %dma_wait3A_1547 = arith.constant 0 : i32
        %dma_wait3A_1548 = tpu.memref_slice %arg5[%dma_wait3A_1546, %dma_wait3A_1547] : memref<100000x32xf32, #tpu.memory_space<hbm>> -> memref<8x32xf32, #tpu.memory_space<hbm>>
        tpu.wait_dma2 semaphore(%arg32 : memref<!tpu.dma_semaphore, #tpu.memory_space<semaphore_mem>>) src(%dma_wait3A_1548 : memref<8x32xf32, #tpu.memory_space<hbm>>) dst(%arg21 : memref<8x32xf32, #tpu.memory_space<vmem>>)
      } else {
      }
      %eq3A_1188 = arith.constant 10 : i32
      %eq3A_1189 = vector.broadcast %eq3A_1188 : i32 to vector<16xi32>
      %eq3A_1190 = arith.cmpi eq, %iota3A, %eq3A_1189 : vector<16xi32>
      %gt3A_1191 = arith.constant 0 : i32
      %gt3A_1192 = arith.cmpi sgt, %scan3A_584, %gt3A_1191 : i32
      %and3A_1193 = vector.broadcast %gt3A_1192 : i1 to vector<16xi1>
      %and3A_1194 = arith.andi %eq3A_1190, %and3A_1193 : vector<16xi1>
      %mul3A_1195 = arith.constant 16 : i32
      %mul3A_1196 = arith.muli %max3A_587, %mul3A_1195 : i32
      %add3A_1197 = arith.constant 10 : i32
      %add3A_1198 = arith.addi %mul3A_1196, %add3A_1197 : i32
      %slice3A_1199 = vector.extract_strided_slice %get3A_595 {offsets = [10], sizes = [1], strides = [1]} : vector<16xi32> to vector<1xi32>
      %squeeze3A_1200 = vector.extract %slice3A_1199[0] : i32 from vector<1xi32>
      %and3A_1201 = arith.constant 7 : i32
      %and3A_1202 = arith.andi %squeeze3A_1200, %and3A_1201 : i32
      %get3A_1203 = arith.index_cast %and3A_1202 : i32 to index
      %get3A_1204 = arith.constant 0 : index
      %get3A_1205 = tpu.vector_load %arg21[%get3A_1203, %get3A_1204] {strides = array<i32>} : memref<8x32xf32, #tpu.memory_space<vmem>>, vector<16xf32>,
      %get3A_1206 = arith.index_cast %and3A_1202 : i32 to index
      %get3A_1207 = arith.constant 16 : index
      %get3A_1208 = tpu.vector_load %arg21[%get3A_1206, %get3A_1207] {strides = array<i32>} : memref<8x32xf32, #tpu.memory_space<vmem>>, vector<16xf32>,
      %mul3A_1209 = arith.constant 32 : i32
      %mul3A_1210 = arith.muli %add3A_1198, %mul3A_1209 : i32
      %get3A_1211 = arith.index_cast %mul3A_1210 : i32 to index
      %get3A_1212 = tpu.vector_load %arg27[%get3A_1211] {strides = array<i32>} : memref<16384xf32, #tpu.memory_space<vmem>>, vector<16xf32>,
      %mul3A_1213 = arith.constant 32 : i32
      %mul3A_1214 = arith.muli %add3A_1198, %mul3A_1213 : i32
      %add3A_1215 = arith.constant 16 : i32
      %add3A_1216 = arith.addi %mul3A_1214, %add3A_1215 : i32
      %get3A_1217 = arith.index_cast %add3A_1216 : i32 to index
      %get3A_1218 = tpu.vector_load %arg27[%get3A_1217] {strides = array<i32>} : memref<16384xf32, #tpu.memory_space<vmem>>, vector<16xf32>,
      %mul3A_1219 = arith.mulf %get3A_1212, %get3A_1205 : vector<16xf32>
      %mul3A_1220 = arith.mulf %get3A_1218, %get3A_1208 : vector<16xf32>
      %add3A_1221 = arith.addf %mul3A_1219, %mul3A_1220 : vector<16xf32>
      %reduce_sum3A_1222 = arith.constant true
      %reduce_sum3A_1223 = vector.broadcast %reduce_sum3A_1222 : i1 to vector<16xi1>
      %reduce_sum3A_1224 = tpu.scan <sum>, %add3A_1221 masked %reduce_sum3A_1223 : vector<16xf32>, vector<16xi1> -> vector<16xf32>
      %reduce_sum3A_1225 = vector.extract %reduce_sum3A_1224[15] : f32 from vector<16xf32>
      %jit3A_1226 = arith.constant 0.000000e+00 : f32
      %broadcast_in_dim3A_1227 = vector.broadcast %reduce_sum3A_1225 : f32 to vector<16xf32>
      %broadcast_in_dim3A_1228 = vector.broadcast %jit3A_1226 : f32 to vector<16xf32>
      %select_n3A_1229 = arith.select %and3A_1194, %broadcast_in_dim3A_1227, %broadcast_in_dim3A_1228 : vector<16xi1>, vector<16xf32>
      %add3A_1230 = arith.addf %add3A_1171, %select_n3A_1229 : vector<16xf32>
      %slice3A_1231 = vector.extract_strided_slice %get3A_591 {offsets = [10], sizes = [1], strides = [1]} : vector<16xi32> to vector<1xi32>
      %squeeze3A_1232 = vector.extract %slice3A_1231[0] : i32 from vector<1xi32>
      %shift_right_arithmetic3A_1233 = arith.constant 3 : i32
      %shift_right_arithmetic3A_1234 = arith.shrsi %squeeze3A_1232, %shift_right_arithmetic3A_1233 : i32
      %mul3A_1235 = arith.constant 8 : i32
      %mul3A_1236 = arith.muli %shift_right_arithmetic3A_1234, %mul3A_1235 : i32
      %multiple_of3A_1237 = tpu.assume_multiple %mul3A_1236, 8 : i32
      %dma_start3A_1238 = arith.constant 0 : i32
      %dma_start3A_1239 = tpu.memref_slice %arg5[%multiple_of3A_1237, %dma_start3A_1238] : memref<100000x32xf32, #tpu.memory_space<hbm>> -> memref<8x32xf32, #tpu.memory_space<hbm>>
      %dma_start3A_1240 = arith.constant 0 : i32
      %dma_start3A_1241 = tpu.memref_slice %arg5[%multiple_of3A_1237, %dma_start3A_1240] : memref<100000x32xf32, #tpu.memory_space<hbm>> -> memref<8x32xf32, #tpu.memory_space<hbm>>
      tpu.enqueue_dma source(%dma_start3A_1241 : memref<8x32xf32, #tpu.memory_space<hbm>>) target(%arg21 : memref<8x32xf32, #tpu.memory_space<vmem>>) target_semaphore(%arg32 : memref<!tpu.dma_semaphore, #tpu.memory_space<semaphore_mem>>)
      %gt3A_1242 = arith.constant 0 : i32
      %gt3A_1243 = arith.cmpi sgt, %scan3A_584, %gt3A_1242 : i32
      %convert_element_type3A_1244 = arith.extui %gt3A_1243 : i1 to i32
      %cond3A_1245 = arith.constant 0 : i32
      %cond3A_1246 = arith.cmpi ne, %convert_element_type3A_1244, %cond3A_1245 : i32
      scf.if %cond3A_1246 {
        %dma_wait3A_1543 = arith.constant 0 : i32
        %dma_wait3A_1544 = arith.constant 0 : i32
        %dma_wait3A_1545 = tpu.memref_slice %arg5[%dma_wait3A_1543, %dma_wait3A_1544] : memref<100000x32xf32, #tpu.memory_space<hbm>> -> memref<8x32xf32, #tpu.memory_space<hbm>>
        %dma_wait3A_1546 = arith.constant 0 : i32
        %dma_wait3A_1547 = arith.constant 0 : i32
        %dma_wait3A_1548 = tpu.memref_slice %arg5[%dma_wait3A_1546, %dma_wait3A_1547] : memref<100000x32xf32, #tpu.memory_space<hbm>> -> memref<8x32xf32, #tpu.memory_space<hbm>>
        tpu.wait_dma2 semaphore(%arg32 : memref<!tpu.dma_semaphore, #tpu.memory_space<semaphore_mem>>) src(%dma_wait3A_1548 : memref<8x32xf32, #tpu.memory_space<hbm>>) dst(%arg22 : memref<8x32xf32, #tpu.memory_space<vmem>>)
      } else {
      }
      %eq3A_1247 = arith.constant 11 : i32
      %eq3A_1248 = vector.broadcast %eq3A_1247 : i32 to vector<16xi32>
      %eq3A_1249 = arith.cmpi eq, %iota3A, %eq3A_1248 : vector<16xi32>
      %gt3A_1250 = arith.constant 0 : i32
      %gt3A_1251 = arith.cmpi sgt, %scan3A_584, %gt3A_1250 : i32
      %and3A_1252 = vector.broadcast %gt3A_1251 : i1 to vector<16xi1>
      %and3A_1253 = arith.andi %eq3A_1249, %and3A_1252 : vector<16xi1>
      %mul3A_1254 = arith.constant 16 : i32
      %mul3A_1255 = arith.muli %max3A_587, %mul3A_1254 : i32
      %add3A_1256 = arith.constant 11 : i32
      %add3A_1257 = arith.addi %mul3A_1255, %add3A_1256 : i32
      %slice3A_1258 = vector.extract_strided_slice %get3A_595 {offsets = [11], sizes = [1], strides = [1]} : vector<16xi32> to vector<1xi32>
      %squeeze3A_1259 = vector.extract %slice3A_1258[0] : i32 from vector<1xi32>
      %and3A_1260 = arith.constant 7 : i32
      %and3A_1261 = arith.andi %squeeze3A_1259, %and3A_1260 : i32
      %get3A_1262 = arith.index_cast %and3A_1261 : i32 to index
      %get3A_1263 = arith.constant 0 : index
      %get3A_1264 = tpu.vector_load %arg22[%get3A_1262, %get3A_1263] {strides = array<i32>} : memref<8x32xf32, #tpu.memory_space<vmem>>, vector<16xf32>,
      %get3A_1265 = arith.index_cast %and3A_1261 : i32 to index
      %get3A_1266 = arith.constant 16 : index
      %get3A_1267 = tpu.vector_load %arg22[%get3A_1265, %get3A_1266] {strides = array<i32>} : memref<8x32xf32, #tpu.memory_space<vmem>>, vector<16xf32>,
      %mul3A_1268 = arith.constant 32 : i32
      %mul3A_1269 = arith.muli %add3A_1257, %mul3A_1268 : i32
      %get3A_1270 = arith.index_cast %mul3A_1269 : i32 to index
      %get3A_1271 = tpu.vector_load %arg27[%get3A_1270] {strides = array<i32>} : memref<16384xf32, #tpu.memory_space<vmem>>, vector<16xf32>,
      %mul3A_1272 = arith.constant 32 : i32
      %mul3A_1273 = arith.muli %add3A_1257, %mul3A_1272 : i32
      %add3A_1274 = arith.constant 16 : i32
      %add3A_1275 = arith.addi %mul3A_1273, %add3A_1274 : i32
      %get3A_1276 = arith.index_cast %add3A_1275 : i32 to index
      %get3A_1277 = tpu.vector_load %arg27[%get3A_1276] {strides = array<i32>} : memref<16384xf32, #tpu.memory_space<vmem>>, vector<16xf32>,
      %mul3A_1278 = arith.mulf %get3A_1271, %get3A_1264 : vector<16xf32>
      %mul3A_1279 = arith.mulf %get3A_1277, %get3A_1267 : vector<16xf32>
      %add3A_1280 = arith.addf %mul3A_1278, %mul3A_1279 : vector<16xf32>
      %reduce_sum3A_1281 = arith.constant true
      %reduce_sum3A_1282 = vector.broadcast %reduce_sum3A_1281 : i1 to vector<16xi1>
      %reduce_sum3A_1283 = tpu.scan <sum>, %add3A_1280 masked %reduce_sum3A_1282 : vector<16xf32>, vector<16xi1> -> vector<16xf32>
      %reduce_sum3A_1284 = vector.extract %reduce_sum3A_1283[15] : f32 from vector<16xf32>
      %jit3A_1285 = arith.constant 0.000000e+00 : f32
      %broadcast_in_dim3A_1286 = vector.broadcast %reduce_sum3A_1284 : f32 to vector<16xf32>
      %broadcast_in_dim3A_1287 = vector.broadcast %jit3A_1285 : f32 to vector<16xf32>
      %select_n3A_1288 = arith.select %and3A_1253, %broadcast_in_dim3A_1286, %broadcast_in_dim3A_1287 : vector<16xi1>, vector<16xf32>
      %add3A_1289 = arith.addf %add3A_1230, %select_n3A_1288 : vector<16xf32>
      %slice3A_1290 = vector.extract_strided_slice %get3A_591 {offsets = [11], sizes = [1], strides = [1]} : vector<16xi32> to vector<1xi32>
      %squeeze3A_1291 = vector.extract %slice3A_1290[0] : i32 from vector<1xi32>
      %shift_right_arithmetic3A_1292 = arith.constant 3 : i32
      %shift_right_arithmetic3A_1293 = arith.shrsi %squeeze3A_1291, %shift_right_arithmetic3A_1292 : i32
      %mul3A_1294 = arith.constant 8 : i32
      %mul3A_1295 = arith.muli %shift_right_arithmetic3A_1293, %mul3A_1294 : i32
      %multiple_of3A_1296 = tpu.assume_multiple %mul3A_1295, 8 : i32
      %dma_start3A_1297 = arith.constant 0 : i32
      %dma_start3A_1298 = tpu.memref_slice %arg5[%multiple_of3A_1296, %dma_start3A_1297] : memref<100000x32xf32, #tpu.memory_space<hbm>> -> memref<8x32xf32, #tpu.memory_space<hbm>>
      %dma_start3A_1299 = arith.constant 0 : i32
      %dma_start3A_1300 = tpu.memref_slice %arg5[%multiple_of3A_1296, %dma_start3A_1299] : memref<100000x32xf32, #tpu.memory_space<hbm>> -> memref<8x32xf32, #tpu.memory_space<hbm>>
      tpu.enqueue_dma source(%dma_start3A_1300 : memref<8x32xf32, #tpu.memory_space<hbm>>) target(%arg22 : memref<8x32xf32, #tpu.memory_space<vmem>>) target_semaphore(%arg32 : memref<!tpu.dma_semaphore, #tpu.memory_space<semaphore_mem>>)
      %gt3A_1301 = arith.constant 0 : i32
      %gt3A_1302 = arith.cmpi sgt, %scan3A_584, %gt3A_1301 : i32
      %convert_element_type3A_1303 = arith.extui %gt3A_1302 : i1 to i32
      %cond3A_1304 = arith.constant 0 : i32
      %cond3A_1305 = arith.cmpi ne, %convert_element_type3A_1303, %cond3A_1304 : i32
      scf.if %cond3A_1305 {
        %dma_wait3A_1543 = arith.constant 0 : i32
        %dma_wait3A_1544 = arith.constant 0 : i32
        %dma_wait3A_1545 = tpu.memref_slice %arg5[%dma_wait3A_1543, %dma_wait3A_1544] : memref<100000x32xf32, #tpu.memory_space<hbm>> -> memref<8x32xf32, #tpu.memory_space<hbm>>
        %dma_wait3A_1546 = arith.constant 0 : i32
        %dma_wait3A_1547 = arith.constant 0 : i32
        %dma_wait3A_1548 = tpu.memref_slice %arg5[%dma_wait3A_1546, %dma_wait3A_1547] : memref<100000x32xf32, #tpu.memory_space<hbm>> -> memref<8x32xf32, #tpu.memory_space<hbm>>
        tpu.wait_dma2 semaphore(%arg32 : memref<!tpu.dma_semaphore, #tpu.memory_space<semaphore_mem>>) src(%dma_wait3A_1548 : memref<8x32xf32, #tpu.memory_space<hbm>>) dst(%arg23 : memref<8x32xf32, #tpu.memory_space<vmem>>)
      } else {
      }
      %eq3A_1306 = arith.constant 12 : i32
      %eq3A_1307 = vector.broadcast %eq3A_1306 : i32 to vector<16xi32>
      %eq3A_1308 = arith.cmpi eq, %iota3A, %eq3A_1307 : vector<16xi32>
      %gt3A_1309 = arith.constant 0 : i32
      %gt3A_1310 = arith.cmpi sgt, %scan3A_584, %gt3A_1309 : i32
      %and3A_1311 = vector.broadcast %gt3A_1310 : i1 to vector<16xi1>
      %and3A_1312 = arith.andi %eq3A_1308, %and3A_1311 : vector<16xi1>
      %mul3A_1313 = arith.constant 16 : i32
      %mul3A_1314 = arith.muli %max3A_587, %mul3A_1313 : i32
      %add3A_1315 = arith.constant 12 : i32
      %add3A_1316 = arith.addi %mul3A_1314, %add3A_1315 : i32
      %slice3A_1317 = vector.extract_strided_slice %get3A_595 {offsets = [12], sizes = [1], strides = [1]} : vector<16xi32> to vector<1xi32>
      %squeeze3A_1318 = vector.extract %slice3A_1317[0] : i32 from vector<1xi32>
      %and3A_1319 = arith.constant 7 : i32
      %and3A_1320 = arith.andi %squeeze3A_1318, %and3A_1319 : i32
      %get3A_1321 = arith.index_cast %and3A_1320 : i32 to index
      %get3A_1322 = arith.constant 0 : index
      %get3A_1323 = tpu.vector_load %arg23[%get3A_1321, %get3A_1322] {strides = array<i32>} : memref<8x32xf32, #tpu.memory_space<vmem>>, vector<16xf32>,
      %get3A_1324 = arith.index_cast %and3A_1320 : i32 to index
      %get3A_1325 = arith.constant 16 : index
      %get3A_1326 = tpu.vector_load %arg23[%get3A_1324, %get3A_1325] {strides = array<i32>} : memref<8x32xf32, #tpu.memory_space<vmem>>, vector<16xf32>,
      %mul3A_1327 = arith.constant 32 : i32
      %mul3A_1328 = arith.muli %add3A_1316, %mul3A_1327 : i32
      %get3A_1329 = arith.index_cast %mul3A_1328 : i32 to index
      %get3A_1330 = tpu.vector_load %arg27[%get3A_1329] {strides = array<i32>} : memref<16384xf32, #tpu.memory_space<vmem>>, vector<16xf32>,
      %mul3A_1331 = arith.constant 32 : i32
      %mul3A_1332 = arith.muli %add3A_1316, %mul3A_1331 : i32
      %add3A_1333 = arith.constant 16 : i32
      %add3A_1334 = arith.addi %mul3A_1332, %add3A_1333 : i32
      %get3A_1335 = arith.index_cast %add3A_1334 : i32 to index
      %get3A_1336 = tpu.vector_load %arg27[%get3A_1335] {strides = array<i32>} : memref<16384xf32, #tpu.memory_space<vmem>>, vector<16xf32>,
      %mul3A_1337 = arith.mulf %get3A_1330, %get3A_1323 : vector<16xf32>
      %mul3A_1338 = arith.mulf %get3A_1336, %get3A_1326 : vector<16xf32>
      %add3A_1339 = arith.addf %mul3A_1337, %mul3A_1338 : vector<16xf32>
      %reduce_sum3A_1340 = arith.constant true
      %reduce_sum3A_1341 = vector.broadcast %reduce_sum3A_1340 : i1 to vector<16xi1>
      %reduce_sum3A_1342 = tpu.scan <sum>, %add3A_1339 masked %reduce_sum3A_1341 : vector<16xf32>, vector<16xi1> -> vector<16xf32>
      %reduce_sum3A_1343 = vector.extract %reduce_sum3A_1342[15] : f32 from vector<16xf32>
      %jit3A_1344 = arith.constant 0.000000e+00 : f32
      %broadcast_in_dim3A_1345 = vector.broadcast %reduce_sum3A_1343 : f32 to vector<16xf32>
      %broadcast_in_dim3A_1346 = vector.broadcast %jit3A_1344 : f32 to vector<16xf32>
      %select_n3A_1347 = arith.select %and3A_1312, %broadcast_in_dim3A_1345, %broadcast_in_dim3A_1346 : vector<16xi1>, vector<16xf32>
      %add3A_1348 = arith.addf %add3A_1289, %select_n3A_1347 : vector<16xf32>
      %slice3A_1349 = vector.extract_strided_slice %get3A_591 {offsets = [12], sizes = [1], strides = [1]} : vector<16xi32> to vector<1xi32>
      %squeeze3A_1350 = vector.extract %slice3A_1349[0] : i32 from vector<1xi32>
      %shift_right_arithmetic3A_1351 = arith.constant 3 : i32
      %shift_right_arithmetic3A_1352 = arith.shrsi %squeeze3A_1350, %shift_right_arithmetic3A_1351 : i32
      %mul3A_1353 = arith.constant 8 : i32
      %mul3A_1354 = arith.muli %shift_right_arithmetic3A_1352, %mul3A_1353 : i32
      %multiple_of3A_1355 = tpu.assume_multiple %mul3A_1354, 8 : i32
      %dma_start3A_1356 = arith.constant 0 : i32
      %dma_start3A_1357 = tpu.memref_slice %arg5[%multiple_of3A_1355, %dma_start3A_1356] : memref<100000x32xf32, #tpu.memory_space<hbm>> -> memref<8x32xf32, #tpu.memory_space<hbm>>
      %dma_start3A_1358 = arith.constant 0 : i32
      %dma_start3A_1359 = tpu.memref_slice %arg5[%multiple_of3A_1355, %dma_start3A_1358] : memref<100000x32xf32, #tpu.memory_space<hbm>> -> memref<8x32xf32, #tpu.memory_space<hbm>>
      tpu.enqueue_dma source(%dma_start3A_1359 : memref<8x32xf32, #tpu.memory_space<hbm>>) target(%arg23 : memref<8x32xf32, #tpu.memory_space<vmem>>) target_semaphore(%arg32 : memref<!tpu.dma_semaphore, #tpu.memory_space<semaphore_mem>>)
      %gt3A_1360 = arith.constant 0 : i32
      %gt3A_1361 = arith.cmpi sgt, %scan3A_584, %gt3A_1360 : i32
      %convert_element_type3A_1362 = arith.extui %gt3A_1361 : i1 to i32
      %cond3A_1363 = arith.constant 0 : i32
      %cond3A_1364 = arith.cmpi ne, %convert_element_type3A_1362, %cond3A_1363 : i32
      scf.if %cond3A_1364 {
        %dma_wait3A_1543 = arith.constant 0 : i32
        %dma_wait3A_1544 = arith.constant 0 : i32
        %dma_wait3A_1545 = tpu.memref_slice %arg5[%dma_wait3A_1543, %dma_wait3A_1544] : memref<100000x32xf32, #tpu.memory_space<hbm>> -> memref<8x32xf32, #tpu.memory_space<hbm>>
        %dma_wait3A_1546 = arith.constant 0 : i32
        %dma_wait3A_1547 = arith.constant 0 : i32
        %dma_wait3A_1548 = tpu.memref_slice %arg5[%dma_wait3A_1546, %dma_wait3A_1547] : memref<100000x32xf32, #tpu.memory_space<hbm>> -> memref<8x32xf32, #tpu.memory_space<hbm>>
        tpu.wait_dma2 semaphore(%arg32 : memref<!tpu.dma_semaphore, #tpu.memory_space<semaphore_mem>>) src(%dma_wait3A_1548 : memref<8x32xf32, #tpu.memory_space<hbm>>) dst(%arg24 : memref<8x32xf32, #tpu.memory_space<vmem>>)
      } else {
      }
      %eq3A_1365 = arith.constant 13 : i32
      %eq3A_1366 = vector.broadcast %eq3A_1365 : i32 to vector<16xi32>
      %eq3A_1367 = arith.cmpi eq, %iota3A, %eq3A_1366 : vector<16xi32>
      %gt3A_1368 = arith.constant 0 : i32
      %gt3A_1369 = arith.cmpi sgt, %scan3A_584, %gt3A_1368 : i32
      %and3A_1370 = vector.broadcast %gt3A_1369 : i1 to vector<16xi1>
      %and3A_1371 = arith.andi %eq3A_1367, %and3A_1370 : vector<16xi1>
      %mul3A_1372 = arith.constant 16 : i32
      %mul3A_1373 = arith.muli %max3A_587, %mul3A_1372 : i32
      %add3A_1374 = arith.constant 13 : i32
      %add3A_1375 = arith.addi %mul3A_1373, %add3A_1374 : i32
      %slice3A_1376 = vector.extract_strided_slice %get3A_595 {offsets = [13], sizes = [1], strides = [1]} : vector<16xi32> to vector<1xi32>
      %squeeze3A_1377 = vector.extract %slice3A_1376[0] : i32 from vector<1xi32>
      %and3A_1378 = arith.constant 7 : i32
      %and3A_1379 = arith.andi %squeeze3A_1377, %and3A_1378 : i32
      %get3A_1380 = arith.index_cast %and3A_1379 : i32 to index
      %get3A_1381 = arith.constant 0 : index
      %get3A_1382 = tpu.vector_load %arg24[%get3A_1380, %get3A_1381] {strides = array<i32>} : memref<8x32xf32, #tpu.memory_space<vmem>>, vector<16xf32>,
      %get3A_1383 = arith.index_cast %and3A_1379 : i32 to index
      %get3A_1384 = arith.constant 16 : index
      %get3A_1385 = tpu.vector_load %arg24[%get3A_1383, %get3A_1384] {strides = array<i32>} : memref<8x32xf32, #tpu.memory_space<vmem>>, vector<16xf32>,
      %mul3A_1386 = arith.constant 32 : i32
      %mul3A_1387 = arith.muli %add3A_1375, %mul3A_1386 : i32
      %get3A_1388 = arith.index_cast %mul3A_1387 : i32 to index
      %get3A_1389 = tpu.vector_load %arg27[%get3A_1388] {strides = array<i32>} : memref<16384xf32, #tpu.memory_space<vmem>>, vector<16xf32>,
      %mul3A_1390 = arith.constant 32 : i32
      %mul3A_1391 = arith.muli %add3A_1375, %mul3A_1390 : i32
      %add3A_1392 = arith.constant 16 : i32
      %add3A_1393 = arith.addi %mul3A_1391, %add3A_1392 : i32
      %get3A_1394 = arith.index_cast %add3A_1393 : i32 to index
      %get3A_1395 = tpu.vector_load %arg27[%get3A_1394] {strides = array<i32>} : memref<16384xf32, #tpu.memory_space<vmem>>, vector<16xf32>,
      %mul3A_1396 = arith.mulf %get3A_1389, %get3A_1382 : vector<16xf32>
      %mul3A_1397 = arith.mulf %get3A_1395, %get3A_1385 : vector<16xf32>
      %add3A_1398 = arith.addf %mul3A_1396, %mul3A_1397 : vector<16xf32>
      %reduce_sum3A_1399 = arith.constant true
      %reduce_sum3A_1400 = vector.broadcast %reduce_sum3A_1399 : i1 to vector<16xi1>
      %reduce_sum3A_1401 = tpu.scan <sum>, %add3A_1398 masked %reduce_sum3A_1400 : vector<16xf32>, vector<16xi1> -> vector<16xf32>
      %reduce_sum3A_1402 = vector.extract %reduce_sum3A_1401[15] : f32 from vector<16xf32>
      %jit3A_1403 = arith.constant 0.000000e+00 : f32
      %broadcast_in_dim3A_1404 = vector.broadcast %reduce_sum3A_1402 : f32 to vector<16xf32>
      %broadcast_in_dim3A_1405 = vector.broadcast %jit3A_1403 : f32 to vector<16xf32>
      %select_n3A_1406 = arith.select %and3A_1371, %broadcast_in_dim3A_1404, %broadcast_in_dim3A_1405 : vector<16xi1>, vector<16xf32>
      %add3A_1407 = arith.addf %add3A_1348, %select_n3A_1406 : vector<16xf32>
      %slice3A_1408 = vector.extract_strided_slice %get3A_591 {offsets = [13], sizes = [1], strides = [1]} : vector<16xi32> to vector<1xi32>
      %squeeze3A_1409 = vector.extract %slice3A_1408[0] : i32 from vector<1xi32>
      %shift_right_arithmetic3A_1410 = arith.constant 3 : i32
      %shift_right_arithmetic3A_1411 = arith.shrsi %squeeze3A_1409, %shift_right_arithmetic3A_1410 : i32
      %mul3A_1412 = arith.constant 8 : i32
      %mul3A_1413 = arith.muli %shift_right_arithmetic3A_1411, %mul3A_1412 : i32
      %multiple_of3A_1414 = tpu.assume_multiple %mul3A_1413, 8 : i32
      %dma_start3A_1415 = arith.constant 0 : i32
      %dma_start3A_1416 = tpu.memref_slice %arg5[%multiple_of3A_1414, %dma_start3A_1415] : memref<100000x32xf32, #tpu.memory_space<hbm>> -> memref<8x32xf32, #tpu.memory_space<hbm>>
      %dma_start3A_1417 = arith.constant 0 : i32
      %dma_start3A_1418 = tpu.memref_slice %arg5[%multiple_of3A_1414, %dma_start3A_1417] : memref<100000x32xf32, #tpu.memory_space<hbm>> -> memref<8x32xf32, #tpu.memory_space<hbm>>
      tpu.enqueue_dma source(%dma_start3A_1418 : memref<8x32xf32, #tpu.memory_space<hbm>>) target(%arg24 : memref<8x32xf32, #tpu.memory_space<vmem>>) target_semaphore(%arg32 : memref<!tpu.dma_semaphore, #tpu.memory_space<semaphore_mem>>)
      %gt3A_1419 = arith.constant 0 : i32
      %gt3A_1420 = arith.cmpi sgt, %scan3A_584, %gt3A_1419 : i32
      %convert_element_type3A_1421 = arith.extui %gt3A_1420 : i1 to i32
      %cond3A_1422 = arith.constant 0 : i32
      %cond3A_1423 = arith.cmpi ne, %convert_element_type3A_1421, %cond3A_1422 : i32
      scf.if %cond3A_1423 {
        %dma_wait3A_1543 = arith.constant 0 : i32
        %dma_wait3A_1544 = arith.constant 0 : i32
        %dma_wait3A_1545 = tpu.memref_slice %arg5[%dma_wait3A_1543, %dma_wait3A_1544] : memref<100000x32xf32, #tpu.memory_space<hbm>> -> memref<8x32xf32, #tpu.memory_space<hbm>>
        %dma_wait3A_1546 = arith.constant 0 : i32
        %dma_wait3A_1547 = arith.constant 0 : i32
        %dma_wait3A_1548 = tpu.memref_slice %arg5[%dma_wait3A_1546, %dma_wait3A_1547] : memref<100000x32xf32, #tpu.memory_space<hbm>> -> memref<8x32xf32, #tpu.memory_space<hbm>>
        tpu.wait_dma2 semaphore(%arg32 : memref<!tpu.dma_semaphore, #tpu.memory_space<semaphore_mem>>) src(%dma_wait3A_1548 : memref<8x32xf32, #tpu.memory_space<hbm>>) dst(%arg25 : memref<8x32xf32, #tpu.memory_space<vmem>>)
      } else {
      }
      %eq3A_1424 = arith.constant 14 : i32
      %eq3A_1425 = vector.broadcast %eq3A_1424 : i32 to vector<16xi32>
      %eq3A_1426 = arith.cmpi eq, %iota3A, %eq3A_1425 : vector<16xi32>
      %gt3A_1427 = arith.constant 0 : i32
      %gt3A_1428 = arith.cmpi sgt, %scan3A_584, %gt3A_1427 : i32
      %and3A_1429 = vector.broadcast %gt3A_1428 : i1 to vector<16xi1>
      %and3A_1430 = arith.andi %eq3A_1426, %and3A_1429 : vector<16xi1>
      %mul3A_1431 = arith.constant 16 : i32
      %mul3A_1432 = arith.muli %max3A_587, %mul3A_1431 : i32
      %add3A_1433 = arith.constant 14 : i32
      %add3A_1434 = arith.addi %mul3A_1432, %add3A_1433 : i32
      %slice3A_1435 = vector.extract_strided_slice %get3A_595 {offsets = [14], sizes = [1], strides = [1]} : vector<16xi32> to vector<1xi32>
      %squeeze3A_1436 = vector.extract %slice3A_1435[0] : i32 from vector<1xi32>
      %and3A_1437 = arith.constant 7 : i32
      %and3A_1438 = arith.andi %squeeze3A_1436, %and3A_1437 : i32
      %get3A_1439 = arith.index_cast %and3A_1438 : i32 to index
      %get3A_1440 = arith.constant 0 : index
      %get3A_1441 = tpu.vector_load %arg25[%get3A_1439, %get3A_1440] {strides = array<i32>} : memref<8x32xf32, #tpu.memory_space<vmem>>, vector<16xf32>,
      %get3A_1442 = arith.index_cast %and3A_1438 : i32 to index
      %get3A_1443 = arith.constant 16 : index
      %get3A_1444 = tpu.vector_load %arg25[%get3A_1442, %get3A_1443] {strides = array<i32>} : memref<8x32xf32, #tpu.memory_space<vmem>>, vector<16xf32>,
      %mul3A_1445 = arith.constant 32 : i32
      %mul3A_1446 = arith.muli %add3A_1434, %mul3A_1445 : i32
      %get3A_1447 = arith.index_cast %mul3A_1446 : i32 to index
      %get3A_1448 = tpu.vector_load %arg27[%get3A_1447] {strides = array<i32>} : memref<16384xf32, #tpu.memory_space<vmem>>, vector<16xf32>,
      %mul3A_1449 = arith.constant 32 : i32
      %mul3A_1450 = arith.muli %add3A_1434, %mul3A_1449 : i32
      %add3A_1451 = arith.constant 16 : i32
      %add3A_1452 = arith.addi %mul3A_1450, %add3A_1451 : i32
      %get3A_1453 = arith.index_cast %add3A_1452 : i32 to index
      %get3A_1454 = tpu.vector_load %arg27[%get3A_1453] {strides = array<i32>} : memref<16384xf32, #tpu.memory_space<vmem>>, vector<16xf32>,
      %mul3A_1455 = arith.mulf %get3A_1448, %get3A_1441 : vector<16xf32>
      %mul3A_1456 = arith.mulf %get3A_1454, %get3A_1444 : vector<16xf32>
      %add3A_1457 = arith.addf %mul3A_1455, %mul3A_1456 : vector<16xf32>
      %reduce_sum3A_1458 = arith.constant true
      %reduce_sum3A_1459 = vector.broadcast %reduce_sum3A_1458 : i1 to vector<16xi1>
      %reduce_sum3A_1460 = tpu.scan <sum>, %add3A_1457 masked %reduce_sum3A_1459 : vector<16xf32>, vector<16xi1> -> vector<16xf32>
      %reduce_sum3A_1461 = vector.extract %reduce_sum3A_1460[15] : f32 from vector<16xf32>
      %jit3A_1462 = arith.constant 0.000000e+00 : f32
      %broadcast_in_dim3A_1463 = vector.broadcast %reduce_sum3A_1461 : f32 to vector<16xf32>
      %broadcast_in_dim3A_1464 = vector.broadcast %jit3A_1462 : f32 to vector<16xf32>
      %select_n3A_1465 = arith.select %and3A_1430, %broadcast_in_dim3A_1463, %broadcast_in_dim3A_1464 : vector<16xi1>, vector<16xf32>
      %add3A_1466 = arith.addf %add3A_1407, %select_n3A_1465 : vector<16xf32>
      %slice3A_1467 = vector.extract_strided_slice %get3A_591 {offsets = [14], sizes = [1], strides = [1]} : vector<16xi32> to vector<1xi32>
      %squeeze3A_1468 = vector.extract %slice3A_1467[0] : i32 from vector<1xi32>
      %shift_right_arithmetic3A_1469 = arith.constant 3 : i32
      %shift_right_arithmetic3A_1470 = arith.shrsi %squeeze3A_1468, %shift_right_arithmetic3A_1469 : i32
      %mul3A_1471 = arith.constant 8 : i32
      %mul3A_1472 = arith.muli %shift_right_arithmetic3A_1470, %mul3A_1471 : i32
      %multiple_of3A_1473 = tpu.assume_multiple %mul3A_1472, 8 : i32
      %dma_start3A_1474 = arith.constant 0 : i32
      %dma_start3A_1475 = tpu.memref_slice %arg5[%multiple_of3A_1473, %dma_start3A_1474] : memref<100000x32xf32, #tpu.memory_space<hbm>> -> memref<8x32xf32, #tpu.memory_space<hbm>>
      %dma_start3A_1476 = arith.constant 0 : i32
      %dma_start3A_1477 = tpu.memref_slice %arg5[%multiple_of3A_1473, %dma_start3A_1476] : memref<100000x32xf32, #tpu.memory_space<hbm>> -> memref<8x32xf32, #tpu.memory_space<hbm>>
      tpu.enqueue_dma source(%dma_start3A_1477 : memref<8x32xf32, #tpu.memory_space<hbm>>) target(%arg25 : memref<8x32xf32, #tpu.memory_space<vmem>>) target_semaphore(%arg32 : memref<!tpu.dma_semaphore, #tpu.memory_space<semaphore_mem>>)
      %gt3A_1478 = arith.constant 0 : i32
      %gt3A_1479 = arith.cmpi sgt, %scan3A_584, %gt3A_1478 : i32
      %convert_element_type3A_1480 = arith.extui %gt3A_1479 : i1 to i32
      %cond3A_1481 = arith.constant 0 : i32
      %cond3A_1482 = arith.cmpi ne, %convert_element_type3A_1480, %cond3A_1481 : i32
      scf.if %cond3A_1482 {
        %dma_wait3A_1543 = arith.constant 0 : i32
        %dma_wait3A_1544 = arith.constant 0 : i32
        %dma_wait3A_1545 = tpu.memref_slice %arg5[%dma_wait3A_1543, %dma_wait3A_1544] : memref<100000x32xf32, #tpu.memory_space<hbm>> -> memref<8x32xf32, #tpu.memory_space<hbm>>
        %dma_wait3A_1546 = arith.constant 0 : i32
        %dma_wait3A_1547 = arith.constant 0 : i32
        %dma_wait3A_1548 = tpu.memref_slice %arg5[%dma_wait3A_1546, %dma_wait3A_1547] : memref<100000x32xf32, #tpu.memory_space<hbm>> -> memref<8x32xf32, #tpu.memory_space<hbm>>
        tpu.wait_dma2 semaphore(%arg32 : memref<!tpu.dma_semaphore, #tpu.memory_space<semaphore_mem>>) src(%dma_wait3A_1548 : memref<8x32xf32, #tpu.memory_space<hbm>>) dst(%arg26 : memref<8x32xf32, #tpu.memory_space<vmem>>)
      } else {
      }
      %eq3A_1483 = arith.constant 15 : i32
      %eq3A_1484 = vector.broadcast %eq3A_1483 : i32 to vector<16xi32>
      %eq3A_1485 = arith.cmpi eq, %iota3A, %eq3A_1484 : vector<16xi32>
      %gt3A_1486 = arith.constant 0 : i32
      %gt3A_1487 = arith.cmpi sgt, %scan3A_584, %gt3A_1486 : i32
      %and3A_1488 = vector.broadcast %gt3A_1487 : i1 to vector<16xi1>
      %and3A_1489 = arith.andi %eq3A_1485, %and3A_1488 : vector<16xi1>
      %mul3A_1490 = arith.constant 16 : i32
      %mul3A_1491 = arith.muli %max3A_587, %mul3A_1490 : i32
      %add3A_1492 = arith.constant 15 : i32
      %add3A_1493 = arith.addi %mul3A_1491, %add3A_1492 : i32
      %slice3A_1494 = vector.extract_strided_slice %get3A_595 {offsets = [15], sizes = [1], strides = [1]} : vector<16xi32> to vector<1xi32>
      %squeeze3A_1495 = vector.extract %slice3A_1494[0] : i32 from vector<1xi32>
      %and3A_1496 = arith.constant 7 : i32
      %and3A_1497 = arith.andi %squeeze3A_1495, %and3A_1496 : i32
      %get3A_1498 = arith.index_cast %and3A_1497 : i32 to index
      %get3A_1499 = arith.constant 0 : index
      %get3A_1500 = tpu.vector_load %arg26[%get3A_1498, %get3A_1499] {strides = array<i32>} : memref<8x32xf32, #tpu.memory_space<vmem>>, vector<16xf32>,
      %get3A_1501 = arith.index_cast %and3A_1497 : i32 to index
      %get3A_1502 = arith.constant 16 : index
      %get3A_1503 = tpu.vector_load %arg26[%get3A_1501, %get3A_1502] {strides = array<i32>} : memref<8x32xf32, #tpu.memory_space<vmem>>, vector<16xf32>,
      %mul3A_1504 = arith.constant 32 : i32
      %mul3A_1505 = arith.muli %add3A_1493, %mul3A_1504 : i32
      %get3A_1506 = arith.index_cast %mul3A_1505 : i32 to index
      %get3A_1507 = tpu.vector_load %arg27[%get3A_1506] {strides = array<i32>} : memref<16384xf32, #tpu.memory_space<vmem>>, vector<16xf32>,
      %mul3A_1508 = arith.constant 32 : i32
      %mul3A_1509 = arith.muli %add3A_1493, %mul3A_1508 : i32
      %add3A_1510 = arith.constant 16 : i32
      %add3A_1511 = arith.addi %mul3A_1509, %add3A_1510 : i32
      %get3A_1512 = arith.index_cast %add3A_1511 : i32 to index
      %get3A_1513 = tpu.vector_load %arg27[%get3A_1512] {strides = array<i32>} : memref<16384xf32, #tpu.memory_space<vmem>>, vector<16xf32>,
      %mul3A_1514 = arith.mulf %get3A_1507, %get3A_1500 : vector<16xf32>
      %mul3A_1515 = arith.mulf %get3A_1513, %get3A_1503 : vector<16xf32>
      %add3A_1516 = arith.addf %mul3A_1514, %mul3A_1515 : vector<16xf32>
      %reduce_sum3A_1517 = arith.constant true
      %reduce_sum3A_1518 = vector.broadcast %reduce_sum3A_1517 : i1 to vector<16xi1>
      %reduce_sum3A_1519 = tpu.scan <sum>, %add3A_1516 masked %reduce_sum3A_1518 : vector<16xf32>, vector<16xi1> -> vector<16xf32>
      %reduce_sum3A_1520 = vector.extract %reduce_sum3A_1519[15] : f32 from vector<16xf32>
      %jit3A_1521 = arith.constant 0.000000e+00 : f32
      %broadcast_in_dim3A_1522 = vector.broadcast %reduce_sum3A_1520 : f32 to vector<16xf32>
      %broadcast_in_dim3A_1523 = vector.broadcast %jit3A_1521 : f32 to vector<16xf32>
      %select_n3A_1524 = arith.select %and3A_1489, %broadcast_in_dim3A_1522, %broadcast_in_dim3A_1523 : vector<16xi1>, vector<16xf32>
      %add3A_1525 = arith.addf %add3A_1466, %select_n3A_1524 : vector<16xf32>
      %slice3A_1526 = vector.extract_strided_slice %get3A_591 {offsets = [15], sizes = [1], strides = [1]} : vector<16xi32> to vector<1xi32>
      %squeeze3A_1527 = vector.extract %slice3A_1526[0] : i32 from vector<1xi32>
      %shift_right_arithmetic3A_1528 = arith.constant 3 : i32
      %shift_right_arithmetic3A_1529 = arith.shrsi %squeeze3A_1527, %shift_right_arithmetic3A_1528 : i32
      %mul3A_1530 = arith.constant 8 : i32
      %mul3A_1531 = arith.muli %shift_right_arithmetic3A_1529, %mul3A_1530 : i32
      %multiple_of3A_1532 = tpu.assume_multiple %mul3A_1531, 8 : i32
      %dma_start3A_1533 = arith.constant 0 : i32
      %dma_start3A_1534 = tpu.memref_slice %arg5[%multiple_of3A_1532, %dma_start3A_1533] : memref<100000x32xf32, #tpu.memory_space<hbm>> -> memref<8x32xf32, #tpu.memory_space<hbm>>
      %dma_start3A_1535 = arith.constant 0 : i32
      %dma_start3A_1536 = tpu.memref_slice %arg5[%multiple_of3A_1532, %dma_start3A_1535] : memref<100000x32xf32, #tpu.memory_space<hbm>> -> memref<8x32xf32, #tpu.memory_space<hbm>>
      tpu.enqueue_dma source(%dma_start3A_1536 : memref<8x32xf32, #tpu.memory_space<hbm>>) target(%arg26 : memref<8x32xf32, #tpu.memory_space<vmem>>) target_semaphore(%arg32 : memref<!tpu.dma_semaphore, #tpu.memory_space<semaphore_mem>>)
      %gt3A_1537 = arith.constant 0 : i32
      %gt3A_1538 = arith.cmpi sgt, %scan3A_584, %gt3A_1537 : i32
      %convert_element_type3A_1539 = arith.extui %gt3A_1538 : i1 to i32
      %cond3A_1540 = arith.constant 0 : i32
      %cond3A_1541 = arith.cmpi ne, %convert_element_type3A_1539, %cond3A_1540 : i32
      scf.if %cond3A_1541 {
        %mul3A_1543 = arith.constant 16 : i32
        %mul3A_1544 = arith.muli %max3A_587, %mul3A_1543 : i32
        %swap3A_1545 = arith.index_cast %mul3A_1544 : i32 to index
        %swap3A_1546 = tpu.vector_load %arg30[%swap3A_1545] {strides = array<i32>} : memref<512xf32, #tpu.memory_space<vmem>>, vector<16xf32>,
        tpu.vector_store %arg30[%swap3A_1545], %add3A_1525 {strides = array<i32>} : memref<512xf32, #tpu.memory_space<vmem>>, vector<16xf32>,
      } else {
      }
      %scan3A_1542 = arith.constant 0 : i32
      scf.yield %scan3A_1542 : i32
    }
    %scan3A_16 = arith.constant 32 : i32
    %get3A = arith.constant 496 : index
    %get3A_17 = tpu.vector_load %arg10[%get3A] {strides = array<i32>} : memref<512xi32, #tpu.memory_space<vmem>>, vector<16xi32>,
    %broadcast_in_dim3A = arith.constant 0.000000e+00 : f32
    %broadcast_in_dim3A_18 = vector.broadcast %broadcast_in_dim3A : f32 to vector<16xf32>
    %dma_wait3A_19 = arith.constant 0 : i32
    %dma_wait3A_20 = arith.constant 0 : i32
    %dma_wait3A_21 = tpu.memref_slice %arg5[%dma_wait3A_19, %dma_wait3A_20] : memref<100000x32xf32, #tpu.memory_space<hbm>> -> memref<8x32xf32, #tpu.memory_space<hbm>>
    %dma_wait3A_22 = arith.constant 0 : i32
    %dma_wait3A_23 = arith.constant 0 : i32
    %dma_wait3A_24 = tpu.memref_slice %arg5[%dma_wait3A_22, %dma_wait3A_23] : memref<100000x32xf32, #tpu.memory_space<hbm>> -> memref<8x32xf32, #tpu.memory_space<hbm>>
    tpu.wait_dma2 semaphore(%arg32 : memref<!tpu.dma_semaphore, #tpu.memory_space<semaphore_mem>>) src(%dma_wait3A_24 : memref<8x32xf32, #tpu.memory_space<hbm>>) dst(%arg11 : memref<8x32xf32, #tpu.memory_space<vmem>>)
    %eq3A = arith.constant 0 : i32
    %eq3A_25 = vector.broadcast %eq3A : i32 to vector<16xi32>
    %eq3A_26 = arith.cmpi eq, %iota3A, %eq3A_25 : vector<16xi32>
    %slice3A = vector.extract_strided_slice %get3A_17 {offsets = [0], sizes = [1], strides = [1]} : vector<16xi32> to vector<1xi32>
    %squeeze3A = vector.extract %slice3A[0] : i32 from vector<1xi32>
    %and3A = arith.constant 7 : i32
    %and3A_27 = arith.andi %squeeze3A, %and3A : i32
    %get3A_28 = arith.index_cast %and3A_27 : i32 to index
    %get3A_29 = arith.constant 0 : index
    %get3A_30 = tpu.vector_load %arg11[%get3A_28, %get3A_29] {strides = array<i32>} : memref<8x32xf32, #tpu.memory_space<vmem>>, vector<16xf32>,
    %get3A_31 = arith.index_cast %and3A_27 : i32 to index
    %get3A_32 = arith.constant 16 : index
    %get3A_33 = tpu.vector_load %arg11[%get3A_31, %get3A_32] {strides = array<i32>} : memref<8x32xf32, #tpu.memory_space<vmem>>, vector<16xf32>,
    %get3A_34 = arith.constant 15872 : index
    %get3A_35 = tpu.vector_load %arg27[%get3A_34] {strides = array<i32>} : memref<16384xf32, #tpu.memory_space<vmem>>, vector<16xf32>,
    %get3A_36 = arith.constant 15888 : index
    %get3A_37 = tpu.vector_load %arg27[%get3A_36] {strides = array<i32>} : memref<16384xf32, #tpu.memory_space<vmem>>, vector<16xf32>,
    %mul3A_38 = arith.mulf %get3A_35, %get3A_30 : vector<16xf32>
    %mul3A_39 = arith.mulf %get3A_37, %get3A_33 : vector<16xf32>
    %add3A_40 = arith.addf %mul3A_38, %mul3A_39 : vector<16xf32>
    %reduce_sum3A = arith.constant true
    %reduce_sum3A_41 = vector.broadcast %reduce_sum3A : i1 to vector<16xi1>
    %reduce_sum3A_42 = tpu.scan <sum>, %add3A_40 masked %reduce_sum3A_41 : vector<16xf32>, vector<16xi1> -> vector<16xf32>
    %reduce_sum3A_43 = vector.extract %reduce_sum3A_42[15] : f32 from vector<16xf32>
    %jit3A = arith.constant 0.000000e+00 : f32
    %broadcast_in_dim3A_44 = vector.broadcast %reduce_sum3A_43 : f32 to vector<16xf32>
    %broadcast_in_dim3A_45 = vector.broadcast %jit3A : f32 to vector<16xf32>
    %select_n3A = arith.select %eq3A_26, %broadcast_in_dim3A_44, %broadcast_in_dim3A_45 : vector<16xi1>, vector<16xf32>
    %add3A_46 = arith.addf %broadcast_in_dim3A_18, %select_n3A : vector<16xf32>
    %dma_wait3A_47 = arith.constant 0 : i32
    %dma_wait3A_48 = arith.constant 0 : i32
    %dma_wait3A_49 = tpu.memref_slice %arg5[%dma_wait3A_47, %dma_wait3A_48] : memref<100000x32xf32, #tpu.memory_space<hbm>> -> memref<8x32xf32, #tpu.memory_space<hbm>>
    %dma_wait3A_50 = arith.constant 0 : i32
    %dma_wait3A_51 = arith.constant 0 : i32
    %dma_wait3A_52 = tpu.memref_slice %arg5[%dma_wait3A_50, %dma_wait3A_51] : memref<100000x32xf32, #tpu.memory_space<hbm>> -> memref<8x32xf32, #tpu.memory_space<hbm>>
    tpu.wait_dma2 semaphore(%arg32 : memref<!tpu.dma_semaphore, #tpu.memory_space<semaphore_mem>>) src(%dma_wait3A_52 : memref<8x32xf32, #tpu.memory_space<hbm>>) dst(%arg12 : memref<8x32xf32, #tpu.memory_space<vmem>>)
    %eq3A_53 = arith.constant 1 : i32
    %eq3A_54 = vector.broadcast %eq3A_53 : i32 to vector<16xi32>
    %eq3A_55 = arith.cmpi eq, %iota3A, %eq3A_54 : vector<16xi32>
    %slice3A_56 = vector.extract_strided_slice %get3A_17 {offsets = [1], sizes = [1], strides = [1]} : vector<16xi32> to vector<1xi32>
    %squeeze3A_57 = vector.extract %slice3A_56[0] : i32 from vector<1xi32>
    %and3A_58 = arith.constant 7 : i32
    %and3A_59 = arith.andi %squeeze3A_57, %and3A_58 : i32
    %get3A_60 = arith.index_cast %and3A_59 : i32 to index
    %get3A_61 = arith.constant 0 : index
    %get3A_62 = tpu.vector_load %arg12[%get3A_60, %get3A_61] {strides = array<i32>} : memref<8x32xf32, #tpu.memory_space<vmem>>, vector<16xf32>,
    %get3A_63 = arith.index_cast %and3A_59 : i32 to index
    %get3A_64 = arith.constant 16 : index
    %get3A_65 = tpu.vector_load %arg12[%get3A_63, %get3A_64] {strides = array<i32>} : memref<8x32xf32, #tpu.memory_space<vmem>>, vector<16xf32>,
    %get3A_66 = arith.constant 15904 : index
    %get3A_67 = tpu.vector_load %arg27[%get3A_66] {strides = array<i32>} : memref<16384xf32, #tpu.memory_space<vmem>>, vector<16xf32>,
    %get3A_68 = arith.constant 15920 : index
    %get3A_69 = tpu.vector_load %arg27[%get3A_68] {strides = array<i32>} : memref<16384xf32, #tpu.memory_space<vmem>>, vector<16xf32>,
    %mul3A_70 = arith.mulf %get3A_67, %get3A_62 : vector<16xf32>
    %mul3A_71 = arith.mulf %get3A_69, %get3A_65 : vector<16xf32>
    %add3A_72 = arith.addf %mul3A_70, %mul3A_71 : vector<16xf32>
    %reduce_sum3A_73 = arith.constant true
    %reduce_sum3A_74 = vector.broadcast %reduce_sum3A_73 : i1 to vector<16xi1>
    %reduce_sum3A_75 = tpu.scan <sum>, %add3A_72 masked %reduce_sum3A_74 : vector<16xf32>, vector<16xi1> -> vector<16xf32>
    %reduce_sum3A_76 = vector.extract %reduce_sum3A_75[15] : f32 from vector<16xf32>
    %jit3A_77 = arith.constant 0.000000e+00 : f32
    %broadcast_in_dim3A_78 = vector.broadcast %reduce_sum3A_76 : f32 to vector<16xf32>
    %broadcast_in_dim3A_79 = vector.broadcast %jit3A_77 : f32 to vector<16xf32>
    %select_n3A_80 = arith.select %eq3A_55, %broadcast_in_dim3A_78, %broadcast_in_dim3A_79 : vector<16xi1>, vector<16xf32>
    %add3A_81 = arith.addf %add3A_46, %select_n3A_80 : vector<16xf32>
    %dma_wait3A_82 = arith.constant 0 : i32
    %dma_wait3A_83 = arith.constant 0 : i32
    %dma_wait3A_84 = tpu.memref_slice %arg5[%dma_wait3A_82, %dma_wait3A_83] : memref<100000x32xf32, #tpu.memory_space<hbm>> -> memref<8x32xf32, #tpu.memory_space<hbm>>
    %dma_wait3A_85 = arith.constant 0 : i32
    %dma_wait3A_86 = arith.constant 0 : i32
    %dma_wait3A_87 = tpu.memref_slice %arg5[%dma_wait3A_85, %dma_wait3A_86] : memref<100000x32xf32, #tpu.memory_space<hbm>> -> memref<8x32xf32, #tpu.memory_space<hbm>>
    tpu.wait_dma2 semaphore(%arg32 : memref<!tpu.dma_semaphore, #tpu.memory_space<semaphore_mem>>) src(%dma_wait3A_87 : memref<8x32xf32, #tpu.memory_space<hbm>>) dst(%arg13 : memref<8x32xf32, #tpu.memory_space<vmem>>)
    %eq3A_88 = arith.constant 2 : i32
    %eq3A_89 = vector.broadcast %eq3A_88 : i32 to vector<16xi32>
    %eq3A_90 = arith.cmpi eq, %iota3A, %eq3A_89 : vector<16xi32>
    %slice3A_91 = vector.extract_strided_slice %get3A_17 {offsets = [2], sizes = [1], strides = [1]} : vector<16xi32> to vector<1xi32>
    %squeeze3A_92 = vector.extract %slice3A_91[0] : i32 from vector<1xi32>
    %and3A_93 = arith.constant 7 : i32
    %and3A_94 = arith.andi %squeeze3A_92, %and3A_93 : i32
    %get3A_95 = arith.index_cast %and3A_94 : i32 to index
    %get3A_96 = arith.constant 0 : index
    %get3A_97 = tpu.vector_load %arg13[%get3A_95, %get3A_96] {strides = array<i32>} : memref<8x32xf32, #tpu.memory_space<vmem>>, vector<16xf32>,
    %get3A_98 = arith.index_cast %and3A_94 : i32 to index
    %get3A_99 = arith.constant 16 : index
    %get3A_100 = tpu.vector_load %arg13[%get3A_98, %get3A_99] {strides = array<i32>} : memref<8x32xf32, #tpu.memory_space<vmem>>, vector<16xf32>,
    %get3A_101 = arith.constant 15936 : index
    %get3A_102 = tpu.vector_load %arg27[%get3A_101] {strides = array<i32>} : memref<16384xf32, #tpu.memory_space<vmem>>, vector<16xf32>,
    %get3A_103 = arith.constant 15952 : index
    %get3A_104 = tpu.vector_load %arg27[%get3A_103] {strides = array<i32>} : memref<16384xf32, #tpu.memory_space<vmem>>, vector<16xf32>,
    %mul3A_105 = arith.mulf %get3A_102, %get3A_97 : vector<16xf32>
    %mul3A_106 = arith.mulf %get3A_104, %get3A_100 : vector<16xf32>
    %add3A_107 = arith.addf %mul3A_105, %mul3A_106 : vector<16xf32>
    %reduce_sum3A_108 = arith.constant true
    %reduce_sum3A_109 = vector.broadcast %reduce_sum3A_108 : i1 to vector<16xi1>
    %reduce_sum3A_110 = tpu.scan <sum>, %add3A_107 masked %reduce_sum3A_109 : vector<16xf32>, vector<16xi1> -> vector<16xf32>
    %reduce_sum3A_111 = vector.extract %reduce_sum3A_110[15] : f32 from vector<16xf32>
    %jit3A_112 = arith.constant 0.000000e+00 : f32
    %broadcast_in_dim3A_113 = vector.broadcast %reduce_sum3A_111 : f32 to vector<16xf32>
    %broadcast_in_dim3A_114 = vector.broadcast %jit3A_112 : f32 to vector<16xf32>
    %select_n3A_115 = arith.select %eq3A_90, %broadcast_in_dim3A_113, %broadcast_in_dim3A_114 : vector<16xi1>, vector<16xf32>
    %add3A_116 = arith.addf %add3A_81, %select_n3A_115 : vector<16xf32>
    %dma_wait3A_117 = arith.constant 0 : i32
    %dma_wait3A_118 = arith.constant 0 : i32
    %dma_wait3A_119 = tpu.memref_slice %arg5[%dma_wait3A_117, %dma_wait3A_118] : memref<100000x32xf32, #tpu.memory_space<hbm>> -> memref<8x32xf32, #tpu.memory_space<hbm>>
    %dma_wait3A_120 = arith.constant 0 : i32
    %dma_wait3A_121 = arith.constant 0 : i32
    %dma_wait3A_122 = tpu.memref_slice %arg5[%dma_wait3A_120, %dma_wait3A_121] : memref<100000x32xf32, #tpu.memory_space<hbm>> -> memref<8x32xf32, #tpu.memory_space<hbm>>
    tpu.wait_dma2 semaphore(%arg32 : memref<!tpu.dma_semaphore, #tpu.memory_space<semaphore_mem>>) src(%dma_wait3A_122 : memref<8x32xf32, #tpu.memory_space<hbm>>) dst(%arg14 : memref<8x32xf32, #tpu.memory_space<vmem>>)
    %eq3A_123 = arith.constant 3 : i32
    %eq3A_124 = vector.broadcast %eq3A_123 : i32 to vector<16xi32>
    %eq3A_125 = arith.cmpi eq, %iota3A, %eq3A_124 : vector<16xi32>
    %slice3A_126 = vector.extract_strided_slice %get3A_17 {offsets = [3], sizes = [1], strides = [1]} : vector<16xi32> to vector<1xi32>
    %squeeze3A_127 = vector.extract %slice3A_126[0] : i32 from vector<1xi32>
    %and3A_128 = arith.constant 7 : i32
    %and3A_129 = arith.andi %squeeze3A_127, %and3A_128 : i32
    %get3A_130 = arith.index_cast %and3A_129 : i32 to index
    %get3A_131 = arith.constant 0 : index
    %get3A_132 = tpu.vector_load %arg14[%get3A_130, %get3A_131] {strides = array<i32>} : memref<8x32xf32, #tpu.memory_space<vmem>>, vector<16xf32>,
    %get3A_133 = arith.index_cast %and3A_129 : i32 to index
    %get3A_134 = arith.constant 16 : index
    %get3A_135 = tpu.vector_load %arg14[%get3A_133, %get3A_134] {strides = array<i32>} : memref<8x32xf32, #tpu.memory_space<vmem>>, vector<16xf32>,
    %get3A_136 = arith.constant 15968 : index
    %get3A_137 = tpu.vector_load %arg27[%get3A_136] {strides = array<i32>} : memref<16384xf32, #tpu.memory_space<vmem>>, vector<16xf32>,
    %get3A_138 = arith.constant 15984 : index
    %get3A_139 = tpu.vector_load %arg27[%get3A_138] {strides = array<i32>} : memref<16384xf32, #tpu.memory_space<vmem>>, vector<16xf32>,
    %mul3A_140 = arith.mulf %get3A_137, %get3A_132 : vector<16xf32>
    %mul3A_141 = arith.mulf %get3A_139, %get3A_135 : vector<16xf32>
    %add3A_142 = arith.addf %mul3A_140, %mul3A_141 : vector<16xf32>
    %reduce_sum3A_143 = arith.constant true
    %reduce_sum3A_144 = vector.broadcast %reduce_sum3A_143 : i1 to vector<16xi1>
    %reduce_sum3A_145 = tpu.scan <sum>, %add3A_142 masked %reduce_sum3A_144 : vector<16xf32>, vector<16xi1> -> vector<16xf32>
    %reduce_sum3A_146 = vector.extract %reduce_sum3A_145[15] : f32 from vector<16xf32>
    %jit3A_147 = arith.constant 0.000000e+00 : f32
    %broadcast_in_dim3A_148 = vector.broadcast %reduce_sum3A_146 : f32 to vector<16xf32>
    %broadcast_in_dim3A_149 = vector.broadcast %jit3A_147 : f32 to vector<16xf32>
    %select_n3A_150 = arith.select %eq3A_125, %broadcast_in_dim3A_148, %broadcast_in_dim3A_149 : vector<16xi1>, vector<16xf32>
    %add3A_151 = arith.addf %add3A_116, %select_n3A_150 : vector<16xf32>
    %dma_wait3A_152 = arith.constant 0 : i32
    %dma_wait3A_153 = arith.constant 0 : i32
    %dma_wait3A_154 = tpu.memref_slice %arg5[%dma_wait3A_152, %dma_wait3A_153] : memref<100000x32xf32, #tpu.memory_space<hbm>> -> memref<8x32xf32, #tpu.memory_space<hbm>>
    %dma_wait3A_155 = arith.constant 0 : i32
    %dma_wait3A_156 = arith.constant 0 : i32
    %dma_wait3A_157 = tpu.memref_slice %arg5[%dma_wait3A_155, %dma_wait3A_156] : memref<100000x32xf32, #tpu.memory_space<hbm>> -> memref<8x32xf32, #tpu.memory_space<hbm>>
    tpu.wait_dma2 semaphore(%arg32 : memref<!tpu.dma_semaphore, #tpu.memory_space<semaphore_mem>>) src(%dma_wait3A_157 : memref<8x32xf32, #tpu.memory_space<hbm>>) dst(%arg15 : memref<8x32xf32, #tpu.memory_space<vmem>>)
    %eq3A_158 = arith.constant 4 : i32
    %eq3A_159 = vector.broadcast %eq3A_158 : i32 to vector<16xi32>
    %eq3A_160 = arith.cmpi eq, %iota3A, %eq3A_159 : vector<16xi32>
    %slice3A_161 = vector.extract_strided_slice %get3A_17 {offsets = [4], sizes = [1], strides = [1]} : vector<16xi32> to vector<1xi32>
    %squeeze3A_162 = vector.extract %slice3A_161[0] : i32 from vector<1xi32>
    %and3A_163 = arith.constant 7 : i32
    %and3A_164 = arith.andi %squeeze3A_162, %and3A_163 : i32
    %get3A_165 = arith.index_cast %and3A_164 : i32 to index
    %get3A_166 = arith.constant 0 : index
    %get3A_167 = tpu.vector_load %arg15[%get3A_165, %get3A_166] {strides = array<i32>} : memref<8x32xf32, #tpu.memory_space<vmem>>, vector<16xf32>,
    %get3A_168 = arith.index_cast %and3A_164 : i32 to index
    %get3A_169 = arith.constant 16 : index
    %get3A_170 = tpu.vector_load %arg15[%get3A_168, %get3A_169] {strides = array<i32>} : memref<8x32xf32, #tpu.memory_space<vmem>>, vector<16xf32>,
    %get3A_171 = arith.constant 16000 : index
    %get3A_172 = tpu.vector_load %arg27[%get3A_171] {strides = array<i32>} : memref<16384xf32, #tpu.memory_space<vmem>>, vector<16xf32>,
    %get3A_173 = arith.constant 16016 : index
    %get3A_174 = tpu.vector_load %arg27[%get3A_173] {strides = array<i32>} : memref<16384xf32, #tpu.memory_space<vmem>>, vector<16xf32>,
    %mul3A_175 = arith.mulf %get3A_172, %get3A_167 : vector<16xf32>
    %mul3A_176 = arith.mulf %get3A_174, %get3A_170 : vector<16xf32>
    %add3A_177 = arith.addf %mul3A_175, %mul3A_176 : vector<16xf32>
    %reduce_sum3A_178 = arith.constant true
    %reduce_sum3A_179 = vector.broadcast %reduce_sum3A_178 : i1 to vector<16xi1>
    %reduce_sum3A_180 = tpu.scan <sum>, %add3A_177 masked %reduce_sum3A_179 : vector<16xf32>, vector<16xi1> -> vector<16xf32>
    %reduce_sum3A_181 = vector.extract %reduce_sum3A_180[15] : f32 from vector<16xf32>
    %jit3A_182 = arith.constant 0.000000e+00 : f32
    %broadcast_in_dim3A_183 = vector.broadcast %reduce_sum3A_181 : f32 to vector<16xf32>
    %broadcast_in_dim3A_184 = vector.broadcast %jit3A_182 : f32 to vector<16xf32>
    %select_n3A_185 = arith.select %eq3A_160, %broadcast_in_dim3A_183, %broadcast_in_dim3A_184 : vector<16xi1>, vector<16xf32>
    %add3A_186 = arith.addf %add3A_151, %select_n3A_185 : vector<16xf32>
    %dma_wait3A_187 = arith.constant 0 : i32
    %dma_wait3A_188 = arith.constant 0 : i32
    %dma_wait3A_189 = tpu.memref_slice %arg5[%dma_wait3A_187, %dma_wait3A_188] : memref<100000x32xf32, #tpu.memory_space<hbm>> -> memref<8x32xf32, #tpu.memory_space<hbm>>
    %dma_wait3A_190 = arith.constant 0 : i32
    %dma_wait3A_191 = arith.constant 0 : i32
    %dma_wait3A_192 = tpu.memref_slice %arg5[%dma_wait3A_190, %dma_wait3A_191] : memref<100000x32xf32, #tpu.memory_space<hbm>> -> memref<8x32xf32, #tpu.memory_space<hbm>>
    tpu.wait_dma2 semaphore(%arg32 : memref<!tpu.dma_semaphore, #tpu.memory_space<semaphore_mem>>) src(%dma_wait3A_192 : memref<8x32xf32, #tpu.memory_space<hbm>>) dst(%arg16 : memref<8x32xf32, #tpu.memory_space<vmem>>)
    %eq3A_193 = arith.constant 5 : i32
    %eq3A_194 = vector.broadcast %eq3A_193 : i32 to vector<16xi32>
    %eq3A_195 = arith.cmpi eq, %iota3A, %eq3A_194 : vector<16xi32>
    %slice3A_196 = vector.extract_strided_slice %get3A_17 {offsets = [5], sizes = [1], strides = [1]} : vector<16xi32> to vector<1xi32>
    %squeeze3A_197 = vector.extract %slice3A_196[0] : i32 from vector<1xi32>
    %and3A_198 = arith.constant 7 : i32
    %and3A_199 = arith.andi %squeeze3A_197, %and3A_198 : i32
    %get3A_200 = arith.index_cast %and3A_199 : i32 to index
    %get3A_201 = arith.constant 0 : index
    %get3A_202 = tpu.vector_load %arg16[%get3A_200, %get3A_201] {strides = array<i32>} : memref<8x32xf32, #tpu.memory_space<vmem>>, vector<16xf32>,
    %get3A_203 = arith.index_cast %and3A_199 : i32 to index
    %get3A_204 = arith.constant 16 : index
    %get3A_205 = tpu.vector_load %arg16[%get3A_203, %get3A_204] {strides = array<i32>} : memref<8x32xf32, #tpu.memory_space<vmem>>, vector<16xf32>,
    %get3A_206 = arith.constant 16032 : index
    %get3A_207 = tpu.vector_load %arg27[%get3A_206] {strides = array<i32>} : memref<16384xf32, #tpu.memory_space<vmem>>, vector<16xf32>,
    %get3A_208 = arith.constant 16048 : index
    %get3A_209 = tpu.vector_load %arg27[%get3A_208] {strides = array<i32>} : memref<16384xf32, #tpu.memory_space<vmem>>, vector<16xf32>,
    %mul3A_210 = arith.mulf %get3A_207, %get3A_202 : vector<16xf32>
    %mul3A_211 = arith.mulf %get3A_209, %get3A_205 : vector<16xf32>
    %add3A_212 = arith.addf %mul3A_210, %mul3A_211 : vector<16xf32>
    %reduce_sum3A_213 = arith.constant true
    %reduce_sum3A_214 = vector.broadcast %reduce_sum3A_213 : i1 to vector<16xi1>
    %reduce_sum3A_215 = tpu.scan <sum>, %add3A_212 masked %reduce_sum3A_214 : vector<16xf32>, vector<16xi1> -> vector<16xf32>
    %reduce_sum3A_216 = vector.extract %reduce_sum3A_215[15] : f32 from vector<16xf32>
    %jit3A_217 = arith.constant 0.000000e+00 : f32
    %broadcast_in_dim3A_218 = vector.broadcast %reduce_sum3A_216 : f32 to vector<16xf32>
    %broadcast_in_dim3A_219 = vector.broadcast %jit3A_217 : f32 to vector<16xf32>
    %select_n3A_220 = arith.select %eq3A_195, %broadcast_in_dim3A_218, %broadcast_in_dim3A_219 : vector<16xi1>, vector<16xf32>
    %add3A_221 = arith.addf %add3A_186, %select_n3A_220 : vector<16xf32>
    %dma_wait3A_222 = arith.constant 0 : i32
    %dma_wait3A_223 = arith.constant 0 : i32
    %dma_wait3A_224 = tpu.memref_slice %arg5[%dma_wait3A_222, %dma_wait3A_223] : memref<100000x32xf32, #tpu.memory_space<hbm>> -> memref<8x32xf32, #tpu.memory_space<hbm>>
    %dma_wait3A_225 = arith.constant 0 : i32
    %dma_wait3A_226 = arith.constant 0 : i32
    %dma_wait3A_227 = tpu.memref_slice %arg5[%dma_wait3A_225, %dma_wait3A_226] : memref<100000x32xf32, #tpu.memory_space<hbm>> -> memref<8x32xf32, #tpu.memory_space<hbm>>
    tpu.wait_dma2 semaphore(%arg32 : memref<!tpu.dma_semaphore, #tpu.memory_space<semaphore_mem>>) src(%dma_wait3A_227 : memref<8x32xf32, #tpu.memory_space<hbm>>) dst(%arg17 : memref<8x32xf32, #tpu.memory_space<vmem>>)
    %eq3A_228 = arith.constant 6 : i32
    %eq3A_229 = vector.broadcast %eq3A_228 : i32 to vector<16xi32>
    %eq3A_230 = arith.cmpi eq, %iota3A, %eq3A_229 : vector<16xi32>
    %slice3A_231 = vector.extract_strided_slice %get3A_17 {offsets = [6], sizes = [1], strides = [1]} : vector<16xi32> to vector<1xi32>
    %squeeze3A_232 = vector.extract %slice3A_231[0] : i32 from vector<1xi32>
    %and3A_233 = arith.constant 7 : i32
    %and3A_234 = arith.andi %squeeze3A_232, %and3A_233 : i32
    %get3A_235 = arith.index_cast %and3A_234 : i32 to index
    %get3A_236 = arith.constant 0 : index
    %get3A_237 = tpu.vector_load %arg17[%get3A_235, %get3A_236] {strides = array<i32>} : memref<8x32xf32, #tpu.memory_space<vmem>>, vector<16xf32>,
    %get3A_238 = arith.index_cast %and3A_234 : i32 to index
    %get3A_239 = arith.constant 16 : index
    %get3A_240 = tpu.vector_load %arg17[%get3A_238, %get3A_239] {strides = array<i32>} : memref<8x32xf32, #tpu.memory_space<vmem>>, vector<16xf32>,
    %get3A_241 = arith.constant 16064 : index
    %get3A_242 = tpu.vector_load %arg27[%get3A_241] {strides = array<i32>} : memref<16384xf32, #tpu.memory_space<vmem>>, vector<16xf32>,
    %get3A_243 = arith.constant 16080 : index
    %get3A_244 = tpu.vector_load %arg27[%get3A_243] {strides = array<i32>} : memref<16384xf32, #tpu.memory_space<vmem>>, vector<16xf32>,
    %mul3A_245 = arith.mulf %get3A_242, %get3A_237 : vector<16xf32>
    %mul3A_246 = arith.mulf %get3A_244, %get3A_240 : vector<16xf32>
    %add3A_247 = arith.addf %mul3A_245, %mul3A_246 : vector<16xf32>
    %reduce_sum3A_248 = arith.constant true
    %reduce_sum3A_249 = vector.broadcast %reduce_sum3A_248 : i1 to vector<16xi1>
    %reduce_sum3A_250 = tpu.scan <sum>, %add3A_247 masked %reduce_sum3A_249 : vector<16xf32>, vector<16xi1> -> vector<16xf32>
    %reduce_sum3A_251 = vector.extract %reduce_sum3A_250[15] : f32 from vector<16xf32>
    %jit3A_252 = arith.constant 0.000000e+00 : f32
    %broadcast_in_dim3A_253 = vector.broadcast %reduce_sum3A_251 : f32 to vector<16xf32>
    %broadcast_in_dim3A_254 = vector.broadcast %jit3A_252 : f32 to vector<16xf32>
    %select_n3A_255 = arith.select %eq3A_230, %broadcast_in_dim3A_253, %broadcast_in_dim3A_254 : vector<16xi1>, vector<16xf32>
    %add3A_256 = arith.addf %add3A_221, %select_n3A_255 : vector<16xf32>
    %dma_wait3A_257 = arith.constant 0 : i32
    %dma_wait3A_258 = arith.constant 0 : i32
    %dma_wait3A_259 = tpu.memref_slice %arg5[%dma_wait3A_257, %dma_wait3A_258] : memref<100000x32xf32, #tpu.memory_space<hbm>> -> memref<8x32xf32, #tpu.memory_space<hbm>>
    %dma_wait3A_260 = arith.constant 0 : i32
    %dma_wait3A_261 = arith.constant 0 : i32
    %dma_wait3A_262 = tpu.memref_slice %arg5[%dma_wait3A_260, %dma_wait3A_261] : memref<100000x32xf32, #tpu.memory_space<hbm>> -> memref<8x32xf32, #tpu.memory_space<hbm>>
    tpu.wait_dma2 semaphore(%arg32 : memref<!tpu.dma_semaphore, #tpu.memory_space<semaphore_mem>>) src(%dma_wait3A_262 : memref<8x32xf32, #tpu.memory_space<hbm>>) dst(%arg18 : memref<8x32xf32, #tpu.memory_space<vmem>>)
    %eq3A_263 = arith.constant 7 : i32
    %eq3A_264 = vector.broadcast %eq3A_263 : i32 to vector<16xi32>
    %eq3A_265 = arith.cmpi eq, %iota3A, %eq3A_264 : vector<16xi32>
    %slice3A_266 = vector.extract_strided_slice %get3A_17 {offsets = [7], sizes = [1], strides = [1]} : vector<16xi32> to vector<1xi32>
    %squeeze3A_267 = vector.extract %slice3A_266[0] : i32 from vector<1xi32>
    %and3A_268 = arith.constant 7 : i32
    %and3A_269 = arith.andi %squeeze3A_267, %and3A_268 : i32
    %get3A_270 = arith.index_cast %and3A_269 : i32 to index
    %get3A_271 = arith.constant 0 : index
    %get3A_272 = tpu.vector_load %arg18[%get3A_270, %get3A_271] {strides = array<i32>} : memref<8x32xf32, #tpu.memory_space<vmem>>, vector<16xf32>,
    %get3A_273 = arith.index_cast %and3A_269 : i32 to index
    %get3A_274 = arith.constant 16 : index
    %get3A_275 = tpu.vector_load %arg18[%get3A_273, %get3A_274] {strides = array<i32>} : memref<8x32xf32, #tpu.memory_space<vmem>>, vector<16xf32>,
    %get3A_276 = arith.constant 16096 : index
    %get3A_277 = tpu.vector_load %arg27[%get3A_276] {strides = array<i32>} : memref<16384xf32, #tpu.memory_space<vmem>>, vector<16xf32>,
    %get3A_278 = arith.constant 16112 : index
    %get3A_279 = tpu.vector_load %arg27[%get3A_278] {strides = array<i32>} : memref<16384xf32, #tpu.memory_space<vmem>>, vector<16xf32>,
    %mul3A_280 = arith.mulf %get3A_277, %get3A_272 : vector<16xf32>
    %mul3A_281 = arith.mulf %get3A_279, %get3A_275 : vector<16xf32>
    %add3A_282 = arith.addf %mul3A_280, %mul3A_281 : vector<16xf32>
    %reduce_sum3A_283 = arith.constant true
    %reduce_sum3A_284 = vector.broadcast %reduce_sum3A_283 : i1 to vector<16xi1>
    %reduce_sum3A_285 = tpu.scan <sum>, %add3A_282 masked %reduce_sum3A_284 : vector<16xf32>, vector<16xi1> -> vector<16xf32>
    %reduce_sum3A_286 = vector.extract %reduce_sum3A_285[15] : f32 from vector<16xf32>
    %jit3A_287 = arith.constant 0.000000e+00 : f32
    %broadcast_in_dim3A_288 = vector.broadcast %reduce_sum3A_286 : f32 to vector<16xf32>
    %broadcast_in_dim3A_289 = vector.broadcast %jit3A_287 : f32 to vector<16xf32>
    %select_n3A_290 = arith.select %eq3A_265, %broadcast_in_dim3A_288, %broadcast_in_dim3A_289 : vector<16xi1>, vector<16xf32>
    %add3A_291 = arith.addf %add3A_256, %select_n3A_290 : vector<16xf32>
    %dma_wait3A_292 = arith.constant 0 : i32
    %dma_wait3A_293 = arith.constant 0 : i32
    %dma_wait3A_294 = tpu.memref_slice %arg5[%dma_wait3A_292, %dma_wait3A_293] : memref<100000x32xf32, #tpu.memory_space<hbm>> -> memref<8x32xf32, #tpu.memory_space<hbm>>
    %dma_wait3A_295 = arith.constant 0 : i32
    %dma_wait3A_296 = arith.constant 0 : i32
    %dma_wait3A_297 = tpu.memref_slice %arg5[%dma_wait3A_295, %dma_wait3A_296] : memref<100000x32xf32, #tpu.memory_space<hbm>> -> memref<8x32xf32, #tpu.memory_space<hbm>>
    tpu.wait_dma2 semaphore(%arg32 : memref<!tpu.dma_semaphore, #tpu.memory_space<semaphore_mem>>) src(%dma_wait3A_297 : memref<8x32xf32, #tpu.memory_space<hbm>>) dst(%arg19 : memref<8x32xf32, #tpu.memory_space<vmem>>)
    %eq3A_298 = arith.constant 8 : i32
    %eq3A_299 = vector.broadcast %eq3A_298 : i32 to vector<16xi32>
    %eq3A_300 = arith.cmpi eq, %iota3A, %eq3A_299 : vector<16xi32>
    %slice3A_301 = vector.extract_strided_slice %get3A_17 {offsets = [8], sizes = [1], strides = [1]} : vector<16xi32> to vector<1xi32>
    %squeeze3A_302 = vector.extract %slice3A_301[0] : i32 from vector<1xi32>
    %and3A_303 = arith.constant 7 : i32
    %and3A_304 = arith.andi %squeeze3A_302, %and3A_303 : i32
    %get3A_305 = arith.index_cast %and3A_304 : i32 to index
    %get3A_306 = arith.constant 0 : index
    %get3A_307 = tpu.vector_load %arg19[%get3A_305, %get3A_306] {strides = array<i32>} : memref<8x32xf32, #tpu.memory_space<vmem>>, vector<16xf32>,
    %get3A_308 = arith.index_cast %and3A_304 : i32 to index
    %get3A_309 = arith.constant 16 : index
    %get3A_310 = tpu.vector_load %arg19[%get3A_308, %get3A_309] {strides = array<i32>} : memref<8x32xf32, #tpu.memory_space<vmem>>, vector<16xf32>,
    %get3A_311 = arith.constant 16128 : index
    %get3A_312 = tpu.vector_load %arg27[%get3A_311] {strides = array<i32>} : memref<16384xf32, #tpu.memory_space<vmem>>, vector<16xf32>,
    %get3A_313 = arith.constant 16144 : index
    %get3A_314 = tpu.vector_load %arg27[%get3A_313] {strides = array<i32>} : memref<16384xf32, #tpu.memory_space<vmem>>, vector<16xf32>,
    %mul3A_315 = arith.mulf %get3A_312, %get3A_307 : vector<16xf32>
    %mul3A_316 = arith.mulf %get3A_314, %get3A_310 : vector<16xf32>
    %add3A_317 = arith.addf %mul3A_315, %mul3A_316 : vector<16xf32>
    %reduce_sum3A_318 = arith.constant true
    %reduce_sum3A_319 = vector.broadcast %reduce_sum3A_318 : i1 to vector<16xi1>
    %reduce_sum3A_320 = tpu.scan <sum>, %add3A_317 masked %reduce_sum3A_319 : vector<16xf32>, vector<16xi1> -> vector<16xf32>
    %reduce_sum3A_321 = vector.extract %reduce_sum3A_320[15] : f32 from vector<16xf32>
    %jit3A_322 = arith.constant 0.000000e+00 : f32
    %broadcast_in_dim3A_323 = vector.broadcast %reduce_sum3A_321 : f32 to vector<16xf32>
    %broadcast_in_dim3A_324 = vector.broadcast %jit3A_322 : f32 to vector<16xf32>
    %select_n3A_325 = arith.select %eq3A_300, %broadcast_in_dim3A_323, %broadcast_in_dim3A_324 : vector<16xi1>, vector<16xf32>
    %add3A_326 = arith.addf %add3A_291, %select_n3A_325 : vector<16xf32>
    %dma_wait3A_327 = arith.constant 0 : i32
    %dma_wait3A_328 = arith.constant 0 : i32
    %dma_wait3A_329 = tpu.memref_slice %arg5[%dma_wait3A_327, %dma_wait3A_328] : memref<100000x32xf32, #tpu.memory_space<hbm>> -> memref<8x32xf32, #tpu.memory_space<hbm>>
    %dma_wait3A_330 = arith.constant 0 : i32
    %dma_wait3A_331 = arith.constant 0 : i32
    %dma_wait3A_332 = tpu.memref_slice %arg5[%dma_wait3A_330, %dma_wait3A_331] : memref<100000x32xf32, #tpu.memory_space<hbm>> -> memref<8x32xf32, #tpu.memory_space<hbm>>
    tpu.wait_dma2 semaphore(%arg32 : memref<!tpu.dma_semaphore, #tpu.memory_space<semaphore_mem>>) src(%dma_wait3A_332 : memref<8x32xf32, #tpu.memory_space<hbm>>) dst(%arg20 : memref<8x32xf32, #tpu.memory_space<vmem>>)
    %eq3A_333 = arith.constant 9 : i32
    %eq3A_334 = vector.broadcast %eq3A_333 : i32 to vector<16xi32>
    %eq3A_335 = arith.cmpi eq, %iota3A, %eq3A_334 : vector<16xi32>
    %slice3A_336 = vector.extract_strided_slice %get3A_17 {offsets = [9], sizes = [1], strides = [1]} : vector<16xi32> to vector<1xi32>
    %squeeze3A_337 = vector.extract %slice3A_336[0] : i32 from vector<1xi32>
    %and3A_338 = arith.constant 7 : i32
    %and3A_339 = arith.andi %squeeze3A_337, %and3A_338 : i32
    %get3A_340 = arith.index_cast %and3A_339 : i32 to index
    %get3A_341 = arith.constant 0 : index
    %get3A_342 = tpu.vector_load %arg20[%get3A_340, %get3A_341] {strides = array<i32>} : memref<8x32xf32, #tpu.memory_space<vmem>>, vector<16xf32>,
    %get3A_343 = arith.index_cast %and3A_339 : i32 to index
    %get3A_344 = arith.constant 16 : index
    %get3A_345 = tpu.vector_load %arg20[%get3A_343, %get3A_344] {strides = array<i32>} : memref<8x32xf32, #tpu.memory_space<vmem>>, vector<16xf32>,
    %get3A_346 = arith.constant 16160 : index
    %get3A_347 = tpu.vector_load %arg27[%get3A_346] {strides = array<i32>} : memref<16384xf32, #tpu.memory_space<vmem>>, vector<16xf32>,
    %get3A_348 = arith.constant 16176 : index
    %get3A_349 = tpu.vector_load %arg27[%get3A_348] {strides = array<i32>} : memref<16384xf32, #tpu.memory_space<vmem>>, vector<16xf32>,
    %mul3A_350 = arith.mulf %get3A_347, %get3A_342 : vector<16xf32>
    %mul3A_351 = arith.mulf %get3A_349, %get3A_345 : vector<16xf32>
    %add3A_352 = arith.addf %mul3A_350, %mul3A_351 : vector<16xf32>
    %reduce_sum3A_353 = arith.constant true
    %reduce_sum3A_354 = vector.broadcast %reduce_sum3A_353 : i1 to vector<16xi1>
    %reduce_sum3A_355 = tpu.scan <sum>, %add3A_352 masked %reduce_sum3A_354 : vector<16xf32>, vector<16xi1> -> vector<16xf32>
    %reduce_sum3A_356 = vector.extract %reduce_sum3A_355[15] : f32 from vector<16xf32>
    %jit3A_357 = arith.constant 0.000000e+00 : f32
    %broadcast_in_dim3A_358 = vector.broadcast %reduce_sum3A_356 : f32 to vector<16xf32>
    %broadcast_in_dim3A_359 = vector.broadcast %jit3A_357 : f32 to vector<16xf32>
    %select_n3A_360 = arith.select %eq3A_335, %broadcast_in_dim3A_358, %broadcast_in_dim3A_359 : vector<16xi1>, vector<16xf32>
    %add3A_361 = arith.addf %add3A_326, %select_n3A_360 : vector<16xf32>
    %dma_wait3A_362 = arith.constant 0 : i32
    %dma_wait3A_363 = arith.constant 0 : i32
    %dma_wait3A_364 = tpu.memref_slice %arg5[%dma_wait3A_362, %dma_wait3A_363] : memref<100000x32xf32, #tpu.memory_space<hbm>> -> memref<8x32xf32, #tpu.memory_space<hbm>>
    %dma_wait3A_365 = arith.constant 0 : i32
    %dma_wait3A_366 = arith.constant 0 : i32
    %dma_wait3A_367 = tpu.memref_slice %arg5[%dma_wait3A_365, %dma_wait3A_366] : memref<100000x32xf32, #tpu.memory_space<hbm>> -> memref<8x32xf32, #tpu.memory_space<hbm>>
    tpu.wait_dma2 semaphore(%arg32 : memref<!tpu.dma_semaphore, #tpu.memory_space<semaphore_mem>>) src(%dma_wait3A_367 : memref<8x32xf32, #tpu.memory_space<hbm>>) dst(%arg21 : memref<8x32xf32, #tpu.memory_space<vmem>>)
    %eq3A_368 = arith.constant 10 : i32
    %eq3A_369 = vector.broadcast %eq3A_368 : i32 to vector<16xi32>
    %eq3A_370 = arith.cmpi eq, %iota3A, %eq3A_369 : vector<16xi32>
    %slice3A_371 = vector.extract_strided_slice %get3A_17 {offsets = [10], sizes = [1], strides = [1]} : vector<16xi32> to vector<1xi32>
    %squeeze3A_372 = vector.extract %slice3A_371[0] : i32 from vector<1xi32>
    %and3A_373 = arith.constant 7 : i32
    %and3A_374 = arith.andi %squeeze3A_372, %and3A_373 : i32
    %get3A_375 = arith.index_cast %and3A_374 : i32 to index
    %get3A_376 = arith.constant 0 : index
    %get3A_377 = tpu.vector_load %arg21[%get3A_375, %get3A_376] {strides = array<i32>} : memref<8x32xf32, #tpu.memory_space<vmem>>, vector<16xf32>,
    %get3A_378 = arith.index_cast %and3A_374 : i32 to index
    %get3A_379 = arith.constant 16 : index
    %get3A_380 = tpu.vector_load %arg21[%get3A_378, %get3A_379] {strides = array<i32>} : memref<8x32xf32, #tpu.memory_space<vmem>>, vector<16xf32>,
    %get3A_381 = arith.constant 16192 : index
    %get3A_382 = tpu.vector_load %arg27[%get3A_381] {strides = array<i32>} : memref<16384xf32, #tpu.memory_space<vmem>>, vector<16xf32>,
    %get3A_383 = arith.constant 16208 : index
    %get3A_384 = tpu.vector_load %arg27[%get3A_383] {strides = array<i32>} : memref<16384xf32, #tpu.memory_space<vmem>>, vector<16xf32>,
    %mul3A_385 = arith.mulf %get3A_382, %get3A_377 : vector<16xf32>
    %mul3A_386 = arith.mulf %get3A_384, %get3A_380 : vector<16xf32>
    %add3A_387 = arith.addf %mul3A_385, %mul3A_386 : vector<16xf32>
    %reduce_sum3A_388 = arith.constant true
    %reduce_sum3A_389 = vector.broadcast %reduce_sum3A_388 : i1 to vector<16xi1>
    %reduce_sum3A_390 = tpu.scan <sum>, %add3A_387 masked %reduce_sum3A_389 : vector<16xf32>, vector<16xi1> -> vector<16xf32>
    %reduce_sum3A_391 = vector.extract %reduce_sum3A_390[15] : f32 from vector<16xf32>
    %jit3A_392 = arith.constant 0.000000e+00 : f32
    %broadcast_in_dim3A_393 = vector.broadcast %reduce_sum3A_391 : f32 to vector<16xf32>
    %broadcast_in_dim3A_394 = vector.broadcast %jit3A_392 : f32 to vector<16xf32>
    %select_n3A_395 = arith.select %eq3A_370, %broadcast_in_dim3A_393, %broadcast_in_dim3A_394 : vector<16xi1>, vector<16xf32>
    %add3A_396 = arith.addf %add3A_361, %select_n3A_395 : vector<16xf32>
    %dma_wait3A_397 = arith.constant 0 : i32
    %dma_wait3A_398 = arith.constant 0 : i32
    %dma_wait3A_399 = tpu.memref_slice %arg5[%dma_wait3A_397, %dma_wait3A_398] : memref<100000x32xf32, #tpu.memory_space<hbm>> -> memref<8x32xf32, #tpu.memory_space<hbm>>
    %dma_wait3A_400 = arith.constant 0 : i32
    %dma_wait3A_401 = arith.constant 0 : i32
    %dma_wait3A_402 = tpu.memref_slice %arg5[%dma_wait3A_400, %dma_wait3A_401] : memref<100000x32xf32, #tpu.memory_space<hbm>> -> memref<8x32xf32, #tpu.memory_space<hbm>>
    tpu.wait_dma2 semaphore(%arg32 : memref<!tpu.dma_semaphore, #tpu.memory_space<semaphore_mem>>) src(%dma_wait3A_402 : memref<8x32xf32, #tpu.memory_space<hbm>>) dst(%arg22 : memref<8x32xf32, #tpu.memory_space<vmem>>)
    %eq3A_403 = arith.constant 11 : i32
    %eq3A_404 = vector.broadcast %eq3A_403 : i32 to vector<16xi32>
    %eq3A_405 = arith.cmpi eq, %iota3A, %eq3A_404 : vector<16xi32>
    %slice3A_406 = vector.extract_strided_slice %get3A_17 {offsets = [11], sizes = [1], strides = [1]} : vector<16xi32> to vector<1xi32>
    %squeeze3A_407 = vector.extract %slice3A_406[0] : i32 from vector<1xi32>
    %and3A_408 = arith.constant 7 : i32
    %and3A_409 = arith.andi %squeeze3A_407, %and3A_408 : i32
    %get3A_410 = arith.index_cast %and3A_409 : i32 to index
    %get3A_411 = arith.constant 0 : index
    %get3A_412 = tpu.vector_load %arg22[%get3A_410, %get3A_411] {strides = array<i32>} : memref<8x32xf32, #tpu.memory_space<vmem>>, vector<16xf32>,
    %get3A_413 = arith.index_cast %and3A_409 : i32 to index
    %get3A_414 = arith.constant 16 : index
    %get3A_415 = tpu.vector_load %arg22[%get3A_413, %get3A_414] {strides = array<i32>} : memref<8x32xf32, #tpu.memory_space<vmem>>, vector<16xf32>,
    %get3A_416 = arith.constant 16224 : index
    %get3A_417 = tpu.vector_load %arg27[%get3A_416] {strides = array<i32>} : memref<16384xf32, #tpu.memory_space<vmem>>, vector<16xf32>,
    %get3A_418 = arith.constant 16240 : index
    %get3A_419 = tpu.vector_load %arg27[%get3A_418] {strides = array<i32>} : memref<16384xf32, #tpu.memory_space<vmem>>, vector<16xf32>,
    %mul3A_420 = arith.mulf %get3A_417, %get3A_412 : vector<16xf32>
    %mul3A_421 = arith.mulf %get3A_419, %get3A_415 : vector<16xf32>
    %add3A_422 = arith.addf %mul3A_420, %mul3A_421 : vector<16xf32>
    %reduce_sum3A_423 = arith.constant true
    %reduce_sum3A_424 = vector.broadcast %reduce_sum3A_423 : i1 to vector<16xi1>
    %reduce_sum3A_425 = tpu.scan <sum>, %add3A_422 masked %reduce_sum3A_424 : vector<16xf32>, vector<16xi1> -> vector<16xf32>
    %reduce_sum3A_426 = vector.extract %reduce_sum3A_425[15] : f32 from vector<16xf32>
    %jit3A_427 = arith.constant 0.000000e+00 : f32
    %broadcast_in_dim3A_428 = vector.broadcast %reduce_sum3A_426 : f32 to vector<16xf32>
    %broadcast_in_dim3A_429 = vector.broadcast %jit3A_427 : f32 to vector<16xf32>
    %select_n3A_430 = arith.select %eq3A_405, %broadcast_in_dim3A_428, %broadcast_in_dim3A_429 : vector<16xi1>, vector<16xf32>
    %add3A_431 = arith.addf %add3A_396, %select_n3A_430 : vector<16xf32>
    %dma_wait3A_432 = arith.constant 0 : i32
    %dma_wait3A_433 = arith.constant 0 : i32
    %dma_wait3A_434 = tpu.memref_slice %arg5[%dma_wait3A_432, %dma_wait3A_433] : memref<100000x32xf32, #tpu.memory_space<hbm>> -> memref<8x32xf32, #tpu.memory_space<hbm>>
    %dma_wait3A_435 = arith.constant 0 : i32
    %dma_wait3A_436 = arith.constant 0 : i32
    %dma_wait3A_437 = tpu.memref_slice %arg5[%dma_wait3A_435, %dma_wait3A_436] : memref<100000x32xf32, #tpu.memory_space<hbm>> -> memref<8x32xf32, #tpu.memory_space<hbm>>
    tpu.wait_dma2 semaphore(%arg32 : memref<!tpu.dma_semaphore, #tpu.memory_space<semaphore_mem>>) src(%dma_wait3A_437 : memref<8x32xf32, #tpu.memory_space<hbm>>) dst(%arg23 : memref<8x32xf32, #tpu.memory_space<vmem>>)
    %eq3A_438 = arith.constant 12 : i32
    %eq3A_439 = vector.broadcast %eq3A_438 : i32 to vector<16xi32>
    %eq3A_440 = arith.cmpi eq, %iota3A, %eq3A_439 : vector<16xi32>
    %slice3A_441 = vector.extract_strided_slice %get3A_17 {offsets = [12], sizes = [1], strides = [1]} : vector<16xi32> to vector<1xi32>
    %squeeze3A_442 = vector.extract %slice3A_441[0] : i32 from vector<1xi32>
    %and3A_443 = arith.constant 7 : i32
    %and3A_444 = arith.andi %squeeze3A_442, %and3A_443 : i32
    %get3A_445 = arith.index_cast %and3A_444 : i32 to index
    %get3A_446 = arith.constant 0 : index
    %get3A_447 = tpu.vector_load %arg23[%get3A_445, %get3A_446] {strides = array<i32>} : memref<8x32xf32, #tpu.memory_space<vmem>>, vector<16xf32>,
    %get3A_448 = arith.index_cast %and3A_444 : i32 to index
    %get3A_449 = arith.constant 16 : index
    %get3A_450 = tpu.vector_load %arg23[%get3A_448, %get3A_449] {strides = array<i32>} : memref<8x32xf32, #tpu.memory_space<vmem>>, vector<16xf32>,
    %get3A_451 = arith.constant 16256 : index
    %get3A_452 = tpu.vector_load %arg27[%get3A_451] {strides = array<i32>} : memref<16384xf32, #tpu.memory_space<vmem>>, vector<16xf32>,
    %get3A_453 = arith.constant 16272 : index
    %get3A_454 = tpu.vector_load %arg27[%get3A_453] {strides = array<i32>} : memref<16384xf32, #tpu.memory_space<vmem>>, vector<16xf32>,
    %mul3A_455 = arith.mulf %get3A_452, %get3A_447 : vector<16xf32>
    %mul3A_456 = arith.mulf %get3A_454, %get3A_450 : vector<16xf32>
    %add3A_457 = arith.addf %mul3A_455, %mul3A_456 : vector<16xf32>
    %reduce_sum3A_458 = arith.constant true
    %reduce_sum3A_459 = vector.broadcast %reduce_sum3A_458 : i1 to vector<16xi1>
    %reduce_sum3A_460 = tpu.scan <sum>, %add3A_457 masked %reduce_sum3A_459 : vector<16xf32>, vector<16xi1> -> vector<16xf32>
    %reduce_sum3A_461 = vector.extract %reduce_sum3A_460[15] : f32 from vector<16xf32>
    %jit3A_462 = arith.constant 0.000000e+00 : f32
    %broadcast_in_dim3A_463 = vector.broadcast %reduce_sum3A_461 : f32 to vector<16xf32>
    %broadcast_in_dim3A_464 = vector.broadcast %jit3A_462 : f32 to vector<16xf32>
    %select_n3A_465 = arith.select %eq3A_440, %broadcast_in_dim3A_463, %broadcast_in_dim3A_464 : vector<16xi1>, vector<16xf32>
    %add3A_466 = arith.addf %add3A_431, %select_n3A_465 : vector<16xf32>
    %dma_wait3A_467 = arith.constant 0 : i32
    %dma_wait3A_468 = arith.constant 0 : i32
    %dma_wait3A_469 = tpu.memref_slice %arg5[%dma_wait3A_467, %dma_wait3A_468] : memref<100000x32xf32, #tpu.memory_space<hbm>> -> memref<8x32xf32, #tpu.memory_space<hbm>>
    %dma_wait3A_470 = arith.constant 0 : i32
    %dma_wait3A_471 = arith.constant 0 : i32
    %dma_wait3A_472 = tpu.memref_slice %arg5[%dma_wait3A_470, %dma_wait3A_471] : memref<100000x32xf32, #tpu.memory_space<hbm>> -> memref<8x32xf32, #tpu.memory_space<hbm>>
    tpu.wait_dma2 semaphore(%arg32 : memref<!tpu.dma_semaphore, #tpu.memory_space<semaphore_mem>>) src(%dma_wait3A_472 : memref<8x32xf32, #tpu.memory_space<hbm>>) dst(%arg24 : memref<8x32xf32, #tpu.memory_space<vmem>>)
    %eq3A_473 = arith.constant 13 : i32
    %eq3A_474 = vector.broadcast %eq3A_473 : i32 to vector<16xi32>
    %eq3A_475 = arith.cmpi eq, %iota3A, %eq3A_474 : vector<16xi32>
    %slice3A_476 = vector.extract_strided_slice %get3A_17 {offsets = [13], sizes = [1], strides = [1]} : vector<16xi32> to vector<1xi32>
    %squeeze3A_477 = vector.extract %slice3A_476[0] : i32 from vector<1xi32>
    %and3A_478 = arith.constant 7 : i32
    %and3A_479 = arith.andi %squeeze3A_477, %and3A_478 : i32
    %get3A_480 = arith.index_cast %and3A_479 : i32 to index
    %get3A_481 = arith.constant 0 : index
    %get3A_482 = tpu.vector_load %arg24[%get3A_480, %get3A_481] {strides = array<i32>} : memref<8x32xf32, #tpu.memory_space<vmem>>, vector<16xf32>,
    %get3A_483 = arith.index_cast %and3A_479 : i32 to index
    %get3A_484 = arith.constant 16 : index
    %get3A_485 = tpu.vector_load %arg24[%get3A_483, %get3A_484] {strides = array<i32>} : memref<8x32xf32, #tpu.memory_space<vmem>>, vector<16xf32>,
    %get3A_486 = arith.constant 16288 : index
    %get3A_487 = tpu.vector_load %arg27[%get3A_486] {strides = array<i32>} : memref<16384xf32, #tpu.memory_space<vmem>>, vector<16xf32>,
    %get3A_488 = arith.constant 16304 : index
    %get3A_489 = tpu.vector_load %arg27[%get3A_488] {strides = array<i32>} : memref<16384xf32, #tpu.memory_space<vmem>>, vector<16xf32>,
    %mul3A_490 = arith.mulf %get3A_487, %get3A_482 : vector<16xf32>
    %mul3A_491 = arith.mulf %get3A_489, %get3A_485 : vector<16xf32>
    %add3A_492 = arith.addf %mul3A_490, %mul3A_491 : vector<16xf32>
    %reduce_sum3A_493 = arith.constant true
    %reduce_sum3A_494 = vector.broadcast %reduce_sum3A_493 : i1 to vector<16xi1>
    %reduce_sum3A_495 = tpu.scan <sum>, %add3A_492 masked %reduce_sum3A_494 : vector<16xf32>, vector<16xi1> -> vector<16xf32>
    %reduce_sum3A_496 = vector.extract %reduce_sum3A_495[15] : f32 from vector<16xf32>
    %jit3A_497 = arith.constant 0.000000e+00 : f32
    %broadcast_in_dim3A_498 = vector.broadcast %reduce_sum3A_496 : f32 to vector<16xf32>
    %broadcast_in_dim3A_499 = vector.broadcast %jit3A_497 : f32 to vector<16xf32>
    %select_n3A_500 = arith.select %eq3A_475, %broadcast_in_dim3A_498, %broadcast_in_dim3A_499 : vector<16xi1>, vector<16xf32>
    %add3A_501 = arith.addf %add3A_466, %select_n3A_500 : vector<16xf32>
    %dma_wait3A_502 = arith.constant 0 : i32
    %dma_wait3A_503 = arith.constant 0 : i32
    %dma_wait3A_504 = tpu.memref_slice %arg5[%dma_wait3A_502, %dma_wait3A_503] : memref<100000x32xf32, #tpu.memory_space<hbm>> -> memref<8x32xf32, #tpu.memory_space<hbm>>
    %dma_wait3A_505 = arith.constant 0 : i32
    %dma_wait3A_506 = arith.constant 0 : i32
    %dma_wait3A_507 = tpu.memref_slice %arg5[%dma_wait3A_505, %dma_wait3A_506] : memref<100000x32xf32, #tpu.memory_space<hbm>> -> memref<8x32xf32, #tpu.memory_space<hbm>>
    tpu.wait_dma2 semaphore(%arg32 : memref<!tpu.dma_semaphore, #tpu.memory_space<semaphore_mem>>) src(%dma_wait3A_507 : memref<8x32xf32, #tpu.memory_space<hbm>>) dst(%arg25 : memref<8x32xf32, #tpu.memory_space<vmem>>)
    %eq3A_508 = arith.constant 14 : i32
    %eq3A_509 = vector.broadcast %eq3A_508 : i32 to vector<16xi32>
    %eq3A_510 = arith.cmpi eq, %iota3A, %eq3A_509 : vector<16xi32>
    %slice3A_511 = vector.extract_strided_slice %get3A_17 {offsets = [14], sizes = [1], strides = [1]} : vector<16xi32> to vector<1xi32>
    %squeeze3A_512 = vector.extract %slice3A_511[0] : i32 from vector<1xi32>
    %and3A_513 = arith.constant 7 : i32
    %and3A_514 = arith.andi %squeeze3A_512, %and3A_513 : i32
    %get3A_515 = arith.index_cast %and3A_514 : i32 to index
    %get3A_516 = arith.constant 0 : index
    %get3A_517 = tpu.vector_load %arg25[%get3A_515, %get3A_516] {strides = array<i32>} : memref<8x32xf32, #tpu.memory_space<vmem>>, vector<16xf32>,
    %get3A_518 = arith.index_cast %and3A_514 : i32 to index
    %get3A_519 = arith.constant 16 : index
    %get3A_520 = tpu.vector_load %arg25[%get3A_518, %get3A_519] {strides = array<i32>} : memref<8x32xf32, #tpu.memory_space<vmem>>, vector<16xf32>,
    %get3A_521 = arith.constant 16320 : index
    %get3A_522 = tpu.vector_load %arg27[%get3A_521] {strides = array<i32>} : memref<16384xf32, #tpu.memory_space<vmem>>, vector<16xf32>,
    %get3A_523 = arith.constant 16336 : index
    %get3A_524 = tpu.vector_load %arg27[%get3A_523] {strides = array<i32>} : memref<16384xf32, #tpu.memory_space<vmem>>, vector<16xf32>,
    %mul3A_525 = arith.mulf %get3A_522, %get3A_517 : vector<16xf32>
    %mul3A_526 = arith.mulf %get3A_524, %get3A_520 : vector<16xf32>
    %add3A_527 = arith.addf %mul3A_525, %mul3A_526 : vector<16xf32>
    %reduce_sum3A_528 = arith.constant true
    %reduce_sum3A_529 = vector.broadcast %reduce_sum3A_528 : i1 to vector<16xi1>
    %reduce_sum3A_530 = tpu.scan <sum>, %add3A_527 masked %reduce_sum3A_529 : vector<16xf32>, vector<16xi1> -> vector<16xf32>
    %reduce_sum3A_531 = vector.extract %reduce_sum3A_530[15] : f32 from vector<16xf32>
    %jit3A_532 = arith.constant 0.000000e+00 : f32
    %broadcast_in_dim3A_533 = vector.broadcast %reduce_sum3A_531 : f32 to vector<16xf32>
    %broadcast_in_dim3A_534 = vector.broadcast %jit3A_532 : f32 to vector<16xf32>
    %select_n3A_535 = arith.select %eq3A_510, %broadcast_in_dim3A_533, %broadcast_in_dim3A_534 : vector<16xi1>, vector<16xf32>
    %add3A_536 = arith.addf %add3A_501, %select_n3A_535 : vector<16xf32>
    %dma_wait3A_537 = arith.constant 0 : i32
    %dma_wait3A_538 = arith.constant 0 : i32
    %dma_wait3A_539 = tpu.memref_slice %arg5[%dma_wait3A_537, %dma_wait3A_538] : memref<100000x32xf32, #tpu.memory_space<hbm>> -> memref<8x32xf32, #tpu.memory_space<hbm>>
    %dma_wait3A_540 = arith.constant 0 : i32
    %dma_wait3A_541 = arith.constant 0 : i32
    %dma_wait3A_542 = tpu.memref_slice %arg5[%dma_wait3A_540, %dma_wait3A_541] : memref<100000x32xf32, #tpu.memory_space<hbm>> -> memref<8x32xf32, #tpu.memory_space<hbm>>
    tpu.wait_dma2 semaphore(%arg32 : memref<!tpu.dma_semaphore, #tpu.memory_space<semaphore_mem>>) src(%dma_wait3A_542 : memref<8x32xf32, #tpu.memory_space<hbm>>) dst(%arg26 : memref<8x32xf32, #tpu.memory_space<vmem>>)
    %eq3A_543 = arith.constant 15 : i32
    %eq3A_544 = vector.broadcast %eq3A_543 : i32 to vector<16xi32>
    %eq3A_545 = arith.cmpi eq, %iota3A, %eq3A_544 : vector<16xi32>
    %slice3A_546 = vector.extract_strided_slice %get3A_17 {offsets = [15], sizes = [1], strides = [1]} : vector<16xi32> to vector<1xi32>
    %squeeze3A_547 = vector.extract %slice3A_546[0] : i32 from vector<1xi32>
    %and3A_548 = arith.constant 7 : i32
    %and3A_549 = arith.andi %squeeze3A_547, %and3A_548 : i32
    %get3A_550 = arith.index_cast %and3A_549 : i32 to index
    %get3A_551 = arith.constant 0 : index
    %get3A_552 = tpu.vector_load %arg26[%get3A_550, %get3A_551] {strides = array<i32>} : memref<8x32xf32, #tpu.memory_space<vmem>>, vector<16xf32>,
    %get3A_553 = arith.index_cast %and3A_549 : i32 to index
    %get3A_554 = arith.constant 16 : index
    %get3A_555 = tpu.vector_load %arg26[%get3A_553, %get3A_554] {strides = array<i32>} : memref<8x32xf32, #tpu.memory_space<vmem>>, vector<16xf32>,
    %get3A_556 = arith.constant 16352 : index
    %get3A_557 = tpu.vector_load %arg27[%get3A_556] {strides = array<i32>} : memref<16384xf32, #tpu.memory_space<vmem>>, vector<16xf32>,
    %get3A_558 = arith.constant 16368 : index
    %get3A_559 = tpu.vector_load %arg27[%get3A_558] {strides = array<i32>} : memref<16384xf32, #tpu.memory_space<vmem>>, vector<16xf32>,
    %mul3A_560 = arith.mulf %get3A_557, %get3A_552 : vector<16xf32>
    %mul3A_561 = arith.mulf %get3A_559, %get3A_555 : vector<16xf32>
    %add3A_562 = arith.addf %mul3A_560, %mul3A_561 : vector<16xf32>
    %reduce_sum3A_563 = arith.constant true
    %reduce_sum3A_564 = vector.broadcast %reduce_sum3A_563 : i1 to vector<16xi1>
    %reduce_sum3A_565 = tpu.scan <sum>, %add3A_562 masked %reduce_sum3A_564 : vector<16xf32>, vector<16xi1> -> vector<16xf32>
    %reduce_sum3A_566 = vector.extract %reduce_sum3A_565[15] : f32 from vector<16xf32>
    %jit3A_567 = arith.constant 0.000000e+00 : f32
    %broadcast_in_dim3A_568 = vector.broadcast %reduce_sum3A_566 : f32 to vector<16xf32>
    %broadcast_in_dim3A_569 = vector.broadcast %jit3A_567 : f32 to vector<16xf32>
    %select_n3A_570 = arith.select %eq3A_545, %broadcast_in_dim3A_568, %broadcast_in_dim3A_569 : vector<16xi1>, vector<16xf32>
    %add3A_571 = arith.addf %add3A_536, %select_n3A_570 : vector<16xf32>
    %swap3A = arith.constant 496 : index
    %swap3A_572 = tpu.vector_load %arg30[%swap3A] {strides = array<i32>} : memref<512xf32, #tpu.memory_space<vmem>>, vector<16xf32>,
    tpu.vector_store %arg30[%swap3A], %add3A_571 {strides = array<i32>} : memref<512xf32, #tpu.memory_space<vmem>>, vector<16xf32>,
    %dma_wait3A_573 = arith.constant 0 : i32
    %dma_wait3A_574 = tpu.memref_slice %arg6[%dma_wait3A_573] : memref<1000000xf32, #tpu.memory_space<hbm>> -> memref<1000000xf32, #tpu.memory_space<hbm>>
    tpu.wait_indirect_dma semaphore(%arg31 : memref<!tpu.dma_semaphore, #tpu.memory_space<semaphore_mem>>) src(%dma_wait3A_574 : memref<1000000xf32, #tpu.memory_space<hbm>>) dst(%arg28 : memref<512xf32, #tpu.memory_space<vmem>>)
    %dma_wait3A_575 = arith.constant 0 : i32
    %dma_wait3A_576 = tpu.memref_slice %arg7[%dma_wait3A_575] : memref<100000xf32, #tpu.memory_space<hbm>> -> memref<100000xf32, #tpu.memory_space<hbm>>
    tpu.wait_indirect_dma semaphore(%arg31 : memref<!tpu.dma_semaphore, #tpu.memory_space<semaphore_mem>>) src(%dma_wait3A_576 : memref<100000xf32, #tpu.memory_space<hbm>>) dst(%arg29 : memref<512xf32, #tpu.memory_space<vmem>>)
    %scan3A_577 = arith.constant 0 : i32
    %scan3A_578 = arith.constant 0 : i32
    %scan3A_579 = arith.constant 32 : i32
    %scan3A_580 = arith.addi %scan3A_578, %scan3A_579 : i32
    %scan3A_581 = arith.constant 4 : i32
    %scan3A_582 = scf.for %scan3A_584 = %scan3A_578 to %scan3A_580 step %scan3A_581 iter_args(%scan3A_585 = %scan3A_577) -> (i32)  : i32 {
      %mul3A_586 = arith.constant 16 : i32
      %mul3A_587 = arith.muli %scan3A_584, %mul3A_586 : i32
      %get3A_588 = arith.index_cast %mul3A_587 : i32 to index
      %get3A_589 = tpu.vector_load %arg30[%get3A_588] {strides = array<i32>} : memref<512xf32, #tpu.memory_space<vmem>>, vector<16xf32>,
      %get3A_590 = arith.index_cast %mul3A_587 : i32 to index
      %get3A_591 = tpu.vector_load %arg29[%get3A_590] {strides = array<i32>} : memref<512xf32, #tpu.memory_space<vmem>>, vector<16xf32>,
      %add3A_592 = arith.addf %get3A_589, %get3A_591 : vector<16xf32>
      %get3A_593 = arith.index_cast %mul3A_587 : i32 to index
      %get3A_594 = tpu.vector_load %arg28[%get3A_593] {strides = array<i32>} : memref<512xf32, #tpu.memory_space<vmem>>, vector<16xf32>,
      %add3A_595 = arith.addf %add3A_592, %get3A_594 : vector<16xf32>
      %swap3A_596 = arith.index_cast %mul3A_587 : i32 to index
      %swap3A_597 = tpu.vector_load %arg30[%swap3A_596] {strides = array<i32>} : memref<512xf32, #tpu.memory_space<vmem>>, vector<16xf32>,
      tpu.vector_store %arg30[%swap3A_596], %add3A_595 {strides = array<i32>} : memref<512xf32, #tpu.memory_space<vmem>>, vector<16xf32>,
      %scan3A_598 = arith.constant 0 : i32
      %scan3A_599 = arith.constant 1 : i32
      %scan3A_600 = arith.addi %scan3A_584, %scan3A_599 : i32
      %mul3A_601 = arith.constant 16 : i32
      %mul3A_602 = arith.muli %scan3A_600, %mul3A_601 : i32
      %get3A_603 = arith.index_cast %mul3A_602 : i32 to index
      %get3A_604 = tpu.vector_load %arg30[%get3A_603] {strides = array<i32>} : memref<512xf32, #tpu.memory_space<vmem>>, vector<16xf32>,
      %get3A_605 = arith.index_cast %mul3A_602 : i32 to index
      %get3A_606 = tpu.vector_load %arg29[%get3A_605] {strides = array<i32>} : memref<512xf32, #tpu.memory_space<vmem>>, vector<16xf32>,
      %add3A_607 = arith.addf %get3A_604, %get3A_606 : vector<16xf32>
      %get3A_608 = arith.index_cast %mul3A_602 : i32 to index
      %get3A_609 = tpu.vector_load %arg28[%get3A_608] {strides = array<i32>} : memref<512xf32, #tpu.memory_space<vmem>>, vector<16xf32>,
      %add3A_610 = arith.addf %add3A_607, %get3A_609 : vector<16xf32>
      %swap3A_611 = arith.index_cast %mul3A_602 : i32 to index
      %swap3A_612 = tpu.vector_load %arg30[%swap3A_611] {strides = array<i32>} : memref<512xf32, #tpu.memory_space<vmem>>, vector<16xf32>,
      tpu.vector_store %arg30[%swap3A_611], %add3A_610 {strides = array<i32>} : memref<512xf32, #tpu.memory_space<vmem>>, vector<16xf32>,
      %scan3A_613 = arith.constant 0 : i32
      %scan3A_614 = arith.constant 2 : i32
      %scan3A_615 = arith.addi %scan3A_584, %scan3A_614 : i32
      %mul3A_616 = arith.constant 16 : i32
      %mul3A_617 = arith.muli %scan3A_615, %mul3A_616 : i32
      %get3A_618 = arith.index_cast %mul3A_617 : i32 to index
      %get3A_619 = tpu.vector_load %arg30[%get3A_618] {strides = array<i32>} : memref<512xf32, #tpu.memory_space<vmem>>, vector<16xf32>,
      %get3A_620 = arith.index_cast %mul3A_617 : i32 to index
      %get3A_621 = tpu.vector_load %arg29[%get3A_620] {strides = array<i32>} : memref<512xf32, #tpu.memory_space<vmem>>, vector<16xf32>,
      %add3A_622 = arith.addf %get3A_619, %get3A_621 : vector<16xf32>
      %get3A_623 = arith.index_cast %mul3A_617 : i32 to index
      %get3A_624 = tpu.vector_load %arg28[%get3A_623] {strides = array<i32>} : memref<512xf32, #tpu.memory_space<vmem>>, vector<16xf32>,
      %add3A_625 = arith.addf %add3A_622, %get3A_624 : vector<16xf32>
      %swap3A_626 = arith.index_cast %mul3A_617 : i32 to index
      %swap3A_627 = tpu.vector_load %arg30[%swap3A_626] {strides = array<i32>} : memref<512xf32, #tpu.memory_space<vmem>>, vector<16xf32>,
      tpu.vector_store %arg30[%swap3A_626], %add3A_625 {strides = array<i32>} : memref<512xf32, #tpu.memory_space<vmem>>, vector<16xf32>,
      %scan3A_628 = arith.constant 0 : i32
      %scan3A_629 = arith.constant 3 : i32
      %scan3A_630 = arith.addi %scan3A_584, %scan3A_629 : i32
      %mul3A_631 = arith.constant 16 : i32
      %mul3A_632 = arith.muli %scan3A_630, %mul3A_631 : i32
      %get3A_633 = arith.index_cast %mul3A_632 : i32 to index
      %get3A_634 = tpu.vector_load %arg30[%get3A_633] {strides = array<i32>} : memref<512xf32, #tpu.memory_space<vmem>>, vector<16xf32>,
      %get3A_635 = arith.index_cast %mul3A_632 : i32 to index
      %get3A_636 = tpu.vector_load %arg29[%get3A_635] {strides = array<i32>} : memref<512xf32, #tpu.memory_space<vmem>>, vector<16xf32>,
      %add3A_637 = arith.addf %get3A_634, %get3A_636 : vector<16xf32>
      %get3A_638 = arith.index_cast %mul3A_632 : i32 to index
      %get3A_639 = tpu.vector_load %arg28[%get3A_638] {strides = array<i32>} : memref<512xf32, #tpu.memory_space<vmem>>, vector<16xf32>,
      %add3A_640 = arith.addf %add3A_637, %get3A_639 : vector<16xf32>
      %swap3A_641 = arith.index_cast %mul3A_632 : i32 to index
      %swap3A_642 = tpu.vector_load %arg30[%swap3A_641] {strides = array<i32>} : memref<512xf32, #tpu.memory_space<vmem>>, vector<16xf32>,
      tpu.vector_store %arg30[%swap3A_641], %add3A_640 {strides = array<i32>} : memref<512xf32, #tpu.memory_space<vmem>>, vector<16xf32>,
      %scan3A_643 = arith.constant 0 : i32
      scf.yield %scan3A_643 : i32
    }
    %scan3A_583 = arith.constant 32 : i32
    "tpu.region"() ({
      %run_scoped3A = tpu.sem_alloc : memref<!tpu.dma_semaphore, #tpu.memory_space<semaphore_mem>>
      %dma_start3A_584 = tpu.memref_slice %arg8[%mul3A_2] : memref<16384xf32, #tpu.memory_space<hbm>> -> memref<512xf32, #tpu.memory_space<hbm>>
      %dma_start3A_585 = tpu.memref_slice %arg8[%mul3A_2] : memref<16384xf32, #tpu.memory_space<hbm>> -> memref<512xf32, #tpu.memory_space<hbm>>
      tpu.enqueue_dma source(%arg30 : memref<512xf32, #tpu.memory_space<vmem>>) target(%dma_start3A_585 : memref<512xf32, #tpu.memory_space<hbm>>) target_semaphore(%run_scoped3A : memref<!tpu.dma_semaphore, #tpu.memory_space<semaphore_mem>>)
      %dma_wait3A_586 = tpu.memref_slice %arg8[%mul3A_2] : memref<16384xf32, #tpu.memory_space<hbm>> -> memref<512xf32, #tpu.memory_space<hbm>>
      %dma_wait3A_587 = tpu.memref_slice %arg8[%mul3A_2] : memref<16384xf32, #tpu.memory_space<hbm>> -> memref<512xf32, #tpu.memory_space<hbm>>
      tpu.wait_dma2 semaphore(%run_scoped3A : memref<!tpu.dma_semaphore, #tpu.memory_space<semaphore_mem>>) src(%arg30 : memref<512xf32, #tpu.memory_space<vmem>>) dst(%dma_wait3A_587 : memref<512xf32, #tpu.memory_space<hbm>>)
      tpu.yield
    }) : () -> ()
    return
  }
}

#map = affine_map<(d0, d1) -> (0)>
#map1 = affine_map<(d0, d1) -> (0, 0)>
module attributes {stable_mosaic.version = 14 : i64} {
  func.func @ka(%arg0: i32, %arg1: i32, %arg2: memref<16384xi32, #tpu.memory_space<hbm>>, %arg3: memref<32x1000000xf32, #tpu.memory_space<hbm>>, %arg4: memref<524288xf32, #tpu.memory_space<hbm>>, %arg5: memref<512xi32, #tpu.memory_space<vmem>>, %arg6: memref<32x128xf32, #tpu.memory_space<vmem>>, %arg7: memref<32x128xf32, #tpu.memory_space<vmem>>, %arg8: memref<32x128xf32, #tpu.memory_space<vmem>>, %arg9: memref<32x128xf32, #tpu.memory_space<vmem>>, %arg10: memref<32x128xf32, #tpu.memory_space<vmem>>, %arg11: memref<32x128xf32, #tpu.memory_space<vmem>>, %arg12: memref<32x128xf32, #tpu.memory_space<vmem>>, %arg13: memref<32x128xf32, #tpu.memory_space<vmem>>, %arg14: memref<32x128xf32, #tpu.memory_space<vmem>>, %arg15: memref<32x128xf32, #tpu.memory_space<vmem>>, %arg16: memref<32x128xf32, #tpu.memory_space<vmem>>, %arg17: memref<32x128xf32, #tpu.memory_space<vmem>>, %arg18: memref<32x128xf32, #tpu.memory_space<vmem>>, %arg19: memref<32x128xf32, #tpu.memory_space<vmem>>, %arg20: memref<32x128xf32, #tpu.memory_space<vmem>>, %arg21: memref<32x128xf32, #tpu.memory_space<vmem>>, %arg22: memref<16384xf32, #tpu.memory_space<vmem>>, %arg23: memref<!tpu.dma_semaphore, #tpu.memory_space<semaphore_mem>>) attributes {dimension_semantics = [#tpu.dimension_semantics<core_parallel>, #tpu.dimension_semantics<subcore_parallel>], iteration_bounds = array<i64: 2, 16>, scalar_prefetch = 0 : i64, scratch_operands = 19 : i64, tpu.core_type = #tpu.core_type<sc_vector_subcore>, window_params = [{transform_indices = #map}, {transform_indices = #map1}, {transform_indices = #map}]} {
    %mul3A = arith.constant 2 : i32
    %mul3A_0 = arith.muli %arg1, %mul3A : i32
    %add3A = arith.addi %mul3A_0, %arg0 : i32
    %mul3A_1 = arith.constant 512 : i32
    %mul3A_2 = arith.muli %add3A, %mul3A_1 : i32
    "tpu.region"() ({
      %run_scoped3A = tpu.sem_alloc : memref<!tpu.dma_semaphore, #tpu.memory_space<semaphore_mem>>
      %dma_start3A = tpu.memref_slice %arg2[%mul3A_2] : memref<16384xi32, #tpu.memory_space<hbm>> -> memref<512xi32, #tpu.memory_space<hbm>>
      %dma_start3A_280 = tpu.memref_slice %arg2[%mul3A_2] : memref<16384xi32, #tpu.memory_space<hbm>> -> memref<512xi32, #tpu.memory_space<hbm>>
      tpu.enqueue_dma source(%dma_start3A_280 : memref<512xi32, #tpu.memory_space<hbm>>) target(%arg5 : memref<512xi32, #tpu.memory_space<vmem>>) target_semaphore(%run_scoped3A : memref<!tpu.dma_semaphore, #tpu.memory_space<semaphore_mem>>)
      %dma_wait3A_281 = tpu.memref_slice %arg2[%mul3A_2] : memref<16384xi32, #tpu.memory_space<hbm>> -> memref<512xi32, #tpu.memory_space<hbm>>
      %dma_wait3A_282 = tpu.memref_slice %arg2[%mul3A_2] : memref<16384xi32, #tpu.memory_space<hbm>> -> memref<512xi32, #tpu.memory_space<hbm>>
      tpu.wait_dma2 semaphore(%run_scoped3A : memref<!tpu.dma_semaphore, #tpu.memory_space<semaphore_mem>>) src(%dma_wait3A_282 : memref<512xi32, #tpu.memory_space<hbm>>) dst(%arg5 : memref<512xi32, #tpu.memory_space<vmem>>)
      tpu.yield
    }) : () -> ()
    %iota3A = tpu.iota {dimensions = array<i32: 0>} : vector<16xi32>
    %add3A_3 = arith.constant 16 : i32
    %add3A_4 = vector.broadcast %add3A_3 : i32 to vector<16xi32>
    %add3A_5 = arith.addi %iota3A, %add3A_4 : vector<16xi32>
    %scan3A = arith.constant 0 : i32
    %scan3A_6 = arith.constant 0 : i32
    %scan3A_7 = arith.constant 32 : i32
    %scan3A_8 = arith.addi %scan3A_6, %scan3A_7 : i32
    %scan3A_9 = arith.constant 1 : i32
    %scan3A_10 = scf.for %scan3A_280 = %scan3A_6 to %scan3A_8 step %scan3A_9 iter_args(%scan3A_281 = %scan3A) -> (i32)  : i32 {
      %mul3A_282 = arith.constant 16 : i32
      %mul3A_283 = arith.muli %scan3A_280, %mul3A_282 : i32
      %get3A_284 = arith.index_cast %mul3A_283 : i32 to index
      %get3A_285 = tpu.vector_load %arg5[%get3A_284] {strides = array<i32>} : memref<512xi32, #tpu.memory_space<vmem>>, vector<16xi32>,
      %sub3A = arith.constant 1 : i32
      %sub3A_286 = arith.subi %scan3A_280, %sub3A : i32
      %max3A = arith.constant 0 : i32
      %max3A_287 = arith.maxsi %sub3A_286, %max3A : i32
      %mul3A_288 = arith.constant 16 : i32
      %mul3A_289 = arith.muli %max3A_287, %mul3A_288 : i32
      %get3A_290 = arith.index_cast %mul3A_289 : i32 to index
      %get3A_291 = tpu.vector_load %arg5[%get3A_290] {strides = array<i32>} : memref<512xi32, #tpu.memory_space<vmem>>, vector<16xi32>,
      %gt3A = arith.constant 0 : i32
      %gt3A_292 = arith.cmpi sgt, %scan3A_280, %gt3A : i32
      %convert_element_type3A = arith.extui %gt3A_292 : i1 to i32
      %cond3A = arith.constant 0 : i32
      %cond3A_293 = arith.cmpi ne, %convert_element_type3A, %cond3A : i32
      scf.if %cond3A_293 {
        %dma_wait3A_543 = arith.constant 0 : i32
        %dma_wait3A_544 = arith.constant 0 : i32
        %dma_wait3A_545 = tpu.memref_slice %arg3[%dma_wait3A_543, %dma_wait3A_544] : memref<32x1000000xf32, #tpu.memory_space<hbm>> -> memref<32x128xf32, #tpu.memory_space<hbm>>
        %dma_wait3A_546 = arith.constant 0 : i32
        %dma_wait3A_547 = arith.constant 0 : i32
        %dma_wait3A_548 = tpu.memref_slice %arg3[%dma_wait3A_546, %dma_wait3A_547] : memref<32x1000000xf32, #tpu.memory_space<hbm>> -> memref<32x128xf32, #tpu.memory_space<hbm>>
        tpu.wait_dma2 semaphore(%arg23 : memref<!tpu.dma_semaphore, #tpu.memory_space<semaphore_mem>>) src(%dma_wait3A_548 : memref<32x128xf32, #tpu.memory_space<hbm>>) dst(%arg6 : memref<32x128xf32, #tpu.memory_space<vmem>>)
        %sub3A_549 = arith.constant 1 : i32
        %sub3A_550 = arith.subi %scan3A_280, %sub3A_549 : i32
        %slice3A_551 = vector.extract_strided_slice %get3A_291 {offsets = [0], sizes = [1], strides = [1]} : vector<16xi32> to vector<1xi32>
        %squeeze3A_552 = vector.extract %slice3A_551[0] : i32 from vector<1xi32>
        %and3A_553 = arith.constant 127 : i32
        %and3A_554 = arith.andi %squeeze3A_552, %and3A_553 : i32
        %broadcast_in_dim3A_555 = vector.broadcast %and3A_554 : i32 to vector<16xi32>
        %mul3A_556 = arith.constant 16 : i32
        %mul3A_557 = arith.muli %sub3A_550, %mul3A_556 : i32
        %add3A_558 = arith.constant 0 : i32
        %add3A_559 = arith.addi %mul3A_557, %add3A_558 : i32
        %gather3A_560 = tpu.vector_load_idx %arg6[%iota3A, %broadcast_in_dim3A_555] : memref<32x128xf32, #tpu.memory_space<vmem>>[vector<16xi32>, vector<16xi32>], vector<16xf32>,
        %mul3A_561 = arith.constant 32 : i32
        %mul3A_562 = arith.muli %add3A_559, %mul3A_561 : i32
        %swap3A_563 = arith.index_cast %mul3A_562 : i32 to index
        %swap3A_564 = tpu.vector_load %arg22[%swap3A_563] {strides = array<i32>} : memref<16384xf32, #tpu.memory_space<vmem>>, vector<16xf32>,
        tpu.vector_store %arg22[%swap3A_563], %gather3A_560 {strides = array<i32>} : memref<16384xf32, #tpu.memory_space<vmem>>, vector<16xf32>,
        %gather3A_565 = tpu.vector_load_idx %arg6[%add3A_5, %broadcast_in_dim3A_555] : memref<32x128xf32, #tpu.memory_space<vmem>>[vector<16xi32>, vector<16xi32>], vector<16xf32>,
        %mul3A_566 = arith.constant 32 : i32
        %mul3A_567 = arith.muli %add3A_559, %mul3A_566 : i32
        %add3A_568 = arith.constant 16 : i32
        %add3A_569 = arith.addi %mul3A_567, %add3A_568 : i32
        %swap3A_570 = arith.index_cast %add3A_569 : i32 to index
        %swap3A_571 = tpu.vector_load %arg22[%swap3A_570] {strides = array<i32>} : memref<16384xf32, #tpu.memory_space<vmem>>, vector<16xf32>,
        tpu.vector_store %arg22[%swap3A_570], %gather3A_565 {strides = array<i32>} : memref<16384xf32, #tpu.memory_space<vmem>>, vector<16xf32>,
      } else {
      }
      %slice3A_294 = vector.extract_strided_slice %get3A_285 {offsets = [0], sizes = [1], strides = [1]} : vector<16xi32> to vector<1xi32>
      %squeeze3A_295 = vector.extract %slice3A_294[0] : i32 from vector<1xi32>
      %shift_right_arithmetic3A = arith.constant 7 : i32
      %shift_right_arithmetic3A_296 = arith.shrsi %squeeze3A_295, %shift_right_arithmetic3A : i32
      %mul3A_297 = arith.constant 128 : i32
      %mul3A_298 = arith.muli %shift_right_arithmetic3A_296, %mul3A_297 : i32
      %multiple_of3A = tpu.assume_multiple %mul3A_298, 128 : i32
      %dma_start3A = arith.constant 0 : i32
      %dma_start3A_299 = tpu.memref_slice %arg3[%dma_start3A, %multiple_of3A] : memref<32x1000000xf32, #tpu.memory_space<hbm>> -> memref<32x128xf32, #tpu.memory_space<hbm>>
      %dma_start3A_300 = arith.constant 0 : i32
      %dma_start3A_301 = tpu.memref_slice %arg3[%dma_start3A_300, %multiple_of3A] : memref<32x1000000xf32, #tpu.memory_space<hbm>> -> memref<32x128xf32, #tpu.memory_space<hbm>>
      tpu.enqueue_dma source(%dma_start3A_301 : memref<32x128xf32, #tpu.memory_space<hbm>>) target(%arg6 : memref<32x128xf32, #tpu.memory_space<vmem>>) target_semaphore(%arg23 : memref<!tpu.dma_semaphore, #tpu.memory_space<semaphore_mem>>)
      %gt3A_302 = arith.constant 0 : i32
      %gt3A_303 = arith.cmpi sgt, %scan3A_280, %gt3A_302 : i32
      %convert_element_type3A_304 = arith.extui %gt3A_303 : i1 to i32
      %cond3A_305 = arith.constant 0 : i32
      %cond3A_306 = arith.cmpi ne, %convert_element_type3A_304, %cond3A_305 : i32
      scf.if %cond3A_306 {
        %dma_wait3A_543 = arith.constant 0 : i32
        %dma_wait3A_544 = arith.constant 0 : i32
        %dma_wait3A_545 = tpu.memref_slice %arg3[%dma_wait3A_543, %dma_wait3A_544] : memref<32x1000000xf32, #tpu.memory_space<hbm>> -> memref<32x128xf32, #tpu.memory_space<hbm>>
        %dma_wait3A_546 = arith.constant 0 : i32
        %dma_wait3A_547 = arith.constant 0 : i32
        %dma_wait3A_548 = tpu.memref_slice %arg3[%dma_wait3A_546, %dma_wait3A_547] : memref<32x1000000xf32, #tpu.memory_space<hbm>> -> memref<32x128xf32, #tpu.memory_space<hbm>>
        tpu.wait_dma2 semaphore(%arg23 : memref<!tpu.dma_semaphore, #tpu.memory_space<semaphore_mem>>) src(%dma_wait3A_548 : memref<32x128xf32, #tpu.memory_space<hbm>>) dst(%arg7 : memref<32x128xf32, #tpu.memory_space<vmem>>)
        %sub3A_549 = arith.constant 1 : i32
        %sub3A_550 = arith.subi %scan3A_280, %sub3A_549 : i32
        %slice3A_551 = vector.extract_strided_slice %get3A_291 {offsets = [1], sizes = [1], strides = [1]} : vector<16xi32> to vector<1xi32>
        %squeeze3A_552 = vector.extract %slice3A_551[0] : i32 from vector<1xi32>
        %and3A_553 = arith.constant 127 : i32
        %and3A_554 = arith.andi %squeeze3A_552, %and3A_553 : i32
        %broadcast_in_dim3A_555 = vector.broadcast %and3A_554 : i32 to vector<16xi32>
        %mul3A_556 = arith.constant 16 : i32
        %mul3A_557 = arith.muli %sub3A_550, %mul3A_556 : i32
        %add3A_558 = arith.constant 1 : i32
        %add3A_559 = arith.addi %mul3A_557, %add3A_558 : i32
        %gather3A_560 = tpu.vector_load_idx %arg7[%iota3A, %broadcast_in_dim3A_555] : memref<32x128xf32, #tpu.memory_space<vmem>>[vector<16xi32>, vector<16xi32>], vector<16xf32>,
        %mul3A_561 = arith.constant 32 : i32
        %mul3A_562 = arith.muli %add3A_559, %mul3A_561 : i32
        %swap3A_563 = arith.index_cast %mul3A_562 : i32 to index
        %swap3A_564 = tpu.vector_load %arg22[%swap3A_563] {strides = array<i32>} : memref<16384xf32, #tpu.memory_space<vmem>>, vector<16xf32>,
        tpu.vector_store %arg22[%swap3A_563], %gather3A_560 {strides = array<i32>} : memref<16384xf32, #tpu.memory_space<vmem>>, vector<16xf32>,
        %gather3A_565 = tpu.vector_load_idx %arg7[%add3A_5, %broadcast_in_dim3A_555] : memref<32x128xf32, #tpu.memory_space<vmem>>[vector<16xi32>, vector<16xi32>], vector<16xf32>,
        %mul3A_566 = arith.constant 32 : i32
        %mul3A_567 = arith.muli %add3A_559, %mul3A_566 : i32
        %add3A_568 = arith.constant 16 : i32
        %add3A_569 = arith.addi %mul3A_567, %add3A_568 : i32
        %swap3A_570 = arith.index_cast %add3A_569 : i32 to index
        %swap3A_571 = tpu.vector_load %arg22[%swap3A_570] {strides = array<i32>} : memref<16384xf32, #tpu.memory_space<vmem>>, vector<16xf32>,
        tpu.vector_store %arg22[%swap3A_570], %gather3A_565 {strides = array<i32>} : memref<16384xf32, #tpu.memory_space<vmem>>, vector<16xf32>,
      } else {
      }
      %slice3A_307 = vector.extract_strided_slice %get3A_285 {offsets = [1], sizes = [1], strides = [1]} : vector<16xi32> to vector<1xi32>
      %squeeze3A_308 = vector.extract %slice3A_307[0] : i32 from vector<1xi32>
      %shift_right_arithmetic3A_309 = arith.constant 7 : i32
      %shift_right_arithmetic3A_310 = arith.shrsi %squeeze3A_308, %shift_right_arithmetic3A_309 : i32
      %mul3A_311 = arith.constant 128 : i32
      %mul3A_312 = arith.muli %shift_right_arithmetic3A_310, %mul3A_311 : i32
      %multiple_of3A_313 = tpu.assume_multiple %mul3A_312, 128 : i32
      %dma_start3A_314 = arith.constant 0 : i32
      %dma_start3A_315 = tpu.memref_slice %arg3[%dma_start3A_314, %multiple_of3A_313] : memref<32x1000000xf32, #tpu.memory_space<hbm>> -> memref<32x128xf32, #tpu.memory_space<hbm>>
      %dma_start3A_316 = arith.constant 0 : i32
      %dma_start3A_317 = tpu.memref_slice %arg3[%dma_start3A_316, %multiple_of3A_313] : memref<32x1000000xf32, #tpu.memory_space<hbm>> -> memref<32x128xf32, #tpu.memory_space<hbm>>
      tpu.enqueue_dma source(%dma_start3A_317 : memref<32x128xf32, #tpu.memory_space<hbm>>) target(%arg7 : memref<32x128xf32, #tpu.memory_space<vmem>>) target_semaphore(%arg23 : memref<!tpu.dma_semaphore, #tpu.memory_space<semaphore_mem>>)
      %gt3A_318 = arith.constant 0 : i32
      %gt3A_319 = arith.cmpi sgt, %scan3A_280, %gt3A_318 : i32
      %convert_element_type3A_320 = arith.extui %gt3A_319 : i1 to i32
      %cond3A_321 = arith.constant 0 : i32
      %cond3A_322 = arith.cmpi ne, %convert_element_type3A_320, %cond3A_321 : i32
      scf.if %cond3A_322 {
        %dma_wait3A_543 = arith.constant 0 : i32
        %dma_wait3A_544 = arith.constant 0 : i32
        %dma_wait3A_545 = tpu.memref_slice %arg3[%dma_wait3A_543, %dma_wait3A_544] : memref<32x1000000xf32, #tpu.memory_space<hbm>> -> memref<32x128xf32, #tpu.memory_space<hbm>>
        %dma_wait3A_546 = arith.constant 0 : i32
        %dma_wait3A_547 = arith.constant 0 : i32
        %dma_wait3A_548 = tpu.memref_slice %arg3[%dma_wait3A_546, %dma_wait3A_547] : memref<32x1000000xf32, #tpu.memory_space<hbm>> -> memref<32x128xf32, #tpu.memory_space<hbm>>
        tpu.wait_dma2 semaphore(%arg23 : memref<!tpu.dma_semaphore, #tpu.memory_space<semaphore_mem>>) src(%dma_wait3A_548 : memref<32x128xf32, #tpu.memory_space<hbm>>) dst(%arg8 : memref<32x128xf32, #tpu.memory_space<vmem>>)
        %sub3A_549 = arith.constant 1 : i32
        %sub3A_550 = arith.subi %scan3A_280, %sub3A_549 : i32
        %slice3A_551 = vector.extract_strided_slice %get3A_291 {offsets = [2], sizes = [1], strides = [1]} : vector<16xi32> to vector<1xi32>
        %squeeze3A_552 = vector.extract %slice3A_551[0] : i32 from vector<1xi32>
        %and3A_553 = arith.constant 127 : i32
        %and3A_554 = arith.andi %squeeze3A_552, %and3A_553 : i32
        %broadcast_in_dim3A_555 = vector.broadcast %and3A_554 : i32 to vector<16xi32>
        %mul3A_556 = arith.constant 16 : i32
        %mul3A_557 = arith.muli %sub3A_550, %mul3A_556 : i32
        %add3A_558 = arith.constant 2 : i32
        %add3A_559 = arith.addi %mul3A_557, %add3A_558 : i32
        %gather3A_560 = tpu.vector_load_idx %arg8[%iota3A, %broadcast_in_dim3A_555] : memref<32x128xf32, #tpu.memory_space<vmem>>[vector<16xi32>, vector<16xi32>], vector<16xf32>,
        %mul3A_561 = arith.constant 32 : i32
        %mul3A_562 = arith.muli %add3A_559, %mul3A_561 : i32
        %swap3A_563 = arith.index_cast %mul3A_562 : i32 to index
        %swap3A_564 = tpu.vector_load %arg22[%swap3A_563] {strides = array<i32>} : memref<16384xf32, #tpu.memory_space<vmem>>, vector<16xf32>,
        tpu.vector_store %arg22[%swap3A_563], %gather3A_560 {strides = array<i32>} : memref<16384xf32, #tpu.memory_space<vmem>>, vector<16xf32>,
        %gather3A_565 = tpu.vector_load_idx %arg8[%add3A_5, %broadcast_in_dim3A_555] : memref<32x128xf32, #tpu.memory_space<vmem>>[vector<16xi32>, vector<16xi32>], vector<16xf32>,
        %mul3A_566 = arith.constant 32 : i32
        %mul3A_567 = arith.muli %add3A_559, %mul3A_566 : i32
        %add3A_568 = arith.constant 16 : i32
        %add3A_569 = arith.addi %mul3A_567, %add3A_568 : i32
        %swap3A_570 = arith.index_cast %add3A_569 : i32 to index
        %swap3A_571 = tpu.vector_load %arg22[%swap3A_570] {strides = array<i32>} : memref<16384xf32, #tpu.memory_space<vmem>>, vector<16xf32>,
        tpu.vector_store %arg22[%swap3A_570], %gather3A_565 {strides = array<i32>} : memref<16384xf32, #tpu.memory_space<vmem>>, vector<16xf32>,
      } else {
      }
      %slice3A_323 = vector.extract_strided_slice %get3A_285 {offsets = [2], sizes = [1], strides = [1]} : vector<16xi32> to vector<1xi32>
      %squeeze3A_324 = vector.extract %slice3A_323[0] : i32 from vector<1xi32>
      %shift_right_arithmetic3A_325 = arith.constant 7 : i32
      %shift_right_arithmetic3A_326 = arith.shrsi %squeeze3A_324, %shift_right_arithmetic3A_325 : i32
      %mul3A_327 = arith.constant 128 : i32
      %mul3A_328 = arith.muli %shift_right_arithmetic3A_326, %mul3A_327 : i32
      %multiple_of3A_329 = tpu.assume_multiple %mul3A_328, 128 : i32
      %dma_start3A_330 = arith.constant 0 : i32
      %dma_start3A_331 = tpu.memref_slice %arg3[%dma_start3A_330, %multiple_of3A_329] : memref<32x1000000xf32, #tpu.memory_space<hbm>> -> memref<32x128xf32, #tpu.memory_space<hbm>>
      %dma_start3A_332 = arith.constant 0 : i32
      %dma_start3A_333 = tpu.memref_slice %arg3[%dma_start3A_332, %multiple_of3A_329] : memref<32x1000000xf32, #tpu.memory_space<hbm>> -> memref<32x128xf32, #tpu.memory_space<hbm>>
      tpu.enqueue_dma source(%dma_start3A_333 : memref<32x128xf32, #tpu.memory_space<hbm>>) target(%arg8 : memref<32x128xf32, #tpu.memory_space<vmem>>) target_semaphore(%arg23 : memref<!tpu.dma_semaphore, #tpu.memory_space<semaphore_mem>>)
      %gt3A_334 = arith.constant 0 : i32
      %gt3A_335 = arith.cmpi sgt, %scan3A_280, %gt3A_334 : i32
      %convert_element_type3A_336 = arith.extui %gt3A_335 : i1 to i32
      %cond3A_337 = arith.constant 0 : i32
      %cond3A_338 = arith.cmpi ne, %convert_element_type3A_336, %cond3A_337 : i32
      scf.if %cond3A_338 {
        %dma_wait3A_543 = arith.constant 0 : i32
        %dma_wait3A_544 = arith.constant 0 : i32
        %dma_wait3A_545 = tpu.memref_slice %arg3[%dma_wait3A_543, %dma_wait3A_544] : memref<32x1000000xf32, #tpu.memory_space<hbm>> -> memref<32x128xf32, #tpu.memory_space<hbm>>
        %dma_wait3A_546 = arith.constant 0 : i32
        %dma_wait3A_547 = arith.constant 0 : i32
        %dma_wait3A_548 = tpu.memref_slice %arg3[%dma_wait3A_546, %dma_wait3A_547] : memref<32x1000000xf32, #tpu.memory_space<hbm>> -> memref<32x128xf32, #tpu.memory_space<hbm>>
        tpu.wait_dma2 semaphore(%arg23 : memref<!tpu.dma_semaphore, #tpu.memory_space<semaphore_mem>>) src(%dma_wait3A_548 : memref<32x128xf32, #tpu.memory_space<hbm>>) dst(%arg9 : memref<32x128xf32, #tpu.memory_space<vmem>>)
        %sub3A_549 = arith.constant 1 : i32
        %sub3A_550 = arith.subi %scan3A_280, %sub3A_549 : i32
        %slice3A_551 = vector.extract_strided_slice %get3A_291 {offsets = [3], sizes = [1], strides = [1]} : vector<16xi32> to vector<1xi32>
        %squeeze3A_552 = vector.extract %slice3A_551[0] : i32 from vector<1xi32>
        %and3A_553 = arith.constant 127 : i32
        %and3A_554 = arith.andi %squeeze3A_552, %and3A_553 : i32
        %broadcast_in_dim3A_555 = vector.broadcast %and3A_554 : i32 to vector<16xi32>
        %mul3A_556 = arith.constant 16 : i32
        %mul3A_557 = arith.muli %sub3A_550, %mul3A_556 : i32
        %add3A_558 = arith.constant 3 : i32
        %add3A_559 = arith.addi %mul3A_557, %add3A_558 : i32
        %gather3A_560 = tpu.vector_load_idx %arg9[%iota3A, %broadcast_in_dim3A_555] : memref<32x128xf32, #tpu.memory_space<vmem>>[vector<16xi32>, vector<16xi32>], vector<16xf32>,
        %mul3A_561 = arith.constant 32 : i32
        %mul3A_562 = arith.muli %add3A_559, %mul3A_561 : i32
        %swap3A_563 = arith.index_cast %mul3A_562 : i32 to index
        %swap3A_564 = tpu.vector_load %arg22[%swap3A_563] {strides = array<i32>} : memref<16384xf32, #tpu.memory_space<vmem>>, vector<16xf32>,
        tpu.vector_store %arg22[%swap3A_563], %gather3A_560 {strides = array<i32>} : memref<16384xf32, #tpu.memory_space<vmem>>, vector<16xf32>,
        %gather3A_565 = tpu.vector_load_idx %arg9[%add3A_5, %broadcast_in_dim3A_555] : memref<32x128xf32, #tpu.memory_space<vmem>>[vector<16xi32>, vector<16xi32>], vector<16xf32>,
        %mul3A_566 = arith.constant 32 : i32
        %mul3A_567 = arith.muli %add3A_559, %mul3A_566 : i32
        %add3A_568 = arith.constant 16 : i32
        %add3A_569 = arith.addi %mul3A_567, %add3A_568 : i32
        %swap3A_570 = arith.index_cast %add3A_569 : i32 to index
        %swap3A_571 = tpu.vector_load %arg22[%swap3A_570] {strides = array<i32>} : memref<16384xf32, #tpu.memory_space<vmem>>, vector<16xf32>,
        tpu.vector_store %arg22[%swap3A_570], %gather3A_565 {strides = array<i32>} : memref<16384xf32, #tpu.memory_space<vmem>>, vector<16xf32>,
      } else {
      }
      %slice3A_339 = vector.extract_strided_slice %get3A_285 {offsets = [3], sizes = [1], strides = [1]} : vector<16xi32> to vector<1xi32>
      %squeeze3A_340 = vector.extract %slice3A_339[0] : i32 from vector<1xi32>
      %shift_right_arithmetic3A_341 = arith.constant 7 : i32
      %shift_right_arithmetic3A_342 = arith.shrsi %squeeze3A_340, %shift_right_arithmetic3A_341 : i32
      %mul3A_343 = arith.constant 128 : i32
      %mul3A_344 = arith.muli %shift_right_arithmetic3A_342, %mul3A_343 : i32
      %multiple_of3A_345 = tpu.assume_multiple %mul3A_344, 128 : i32
      %dma_start3A_346 = arith.constant 0 : i32
      %dma_start3A_347 = tpu.memref_slice %arg3[%dma_start3A_346, %multiple_of3A_345] : memref<32x1000000xf32, #tpu.memory_space<hbm>> -> memref<32x128xf32, #tpu.memory_space<hbm>>
      %dma_start3A_348 = arith.constant 0 : i32
      %dma_start3A_349 = tpu.memref_slice %arg3[%dma_start3A_348, %multiple_of3A_345] : memref<32x1000000xf32, #tpu.memory_space<hbm>> -> memref<32x128xf32, #tpu.memory_space<hbm>>
      tpu.enqueue_dma source(%dma_start3A_349 : memref<32x128xf32, #tpu.memory_space<hbm>>) target(%arg9 : memref<32x128xf32, #tpu.memory_space<vmem>>) target_semaphore(%arg23 : memref<!tpu.dma_semaphore, #tpu.memory_space<semaphore_mem>>)
      %gt3A_350 = arith.constant 0 : i32
      %gt3A_351 = arith.cmpi sgt, %scan3A_280, %gt3A_350 : i32
      %convert_element_type3A_352 = arith.extui %gt3A_351 : i1 to i32
      %cond3A_353 = arith.constant 0 : i32
      %cond3A_354 = arith.cmpi ne, %convert_element_type3A_352, %cond3A_353 : i32
      scf.if %cond3A_354 {
        %dma_wait3A_543 = arith.constant 0 : i32
        %dma_wait3A_544 = arith.constant 0 : i32
        %dma_wait3A_545 = tpu.memref_slice %arg3[%dma_wait3A_543, %dma_wait3A_544] : memref<32x1000000xf32, #tpu.memory_space<hbm>> -> memref<32x128xf32, #tpu.memory_space<hbm>>
        %dma_wait3A_546 = arith.constant 0 : i32
        %dma_wait3A_547 = arith.constant 0 : i32
        %dma_wait3A_548 = tpu.memref_slice %arg3[%dma_wait3A_546, %dma_wait3A_547] : memref<32x1000000xf32, #tpu.memory_space<hbm>> -> memref<32x128xf32, #tpu.memory_space<hbm>>
        tpu.wait_dma2 semaphore(%arg23 : memref<!tpu.dma_semaphore, #tpu.memory_space<semaphore_mem>>) src(%dma_wait3A_548 : memref<32x128xf32, #tpu.memory_space<hbm>>) dst(%arg10 : memref<32x128xf32, #tpu.memory_space<vmem>>)
        %sub3A_549 = arith.constant 1 : i32
        %sub3A_550 = arith.subi %scan3A_280, %sub3A_549 : i32
        %slice3A_551 = vector.extract_strided_slice %get3A_291 {offsets = [4], sizes = [1], strides = [1]} : vector<16xi32> to vector<1xi32>
        %squeeze3A_552 = vector.extract %slice3A_551[0] : i32 from vector<1xi32>
        %and3A_553 = arith.constant 127 : i32
        %and3A_554 = arith.andi %squeeze3A_552, %and3A_553 : i32
        %broadcast_in_dim3A_555 = vector.broadcast %and3A_554 : i32 to vector<16xi32>
        %mul3A_556 = arith.constant 16 : i32
        %mul3A_557 = arith.muli %sub3A_550, %mul3A_556 : i32
        %add3A_558 = arith.constant 4 : i32
        %add3A_559 = arith.addi %mul3A_557, %add3A_558 : i32
        %gather3A_560 = tpu.vector_load_idx %arg10[%iota3A, %broadcast_in_dim3A_555] : memref<32x128xf32, #tpu.memory_space<vmem>>[vector<16xi32>, vector<16xi32>], vector<16xf32>,
        %mul3A_561 = arith.constant 32 : i32
        %mul3A_562 = arith.muli %add3A_559, %mul3A_561 : i32
        %swap3A_563 = arith.index_cast %mul3A_562 : i32 to index
        %swap3A_564 = tpu.vector_load %arg22[%swap3A_563] {strides = array<i32>} : memref<16384xf32, #tpu.memory_space<vmem>>, vector<16xf32>,
        tpu.vector_store %arg22[%swap3A_563], %gather3A_560 {strides = array<i32>} : memref<16384xf32, #tpu.memory_space<vmem>>, vector<16xf32>,
        %gather3A_565 = tpu.vector_load_idx %arg10[%add3A_5, %broadcast_in_dim3A_555] : memref<32x128xf32, #tpu.memory_space<vmem>>[vector<16xi32>, vector<16xi32>], vector<16xf32>,
        %mul3A_566 = arith.constant 32 : i32
        %mul3A_567 = arith.muli %add3A_559, %mul3A_566 : i32
        %add3A_568 = arith.constant 16 : i32
        %add3A_569 = arith.addi %mul3A_567, %add3A_568 : i32
        %swap3A_570 = arith.index_cast %add3A_569 : i32 to index
        %swap3A_571 = tpu.vector_load %arg22[%swap3A_570] {strides = array<i32>} : memref<16384xf32, #tpu.memory_space<vmem>>, vector<16xf32>,
        tpu.vector_store %arg22[%swap3A_570], %gather3A_565 {strides = array<i32>} : memref<16384xf32, #tpu.memory_space<vmem>>, vector<16xf32>,
      } else {
      }
      %slice3A_355 = vector.extract_strided_slice %get3A_285 {offsets = [4], sizes = [1], strides = [1]} : vector<16xi32> to vector<1xi32>
      %squeeze3A_356 = vector.extract %slice3A_355[0] : i32 from vector<1xi32>
      %shift_right_arithmetic3A_357 = arith.constant 7 : i32
      %shift_right_arithmetic3A_358 = arith.shrsi %squeeze3A_356, %shift_right_arithmetic3A_357 : i32
      %mul3A_359 = arith.constant 128 : i32
      %mul3A_360 = arith.muli %shift_right_arithmetic3A_358, %mul3A_359 : i32
      %multiple_of3A_361 = tpu.assume_multiple %mul3A_360, 128 : i32
      %dma_start3A_362 = arith.constant 0 : i32
      %dma_start3A_363 = tpu.memref_slice %arg3[%dma_start3A_362, %multiple_of3A_361] : memref<32x1000000xf32, #tpu.memory_space<hbm>> -> memref<32x128xf32, #tpu.memory_space<hbm>>
      %dma_start3A_364 = arith.constant 0 : i32
      %dma_start3A_365 = tpu.memref_slice %arg3[%dma_start3A_364, %multiple_of3A_361] : memref<32x1000000xf32, #tpu.memory_space<hbm>> -> memref<32x128xf32, #tpu.memory_space<hbm>>
      tpu.enqueue_dma source(%dma_start3A_365 : memref<32x128xf32, #tpu.memory_space<hbm>>) target(%arg10 : memref<32x128xf32, #tpu.memory_space<vmem>>) target_semaphore(%arg23 : memref<!tpu.dma_semaphore, #tpu.memory_space<semaphore_mem>>)
      %gt3A_366 = arith.constant 0 : i32
      %gt3A_367 = arith.cmpi sgt, %scan3A_280, %gt3A_366 : i32
      %convert_element_type3A_368 = arith.extui %gt3A_367 : i1 to i32
      %cond3A_369 = arith.constant 0 : i32
      %cond3A_370 = arith.cmpi ne, %convert_element_type3A_368, %cond3A_369 : i32
      scf.if %cond3A_370 {
        %dma_wait3A_543 = arith.constant 0 : i32
        %dma_wait3A_544 = arith.constant 0 : i32
        %dma_wait3A_545 = tpu.memref_slice %arg3[%dma_wait3A_543, %dma_wait3A_544] : memref<32x1000000xf32, #tpu.memory_space<hbm>> -> memref<32x128xf32, #tpu.memory_space<hbm>>
        %dma_wait3A_546 = arith.constant 0 : i32
        %dma_wait3A_547 = arith.constant 0 : i32
        %dma_wait3A_548 = tpu.memref_slice %arg3[%dma_wait3A_546, %dma_wait3A_547] : memref<32x1000000xf32, #tpu.memory_space<hbm>> -> memref<32x128xf32, #tpu.memory_space<hbm>>
        tpu.wait_dma2 semaphore(%arg23 : memref<!tpu.dma_semaphore, #tpu.memory_space<semaphore_mem>>) src(%dma_wait3A_548 : memref<32x128xf32, #tpu.memory_space<hbm>>) dst(%arg11 : memref<32x128xf32, #tpu.memory_space<vmem>>)
        %sub3A_549 = arith.constant 1 : i32
        %sub3A_550 = arith.subi %scan3A_280, %sub3A_549 : i32
        %slice3A_551 = vector.extract_strided_slice %get3A_291 {offsets = [5], sizes = [1], strides = [1]} : vector<16xi32> to vector<1xi32>
        %squeeze3A_552 = vector.extract %slice3A_551[0] : i32 from vector<1xi32>
        %and3A_553 = arith.constant 127 : i32
        %and3A_554 = arith.andi %squeeze3A_552, %and3A_553 : i32
        %broadcast_in_dim3A_555 = vector.broadcast %and3A_554 : i32 to vector<16xi32>
        %mul3A_556 = arith.constant 16 : i32
        %mul3A_557 = arith.muli %sub3A_550, %mul3A_556 : i32
        %add3A_558 = arith.constant 5 : i32
        %add3A_559 = arith.addi %mul3A_557, %add3A_558 : i32
        %gather3A_560 = tpu.vector_load_idx %arg11[%iota3A, %broadcast_in_dim3A_555] : memref<32x128xf32, #tpu.memory_space<vmem>>[vector<16xi32>, vector<16xi32>], vector<16xf32>,
        %mul3A_561 = arith.constant 32 : i32
        %mul3A_562 = arith.muli %add3A_559, %mul3A_561 : i32
        %swap3A_563 = arith.index_cast %mul3A_562 : i32 to index
        %swap3A_564 = tpu.vector_load %arg22[%swap3A_563] {strides = array<i32>} : memref<16384xf32, #tpu.memory_space<vmem>>, vector<16xf32>,
        tpu.vector_store %arg22[%swap3A_563], %gather3A_560 {strides = array<i32>} : memref<16384xf32, #tpu.memory_space<vmem>>, vector<16xf32>,
        %gather3A_565 = tpu.vector_load_idx %arg11[%add3A_5, %broadcast_in_dim3A_555] : memref<32x128xf32, #tpu.memory_space<vmem>>[vector<16xi32>, vector<16xi32>], vector<16xf32>,
        %mul3A_566 = arith.constant 32 : i32
        %mul3A_567 = arith.muli %add3A_559, %mul3A_566 : i32
        %add3A_568 = arith.constant 16 : i32
        %add3A_569 = arith.addi %mul3A_567, %add3A_568 : i32
        %swap3A_570 = arith.index_cast %add3A_569 : i32 to index
        %swap3A_571 = tpu.vector_load %arg22[%swap3A_570] {strides = array<i32>} : memref<16384xf32, #tpu.memory_space<vmem>>, vector<16xf32>,
        tpu.vector_store %arg22[%swap3A_570], %gather3A_565 {strides = array<i32>} : memref<16384xf32, #tpu.memory_space<vmem>>, vector<16xf32>,
      } else {
      }
      %slice3A_371 = vector.extract_strided_slice %get3A_285 {offsets = [5], sizes = [1], strides = [1]} : vector<16xi32> to vector<1xi32>
      %squeeze3A_372 = vector.extract %slice3A_371[0] : i32 from vector<1xi32>
      %shift_right_arithmetic3A_373 = arith.constant 7 : i32
      %shift_right_arithmetic3A_374 = arith.shrsi %squeeze3A_372, %shift_right_arithmetic3A_373 : i32
      %mul3A_375 = arith.constant 128 : i32
      %mul3A_376 = arith.muli %shift_right_arithmetic3A_374, %mul3A_375 : i32
      %multiple_of3A_377 = tpu.assume_multiple %mul3A_376, 128 : i32
      %dma_start3A_378 = arith.constant 0 : i32
      %dma_start3A_379 = tpu.memref_slice %arg3[%dma_start3A_378, %multiple_of3A_377] : memref<32x1000000xf32, #tpu.memory_space<hbm>> -> memref<32x128xf32, #tpu.memory_space<hbm>>
      %dma_start3A_380 = arith.constant 0 : i32
      %dma_start3A_381 = tpu.memref_slice %arg3[%dma_start3A_380, %multiple_of3A_377] : memref<32x1000000xf32, #tpu.memory_space<hbm>> -> memref<32x128xf32, #tpu.memory_space<hbm>>
      tpu.enqueue_dma source(%dma_start3A_381 : memref<32x128xf32, #tpu.memory_space<hbm>>) target(%arg11 : memref<32x128xf32, #tpu.memory_space<vmem>>) target_semaphore(%arg23 : memref<!tpu.dma_semaphore, #tpu.memory_space<semaphore_mem>>)
      %gt3A_382 = arith.constant 0 : i32
      %gt3A_383 = arith.cmpi sgt, %scan3A_280, %gt3A_382 : i32
      %convert_element_type3A_384 = arith.extui %gt3A_383 : i1 to i32
      %cond3A_385 = arith.constant 0 : i32
      %cond3A_386 = arith.cmpi ne, %convert_element_type3A_384, %cond3A_385 : i32
      scf.if %cond3A_386 {
        %dma_wait3A_543 = arith.constant 0 : i32
        %dma_wait3A_544 = arith.constant 0 : i32
        %dma_wait3A_545 = tpu.memref_slice %arg3[%dma_wait3A_543, %dma_wait3A_544] : memref<32x1000000xf32, #tpu.memory_space<hbm>> -> memref<32x128xf32, #tpu.memory_space<hbm>>
        %dma_wait3A_546 = arith.constant 0 : i32
        %dma_wait3A_547 = arith.constant 0 : i32
        %dma_wait3A_548 = tpu.memref_slice %arg3[%dma_wait3A_546, %dma_wait3A_547] : memref<32x1000000xf32, #tpu.memory_space<hbm>> -> memref<32x128xf32, #tpu.memory_space<hbm>>
        tpu.wait_dma2 semaphore(%arg23 : memref<!tpu.dma_semaphore, #tpu.memory_space<semaphore_mem>>) src(%dma_wait3A_548 : memref<32x128xf32, #tpu.memory_space<hbm>>) dst(%arg12 : memref<32x128xf32, #tpu.memory_space<vmem>>)
        %sub3A_549 = arith.constant 1 : i32
        %sub3A_550 = arith.subi %scan3A_280, %sub3A_549 : i32
        %slice3A_551 = vector.extract_strided_slice %get3A_291 {offsets = [6], sizes = [1], strides = [1]} : vector<16xi32> to vector<1xi32>
        %squeeze3A_552 = vector.extract %slice3A_551[0] : i32 from vector<1xi32>
        %and3A_553 = arith.constant 127 : i32
        %and3A_554 = arith.andi %squeeze3A_552, %and3A_553 : i32
        %broadcast_in_dim3A_555 = vector.broadcast %and3A_554 : i32 to vector<16xi32>
        %mul3A_556 = arith.constant 16 : i32
        %mul3A_557 = arith.muli %sub3A_550, %mul3A_556 : i32
        %add3A_558 = arith.constant 6 : i32
        %add3A_559 = arith.addi %mul3A_557, %add3A_558 : i32
        %gather3A_560 = tpu.vector_load_idx %arg12[%iota3A, %broadcast_in_dim3A_555] : memref<32x128xf32, #tpu.memory_space<vmem>>[vector<16xi32>, vector<16xi32>], vector<16xf32>,
        %mul3A_561 = arith.constant 32 : i32
        %mul3A_562 = arith.muli %add3A_559, %mul3A_561 : i32
        %swap3A_563 = arith.index_cast %mul3A_562 : i32 to index
        %swap3A_564 = tpu.vector_load %arg22[%swap3A_563] {strides = array<i32>} : memref<16384xf32, #tpu.memory_space<vmem>>, vector<16xf32>,
        tpu.vector_store %arg22[%swap3A_563], %gather3A_560 {strides = array<i32>} : memref<16384xf32, #tpu.memory_space<vmem>>, vector<16xf32>,
        %gather3A_565 = tpu.vector_load_idx %arg12[%add3A_5, %broadcast_in_dim3A_555] : memref<32x128xf32, #tpu.memory_space<vmem>>[vector<16xi32>, vector<16xi32>], vector<16xf32>,
        %mul3A_566 = arith.constant 32 : i32
        %mul3A_567 = arith.muli %add3A_559, %mul3A_566 : i32
        %add3A_568 = arith.constant 16 : i32
        %add3A_569 = arith.addi %mul3A_567, %add3A_568 : i32
        %swap3A_570 = arith.index_cast %add3A_569 : i32 to index
        %swap3A_571 = tpu.vector_load %arg22[%swap3A_570] {strides = array<i32>} : memref<16384xf32, #tpu.memory_space<vmem>>, vector<16xf32>,
        tpu.vector_store %arg22[%swap3A_570], %gather3A_565 {strides = array<i32>} : memref<16384xf32, #tpu.memory_space<vmem>>, vector<16xf32>,
      } else {
      }
      %slice3A_387 = vector.extract_strided_slice %get3A_285 {offsets = [6], sizes = [1], strides = [1]} : vector<16xi32> to vector<1xi32>
      %squeeze3A_388 = vector.extract %slice3A_387[0] : i32 from vector<1xi32>
      %shift_right_arithmetic3A_389 = arith.constant 7 : i32
      %shift_right_arithmetic3A_390 = arith.shrsi %squeeze3A_388, %shift_right_arithmetic3A_389 : i32
      %mul3A_391 = arith.constant 128 : i32
      %mul3A_392 = arith.muli %shift_right_arithmetic3A_390, %mul3A_391 : i32
      %multiple_of3A_393 = tpu.assume_multiple %mul3A_392, 128 : i32
      %dma_start3A_394 = arith.constant 0 : i32
      %dma_start3A_395 = tpu.memref_slice %arg3[%dma_start3A_394, %multiple_of3A_393] : memref<32x1000000xf32, #tpu.memory_space<hbm>> -> memref<32x128xf32, #tpu.memory_space<hbm>>
      %dma_start3A_396 = arith.constant 0 : i32
      %dma_start3A_397 = tpu.memref_slice %arg3[%dma_start3A_396, %multiple_of3A_393] : memref<32x1000000xf32, #tpu.memory_space<hbm>> -> memref<32x128xf32, #tpu.memory_space<hbm>>
      tpu.enqueue_dma source(%dma_start3A_397 : memref<32x128xf32, #tpu.memory_space<hbm>>) target(%arg12 : memref<32x128xf32, #tpu.memory_space<vmem>>) target_semaphore(%arg23 : memref<!tpu.dma_semaphore, #tpu.memory_space<semaphore_mem>>)
      %gt3A_398 = arith.constant 0 : i32
      %gt3A_399 = arith.cmpi sgt, %scan3A_280, %gt3A_398 : i32
      %convert_element_type3A_400 = arith.extui %gt3A_399 : i1 to i32
      %cond3A_401 = arith.constant 0 : i32
      %cond3A_402 = arith.cmpi ne, %convert_element_type3A_400, %cond3A_401 : i32
      scf.if %cond3A_402 {
        %dma_wait3A_543 = arith.constant 0 : i32
        %dma_wait3A_544 = arith.constant 0 : i32
        %dma_wait3A_545 = tpu.memref_slice %arg3[%dma_wait3A_543, %dma_wait3A_544] : memref<32x1000000xf32, #tpu.memory_space<hbm>> -> memref<32x128xf32, #tpu.memory_space<hbm>>
        %dma_wait3A_546 = arith.constant 0 : i32
        %dma_wait3A_547 = arith.constant 0 : i32
        %dma_wait3A_548 = tpu.memref_slice %arg3[%dma_wait3A_546, %dma_wait3A_547] : memref<32x1000000xf32, #tpu.memory_space<hbm>> -> memref<32x128xf32, #tpu.memory_space<hbm>>
        tpu.wait_dma2 semaphore(%arg23 : memref<!tpu.dma_semaphore, #tpu.memory_space<semaphore_mem>>) src(%dma_wait3A_548 : memref<32x128xf32, #tpu.memory_space<hbm>>) dst(%arg13 : memref<32x128xf32, #tpu.memory_space<vmem>>)
        %sub3A_549 = arith.constant 1 : i32
        %sub3A_550 = arith.subi %scan3A_280, %sub3A_549 : i32
        %slice3A_551 = vector.extract_strided_slice %get3A_291 {offsets = [7], sizes = [1], strides = [1]} : vector<16xi32> to vector<1xi32>
        %squeeze3A_552 = vector.extract %slice3A_551[0] : i32 from vector<1xi32>
        %and3A_553 = arith.constant 127 : i32
        %and3A_554 = arith.andi %squeeze3A_552, %and3A_553 : i32
        %broadcast_in_dim3A_555 = vector.broadcast %and3A_554 : i32 to vector<16xi32>
        %mul3A_556 = arith.constant 16 : i32
        %mul3A_557 = arith.muli %sub3A_550, %mul3A_556 : i32
        %add3A_558 = arith.constant 7 : i32
        %add3A_559 = arith.addi %mul3A_557, %add3A_558 : i32
        %gather3A_560 = tpu.vector_load_idx %arg13[%iota3A, %broadcast_in_dim3A_555] : memref<32x128xf32, #tpu.memory_space<vmem>>[vector<16xi32>, vector<16xi32>], vector<16xf32>,
        %mul3A_561 = arith.constant 32 : i32
        %mul3A_562 = arith.muli %add3A_559, %mul3A_561 : i32
        %swap3A_563 = arith.index_cast %mul3A_562 : i32 to index
        %swap3A_564 = tpu.vector_load %arg22[%swap3A_563] {strides = array<i32>} : memref<16384xf32, #tpu.memory_space<vmem>>, vector<16xf32>,
        tpu.vector_store %arg22[%swap3A_563], %gather3A_560 {strides = array<i32>} : memref<16384xf32, #tpu.memory_space<vmem>>, vector<16xf32>,
        %gather3A_565 = tpu.vector_load_idx %arg13[%add3A_5, %broadcast_in_dim3A_555] : memref<32x128xf32, #tpu.memory_space<vmem>>[vector<16xi32>, vector<16xi32>], vector<16xf32>,
        %mul3A_566 = arith.constant 32 : i32
        %mul3A_567 = arith.muli %add3A_559, %mul3A_566 : i32
        %add3A_568 = arith.constant 16 : i32
        %add3A_569 = arith.addi %mul3A_567, %add3A_568 : i32
        %swap3A_570 = arith.index_cast %add3A_569 : i32 to index
        %swap3A_571 = tpu.vector_load %arg22[%swap3A_570] {strides = array<i32>} : memref<16384xf32, #tpu.memory_space<vmem>>, vector<16xf32>,
        tpu.vector_store %arg22[%swap3A_570], %gather3A_565 {strides = array<i32>} : memref<16384xf32, #tpu.memory_space<vmem>>, vector<16xf32>,
      } else {
      }
      %slice3A_403 = vector.extract_strided_slice %get3A_285 {offsets = [7], sizes = [1], strides = [1]} : vector<16xi32> to vector<1xi32>
      %squeeze3A_404 = vector.extract %slice3A_403[0] : i32 from vector<1xi32>
      %shift_right_arithmetic3A_405 = arith.constant 7 : i32
      %shift_right_arithmetic3A_406 = arith.shrsi %squeeze3A_404, %shift_right_arithmetic3A_405 : i32
      %mul3A_407 = arith.constant 128 : i32
      %mul3A_408 = arith.muli %shift_right_arithmetic3A_406, %mul3A_407 : i32
      %multiple_of3A_409 = tpu.assume_multiple %mul3A_408, 128 : i32
      %dma_start3A_410 = arith.constant 0 : i32
      %dma_start3A_411 = tpu.memref_slice %arg3[%dma_start3A_410, %multiple_of3A_409] : memref<32x1000000xf32, #tpu.memory_space<hbm>> -> memref<32x128xf32, #tpu.memory_space<hbm>>
      %dma_start3A_412 = arith.constant 0 : i32
      %dma_start3A_413 = tpu.memref_slice %arg3[%dma_start3A_412, %multiple_of3A_409] : memref<32x1000000xf32, #tpu.memory_space<hbm>> -> memref<32x128xf32, #tpu.memory_space<hbm>>
      tpu.enqueue_dma source(%dma_start3A_413 : memref<32x128xf32, #tpu.memory_space<hbm>>) target(%arg13 : memref<32x128xf32, #tpu.memory_space<vmem>>) target_semaphore(%arg23 : memref<!tpu.dma_semaphore, #tpu.memory_space<semaphore_mem>>)
      %gt3A_414 = arith.constant 0 : i32
      %gt3A_415 = arith.cmpi sgt, %scan3A_280, %gt3A_414 : i32
      %convert_element_type3A_416 = arith.extui %gt3A_415 : i1 to i32
      %cond3A_417 = arith.constant 0 : i32
      %cond3A_418 = arith.cmpi ne, %convert_element_type3A_416, %cond3A_417 : i32
      scf.if %cond3A_418 {
        %dma_wait3A_543 = arith.constant 0 : i32
        %dma_wait3A_544 = arith.constant 0 : i32
        %dma_wait3A_545 = tpu.memref_slice %arg3[%dma_wait3A_543, %dma_wait3A_544] : memref<32x1000000xf32, #tpu.memory_space<hbm>> -> memref<32x128xf32, #tpu.memory_space<hbm>>
        %dma_wait3A_546 = arith.constant 0 : i32
        %dma_wait3A_547 = arith.constant 0 : i32
        %dma_wait3A_548 = tpu.memref_slice %arg3[%dma_wait3A_546, %dma_wait3A_547] : memref<32x1000000xf32, #tpu.memory_space<hbm>> -> memref<32x128xf32, #tpu.memory_space<hbm>>
        tpu.wait_dma2 semaphore(%arg23 : memref<!tpu.dma_semaphore, #tpu.memory_space<semaphore_mem>>) src(%dma_wait3A_548 : memref<32x128xf32, #tpu.memory_space<hbm>>) dst(%arg14 : memref<32x128xf32, #tpu.memory_space<vmem>>)
        %sub3A_549 = arith.constant 1 : i32
        %sub3A_550 = arith.subi %scan3A_280, %sub3A_549 : i32
        %slice3A_551 = vector.extract_strided_slice %get3A_291 {offsets = [8], sizes = [1], strides = [1]} : vector<16xi32> to vector<1xi32>
        %squeeze3A_552 = vector.extract %slice3A_551[0] : i32 from vector<1xi32>
        %and3A_553 = arith.constant 127 : i32
        %and3A_554 = arith.andi %squeeze3A_552, %and3A_553 : i32
        %broadcast_in_dim3A_555 = vector.broadcast %and3A_554 : i32 to vector<16xi32>
        %mul3A_556 = arith.constant 16 : i32
        %mul3A_557 = arith.muli %sub3A_550, %mul3A_556 : i32
        %add3A_558 = arith.constant 8 : i32
        %add3A_559 = arith.addi %mul3A_557, %add3A_558 : i32
        %gather3A_560 = tpu.vector_load_idx %arg14[%iota3A, %broadcast_in_dim3A_555] : memref<32x128xf32, #tpu.memory_space<vmem>>[vector<16xi32>, vector<16xi32>], vector<16xf32>,
        %mul3A_561 = arith.constant 32 : i32
        %mul3A_562 = arith.muli %add3A_559, %mul3A_561 : i32
        %swap3A_563 = arith.index_cast %mul3A_562 : i32 to index
        %swap3A_564 = tpu.vector_load %arg22[%swap3A_563] {strides = array<i32>} : memref<16384xf32, #tpu.memory_space<vmem>>, vector<16xf32>,
        tpu.vector_store %arg22[%swap3A_563], %gather3A_560 {strides = array<i32>} : memref<16384xf32, #tpu.memory_space<vmem>>, vector<16xf32>,
        %gather3A_565 = tpu.vector_load_idx %arg14[%add3A_5, %broadcast_in_dim3A_555] : memref<32x128xf32, #tpu.memory_space<vmem>>[vector<16xi32>, vector<16xi32>], vector<16xf32>,
        %mul3A_566 = arith.constant 32 : i32
        %mul3A_567 = arith.muli %add3A_559, %mul3A_566 : i32
        %add3A_568 = arith.constant 16 : i32
        %add3A_569 = arith.addi %mul3A_567, %add3A_568 : i32
        %swap3A_570 = arith.index_cast %add3A_569 : i32 to index
        %swap3A_571 = tpu.vector_load %arg22[%swap3A_570] {strides = array<i32>} : memref<16384xf32, #tpu.memory_space<vmem>>, vector<16xf32>,
        tpu.vector_store %arg22[%swap3A_570], %gather3A_565 {strides = array<i32>} : memref<16384xf32, #tpu.memory_space<vmem>>, vector<16xf32>,
      } else {
      }
      %slice3A_419 = vector.extract_strided_slice %get3A_285 {offsets = [8], sizes = [1], strides = [1]} : vector<16xi32> to vector<1xi32>
      %squeeze3A_420 = vector.extract %slice3A_419[0] : i32 from vector<1xi32>
      %shift_right_arithmetic3A_421 = arith.constant 7 : i32
      %shift_right_arithmetic3A_422 = arith.shrsi %squeeze3A_420, %shift_right_arithmetic3A_421 : i32
      %mul3A_423 = arith.constant 128 : i32
      %mul3A_424 = arith.muli %shift_right_arithmetic3A_422, %mul3A_423 : i32
      %multiple_of3A_425 = tpu.assume_multiple %mul3A_424, 128 : i32
      %dma_start3A_426 = arith.constant 0 : i32
      %dma_start3A_427 = tpu.memref_slice %arg3[%dma_start3A_426, %multiple_of3A_425] : memref<32x1000000xf32, #tpu.memory_space<hbm>> -> memref<32x128xf32, #tpu.memory_space<hbm>>
      %dma_start3A_428 = arith.constant 0 : i32
      %dma_start3A_429 = tpu.memref_slice %arg3[%dma_start3A_428, %multiple_of3A_425] : memref<32x1000000xf32, #tpu.memory_space<hbm>> -> memref<32x128xf32, #tpu.memory_space<hbm>>
      tpu.enqueue_dma source(%dma_start3A_429 : memref<32x128xf32, #tpu.memory_space<hbm>>) target(%arg14 : memref<32x128xf32, #tpu.memory_space<vmem>>) target_semaphore(%arg23 : memref<!tpu.dma_semaphore, #tpu.memory_space<semaphore_mem>>)
      %gt3A_430 = arith.constant 0 : i32
      %gt3A_431 = arith.cmpi sgt, %scan3A_280, %gt3A_430 : i32
      %convert_element_type3A_432 = arith.extui %gt3A_431 : i1 to i32
      %cond3A_433 = arith.constant 0 : i32
      %cond3A_434 = arith.cmpi ne, %convert_element_type3A_432, %cond3A_433 : i32
      scf.if %cond3A_434 {
        %dma_wait3A_543 = arith.constant 0 : i32
        %dma_wait3A_544 = arith.constant 0 : i32
        %dma_wait3A_545 = tpu.memref_slice %arg3[%dma_wait3A_543, %dma_wait3A_544] : memref<32x1000000xf32, #tpu.memory_space<hbm>> -> memref<32x128xf32, #tpu.memory_space<hbm>>
        %dma_wait3A_546 = arith.constant 0 : i32
        %dma_wait3A_547 = arith.constant 0 : i32
        %dma_wait3A_548 = tpu.memref_slice %arg3[%dma_wait3A_546, %dma_wait3A_547] : memref<32x1000000xf32, #tpu.memory_space<hbm>> -> memref<32x128xf32, #tpu.memory_space<hbm>>
        tpu.wait_dma2 semaphore(%arg23 : memref<!tpu.dma_semaphore, #tpu.memory_space<semaphore_mem>>) src(%dma_wait3A_548 : memref<32x128xf32, #tpu.memory_space<hbm>>) dst(%arg15 : memref<32x128xf32, #tpu.memory_space<vmem>>)
        %sub3A_549 = arith.constant 1 : i32
        %sub3A_550 = arith.subi %scan3A_280, %sub3A_549 : i32
        %slice3A_551 = vector.extract_strided_slice %get3A_291 {offsets = [9], sizes = [1], strides = [1]} : vector<16xi32> to vector<1xi32>
        %squeeze3A_552 = vector.extract %slice3A_551[0] : i32 from vector<1xi32>
        %and3A_553 = arith.constant 127 : i32
        %and3A_554 = arith.andi %squeeze3A_552, %and3A_553 : i32
        %broadcast_in_dim3A_555 = vector.broadcast %and3A_554 : i32 to vector<16xi32>
        %mul3A_556 = arith.constant 16 : i32
        %mul3A_557 = arith.muli %sub3A_550, %mul3A_556 : i32
        %add3A_558 = arith.constant 9 : i32
        %add3A_559 = arith.addi %mul3A_557, %add3A_558 : i32
        %gather3A_560 = tpu.vector_load_idx %arg15[%iota3A, %broadcast_in_dim3A_555] : memref<32x128xf32, #tpu.memory_space<vmem>>[vector<16xi32>, vector<16xi32>], vector<16xf32>,
        %mul3A_561 = arith.constant 32 : i32
        %mul3A_562 = arith.muli %add3A_559, %mul3A_561 : i32
        %swap3A_563 = arith.index_cast %mul3A_562 : i32 to index
        %swap3A_564 = tpu.vector_load %arg22[%swap3A_563] {strides = array<i32>} : memref<16384xf32, #tpu.memory_space<vmem>>, vector<16xf32>,
        tpu.vector_store %arg22[%swap3A_563], %gather3A_560 {strides = array<i32>} : memref<16384xf32, #tpu.memory_space<vmem>>, vector<16xf32>,
        %gather3A_565 = tpu.vector_load_idx %arg15[%add3A_5, %broadcast_in_dim3A_555] : memref<32x128xf32, #tpu.memory_space<vmem>>[vector<16xi32>, vector<16xi32>], vector<16xf32>,
        %mul3A_566 = arith.constant 32 : i32
        %mul3A_567 = arith.muli %add3A_559, %mul3A_566 : i32
        %add3A_568 = arith.constant 16 : i32
        %add3A_569 = arith.addi %mul3A_567, %add3A_568 : i32
        %swap3A_570 = arith.index_cast %add3A_569 : i32 to index
        %swap3A_571 = tpu.vector_load %arg22[%swap3A_570] {strides = array<i32>} : memref<16384xf32, #tpu.memory_space<vmem>>, vector<16xf32>,
        tpu.vector_store %arg22[%swap3A_570], %gather3A_565 {strides = array<i32>} : memref<16384xf32, #tpu.memory_space<vmem>>, vector<16xf32>,
      } else {
      }
      %slice3A_435 = vector.extract_strided_slice %get3A_285 {offsets = [9], sizes = [1], strides = [1]} : vector<16xi32> to vector<1xi32>
      %squeeze3A_436 = vector.extract %slice3A_435[0] : i32 from vector<1xi32>
      %shift_right_arithmetic3A_437 = arith.constant 7 : i32
      %shift_right_arithmetic3A_438 = arith.shrsi %squeeze3A_436, %shift_right_arithmetic3A_437 : i32
      %mul3A_439 = arith.constant 128 : i32
      %mul3A_440 = arith.muli %shift_right_arithmetic3A_438, %mul3A_439 : i32
      %multiple_of3A_441 = tpu.assume_multiple %mul3A_440, 128 : i32
      %dma_start3A_442 = arith.constant 0 : i32
      %dma_start3A_443 = tpu.memref_slice %arg3[%dma_start3A_442, %multiple_of3A_441] : memref<32x1000000xf32, #tpu.memory_space<hbm>> -> memref<32x128xf32, #tpu.memory_space<hbm>>
      %dma_start3A_444 = arith.constant 0 : i32
      %dma_start3A_445 = tpu.memref_slice %arg3[%dma_start3A_444, %multiple_of3A_441] : memref<32x1000000xf32, #tpu.memory_space<hbm>> -> memref<32x128xf32, #tpu.memory_space<hbm>>
      tpu.enqueue_dma source(%dma_start3A_445 : memref<32x128xf32, #tpu.memory_space<hbm>>) target(%arg15 : memref<32x128xf32, #tpu.memory_space<vmem>>) target_semaphore(%arg23 : memref<!tpu.dma_semaphore, #tpu.memory_space<semaphore_mem>>)
      %gt3A_446 = arith.constant 0 : i32
      %gt3A_447 = arith.cmpi sgt, %scan3A_280, %gt3A_446 : i32
      %convert_element_type3A_448 = arith.extui %gt3A_447 : i1 to i32
      %cond3A_449 = arith.constant 0 : i32
      %cond3A_450 = arith.cmpi ne, %convert_element_type3A_448, %cond3A_449 : i32
      scf.if %cond3A_450 {
        %dma_wait3A_543 = arith.constant 0 : i32
        %dma_wait3A_544 = arith.constant 0 : i32
        %dma_wait3A_545 = tpu.memref_slice %arg3[%dma_wait3A_543, %dma_wait3A_544] : memref<32x1000000xf32, #tpu.memory_space<hbm>> -> memref<32x128xf32, #tpu.memory_space<hbm>>
        %dma_wait3A_546 = arith.constant 0 : i32
        %dma_wait3A_547 = arith.constant 0 : i32
        %dma_wait3A_548 = tpu.memref_slice %arg3[%dma_wait3A_546, %dma_wait3A_547] : memref<32x1000000xf32, #tpu.memory_space<hbm>> -> memref<32x128xf32, #tpu.memory_space<hbm>>
        tpu.wait_dma2 semaphore(%arg23 : memref<!tpu.dma_semaphore, #tpu.memory_space<semaphore_mem>>) src(%dma_wait3A_548 : memref<32x128xf32, #tpu.memory_space<hbm>>) dst(%arg16 : memref<32x128xf32, #tpu.memory_space<vmem>>)
        %sub3A_549 = arith.constant 1 : i32
        %sub3A_550 = arith.subi %scan3A_280, %sub3A_549 : i32
        %slice3A_551 = vector.extract_strided_slice %get3A_291 {offsets = [10], sizes = [1], strides = [1]} : vector<16xi32> to vector<1xi32>
        %squeeze3A_552 = vector.extract %slice3A_551[0] : i32 from vector<1xi32>
        %and3A_553 = arith.constant 127 : i32
        %and3A_554 = arith.andi %squeeze3A_552, %and3A_553 : i32
        %broadcast_in_dim3A_555 = vector.broadcast %and3A_554 : i32 to vector<16xi32>
        %mul3A_556 = arith.constant 16 : i32
        %mul3A_557 = arith.muli %sub3A_550, %mul3A_556 : i32
        %add3A_558 = arith.constant 10 : i32
        %add3A_559 = arith.addi %mul3A_557, %add3A_558 : i32
        %gather3A_560 = tpu.vector_load_idx %arg16[%iota3A, %broadcast_in_dim3A_555] : memref<32x128xf32, #tpu.memory_space<vmem>>[vector<16xi32>, vector<16xi32>], vector<16xf32>,
        %mul3A_561 = arith.constant 32 : i32
        %mul3A_562 = arith.muli %add3A_559, %mul3A_561 : i32
        %swap3A_563 = arith.index_cast %mul3A_562 : i32 to index
        %swap3A_564 = tpu.vector_load %arg22[%swap3A_563] {strides = array<i32>} : memref<16384xf32, #tpu.memory_space<vmem>>, vector<16xf32>,
        tpu.vector_store %arg22[%swap3A_563], %gather3A_560 {strides = array<i32>} : memref<16384xf32, #tpu.memory_space<vmem>>, vector<16xf32>,
        %gather3A_565 = tpu.vector_load_idx %arg16[%add3A_5, %broadcast_in_dim3A_555] : memref<32x128xf32, #tpu.memory_space<vmem>>[vector<16xi32>, vector<16xi32>], vector<16xf32>,
        %mul3A_566 = arith.constant 32 : i32
        %mul3A_567 = arith.muli %add3A_559, %mul3A_566 : i32
        %add3A_568 = arith.constant 16 : i32
        %add3A_569 = arith.addi %mul3A_567, %add3A_568 : i32
        %swap3A_570 = arith.index_cast %add3A_569 : i32 to index
        %swap3A_571 = tpu.vector_load %arg22[%swap3A_570] {strides = array<i32>} : memref<16384xf32, #tpu.memory_space<vmem>>, vector<16xf32>,
        tpu.vector_store %arg22[%swap3A_570], %gather3A_565 {strides = array<i32>} : memref<16384xf32, #tpu.memory_space<vmem>>, vector<16xf32>,
      } else {
      }
      %slice3A_451 = vector.extract_strided_slice %get3A_285 {offsets = [10], sizes = [1], strides = [1]} : vector<16xi32> to vector<1xi32>
      %squeeze3A_452 = vector.extract %slice3A_451[0] : i32 from vector<1xi32>
      %shift_right_arithmetic3A_453 = arith.constant 7 : i32
      %shift_right_arithmetic3A_454 = arith.shrsi %squeeze3A_452, %shift_right_arithmetic3A_453 : i32
      %mul3A_455 = arith.constant 128 : i32
      %mul3A_456 = arith.muli %shift_right_arithmetic3A_454, %mul3A_455 : i32
      %multiple_of3A_457 = tpu.assume_multiple %mul3A_456, 128 : i32
      %dma_start3A_458 = arith.constant 0 : i32
      %dma_start3A_459 = tpu.memref_slice %arg3[%dma_start3A_458, %multiple_of3A_457] : memref<32x1000000xf32, #tpu.memory_space<hbm>> -> memref<32x128xf32, #tpu.memory_space<hbm>>
      %dma_start3A_460 = arith.constant 0 : i32
      %dma_start3A_461 = tpu.memref_slice %arg3[%dma_start3A_460, %multiple_of3A_457] : memref<32x1000000xf32, #tpu.memory_space<hbm>> -> memref<32x128xf32, #tpu.memory_space<hbm>>
      tpu.enqueue_dma source(%dma_start3A_461 : memref<32x128xf32, #tpu.memory_space<hbm>>) target(%arg16 : memref<32x128xf32, #tpu.memory_space<vmem>>) target_semaphore(%arg23 : memref<!tpu.dma_semaphore, #tpu.memory_space<semaphore_mem>>)
      %gt3A_462 = arith.constant 0 : i32
      %gt3A_463 = arith.cmpi sgt, %scan3A_280, %gt3A_462 : i32
      %convert_element_type3A_464 = arith.extui %gt3A_463 : i1 to i32
      %cond3A_465 = arith.constant 0 : i32
      %cond3A_466 = arith.cmpi ne, %convert_element_type3A_464, %cond3A_465 : i32
      scf.if %cond3A_466 {
        %dma_wait3A_543 = arith.constant 0 : i32
        %dma_wait3A_544 = arith.constant 0 : i32
        %dma_wait3A_545 = tpu.memref_slice %arg3[%dma_wait3A_543, %dma_wait3A_544] : memref<32x1000000xf32, #tpu.memory_space<hbm>> -> memref<32x128xf32, #tpu.memory_space<hbm>>
        %dma_wait3A_546 = arith.constant 0 : i32
        %dma_wait3A_547 = arith.constant 0 : i32
        %dma_wait3A_548 = tpu.memref_slice %arg3[%dma_wait3A_546, %dma_wait3A_547] : memref<32x1000000xf32, #tpu.memory_space<hbm>> -> memref<32x128xf32, #tpu.memory_space<hbm>>
        tpu.wait_dma2 semaphore(%arg23 : memref<!tpu.dma_semaphore, #tpu.memory_space<semaphore_mem>>) src(%dma_wait3A_548 : memref<32x128xf32, #tpu.memory_space<hbm>>) dst(%arg17 : memref<32x128xf32, #tpu.memory_space<vmem>>)
        %sub3A_549 = arith.constant 1 : i32
        %sub3A_550 = arith.subi %scan3A_280, %sub3A_549 : i32
        %slice3A_551 = vector.extract_strided_slice %get3A_291 {offsets = [11], sizes = [1], strides = [1]} : vector<16xi32> to vector<1xi32>
        %squeeze3A_552 = vector.extract %slice3A_551[0] : i32 from vector<1xi32>
        %and3A_553 = arith.constant 127 : i32
        %and3A_554 = arith.andi %squeeze3A_552, %and3A_553 : i32
        %broadcast_in_dim3A_555 = vector.broadcast %and3A_554 : i32 to vector<16xi32>
        %mul3A_556 = arith.constant 16 : i32
        %mul3A_557 = arith.muli %sub3A_550, %mul3A_556 : i32
        %add3A_558 = arith.constant 11 : i32
        %add3A_559 = arith.addi %mul3A_557, %add3A_558 : i32
        %gather3A_560 = tpu.vector_load_idx %arg17[%iota3A, %broadcast_in_dim3A_555] : memref<32x128xf32, #tpu.memory_space<vmem>>[vector<16xi32>, vector<16xi32>], vector<16xf32>,
        %mul3A_561 = arith.constant 32 : i32
        %mul3A_562 = arith.muli %add3A_559, %mul3A_561 : i32
        %swap3A_563 = arith.index_cast %mul3A_562 : i32 to index
        %swap3A_564 = tpu.vector_load %arg22[%swap3A_563] {strides = array<i32>} : memref<16384xf32, #tpu.memory_space<vmem>>, vector<16xf32>,
        tpu.vector_store %arg22[%swap3A_563], %gather3A_560 {strides = array<i32>} : memref<16384xf32, #tpu.memory_space<vmem>>, vector<16xf32>,
        %gather3A_565 = tpu.vector_load_idx %arg17[%add3A_5, %broadcast_in_dim3A_555] : memref<32x128xf32, #tpu.memory_space<vmem>>[vector<16xi32>, vector<16xi32>], vector<16xf32>,
        %mul3A_566 = arith.constant 32 : i32
        %mul3A_567 = arith.muli %add3A_559, %mul3A_566 : i32
        %add3A_568 = arith.constant 16 : i32
        %add3A_569 = arith.addi %mul3A_567, %add3A_568 : i32
        %swap3A_570 = arith.index_cast %add3A_569 : i32 to index
        %swap3A_571 = tpu.vector_load %arg22[%swap3A_570] {strides = array<i32>} : memref<16384xf32, #tpu.memory_space<vmem>>, vector<16xf32>,
        tpu.vector_store %arg22[%swap3A_570], %gather3A_565 {strides = array<i32>} : memref<16384xf32, #tpu.memory_space<vmem>>, vector<16xf32>,
      } else {
      }
      %slice3A_467 = vector.extract_strided_slice %get3A_285 {offsets = [11], sizes = [1], strides = [1]} : vector<16xi32> to vector<1xi32>
      %squeeze3A_468 = vector.extract %slice3A_467[0] : i32 from vector<1xi32>
      %shift_right_arithmetic3A_469 = arith.constant 7 : i32
      %shift_right_arithmetic3A_470 = arith.shrsi %squeeze3A_468, %shift_right_arithmetic3A_469 : i32
      %mul3A_471 = arith.constant 128 : i32
      %mul3A_472 = arith.muli %shift_right_arithmetic3A_470, %mul3A_471 : i32
      %multiple_of3A_473 = tpu.assume_multiple %mul3A_472, 128 : i32
      %dma_start3A_474 = arith.constant 0 : i32
      %dma_start3A_475 = tpu.memref_slice %arg3[%dma_start3A_474, %multiple_of3A_473] : memref<32x1000000xf32, #tpu.memory_space<hbm>> -> memref<32x128xf32, #tpu.memory_space<hbm>>
      %dma_start3A_476 = arith.constant 0 : i32
      %dma_start3A_477 = tpu.memref_slice %arg3[%dma_start3A_476, %multiple_of3A_473] : memref<32x1000000xf32, #tpu.memory_space<hbm>> -> memref<32x128xf32, #tpu.memory_space<hbm>>
      tpu.enqueue_dma source(%dma_start3A_477 : memref<32x128xf32, #tpu.memory_space<hbm>>) target(%arg17 : memref<32x128xf32, #tpu.memory_space<vmem>>) target_semaphore(%arg23 : memref<!tpu.dma_semaphore, #tpu.memory_space<semaphore_mem>>)
      %gt3A_478 = arith.constant 0 : i32
      %gt3A_479 = arith.cmpi sgt, %scan3A_280, %gt3A_478 : i32
      %convert_element_type3A_480 = arith.extui %gt3A_479 : i1 to i32
      %cond3A_481 = arith.constant 0 : i32
      %cond3A_482 = arith.cmpi ne, %convert_element_type3A_480, %cond3A_481 : i32
      scf.if %cond3A_482 {
        %dma_wait3A_543 = arith.constant 0 : i32
        %dma_wait3A_544 = arith.constant 0 : i32
        %dma_wait3A_545 = tpu.memref_slice %arg3[%dma_wait3A_543, %dma_wait3A_544] : memref<32x1000000xf32, #tpu.memory_space<hbm>> -> memref<32x128xf32, #tpu.memory_space<hbm>>
        %dma_wait3A_546 = arith.constant 0 : i32
        %dma_wait3A_547 = arith.constant 0 : i32
        %dma_wait3A_548 = tpu.memref_slice %arg3[%dma_wait3A_546, %dma_wait3A_547] : memref<32x1000000xf32, #tpu.memory_space<hbm>> -> memref<32x128xf32, #tpu.memory_space<hbm>>
        tpu.wait_dma2 semaphore(%arg23 : memref<!tpu.dma_semaphore, #tpu.memory_space<semaphore_mem>>) src(%dma_wait3A_548 : memref<32x128xf32, #tpu.memory_space<hbm>>) dst(%arg18 : memref<32x128xf32, #tpu.memory_space<vmem>>)
        %sub3A_549 = arith.constant 1 : i32
        %sub3A_550 = arith.subi %scan3A_280, %sub3A_549 : i32
        %slice3A_551 = vector.extract_strided_slice %get3A_291 {offsets = [12], sizes = [1], strides = [1]} : vector<16xi32> to vector<1xi32>
        %squeeze3A_552 = vector.extract %slice3A_551[0] : i32 from vector<1xi32>
        %and3A_553 = arith.constant 127 : i32
        %and3A_554 = arith.andi %squeeze3A_552, %and3A_553 : i32
        %broadcast_in_dim3A_555 = vector.broadcast %and3A_554 : i32 to vector<16xi32>
        %mul3A_556 = arith.constant 16 : i32
        %mul3A_557 = arith.muli %sub3A_550, %mul3A_556 : i32
        %add3A_558 = arith.constant 12 : i32
        %add3A_559 = arith.addi %mul3A_557, %add3A_558 : i32
        %gather3A_560 = tpu.vector_load_idx %arg18[%iota3A, %broadcast_in_dim3A_555] : memref<32x128xf32, #tpu.memory_space<vmem>>[vector<16xi32>, vector<16xi32>], vector<16xf32>,
        %mul3A_561 = arith.constant 32 : i32
        %mul3A_562 = arith.muli %add3A_559, %mul3A_561 : i32
        %swap3A_563 = arith.index_cast %mul3A_562 : i32 to index
        %swap3A_564 = tpu.vector_load %arg22[%swap3A_563] {strides = array<i32>} : memref<16384xf32, #tpu.memory_space<vmem>>, vector<16xf32>,
        tpu.vector_store %arg22[%swap3A_563], %gather3A_560 {strides = array<i32>} : memref<16384xf32, #tpu.memory_space<vmem>>, vector<16xf32>,
        %gather3A_565 = tpu.vector_load_idx %arg18[%add3A_5, %broadcast_in_dim3A_555] : memref<32x128xf32, #tpu.memory_space<vmem>>[vector<16xi32>, vector<16xi32>], vector<16xf32>,
        %mul3A_566 = arith.constant 32 : i32
        %mul3A_567 = arith.muli %add3A_559, %mul3A_566 : i32
        %add3A_568 = arith.constant 16 : i32
        %add3A_569 = arith.addi %mul3A_567, %add3A_568 : i32
        %swap3A_570 = arith.index_cast %add3A_569 : i32 to index
        %swap3A_571 = tpu.vector_load %arg22[%swap3A_570] {strides = array<i32>} : memref<16384xf32, #tpu.memory_space<vmem>>, vector<16xf32>,
        tpu.vector_store %arg22[%swap3A_570], %gather3A_565 {strides = array<i32>} : memref<16384xf32, #tpu.memory_space<vmem>>, vector<16xf32>,
      } else {
      }
      %slice3A_483 = vector.extract_strided_slice %get3A_285 {offsets = [12], sizes = [1], strides = [1]} : vector<16xi32> to vector<1xi32>
      %squeeze3A_484 = vector.extract %slice3A_483[0] : i32 from vector<1xi32>
      %shift_right_arithmetic3A_485 = arith.constant 7 : i32
      %shift_right_arithmetic3A_486 = arith.shrsi %squeeze3A_484, %shift_right_arithmetic3A_485 : i32
      %mul3A_487 = arith.constant 128 : i32
      %mul3A_488 = arith.muli %shift_right_arithmetic3A_486, %mul3A_487 : i32
      %multiple_of3A_489 = tpu.assume_multiple %mul3A_488, 128 : i32
      %dma_start3A_490 = arith.constant 0 : i32
      %dma_start3A_491 = tpu.memref_slice %arg3[%dma_start3A_490, %multiple_of3A_489] : memref<32x1000000xf32, #tpu.memory_space<hbm>> -> memref<32x128xf32, #tpu.memory_space<hbm>>
      %dma_start3A_492 = arith.constant 0 : i32
      %dma_start3A_493 = tpu.memref_slice %arg3[%dma_start3A_492, %multiple_of3A_489] : memref<32x1000000xf32, #tpu.memory_space<hbm>> -> memref<32x128xf32, #tpu.memory_space<hbm>>
      tpu.enqueue_dma source(%dma_start3A_493 : memref<32x128xf32, #tpu.memory_space<hbm>>) target(%arg18 : memref<32x128xf32, #tpu.memory_space<vmem>>) target_semaphore(%arg23 : memref<!tpu.dma_semaphore, #tpu.memory_space<semaphore_mem>>)
      %gt3A_494 = arith.constant 0 : i32
      %gt3A_495 = arith.cmpi sgt, %scan3A_280, %gt3A_494 : i32
      %convert_element_type3A_496 = arith.extui %gt3A_495 : i1 to i32
      %cond3A_497 = arith.constant 0 : i32
      %cond3A_498 = arith.cmpi ne, %convert_element_type3A_496, %cond3A_497 : i32
      scf.if %cond3A_498 {
        %dma_wait3A_543 = arith.constant 0 : i32
        %dma_wait3A_544 = arith.constant 0 : i32
        %dma_wait3A_545 = tpu.memref_slice %arg3[%dma_wait3A_543, %dma_wait3A_544] : memref<32x1000000xf32, #tpu.memory_space<hbm>> -> memref<32x128xf32, #tpu.memory_space<hbm>>
        %dma_wait3A_546 = arith.constant 0 : i32
        %dma_wait3A_547 = arith.constant 0 : i32
        %dma_wait3A_548 = tpu.memref_slice %arg3[%dma_wait3A_546, %dma_wait3A_547] : memref<32x1000000xf32, #tpu.memory_space<hbm>> -> memref<32x128xf32, #tpu.memory_space<hbm>>
        tpu.wait_dma2 semaphore(%arg23 : memref<!tpu.dma_semaphore, #tpu.memory_space<semaphore_mem>>) src(%dma_wait3A_548 : memref<32x128xf32, #tpu.memory_space<hbm>>) dst(%arg19 : memref<32x128xf32, #tpu.memory_space<vmem>>)
        %sub3A_549 = arith.constant 1 : i32
        %sub3A_550 = arith.subi %scan3A_280, %sub3A_549 : i32
        %slice3A_551 = vector.extract_strided_slice %get3A_291 {offsets = [13], sizes = [1], strides = [1]} : vector<16xi32> to vector<1xi32>
        %squeeze3A_552 = vector.extract %slice3A_551[0] : i32 from vector<1xi32>
        %and3A_553 = arith.constant 127 : i32
        %and3A_554 = arith.andi %squeeze3A_552, %and3A_553 : i32
        %broadcast_in_dim3A_555 = vector.broadcast %and3A_554 : i32 to vector<16xi32>
        %mul3A_556 = arith.constant 16 : i32
        %mul3A_557 = arith.muli %sub3A_550, %mul3A_556 : i32
        %add3A_558 = arith.constant 13 : i32
        %add3A_559 = arith.addi %mul3A_557, %add3A_558 : i32
        %gather3A_560 = tpu.vector_load_idx %arg19[%iota3A, %broadcast_in_dim3A_555] : memref<32x128xf32, #tpu.memory_space<vmem>>[vector<16xi32>, vector<16xi32>], vector<16xf32>,
        %mul3A_561 = arith.constant 32 : i32
        %mul3A_562 = arith.muli %add3A_559, %mul3A_561 : i32
        %swap3A_563 = arith.index_cast %mul3A_562 : i32 to index
        %swap3A_564 = tpu.vector_load %arg22[%swap3A_563] {strides = array<i32>} : memref<16384xf32, #tpu.memory_space<vmem>>, vector<16xf32>,
        tpu.vector_store %arg22[%swap3A_563], %gather3A_560 {strides = array<i32>} : memref<16384xf32, #tpu.memory_space<vmem>>, vector<16xf32>,
        %gather3A_565 = tpu.vector_load_idx %arg19[%add3A_5, %broadcast_in_dim3A_555] : memref<32x128xf32, #tpu.memory_space<vmem>>[vector<16xi32>, vector<16xi32>], vector<16xf32>,
        %mul3A_566 = arith.constant 32 : i32
        %mul3A_567 = arith.muli %add3A_559, %mul3A_566 : i32
        %add3A_568 = arith.constant 16 : i32
        %add3A_569 = arith.addi %mul3A_567, %add3A_568 : i32
        %swap3A_570 = arith.index_cast %add3A_569 : i32 to index
        %swap3A_571 = tpu.vector_load %arg22[%swap3A_570] {strides = array<i32>} : memref<16384xf32, #tpu.memory_space<vmem>>, vector<16xf32>,
        tpu.vector_store %arg22[%swap3A_570], %gather3A_565 {strides = array<i32>} : memref<16384xf32, #tpu.memory_space<vmem>>, vector<16xf32>,
      } else {
      }
      %slice3A_499 = vector.extract_strided_slice %get3A_285 {offsets = [13], sizes = [1], strides = [1]} : vector<16xi32> to vector<1xi32>
      %squeeze3A_500 = vector.extract %slice3A_499[0] : i32 from vector<1xi32>
      %shift_right_arithmetic3A_501 = arith.constant 7 : i32
      %shift_right_arithmetic3A_502 = arith.shrsi %squeeze3A_500, %shift_right_arithmetic3A_501 : i32
      %mul3A_503 = arith.constant 128 : i32
      %mul3A_504 = arith.muli %shift_right_arithmetic3A_502, %mul3A_503 : i32
      %multiple_of3A_505 = tpu.assume_multiple %mul3A_504, 128 : i32
      %dma_start3A_506 = arith.constant 0 : i32
      %dma_start3A_507 = tpu.memref_slice %arg3[%dma_start3A_506, %multiple_of3A_505] : memref<32x1000000xf32, #tpu.memory_space<hbm>> -> memref<32x128xf32, #tpu.memory_space<hbm>>
      %dma_start3A_508 = arith.constant 0 : i32
      %dma_start3A_509 = tpu.memref_slice %arg3[%dma_start3A_508, %multiple_of3A_505] : memref<32x1000000xf32, #tpu.memory_space<hbm>> -> memref<32x128xf32, #tpu.memory_space<hbm>>
      tpu.enqueue_dma source(%dma_start3A_509 : memref<32x128xf32, #tpu.memory_space<hbm>>) target(%arg19 : memref<32x128xf32, #tpu.memory_space<vmem>>) target_semaphore(%arg23 : memref<!tpu.dma_semaphore, #tpu.memory_space<semaphore_mem>>)
      %gt3A_510 = arith.constant 0 : i32
      %gt3A_511 = arith.cmpi sgt, %scan3A_280, %gt3A_510 : i32
      %convert_element_type3A_512 = arith.extui %gt3A_511 : i1 to i32
      %cond3A_513 = arith.constant 0 : i32
      %cond3A_514 = arith.cmpi ne, %convert_element_type3A_512, %cond3A_513 : i32
      scf.if %cond3A_514 {
        %dma_wait3A_543 = arith.constant 0 : i32
        %dma_wait3A_544 = arith.constant 0 : i32
        %dma_wait3A_545 = tpu.memref_slice %arg3[%dma_wait3A_543, %dma_wait3A_544] : memref<32x1000000xf32, #tpu.memory_space<hbm>> -> memref<32x128xf32, #tpu.memory_space<hbm>>
        %dma_wait3A_546 = arith.constant 0 : i32
        %dma_wait3A_547 = arith.constant 0 : i32
        %dma_wait3A_548 = tpu.memref_slice %arg3[%dma_wait3A_546, %dma_wait3A_547] : memref<32x1000000xf32, #tpu.memory_space<hbm>> -> memref<32x128xf32, #tpu.memory_space<hbm>>
        tpu.wait_dma2 semaphore(%arg23 : memref<!tpu.dma_semaphore, #tpu.memory_space<semaphore_mem>>) src(%dma_wait3A_548 : memref<32x128xf32, #tpu.memory_space<hbm>>) dst(%arg20 : memref<32x128xf32, #tpu.memory_space<vmem>>)
        %sub3A_549 = arith.constant 1 : i32
        %sub3A_550 = arith.subi %scan3A_280, %sub3A_549 : i32
        %slice3A_551 = vector.extract_strided_slice %get3A_291 {offsets = [14], sizes = [1], strides = [1]} : vector<16xi32> to vector<1xi32>
        %squeeze3A_552 = vector.extract %slice3A_551[0] : i32 from vector<1xi32>
        %and3A_553 = arith.constant 127 : i32
        %and3A_554 = arith.andi %squeeze3A_552, %and3A_553 : i32
        %broadcast_in_dim3A_555 = vector.broadcast %and3A_554 : i32 to vector<16xi32>
        %mul3A_556 = arith.constant 16 : i32
        %mul3A_557 = arith.muli %sub3A_550, %mul3A_556 : i32
        %add3A_558 = arith.constant 14 : i32
        %add3A_559 = arith.addi %mul3A_557, %add3A_558 : i32
        %gather3A_560 = tpu.vector_load_idx %arg20[%iota3A, %broadcast_in_dim3A_555] : memref<32x128xf32, #tpu.memory_space<vmem>>[vector<16xi32>, vector<16xi32>], vector<16xf32>,
        %mul3A_561 = arith.constant 32 : i32
        %mul3A_562 = arith.muli %add3A_559, %mul3A_561 : i32
        %swap3A_563 = arith.index_cast %mul3A_562 : i32 to index
        %swap3A_564 = tpu.vector_load %arg22[%swap3A_563] {strides = array<i32>} : memref<16384xf32, #tpu.memory_space<vmem>>, vector<16xf32>,
        tpu.vector_store %arg22[%swap3A_563], %gather3A_560 {strides = array<i32>} : memref<16384xf32, #tpu.memory_space<vmem>>, vector<16xf32>,
        %gather3A_565 = tpu.vector_load_idx %arg20[%add3A_5, %broadcast_in_dim3A_555] : memref<32x128xf32, #tpu.memory_space<vmem>>[vector<16xi32>, vector<16xi32>], vector<16xf32>,
        %mul3A_566 = arith.constant 32 : i32
        %mul3A_567 = arith.muli %add3A_559, %mul3A_566 : i32
        %add3A_568 = arith.constant 16 : i32
        %add3A_569 = arith.addi %mul3A_567, %add3A_568 : i32
        %swap3A_570 = arith.index_cast %add3A_569 : i32 to index
        %swap3A_571 = tpu.vector_load %arg22[%swap3A_570] {strides = array<i32>} : memref<16384xf32, #tpu.memory_space<vmem>>, vector<16xf32>,
        tpu.vector_store %arg22[%swap3A_570], %gather3A_565 {strides = array<i32>} : memref<16384xf32, #tpu.memory_space<vmem>>, vector<16xf32>,
      } else {
      }
      %slice3A_515 = vector.extract_strided_slice %get3A_285 {offsets = [14], sizes = [1], strides = [1]} : vector<16xi32> to vector<1xi32>
      %squeeze3A_516 = vector.extract %slice3A_515[0] : i32 from vector<1xi32>
      %shift_right_arithmetic3A_517 = arith.constant 7 : i32
      %shift_right_arithmetic3A_518 = arith.shrsi %squeeze3A_516, %shift_right_arithmetic3A_517 : i32
      %mul3A_519 = arith.constant 128 : i32
      %mul3A_520 = arith.muli %shift_right_arithmetic3A_518, %mul3A_519 : i32
      %multiple_of3A_521 = tpu.assume_multiple %mul3A_520, 128 : i32
      %dma_start3A_522 = arith.constant 0 : i32
      %dma_start3A_523 = tpu.memref_slice %arg3[%dma_start3A_522, %multiple_of3A_521] : memref<32x1000000xf32, #tpu.memory_space<hbm>> -> memref<32x128xf32, #tpu.memory_space<hbm>>
      %dma_start3A_524 = arith.constant 0 : i32
      %dma_start3A_525 = tpu.memref_slice %arg3[%dma_start3A_524, %multiple_of3A_521] : memref<32x1000000xf32, #tpu.memory_space<hbm>> -> memref<32x128xf32, #tpu.memory_space<hbm>>
      tpu.enqueue_dma source(%dma_start3A_525 : memref<32x128xf32, #tpu.memory_space<hbm>>) target(%arg20 : memref<32x128xf32, #tpu.memory_space<vmem>>) target_semaphore(%arg23 : memref<!tpu.dma_semaphore, #tpu.memory_space<semaphore_mem>>)
      %gt3A_526 = arith.constant 0 : i32
      %gt3A_527 = arith.cmpi sgt, %scan3A_280, %gt3A_526 : i32
      %convert_element_type3A_528 = arith.extui %gt3A_527 : i1 to i32
      %cond3A_529 = arith.constant 0 : i32
      %cond3A_530 = arith.cmpi ne, %convert_element_type3A_528, %cond3A_529 : i32
      scf.if %cond3A_530 {
        %dma_wait3A_543 = arith.constant 0 : i32
        %dma_wait3A_544 = arith.constant 0 : i32
        %dma_wait3A_545 = tpu.memref_slice %arg3[%dma_wait3A_543, %dma_wait3A_544] : memref<32x1000000xf32, #tpu.memory_space<hbm>> -> memref<32x128xf32, #tpu.memory_space<hbm>>
        %dma_wait3A_546 = arith.constant 0 : i32
        %dma_wait3A_547 = arith.constant 0 : i32
        %dma_wait3A_548 = tpu.memref_slice %arg3[%dma_wait3A_546, %dma_wait3A_547] : memref<32x1000000xf32, #tpu.memory_space<hbm>> -> memref<32x128xf32, #tpu.memory_space<hbm>>
        tpu.wait_dma2 semaphore(%arg23 : memref<!tpu.dma_semaphore, #tpu.memory_space<semaphore_mem>>) src(%dma_wait3A_548 : memref<32x128xf32, #tpu.memory_space<hbm>>) dst(%arg21 : memref<32x128xf32, #tpu.memory_space<vmem>>)
        %sub3A_549 = arith.constant 1 : i32
        %sub3A_550 = arith.subi %scan3A_280, %sub3A_549 : i32
        %slice3A_551 = vector.extract_strided_slice %get3A_291 {offsets = [15], sizes = [1], strides = [1]} : vector<16xi32> to vector<1xi32>
        %squeeze3A_552 = vector.extract %slice3A_551[0] : i32 from vector<1xi32>
        %and3A_553 = arith.constant 127 : i32
        %and3A_554 = arith.andi %squeeze3A_552, %and3A_553 : i32
        %broadcast_in_dim3A_555 = vector.broadcast %and3A_554 : i32 to vector<16xi32>
        %mul3A_556 = arith.constant 16 : i32
        %mul3A_557 = arith.muli %sub3A_550, %mul3A_556 : i32
        %add3A_558 = arith.constant 15 : i32
        %add3A_559 = arith.addi %mul3A_557, %add3A_558 : i32
        %gather3A_560 = tpu.vector_load_idx %arg21[%iota3A, %broadcast_in_dim3A_555] : memref<32x128xf32, #tpu.memory_space<vmem>>[vector<16xi32>, vector<16xi32>], vector<16xf32>,
        %mul3A_561 = arith.constant 32 : i32
        %mul3A_562 = arith.muli %add3A_559, %mul3A_561 : i32
        %swap3A_563 = arith.index_cast %mul3A_562 : i32 to index
        %swap3A_564 = tpu.vector_load %arg22[%swap3A_563] {strides = array<i32>} : memref<16384xf32, #tpu.memory_space<vmem>>, vector<16xf32>,
        tpu.vector_store %arg22[%swap3A_563], %gather3A_560 {strides = array<i32>} : memref<16384xf32, #tpu.memory_space<vmem>>, vector<16xf32>,
        %gather3A_565 = tpu.vector_load_idx %arg21[%add3A_5, %broadcast_in_dim3A_555] : memref<32x128xf32, #tpu.memory_space<vmem>>[vector<16xi32>, vector<16xi32>], vector<16xf32>,
        %mul3A_566 = arith.constant 32 : i32
        %mul3A_567 = arith.muli %add3A_559, %mul3A_566 : i32
        %add3A_568 = arith.constant 16 : i32
        %add3A_569 = arith.addi %mul3A_567, %add3A_568 : i32
        %swap3A_570 = arith.index_cast %add3A_569 : i32 to index
        %swap3A_571 = tpu.vector_load %arg22[%swap3A_570] {strides = array<i32>} : memref<16384xf32, #tpu.memory_space<vmem>>, vector<16xf32>,
        tpu.vector_store %arg22[%swap3A_570], %gather3A_565 {strides = array<i32>} : memref<16384xf32, #tpu.memory_space<vmem>>, vector<16xf32>,
      } else {
      }
      %slice3A_531 = vector.extract_strided_slice %get3A_285 {offsets = [15], sizes = [1], strides = [1]} : vector<16xi32> to vector<1xi32>
      %squeeze3A_532 = vector.extract %slice3A_531[0] : i32 from vector<1xi32>
      %shift_right_arithmetic3A_533 = arith.constant 7 : i32
      %shift_right_arithmetic3A_534 = arith.shrsi %squeeze3A_532, %shift_right_arithmetic3A_533 : i32
      %mul3A_535 = arith.constant 128 : i32
      %mul3A_536 = arith.muli %shift_right_arithmetic3A_534, %mul3A_535 : i32
      %multiple_of3A_537 = tpu.assume_multiple %mul3A_536, 128 : i32
      %dma_start3A_538 = arith.constant 0 : i32
      %dma_start3A_539 = tpu.memref_slice %arg3[%dma_start3A_538, %multiple_of3A_537] : memref<32x1000000xf32, #tpu.memory_space<hbm>> -> memref<32x128xf32, #tpu.memory_space<hbm>>
      %dma_start3A_540 = arith.constant 0 : i32
      %dma_start3A_541 = tpu.memref_slice %arg3[%dma_start3A_540, %multiple_of3A_537] : memref<32x1000000xf32, #tpu.memory_space<hbm>> -> memref<32x128xf32, #tpu.memory_space<hbm>>
      tpu.enqueue_dma source(%dma_start3A_541 : memref<32x128xf32, #tpu.memory_space<hbm>>) target(%arg21 : memref<32x128xf32, #tpu.memory_space<vmem>>) target_semaphore(%arg23 : memref<!tpu.dma_semaphore, #tpu.memory_space<semaphore_mem>>)
      %scan3A_542 = arith.constant 0 : i32
      scf.yield %scan3A_542 : i32
    }
    %scan3A_11 = arith.constant 32 : i32
    %get3A = arith.constant 496 : index
    %get3A_12 = tpu.vector_load %arg5[%get3A] {strides = array<i32>} : memref<512xi32, #tpu.memory_space<vmem>>, vector<16xi32>,
    %dma_wait3A = arith.constant 0 : i32
    %dma_wait3A_13 = arith.constant 0 : i32
    %dma_wait3A_14 = tpu.memref_slice %arg3[%dma_wait3A, %dma_wait3A_13] : memref<32x1000000xf32, #tpu.memory_space<hbm>> -> memref<32x128xf32, #tpu.memory_space<hbm>>
    %dma_wait3A_15 = arith.constant 0 : i32
    %dma_wait3A_16 = arith.constant 0 : i32
    %dma_wait3A_17 = tpu.memref_slice %arg3[%dma_wait3A_15, %dma_wait3A_16] : memref<32x1000000xf32, #tpu.memory_space<hbm>> -> memref<32x128xf32, #tpu.memory_space<hbm>>
    tpu.wait_dma2 semaphore(%arg23 : memref<!tpu.dma_semaphore, #tpu.memory_space<semaphore_mem>>) src(%dma_wait3A_17 : memref<32x128xf32, #tpu.memory_space<hbm>>) dst(%arg6 : memref<32x128xf32, #tpu.memory_space<vmem>>)
    %slice3A = vector.extract_strided_slice %get3A_12 {offsets = [0], sizes = [1], strides = [1]} : vector<16xi32> to vector<1xi32>
    %squeeze3A = vector.extract %slice3A[0] : i32 from vector<1xi32>
    %and3A = arith.constant 127 : i32
    %and3A_18 = arith.andi %squeeze3A, %and3A : i32
    %broadcast_in_dim3A = vector.broadcast %and3A_18 : i32 to vector<16xi32>
    %gather3A = tpu.vector_load_idx %arg6[%iota3A, %broadcast_in_dim3A] : memref<32x128xf32, #tpu.memory_space<vmem>>[vector<16xi32>, vector<16xi32>], vector<16xf32>,
    %swap3A = arith.constant 15872 : index
    %swap3A_19 = tpu.vector_load %arg22[%swap3A] {strides = array<i32>} : memref<16384xf32, #tpu.memory_space<vmem>>, vector<16xf32>,
    tpu.vector_store %arg22[%swap3A], %gather3A {strides = array<i32>} : memref<16384xf32, #tpu.memory_space<vmem>>, vector<16xf32>,
    %gather3A_20 = tpu.vector_load_idx %arg6[%add3A_5, %broadcast_in_dim3A] : memref<32x128xf32, #tpu.memory_space<vmem>>[vector<16xi32>, vector<16xi32>], vector<16xf32>,
    %swap3A_21 = arith.constant 15888 : index
    %swap3A_22 = tpu.vector_load %arg22[%swap3A_21] {strides = array<i32>} : memref<16384xf32, #tpu.memory_space<vmem>>, vector<16xf32>,
    tpu.vector_store %arg22[%swap3A_21], %gather3A_20 {strides = array<i32>} : memref<16384xf32, #tpu.memory_space<vmem>>, vector<16xf32>,
    %dma_wait3A_23 = arith.constant 0 : i32
    %dma_wait3A_24 = arith.constant 0 : i32
    %dma_wait3A_25 = tpu.memref_slice %arg3[%dma_wait3A_23, %dma_wait3A_24] : memref<32x1000000xf32, #tpu.memory_space<hbm>> -> memref<32x128xf32, #tpu.memory_space<hbm>>
    %dma_wait3A_26 = arith.constant 0 : i32
    %dma_wait3A_27 = arith.constant 0 : i32
    %dma_wait3A_28 = tpu.memref_slice %arg3[%dma_wait3A_26, %dma_wait3A_27] : memref<32x1000000xf32, #tpu.memory_space<hbm>> -> memref<32x128xf32, #tpu.memory_space<hbm>>
    tpu.wait_dma2 semaphore(%arg23 : memref<!tpu.dma_semaphore, #tpu.memory_space<semaphore_mem>>) src(%dma_wait3A_28 : memref<32x128xf32, #tpu.memory_space<hbm>>) dst(%arg7 : memref<32x128xf32, #tpu.memory_space<vmem>>)
    %slice3A_29 = vector.extract_strided_slice %get3A_12 {offsets = [1], sizes = [1], strides = [1]} : vector<16xi32> to vector<1xi32>
    %squeeze3A_30 = vector.extract %slice3A_29[0] : i32 from vector<1xi32>
    %and3A_31 = arith.constant 127 : i32
    %and3A_32 = arith.andi %squeeze3A_30, %and3A_31 : i32
    %broadcast_in_dim3A_33 = vector.broadcast %and3A_32 : i32 to vector<16xi32>
    %gather3A_34 = tpu.vector_load_idx %arg7[%iota3A, %broadcast_in_dim3A_33] : memref<32x128xf32, #tpu.memory_space<vmem>>[vector<16xi32>, vector<16xi32>], vector<16xf32>,
    %swap3A_35 = arith.constant 15904 : index
    %swap3A_36 = tpu.vector_load %arg22[%swap3A_35] {strides = array<i32>} : memref<16384xf32, #tpu.memory_space<vmem>>, vector<16xf32>,
    tpu.vector_store %arg22[%swap3A_35], %gather3A_34 {strides = array<i32>} : memref<16384xf32, #tpu.memory_space<vmem>>, vector<16xf32>,
    %gather3A_37 = tpu.vector_load_idx %arg7[%add3A_5, %broadcast_in_dim3A_33] : memref<32x128xf32, #tpu.memory_space<vmem>>[vector<16xi32>, vector<16xi32>], vector<16xf32>,
    %swap3A_38 = arith.constant 15920 : index
    %swap3A_39 = tpu.vector_load %arg22[%swap3A_38] {strides = array<i32>} : memref<16384xf32, #tpu.memory_space<vmem>>, vector<16xf32>,
    tpu.vector_store %arg22[%swap3A_38], %gather3A_37 {strides = array<i32>} : memref<16384xf32, #tpu.memory_space<vmem>>, vector<16xf32>,
    %dma_wait3A_40 = arith.constant 0 : i32
    %dma_wait3A_41 = arith.constant 0 : i32
    %dma_wait3A_42 = tpu.memref_slice %arg3[%dma_wait3A_40, %dma_wait3A_41] : memref<32x1000000xf32, #tpu.memory_space<hbm>> -> memref<32x128xf32, #tpu.memory_space<hbm>>
    %dma_wait3A_43 = arith.constant 0 : i32
    %dma_wait3A_44 = arith.constant 0 : i32
    %dma_wait3A_45 = tpu.memref_slice %arg3[%dma_wait3A_43, %dma_wait3A_44] : memref<32x1000000xf32, #tpu.memory_space<hbm>> -> memref<32x128xf32, #tpu.memory_space<hbm>>
    tpu.wait_dma2 semaphore(%arg23 : memref<!tpu.dma_semaphore, #tpu.memory_space<semaphore_mem>>) src(%dma_wait3A_45 : memref<32x128xf32, #tpu.memory_space<hbm>>) dst(%arg8 : memref<32x128xf32, #tpu.memory_space<vmem>>)
    %slice3A_46 = vector.extract_strided_slice %get3A_12 {offsets = [2], sizes = [1], strides = [1]} : vector<16xi32> to vector<1xi32>
    %squeeze3A_47 = vector.extract %slice3A_46[0] : i32 from vector<1xi32>
    %and3A_48 = arith.constant 127 : i32
    %and3A_49 = arith.andi %squeeze3A_47, %and3A_48 : i32
    %broadcast_in_dim3A_50 = vector.broadcast %and3A_49 : i32 to vector<16xi32>
    %gather3A_51 = tpu.vector_load_idx %arg8[%iota3A, %broadcast_in_dim3A_50] : memref<32x128xf32, #tpu.memory_space<vmem>>[vector<16xi32>, vector<16xi32>], vector<16xf32>,
    %swap3A_52 = arith.constant 15936 : index
    %swap3A_53 = tpu.vector_load %arg22[%swap3A_52] {strides = array<i32>} : memref<16384xf32, #tpu.memory_space<vmem>>, vector<16xf32>,
    tpu.vector_store %arg22[%swap3A_52], %gather3A_51 {strides = array<i32>} : memref<16384xf32, #tpu.memory_space<vmem>>, vector<16xf32>,
    %gather3A_54 = tpu.vector_load_idx %arg8[%add3A_5, %broadcast_in_dim3A_50] : memref<32x128xf32, #tpu.memory_space<vmem>>[vector<16xi32>, vector<16xi32>], vector<16xf32>,
    %swap3A_55 = arith.constant 15952 : index
    %swap3A_56 = tpu.vector_load %arg22[%swap3A_55] {strides = array<i32>} : memref<16384xf32, #tpu.memory_space<vmem>>, vector<16xf32>,
    tpu.vector_store %arg22[%swap3A_55], %gather3A_54 {strides = array<i32>} : memref<16384xf32, #tpu.memory_space<vmem>>, vector<16xf32>,
    %dma_wait3A_57 = arith.constant 0 : i32
    %dma_wait3A_58 = arith.constant 0 : i32
    %dma_wait3A_59 = tpu.memref_slice %arg3[%dma_wait3A_57, %dma_wait3A_58] : memref<32x1000000xf32, #tpu.memory_space<hbm>> -> memref<32x128xf32, #tpu.memory_space<hbm>>
    %dma_wait3A_60 = arith.constant 0 : i32
    %dma_wait3A_61 = arith.constant 0 : i32
    %dma_wait3A_62 = tpu.memref_slice %arg3[%dma_wait3A_60, %dma_wait3A_61] : memref<32x1000000xf32, #tpu.memory_space<hbm>> -> memref<32x128xf32, #tpu.memory_space<hbm>>
    tpu.wait_dma2 semaphore(%arg23 : memref<!tpu.dma_semaphore, #tpu.memory_space<semaphore_mem>>) src(%dma_wait3A_62 : memref<32x128xf32, #tpu.memory_space<hbm>>) dst(%arg9 : memref<32x128xf32, #tpu.memory_space<vmem>>)
    %slice3A_63 = vector.extract_strided_slice %get3A_12 {offsets = [3], sizes = [1], strides = [1]} : vector<16xi32> to vector<1xi32>
    %squeeze3A_64 = vector.extract %slice3A_63[0] : i32 from vector<1xi32>
    %and3A_65 = arith.constant 127 : i32
    %and3A_66 = arith.andi %squeeze3A_64, %and3A_65 : i32
    %broadcast_in_dim3A_67 = vector.broadcast %and3A_66 : i32 to vector<16xi32>
    %gather3A_68 = tpu.vector_load_idx %arg9[%iota3A, %broadcast_in_dim3A_67] : memref<32x128xf32, #tpu.memory_space<vmem>>[vector<16xi32>, vector<16xi32>], vector<16xf32>,
    %swap3A_69 = arith.constant 15968 : index
    %swap3A_70 = tpu.vector_load %arg22[%swap3A_69] {strides = array<i32>} : memref<16384xf32, #tpu.memory_space<vmem>>, vector<16xf32>,
    tpu.vector_store %arg22[%swap3A_69], %gather3A_68 {strides = array<i32>} : memref<16384xf32, #tpu.memory_space<vmem>>, vector<16xf32>,
    %gather3A_71 = tpu.vector_load_idx %arg9[%add3A_5, %broadcast_in_dim3A_67] : memref<32x128xf32, #tpu.memory_space<vmem>>[vector<16xi32>, vector<16xi32>], vector<16xf32>,
    %swap3A_72 = arith.constant 15984 : index
    %swap3A_73 = tpu.vector_load %arg22[%swap3A_72] {strides = array<i32>} : memref<16384xf32, #tpu.memory_space<vmem>>, vector<16xf32>,
    tpu.vector_store %arg22[%swap3A_72], %gather3A_71 {strides = array<i32>} : memref<16384xf32, #tpu.memory_space<vmem>>, vector<16xf32>,
    %dma_wait3A_74 = arith.constant 0 : i32
    %dma_wait3A_75 = arith.constant 0 : i32
    %dma_wait3A_76 = tpu.memref_slice %arg3[%dma_wait3A_74, %dma_wait3A_75] : memref<32x1000000xf32, #tpu.memory_space<hbm>> -> memref<32x128xf32, #tpu.memory_space<hbm>>
    %dma_wait3A_77 = arith.constant 0 : i32
    %dma_wait3A_78 = arith.constant 0 : i32
    %dma_wait3A_79 = tpu.memref_slice %arg3[%dma_wait3A_77, %dma_wait3A_78] : memref<32x1000000xf32, #tpu.memory_space<hbm>> -> memref<32x128xf32, #tpu.memory_space<hbm>>
    tpu.wait_dma2 semaphore(%arg23 : memref<!tpu.dma_semaphore, #tpu.memory_space<semaphore_mem>>) src(%dma_wait3A_79 : memref<32x128xf32, #tpu.memory_space<hbm>>) dst(%arg10 : memref<32x128xf32, #tpu.memory_space<vmem>>)
    %slice3A_80 = vector.extract_strided_slice %get3A_12 {offsets = [4], sizes = [1], strides = [1]} : vector<16xi32> to vector<1xi32>
    %squeeze3A_81 = vector.extract %slice3A_80[0] : i32 from vector<1xi32>
    %and3A_82 = arith.constant 127 : i32
    %and3A_83 = arith.andi %squeeze3A_81, %and3A_82 : i32
    %broadcast_in_dim3A_84 = vector.broadcast %and3A_83 : i32 to vector<16xi32>
    %gather3A_85 = tpu.vector_load_idx %arg10[%iota3A, %broadcast_in_dim3A_84] : memref<32x128xf32, #tpu.memory_space<vmem>>[vector<16xi32>, vector<16xi32>], vector<16xf32>,
    %swap3A_86 = arith.constant 16000 : index
    %swap3A_87 = tpu.vector_load %arg22[%swap3A_86] {strides = array<i32>} : memref<16384xf32, #tpu.memory_space<vmem>>, vector<16xf32>,
    tpu.vector_store %arg22[%swap3A_86], %gather3A_85 {strides = array<i32>} : memref<16384xf32, #tpu.memory_space<vmem>>, vector<16xf32>,
    %gather3A_88 = tpu.vector_load_idx %arg10[%add3A_5, %broadcast_in_dim3A_84] : memref<32x128xf32, #tpu.memory_space<vmem>>[vector<16xi32>, vector<16xi32>], vector<16xf32>,
    %swap3A_89 = arith.constant 16016 : index
    %swap3A_90 = tpu.vector_load %arg22[%swap3A_89] {strides = array<i32>} : memref<16384xf32, #tpu.memory_space<vmem>>, vector<16xf32>,
    tpu.vector_store %arg22[%swap3A_89], %gather3A_88 {strides = array<i32>} : memref<16384xf32, #tpu.memory_space<vmem>>, vector<16xf32>,
    %dma_wait3A_91 = arith.constant 0 : i32
    %dma_wait3A_92 = arith.constant 0 : i32
    %dma_wait3A_93 = tpu.memref_slice %arg3[%dma_wait3A_91, %dma_wait3A_92] : memref<32x1000000xf32, #tpu.memory_space<hbm>> -> memref<32x128xf32, #tpu.memory_space<hbm>>
    %dma_wait3A_94 = arith.constant 0 : i32
    %dma_wait3A_95 = arith.constant 0 : i32
    %dma_wait3A_96 = tpu.memref_slice %arg3[%dma_wait3A_94, %dma_wait3A_95] : memref<32x1000000xf32, #tpu.memory_space<hbm>> -> memref<32x128xf32, #tpu.memory_space<hbm>>
    tpu.wait_dma2 semaphore(%arg23 : memref<!tpu.dma_semaphore, #tpu.memory_space<semaphore_mem>>) src(%dma_wait3A_96 : memref<32x128xf32, #tpu.memory_space<hbm>>) dst(%arg11 : memref<32x128xf32, #tpu.memory_space<vmem>>)
    %slice3A_97 = vector.extract_strided_slice %get3A_12 {offsets = [5], sizes = [1], strides = [1]} : vector<16xi32> to vector<1xi32>
    %squeeze3A_98 = vector.extract %slice3A_97[0] : i32 from vector<1xi32>
    %and3A_99 = arith.constant 127 : i32
    %and3A_100 = arith.andi %squeeze3A_98, %and3A_99 : i32
    %broadcast_in_dim3A_101 = vector.broadcast %and3A_100 : i32 to vector<16xi32>
    %gather3A_102 = tpu.vector_load_idx %arg11[%iota3A, %broadcast_in_dim3A_101] : memref<32x128xf32, #tpu.memory_space<vmem>>[vector<16xi32>, vector<16xi32>], vector<16xf32>,
    %swap3A_103 = arith.constant 16032 : index
    %swap3A_104 = tpu.vector_load %arg22[%swap3A_103] {strides = array<i32>} : memref<16384xf32, #tpu.memory_space<vmem>>, vector<16xf32>,
    tpu.vector_store %arg22[%swap3A_103], %gather3A_102 {strides = array<i32>} : memref<16384xf32, #tpu.memory_space<vmem>>, vector<16xf32>,
    %gather3A_105 = tpu.vector_load_idx %arg11[%add3A_5, %broadcast_in_dim3A_101] : memref<32x128xf32, #tpu.memory_space<vmem>>[vector<16xi32>, vector<16xi32>], vector<16xf32>,
    %swap3A_106 = arith.constant 16048 : index
    %swap3A_107 = tpu.vector_load %arg22[%swap3A_106] {strides = array<i32>} : memref<16384xf32, #tpu.memory_space<vmem>>, vector<16xf32>,
    tpu.vector_store %arg22[%swap3A_106], %gather3A_105 {strides = array<i32>} : memref<16384xf32, #tpu.memory_space<vmem>>, vector<16xf32>,
    %dma_wait3A_108 = arith.constant 0 : i32
    %dma_wait3A_109 = arith.constant 0 : i32
    %dma_wait3A_110 = tpu.memref_slice %arg3[%dma_wait3A_108, %dma_wait3A_109] : memref<32x1000000xf32, #tpu.memory_space<hbm>> -> memref<32x128xf32, #tpu.memory_space<hbm>>
    %dma_wait3A_111 = arith.constant 0 : i32
    %dma_wait3A_112 = arith.constant 0 : i32
    %dma_wait3A_113 = tpu.memref_slice %arg3[%dma_wait3A_111, %dma_wait3A_112] : memref<32x1000000xf32, #tpu.memory_space<hbm>> -> memref<32x128xf32, #tpu.memory_space<hbm>>
    tpu.wait_dma2 semaphore(%arg23 : memref<!tpu.dma_semaphore, #tpu.memory_space<semaphore_mem>>) src(%dma_wait3A_113 : memref<32x128xf32, #tpu.memory_space<hbm>>) dst(%arg12 : memref<32x128xf32, #tpu.memory_space<vmem>>)
    %slice3A_114 = vector.extract_strided_slice %get3A_12 {offsets = [6], sizes = [1], strides = [1]} : vector<16xi32> to vector<1xi32>
    %squeeze3A_115 = vector.extract %slice3A_114[0] : i32 from vector<1xi32>
    %and3A_116 = arith.constant 127 : i32
    %and3A_117 = arith.andi %squeeze3A_115, %and3A_116 : i32
    %broadcast_in_dim3A_118 = vector.broadcast %and3A_117 : i32 to vector<16xi32>
    %gather3A_119 = tpu.vector_load_idx %arg12[%iota3A, %broadcast_in_dim3A_118] : memref<32x128xf32, #tpu.memory_space<vmem>>[vector<16xi32>, vector<16xi32>], vector<16xf32>,
    %swap3A_120 = arith.constant 16064 : index
    %swap3A_121 = tpu.vector_load %arg22[%swap3A_120] {strides = array<i32>} : memref<16384xf32, #tpu.memory_space<vmem>>, vector<16xf32>,
    tpu.vector_store %arg22[%swap3A_120], %gather3A_119 {strides = array<i32>} : memref<16384xf32, #tpu.memory_space<vmem>>, vector<16xf32>,
    %gather3A_122 = tpu.vector_load_idx %arg12[%add3A_5, %broadcast_in_dim3A_118] : memref<32x128xf32, #tpu.memory_space<vmem>>[vector<16xi32>, vector<16xi32>], vector<16xf32>,
    %swap3A_123 = arith.constant 16080 : index
    %swap3A_124 = tpu.vector_load %arg22[%swap3A_123] {strides = array<i32>} : memref<16384xf32, #tpu.memory_space<vmem>>, vector<16xf32>,
    tpu.vector_store %arg22[%swap3A_123], %gather3A_122 {strides = array<i32>} : memref<16384xf32, #tpu.memory_space<vmem>>, vector<16xf32>,
    %dma_wait3A_125 = arith.constant 0 : i32
    %dma_wait3A_126 = arith.constant 0 : i32
    %dma_wait3A_127 = tpu.memref_slice %arg3[%dma_wait3A_125, %dma_wait3A_126] : memref<32x1000000xf32, #tpu.memory_space<hbm>> -> memref<32x128xf32, #tpu.memory_space<hbm>>
    %dma_wait3A_128 = arith.constant 0 : i32
    %dma_wait3A_129 = arith.constant 0 : i32
    %dma_wait3A_130 = tpu.memref_slice %arg3[%dma_wait3A_128, %dma_wait3A_129] : memref<32x1000000xf32, #tpu.memory_space<hbm>> -> memref<32x128xf32, #tpu.memory_space<hbm>>
    tpu.wait_dma2 semaphore(%arg23 : memref<!tpu.dma_semaphore, #tpu.memory_space<semaphore_mem>>) src(%dma_wait3A_130 : memref<32x128xf32, #tpu.memory_space<hbm>>) dst(%arg13 : memref<32x128xf32, #tpu.memory_space<vmem>>)
    %slice3A_131 = vector.extract_strided_slice %get3A_12 {offsets = [7], sizes = [1], strides = [1]} : vector<16xi32> to vector<1xi32>
    %squeeze3A_132 = vector.extract %slice3A_131[0] : i32 from vector<1xi32>
    %and3A_133 = arith.constant 127 : i32
    %and3A_134 = arith.andi %squeeze3A_132, %and3A_133 : i32
    %broadcast_in_dim3A_135 = vector.broadcast %and3A_134 : i32 to vector<16xi32>
    %gather3A_136 = tpu.vector_load_idx %arg13[%iota3A, %broadcast_in_dim3A_135] : memref<32x128xf32, #tpu.memory_space<vmem>>[vector<16xi32>, vector<16xi32>], vector<16xf32>,
    %swap3A_137 = arith.constant 16096 : index
    %swap3A_138 = tpu.vector_load %arg22[%swap3A_137] {strides = array<i32>} : memref<16384xf32, #tpu.memory_space<vmem>>, vector<16xf32>,
    tpu.vector_store %arg22[%swap3A_137], %gather3A_136 {strides = array<i32>} : memref<16384xf32, #tpu.memory_space<vmem>>, vector<16xf32>,
    %gather3A_139 = tpu.vector_load_idx %arg13[%add3A_5, %broadcast_in_dim3A_135] : memref<32x128xf32, #tpu.memory_space<vmem>>[vector<16xi32>, vector<16xi32>], vector<16xf32>,
    %swap3A_140 = arith.constant 16112 : index
    %swap3A_141 = tpu.vector_load %arg22[%swap3A_140] {strides = array<i32>} : memref<16384xf32, #tpu.memory_space<vmem>>, vector<16xf32>,
    tpu.vector_store %arg22[%swap3A_140], %gather3A_139 {strides = array<i32>} : memref<16384xf32, #tpu.memory_space<vmem>>, vector<16xf32>,
    %dma_wait3A_142 = arith.constant 0 : i32
    %dma_wait3A_143 = arith.constant 0 : i32
    %dma_wait3A_144 = tpu.memref_slice %arg3[%dma_wait3A_142, %dma_wait3A_143] : memref<32x1000000xf32, #tpu.memory_space<hbm>> -> memref<32x128xf32, #tpu.memory_space<hbm>>
    %dma_wait3A_145 = arith.constant 0 : i32
    %dma_wait3A_146 = arith.constant 0 : i32
    %dma_wait3A_147 = tpu.memref_slice %arg3[%dma_wait3A_145, %dma_wait3A_146] : memref<32x1000000xf32, #tpu.memory_space<hbm>> -> memref<32x128xf32, #tpu.memory_space<hbm>>
    tpu.wait_dma2 semaphore(%arg23 : memref<!tpu.dma_semaphore, #tpu.memory_space<semaphore_mem>>) src(%dma_wait3A_147 : memref<32x128xf32, #tpu.memory_space<hbm>>) dst(%arg14 : memref<32x128xf32, #tpu.memory_space<vmem>>)
    %slice3A_148 = vector.extract_strided_slice %get3A_12 {offsets = [8], sizes = [1], strides = [1]} : vector<16xi32> to vector<1xi32>
    %squeeze3A_149 = vector.extract %slice3A_148[0] : i32 from vector<1xi32>
    %and3A_150 = arith.constant 127 : i32
    %and3A_151 = arith.andi %squeeze3A_149, %and3A_150 : i32
    %broadcast_in_dim3A_152 = vector.broadcast %and3A_151 : i32 to vector<16xi32>
    %gather3A_153 = tpu.vector_load_idx %arg14[%iota3A, %broadcast_in_dim3A_152] : memref<32x128xf32, #tpu.memory_space<vmem>>[vector<16xi32>, vector<16xi32>], vector<16xf32>,
    %swap3A_154 = arith.constant 16128 : index
    %swap3A_155 = tpu.vector_load %arg22[%swap3A_154] {strides = array<i32>} : memref<16384xf32, #tpu.memory_space<vmem>>, vector<16xf32>,
    tpu.vector_store %arg22[%swap3A_154], %gather3A_153 {strides = array<i32>} : memref<16384xf32, #tpu.memory_space<vmem>>, vector<16xf32>,
    %gather3A_156 = tpu.vector_load_idx %arg14[%add3A_5, %broadcast_in_dim3A_152] : memref<32x128xf32, #tpu.memory_space<vmem>>[vector<16xi32>, vector<16xi32>], vector<16xf32>,
    %swap3A_157 = arith.constant 16144 : index
    %swap3A_158 = tpu.vector_load %arg22[%swap3A_157] {strides = array<i32>} : memref<16384xf32, #tpu.memory_space<vmem>>, vector<16xf32>,
    tpu.vector_store %arg22[%swap3A_157], %gather3A_156 {strides = array<i32>} : memref<16384xf32, #tpu.memory_space<vmem>>, vector<16xf32>,
    %dma_wait3A_159 = arith.constant 0 : i32
    %dma_wait3A_160 = arith.constant 0 : i32
    %dma_wait3A_161 = tpu.memref_slice %arg3[%dma_wait3A_159, %dma_wait3A_160] : memref<32x1000000xf32, #tpu.memory_space<hbm>> -> memref<32x128xf32, #tpu.memory_space<hbm>>
    %dma_wait3A_162 = arith.constant 0 : i32
    %dma_wait3A_163 = arith.constant 0 : i32
    %dma_wait3A_164 = tpu.memref_slice %arg3[%dma_wait3A_162, %dma_wait3A_163] : memref<32x1000000xf32, #tpu.memory_space<hbm>> -> memref<32x128xf32, #tpu.memory_space<hbm>>
    tpu.wait_dma2 semaphore(%arg23 : memref<!tpu.dma_semaphore, #tpu.memory_space<semaphore_mem>>) src(%dma_wait3A_164 : memref<32x128xf32, #tpu.memory_space<hbm>>) dst(%arg15 : memref<32x128xf32, #tpu.memory_space<vmem>>)
    %slice3A_165 = vector.extract_strided_slice %get3A_12 {offsets = [9], sizes = [1], strides = [1]} : vector<16xi32> to vector<1xi32>
    %squeeze3A_166 = vector.extract %slice3A_165[0] : i32 from vector<1xi32>
    %and3A_167 = arith.constant 127 : i32
    %and3A_168 = arith.andi %squeeze3A_166, %and3A_167 : i32
    %broadcast_in_dim3A_169 = vector.broadcast %and3A_168 : i32 to vector<16xi32>
    %gather3A_170 = tpu.vector_load_idx %arg15[%iota3A, %broadcast_in_dim3A_169] : memref<32x128xf32, #tpu.memory_space<vmem>>[vector<16xi32>, vector<16xi32>], vector<16xf32>,
    %swap3A_171 = arith.constant 16160 : index
    %swap3A_172 = tpu.vector_load %arg22[%swap3A_171] {strides = array<i32>} : memref<16384xf32, #tpu.memory_space<vmem>>, vector<16xf32>,
    tpu.vector_store %arg22[%swap3A_171], %gather3A_170 {strides = array<i32>} : memref<16384xf32, #tpu.memory_space<vmem>>, vector<16xf32>,
    %gather3A_173 = tpu.vector_load_idx %arg15[%add3A_5, %broadcast_in_dim3A_169] : memref<32x128xf32, #tpu.memory_space<vmem>>[vector<16xi32>, vector<16xi32>], vector<16xf32>,
    %swap3A_174 = arith.constant 16176 : index
    %swap3A_175 = tpu.vector_load %arg22[%swap3A_174] {strides = array<i32>} : memref<16384xf32, #tpu.memory_space<vmem>>, vector<16xf32>,
    tpu.vector_store %arg22[%swap3A_174], %gather3A_173 {strides = array<i32>} : memref<16384xf32, #tpu.memory_space<vmem>>, vector<16xf32>,
    %dma_wait3A_176 = arith.constant 0 : i32
    %dma_wait3A_177 = arith.constant 0 : i32
    %dma_wait3A_178 = tpu.memref_slice %arg3[%dma_wait3A_176, %dma_wait3A_177] : memref<32x1000000xf32, #tpu.memory_space<hbm>> -> memref<32x128xf32, #tpu.memory_space<hbm>>
    %dma_wait3A_179 = arith.constant 0 : i32
    %dma_wait3A_180 = arith.constant 0 : i32
    %dma_wait3A_181 = tpu.memref_slice %arg3[%dma_wait3A_179, %dma_wait3A_180] : memref<32x1000000xf32, #tpu.memory_space<hbm>> -> memref<32x128xf32, #tpu.memory_space<hbm>>
    tpu.wait_dma2 semaphore(%arg23 : memref<!tpu.dma_semaphore, #tpu.memory_space<semaphore_mem>>) src(%dma_wait3A_181 : memref<32x128xf32, #tpu.memory_space<hbm>>) dst(%arg16 : memref<32x128xf32, #tpu.memory_space<vmem>>)
    %slice3A_182 = vector.extract_strided_slice %get3A_12 {offsets = [10], sizes = [1], strides = [1]} : vector<16xi32> to vector<1xi32>
    %squeeze3A_183 = vector.extract %slice3A_182[0] : i32 from vector<1xi32>
    %and3A_184 = arith.constant 127 : i32
    %and3A_185 = arith.andi %squeeze3A_183, %and3A_184 : i32
    %broadcast_in_dim3A_186 = vector.broadcast %and3A_185 : i32 to vector<16xi32>
    %gather3A_187 = tpu.vector_load_idx %arg16[%iota3A, %broadcast_in_dim3A_186] : memref<32x128xf32, #tpu.memory_space<vmem>>[vector<16xi32>, vector<16xi32>], vector<16xf32>,
    %swap3A_188 = arith.constant 16192 : index
    %swap3A_189 = tpu.vector_load %arg22[%swap3A_188] {strides = array<i32>} : memref<16384xf32, #tpu.memory_space<vmem>>, vector<16xf32>,
    tpu.vector_store %arg22[%swap3A_188], %gather3A_187 {strides = array<i32>} : memref<16384xf32, #tpu.memory_space<vmem>>, vector<16xf32>,
    %gather3A_190 = tpu.vector_load_idx %arg16[%add3A_5, %broadcast_in_dim3A_186] : memref<32x128xf32, #tpu.memory_space<vmem>>[vector<16xi32>, vector<16xi32>], vector<16xf32>,
    %swap3A_191 = arith.constant 16208 : index
    %swap3A_192 = tpu.vector_load %arg22[%swap3A_191] {strides = array<i32>} : memref<16384xf32, #tpu.memory_space<vmem>>, vector<16xf32>,
    tpu.vector_store %arg22[%swap3A_191], %gather3A_190 {strides = array<i32>} : memref<16384xf32, #tpu.memory_space<vmem>>, vector<16xf32>,
    %dma_wait3A_193 = arith.constant 0 : i32
    %dma_wait3A_194 = arith.constant 0 : i32
    %dma_wait3A_195 = tpu.memref_slice %arg3[%dma_wait3A_193, %dma_wait3A_194] : memref<32x1000000xf32, #tpu.memory_space<hbm>> -> memref<32x128xf32, #tpu.memory_space<hbm>>
    %dma_wait3A_196 = arith.constant 0 : i32
    %dma_wait3A_197 = arith.constant 0 : i32
    %dma_wait3A_198 = tpu.memref_slice %arg3[%dma_wait3A_196, %dma_wait3A_197] : memref<32x1000000xf32, #tpu.memory_space<hbm>> -> memref<32x128xf32, #tpu.memory_space<hbm>>
    tpu.wait_dma2 semaphore(%arg23 : memref<!tpu.dma_semaphore, #tpu.memory_space<semaphore_mem>>) src(%dma_wait3A_198 : memref<32x128xf32, #tpu.memory_space<hbm>>) dst(%arg17 : memref<32x128xf32, #tpu.memory_space<vmem>>)
    %slice3A_199 = vector.extract_strided_slice %get3A_12 {offsets = [11], sizes = [1], strides = [1]} : vector<16xi32> to vector<1xi32>
    %squeeze3A_200 = vector.extract %slice3A_199[0] : i32 from vector<1xi32>
    %and3A_201 = arith.constant 127 : i32
    %and3A_202 = arith.andi %squeeze3A_200, %and3A_201 : i32
    %broadcast_in_dim3A_203 = vector.broadcast %and3A_202 : i32 to vector<16xi32>
    %gather3A_204 = tpu.vector_load_idx %arg17[%iota3A, %broadcast_in_dim3A_203] : memref<32x128xf32, #tpu.memory_space<vmem>>[vector<16xi32>, vector<16xi32>], vector<16xf32>,
    %swap3A_205 = arith.constant 16224 : index
    %swap3A_206 = tpu.vector_load %arg22[%swap3A_205] {strides = array<i32>} : memref<16384xf32, #tpu.memory_space<vmem>>, vector<16xf32>,
    tpu.vector_store %arg22[%swap3A_205], %gather3A_204 {strides = array<i32>} : memref<16384xf32, #tpu.memory_space<vmem>>, vector<16xf32>,
    %gather3A_207 = tpu.vector_load_idx %arg17[%add3A_5, %broadcast_in_dim3A_203] : memref<32x128xf32, #tpu.memory_space<vmem>>[vector<16xi32>, vector<16xi32>], vector<16xf32>,
    %swap3A_208 = arith.constant 16240 : index
    %swap3A_209 = tpu.vector_load %arg22[%swap3A_208] {strides = array<i32>} : memref<16384xf32, #tpu.memory_space<vmem>>, vector<16xf32>,
    tpu.vector_store %arg22[%swap3A_208], %gather3A_207 {strides = array<i32>} : memref<16384xf32, #tpu.memory_space<vmem>>, vector<16xf32>,
    %dma_wait3A_210 = arith.constant 0 : i32
    %dma_wait3A_211 = arith.constant 0 : i32
    %dma_wait3A_212 = tpu.memref_slice %arg3[%dma_wait3A_210, %dma_wait3A_211] : memref<32x1000000xf32, #tpu.memory_space<hbm>> -> memref<32x128xf32, #tpu.memory_space<hbm>>
    %dma_wait3A_213 = arith.constant 0 : i32
    %dma_wait3A_214 = arith.constant 0 : i32
    %dma_wait3A_215 = tpu.memref_slice %arg3[%dma_wait3A_213, %dma_wait3A_214] : memref<32x1000000xf32, #tpu.memory_space<hbm>> -> memref<32x128xf32, #tpu.memory_space<hbm>>
    tpu.wait_dma2 semaphore(%arg23 : memref<!tpu.dma_semaphore, #tpu.memory_space<semaphore_mem>>) src(%dma_wait3A_215 : memref<32x128xf32, #tpu.memory_space<hbm>>) dst(%arg18 : memref<32x128xf32, #tpu.memory_space<vmem>>)
    %slice3A_216 = vector.extract_strided_slice %get3A_12 {offsets = [12], sizes = [1], strides = [1]} : vector<16xi32> to vector<1xi32>
    %squeeze3A_217 = vector.extract %slice3A_216[0] : i32 from vector<1xi32>
    %and3A_218 = arith.constant 127 : i32
    %and3A_219 = arith.andi %squeeze3A_217, %and3A_218 : i32
    %broadcast_in_dim3A_220 = vector.broadcast %and3A_219 : i32 to vector<16xi32>
    %gather3A_221 = tpu.vector_load_idx %arg18[%iota3A, %broadcast_in_dim3A_220] : memref<32x128xf32, #tpu.memory_space<vmem>>[vector<16xi32>, vector<16xi32>], vector<16xf32>,
    %swap3A_222 = arith.constant 16256 : index
    %swap3A_223 = tpu.vector_load %arg22[%swap3A_222] {strides = array<i32>} : memref<16384xf32, #tpu.memory_space<vmem>>, vector<16xf32>,
    tpu.vector_store %arg22[%swap3A_222], %gather3A_221 {strides = array<i32>} : memref<16384xf32, #tpu.memory_space<vmem>>, vector<16xf32>,
    %gather3A_224 = tpu.vector_load_idx %arg18[%add3A_5, %broadcast_in_dim3A_220] : memref<32x128xf32, #tpu.memory_space<vmem>>[vector<16xi32>, vector<16xi32>], vector<16xf32>,
    %swap3A_225 = arith.constant 16272 : index
    %swap3A_226 = tpu.vector_load %arg22[%swap3A_225] {strides = array<i32>} : memref<16384xf32, #tpu.memory_space<vmem>>, vector<16xf32>,
    tpu.vector_store %arg22[%swap3A_225], %gather3A_224 {strides = array<i32>} : memref<16384xf32, #tpu.memory_space<vmem>>, vector<16xf32>,
    %dma_wait3A_227 = arith.constant 0 : i32
    %dma_wait3A_228 = arith.constant 0 : i32
    %dma_wait3A_229 = tpu.memref_slice %arg3[%dma_wait3A_227, %dma_wait3A_228] : memref<32x1000000xf32, #tpu.memory_space<hbm>> -> memref<32x128xf32, #tpu.memory_space<hbm>>
    %dma_wait3A_230 = arith.constant 0 : i32
    %dma_wait3A_231 = arith.constant 0 : i32
    %dma_wait3A_232 = tpu.memref_slice %arg3[%dma_wait3A_230, %dma_wait3A_231] : memref<32x1000000xf32, #tpu.memory_space<hbm>> -> memref<32x128xf32, #tpu.memory_space<hbm>>
    tpu.wait_dma2 semaphore(%arg23 : memref<!tpu.dma_semaphore, #tpu.memory_space<semaphore_mem>>) src(%dma_wait3A_232 : memref<32x128xf32, #tpu.memory_space<hbm>>) dst(%arg19 : memref<32x128xf32, #tpu.memory_space<vmem>>)
    %slice3A_233 = vector.extract_strided_slice %get3A_12 {offsets = [13], sizes = [1], strides = [1]} : vector<16xi32> to vector<1xi32>
    %squeeze3A_234 = vector.extract %slice3A_233[0] : i32 from vector<1xi32>
    %and3A_235 = arith.constant 127 : i32
    %and3A_236 = arith.andi %squeeze3A_234, %and3A_235 : i32
    %broadcast_in_dim3A_237 = vector.broadcast %and3A_236 : i32 to vector<16xi32>
    %gather3A_238 = tpu.vector_load_idx %arg19[%iota3A, %broadcast_in_dim3A_237] : memref<32x128xf32, #tpu.memory_space<vmem>>[vector<16xi32>, vector<16xi32>], vector<16xf32>,
    %swap3A_239 = arith.constant 16288 : index
    %swap3A_240 = tpu.vector_load %arg22[%swap3A_239] {strides = array<i32>} : memref<16384xf32, #tpu.memory_space<vmem>>, vector<16xf32>,
    tpu.vector_store %arg22[%swap3A_239], %gather3A_238 {strides = array<i32>} : memref<16384xf32, #tpu.memory_space<vmem>>, vector<16xf32>,
    %gather3A_241 = tpu.vector_load_idx %arg19[%add3A_5, %broadcast_in_dim3A_237] : memref<32x128xf32, #tpu.memory_space<vmem>>[vector<16xi32>, vector<16xi32>], vector<16xf32>,
    %swap3A_242 = arith.constant 16304 : index
    %swap3A_243 = tpu.vector_load %arg22[%swap3A_242] {strides = array<i32>} : memref<16384xf32, #tpu.memory_space<vmem>>, vector<16xf32>,
    tpu.vector_store %arg22[%swap3A_242], %gather3A_241 {strides = array<i32>} : memref<16384xf32, #tpu.memory_space<vmem>>, vector<16xf32>,
    %dma_wait3A_244 = arith.constant 0 : i32
    %dma_wait3A_245 = arith.constant 0 : i32
    %dma_wait3A_246 = tpu.memref_slice %arg3[%dma_wait3A_244, %dma_wait3A_245] : memref<32x1000000xf32, #tpu.memory_space<hbm>> -> memref<32x128xf32, #tpu.memory_space<hbm>>
    %dma_wait3A_247 = arith.constant 0 : i32
    %dma_wait3A_248 = arith.constant 0 : i32
    %dma_wait3A_249 = tpu.memref_slice %arg3[%dma_wait3A_247, %dma_wait3A_248] : memref<32x1000000xf32, #tpu.memory_space<hbm>> -> memref<32x128xf32, #tpu.memory_space<hbm>>
    tpu.wait_dma2 semaphore(%arg23 : memref<!tpu.dma_semaphore, #tpu.memory_space<semaphore_mem>>) src(%dma_wait3A_249 : memref<32x128xf32, #tpu.memory_space<hbm>>) dst(%arg20 : memref<32x128xf32, #tpu.memory_space<vmem>>)
    %slice3A_250 = vector.extract_strided_slice %get3A_12 {offsets = [14], sizes = [1], strides = [1]} : vector<16xi32> to vector<1xi32>
    %squeeze3A_251 = vector.extract %slice3A_250[0] : i32 from vector<1xi32>
    %and3A_252 = arith.constant 127 : i32
    %and3A_253 = arith.andi %squeeze3A_251, %and3A_252 : i32
    %broadcast_in_dim3A_254 = vector.broadcast %and3A_253 : i32 to vector<16xi32>
    %gather3A_255 = tpu.vector_load_idx %arg20[%iota3A, %broadcast_in_dim3A_254] : memref<32x128xf32, #tpu.memory_space<vmem>>[vector<16xi32>, vector<16xi32>], vector<16xf32>,
    %swap3A_256 = arith.constant 16320 : index
    %swap3A_257 = tpu.vector_load %arg22[%swap3A_256] {strides = array<i32>} : memref<16384xf32, #tpu.memory_space<vmem>>, vector<16xf32>,
    tpu.vector_store %arg22[%swap3A_256], %gather3A_255 {strides = array<i32>} : memref<16384xf32, #tpu.memory_space<vmem>>, vector<16xf32>,
    %gather3A_258 = tpu.vector_load_idx %arg20[%add3A_5, %broadcast_in_dim3A_254] : memref<32x128xf32, #tpu.memory_space<vmem>>[vector<16xi32>, vector<16xi32>], vector<16xf32>,
    %swap3A_259 = arith.constant 16336 : index
    %swap3A_260 = tpu.vector_load %arg22[%swap3A_259] {strides = array<i32>} : memref<16384xf32, #tpu.memory_space<vmem>>, vector<16xf32>,
    tpu.vector_store %arg22[%swap3A_259], %gather3A_258 {strides = array<i32>} : memref<16384xf32, #tpu.memory_space<vmem>>, vector<16xf32>,
    %dma_wait3A_261 = arith.constant 0 : i32
    %dma_wait3A_262 = arith.constant 0 : i32
    %dma_wait3A_263 = tpu.memref_slice %arg3[%dma_wait3A_261, %dma_wait3A_262] : memref<32x1000000xf32, #tpu.memory_space<hbm>> -> memref<32x128xf32, #tpu.memory_space<hbm>>
    %dma_wait3A_264 = arith.constant 0 : i32
    %dma_wait3A_265 = arith.constant 0 : i32
    %dma_wait3A_266 = tpu.memref_slice %arg3[%dma_wait3A_264, %dma_wait3A_265] : memref<32x1000000xf32, #tpu.memory_space<hbm>> -> memref<32x128xf32, #tpu.memory_space<hbm>>
    tpu.wait_dma2 semaphore(%arg23 : memref<!tpu.dma_semaphore, #tpu.memory_space<semaphore_mem>>) src(%dma_wait3A_266 : memref<32x128xf32, #tpu.memory_space<hbm>>) dst(%arg21 : memref<32x128xf32, #tpu.memory_space<vmem>>)
    %slice3A_267 = vector.extract_strided_slice %get3A_12 {offsets = [15], sizes = [1], strides = [1]} : vector<16xi32> to vector<1xi32>
    %squeeze3A_268 = vector.extract %slice3A_267[0] : i32 from vector<1xi32>
    %and3A_269 = arith.constant 127 : i32
    %and3A_270 = arith.andi %squeeze3A_268, %and3A_269 : i32
    %broadcast_in_dim3A_271 = vector.broadcast %and3A_270 : i32 to vector<16xi32>
    %gather3A_272 = tpu.vector_load_idx %arg21[%iota3A, %broadcast_in_dim3A_271] : memref<32x128xf32, #tpu.memory_space<vmem>>[vector<16xi32>, vector<16xi32>], vector<16xf32>,
    %swap3A_273 = arith.constant 16352 : index
    %swap3A_274 = tpu.vector_load %arg22[%swap3A_273] {strides = array<i32>} : memref<16384xf32, #tpu.memory_space<vmem>>, vector<16xf32>,
    tpu.vector_store %arg22[%swap3A_273], %gather3A_272 {strides = array<i32>} : memref<16384xf32, #tpu.memory_space<vmem>>, vector<16xf32>,
    %gather3A_275 = tpu.vector_load_idx %arg21[%add3A_5, %broadcast_in_dim3A_271] : memref<32x128xf32, #tpu.memory_space<vmem>>[vector<16xi32>, vector<16xi32>], vector<16xf32>,
    %swap3A_276 = arith.constant 16368 : index
    %swap3A_277 = tpu.vector_load %arg22[%swap3A_276] {strides = array<i32>} : memref<16384xf32, #tpu.memory_space<vmem>>, vector<16xf32>,
    tpu.vector_store %arg22[%swap3A_276], %gather3A_275 {strides = array<i32>} : memref<16384xf32, #tpu.memory_space<vmem>>, vector<16xf32>,
    %mul3A_278 = arith.constant 32 : i32
    %mul3A_279 = arith.muli %mul3A_2, %mul3A_278 : i32
    "tpu.region"() ({
      %run_scoped3A = tpu.sem_alloc : memref<!tpu.dma_semaphore, #tpu.memory_space<semaphore_mem>>
      %dma_start3A = tpu.memref_slice %arg4[%mul3A_279] : memref<524288xf32, #tpu.memory_space<hbm>> -> memref<16384xf32, #tpu.memory_space<hbm>>
      %dma_start3A_280 = tpu.memref_slice %arg4[%mul3A_279] : memref<524288xf32, #tpu.memory_space<hbm>> -> memref<16384xf32, #tpu.memory_space<hbm>>
      tpu.enqueue_dma source(%arg22 : memref<16384xf32, #tpu.memory_space<vmem>>) target(%dma_start3A_280 : memref<16384xf32, #tpu.memory_space<hbm>>) target_semaphore(%run_scoped3A : memref<!tpu.dma_semaphore, #tpu.memory_space<semaphore_mem>>)
      %dma_wait3A_281 = tpu.memref_slice %arg4[%mul3A_279] : memref<524288xf32, #tpu.memory_space<hbm>> -> memref<16384xf32, #tpu.memory_space<hbm>>
      %dma_wait3A_282 = tpu.memref_slice %arg4[%mul3A_279] : memref<524288xf32, #tpu.memory_space<hbm>> -> memref<16384xf32, #tpu.memory_space<hbm>>
      tpu.wait_dma2 semaphore(%run_scoped3A : memref<!tpu.dma_semaphore, #tpu.memory_space<semaphore_mem>>) src(%arg22 : memref<16384xf32, #tpu.memory_space<vmem>>) dst(%dma_wait3A_282 : memref<16384xf32, #tpu.memory_space<hbm>>)
      tpu.yield
    }) : () -> ()
    return
  }
}

</mosaic_0001>

<sc_bundles>
// kernel: kernel.4.cloned.1.call-start
scs
__scs_entry_jumppad:
0x0: {  	(pc) =	sbr.rel $0x88, $3  }
0x1: {  	(tag) =	ssettag $0x0;
	lr =	simm.s32 $0x1  }
0x2: {  	[smem:$0x3F9B] =	sst lr;
	_ =	strace $0xD0000000  }
0x3: {  	_ = 	snop  }
0x4: {  	_ = 	snop  }
0x5: {  	_ = 	snop  }
0x6: {  	_ = 	snop  }
0x7: {  	_ = 	snop  }
__scs_overlays_trampoline_lowered:
0x8: {  	[smem:$0x3FAA] =	sst s0  }
0x9: {  	[smem:$0x3FAB] =	sst s1  }
0xa: {  	[smem:$0x3FAC] =	sst s2  }
0xb: {  	[smem:$0x3FAD] =	sst s3  }
0xc: {  	[smem:$0x3FAE] =	sst s4  }
0xd: {  	[smem:$0x3FAF] =	sst s5  }
0xe: {  	[smem:$0x3FB0] =	sst s6  }
0xf: {  	[smem:$0x3FB1] =	sst s7  }
0x10: {  	[smem:$0x3FB2] =	sst s8  }
0x11: {  	[smem:$0x3FB3] =	sst s9;
	s0 =	simm.s32 @!p0 $0x0  }
0x12: {  	s1 =	sld [smem:$0x3F99];
	s0 =	simm.s32 @p0 $0x1  }
0x13: {  	[smem:$0x3FB4] =	sst s0;
	s0 =	simm.s32 @!p1 $0x0  }
0x14: {  	s2 =	sld [smem:$0x3F98];
	s0 =	simm.s32 @p1 $0x1  }
0x15: {  	[smem:$0x3FB5] =	sst s0;
	s0 =	simm.s32 @!p2 $0x0  }
0x16: {  	s3 =	sld [smem:$0x3FDB];
	s0 =	simm.s32 @p2 $0x1  }
0x17: {  	s4 =	simm.s32 $0x1BF5;
	[smem:$0x3FB7] =	sst s0  }
0x18: {  	s0 =	sld [smem:$0x3F9A];
	_ =	swait.ge [sflag:s4], $0x0  }
0x19: {  	s7 =	sld [smem:$0x3F9B]  }
0x1a: {  	s8 =	sadd.s32 $0xFFFFE003, lr  }
0x1b: {  	s9 =	sadd.s32 $0xFFFFFEF7, lr;
	s5 =	simm.s32 $0xFFFFFFFF;
	p2 =	slt.u32 s8, $0xFFFFF086  }
0x1c: {  	p1 =	slt.u32 s9, $0xF7A;
	s5 =	simm.s32 @!p2 $0x0  }
0x1d: {  	s5 =	simm.s32 @p1 $0x1;
	p0 =	seq.s32 s7, s2  }
0x1e: {  	s7 =	smul.u32 @!p0 $0xF7A, s2;
	p2 =	seq.s32 @!p0 s5, $0x0  }
0x1f: {  	s9 =	smul.u32 $0xF7A, s1;
	s8 =	simm.s32 @!p0 $0x1BF5;
	p2 =	por !p2, p0  }
0x20: {  	[sflag:s8] =	ssyncset.s32 @!p0 $0xFFFFF086;
	s6 =	sadd.s32 @!p0 s3, s7;
	s7 =	simm.s32 @!p0 $0x108  }
0x21: {  	s3 =	sadd.s32 s3, s9;
	s6 =	sadd.s32 @!p0 $0x88, s6;
	s7 =	simm.s32 @p2 $0x1082  }
0x22: {  	[simem:s7], [sflag:s8] =	dma.local @!p0 [hbm:s6], $0xF7A  }
0x23: {  	s9 =	sor.u32 $0xD0000000, s2;
	s6 =	simm.s32 $0x108;
	_ =	swait.ge @!p0 [sflag:s8], $0x0  }
0x24: {  	s3 =	sadd.s32 $0x88, s3;
	s6 =	simm.s32 @!p1 $0x1082;
	[sflag:s4] =	ssyncset.s32 $0xFFFFF086  }
0x25: {  	[simem:s6], [sflag:s4] =	dma.local [hbm:s3], $0xF7A  }
0x26: {  	[smem:$0x3F9B] =	sst s1;
	(tag) =	ssettag s2;
	_ =	strace s9  }
0x27: {  	s1 =	sld [smem:$0x3FAB]  }
0x28: {  	s2 =	sld [smem:$0x3FAC]  }
0x29: {  	s4 =	sld [smem:$0x3FAE]  }
0x2a: {  	p0 =	seq.s32 s5, $0x0;
	s5 =	sld [smem:$0x3FAF]  }
0x2b: {  	s6 =	sld [smem:$0x3FB0]  }
0x2c: {  	s7 =	sld [smem:$0x3FB1]  }
0x2d: {  	s3 =	simm.s32 $0x108;
	s8 =	sld [smem:$0x3FB2]  }
0x2e: {  	s3 =	simm.s32 @!p0 $0x1082;
	s9 =	sld [smem:$0x3FB3]  }
0x2f: {  	lr =	sadd.s32 s0, s3;
	s0 =	sld [smem:$0x3FAA]  }
0x30: {  	s3 =	sld [smem:$0x3FAD]  }
0x31: {  	[smem:$0x3FB6] =	sst s10  }
0x32: {  	s10 =	sld [smem:$0x3FB4];
	_ =	sdelay $0x3  }
0x33: {  	p0 =	seq.s32 s10, $0x1;
	s10 =	sld [smem:$0x3FB6];
	_ =	sdelay $0x3  }
0x34: {  	[smem:$0x3FB6] =	sst s10  }
0x35: {  	s10 =	sld [smem:$0x3FB5];
	_ =	sdelay $0x3  }
0x36: {  	p1 =	seq.s32 s10, $0x1;
	s10 =	sld [smem:$0x3FB6];
	_ =	sdelay $0x3  }
0x37: {  	[smem:$0x3FB6] =	sst s10  }
0x38: {  	s10 =	sld [smem:$0x3FB7]  }
0x39: {  	_ = 	snop;
	(pc) =	sbr.ind lr, $3  }
0x3a: {  	_ = 	snop  }
0x3b: {  	_ = 	snop  }
0x3c: {  	p2 =	seq.s32 s10, $0x1;
	s10 =	sld [smem:$0x3FB6]  }
0x3d: {  	_ =	shalt  }
0x3e: {  	_ =	shalt  }
0x3f: {  	_ =	shalt  }
0x40: {  	_ =	shalt  }
0x41: {  	_ =	shalt  }
0x42: {  	_ =	shalt  }
0x43: {  	_ =	shalt  }
0x44: {  	_ =	shalt  }
0x45: {  	_ =	shalt  }
0x46: {  	_ =	shalt  }
0x47: {  	_ =	shalt  }
0x48: {  	_ =	shalt  }
0x49: {  	_ =	shalt  }
0x4a: {  	_ =	shalt  }
0x4b: {  	_ =	shalt  }
0x4c: {  	_ =	shalt  }
0x4d: {  	_ =	shalt  }
0x4e: {  	_ =	shalt  }
0x4f: {  	_ =	shalt  }
0x50: {  	_ =	shalt  }
0x51: {  	_ =	shalt  }
0x52: {  	_ =	shalt  }
0x53: {  	_ =	shalt  }
0x54: {  	_ =	shalt  }
0x55: {  	_ =	shalt  }
0x56: {  	_ =	shalt  }
0x57: {  	_ =	shalt  }
0x58: {  	_ =	shalt  }
0x59: {  	_ =	shalt  }
0x5a: {  	_ =	shalt  }
0x5b: {  	_ =	shalt  }
0x5c: {  	_ =	shalt  }
0x5d: {  	_ =	shalt  }
0x5e: {  	_ =	shalt  }
0x5f: {  	_ =	shalt  }
0x60: {  	_ =	shalt  }
0x61: {  	_ =	shalt  }
0x62: {  	_ =	shalt  }
0x63: {  	_ =	shalt  }
0x64: {  	_ =	shalt  }
0x65: {  	_ =	shalt  }
0x66: {  	_ =	shalt  }
0x67: {  	_ =	shalt  }
0x68: {  	_ =	shalt  }
0x69: {  	_ =	shalt  }
0x6a: {  	_ =	shalt  }
0x6b: {  	_ =	shalt  }
0x6c: {  	_ =	shalt  }
0x6d: {  	_ =	shalt  }
0x6e: {  	_ =	shalt  }
0x6f: {  	_ =	shalt  }
0x70: {  	_ =	shalt  }
0x71: {  	_ =	shalt  }
0x72: {  	_ =	shalt  }
0x73: {  	_ =	shalt  }
0x74: {  	_ =	shalt  }
0x75: {  	_ =	shalt  }
0x76: {  	_ =	shalt  }
0x77: {  	_ =	shalt  }
0x78: {  	_ =	shalt  }
0x79: {  	_ =	shalt  }
0x7a: {  	_ =	shalt  }
0x7b: {  	_ =	shalt  }
0x7c: {  	_ =	shalt  }
0x7d: {  	_ =	shalt  }
0x7e: {  	_ =	shalt  }
0x7f: {  	_ =	shalt  }
0x80: {  	_ =	shalt  }
0x81: {  	_ =	shalt  }
0x82: {  	_ =	shalt  }
0x83: {  	_ =	shalt  }
0x84: {  	_ =	shalt  }
0x85: {  	_ =	shalt  }
0x86: {  	_ =	shalt  }
0x87: {  	_ =	shalt  }
.Lfunc_end0:
.L_simem_size_0:
called_computation_lowered:
.L_overlay_start_0:
0x88: {  	s2 =	sld [smem:$0x3FD9]  }
0x89: {  	s3 =	sld [smem:$0x3FFE];
	_ =	sdelay $0x1  }
0x8a: {  	s1 =	srdreg.scid  }
0x8b: {  	s0 =	sand.u32 $0x1, s1  }
0x8c: {  	s17 =	sshll.u32 s0, $0xA;
	s2 =	sadd.s32 s3, s2  }
0x8d: {  	s2 =	sadd.s32 s2, s17  }
0x8e: {  	[smem:$0x3FC2] =	sst s2  }
0x8f: {  	_ = 	snop  }
0x90: {  	s2 =	sld [smem:$0x3FC9]  }
0x91: {  	s18 =	sld [smem:$0x3FC7];
	(tm) =	ssettm $0x1  }
0x92: {  	s4 =	sld [smem:$0x3FFB];
	_ =	sdelay $0x3  }
0x93: {  	_ =	strace s4  }
0x94: {  	s4 =	sld [smem:$0x3FFC];
	_ =	sdelay $0x3  }
0x95: {  	_ =	strace s4  }
0x96: {  	s4 =	sld [smem:$0x3FFD];
	_ =	sdelay $0x3  }
0x97: {  	_ =	strace s4  }
0x98: {  	_ =	strace $0x8FFFFFFF  }
0x99: {  	s19 =	sld [smem:$0x3FDB];
	_ =	sdelay $0x1  }
0x9a: {  	s5 =	simm.s32 $_scs_section_size  }
0x9b: {  	s6 =	simm.s32 $_size__tile_overlayer_lowered;
	s7 =	simm.s32 $_tile_overlayer_lowered  }
0x9c: {  	s22 =	simm.s32 $0x1BFF;
	s21 =	sshll.u32 s7, $0x1;
	s4 =	sadd.s32 s5, s19  }
0x9d: {  	s8 =	simm.s32 $0x0;
	s20 =	sshll.u32 s6, $0x1;
	s6 =	sadd.s32 s21, s4  }
0x9e: {  	[timem:s8], [sflag:s22] =	dma.local [hbm:s6], s20  }
0x9f: {  	_ =	swait.ge [sflag:s22], s20  }
0xa0: {  	s5 =	ssub.s32 $0x0, s20;
	[sflag:s22] =	ssyncset.done $0x0  }
0xa1: {  	[sflag:s22] =	ssyncadd.s32 s5;
	_ =	sdelay $0x1  }
0xa2: {  	s23 =	simm.s32 $0x1B8B  }
0xa3: {  	_ =	swait.ge [sflag:s23], $0x1  }
0xa4: {  	[sflag:s23] =	ssyncset.done $0x0  }
0xa5: {  	s25 =	simm.s32 $0x1B8E;
	s24 =	sld [smem:$0x3FFE];
	[sflag:s23] =	ssyncadd.s32 $0xFFFFFFFF  }
0xa6: {  	s26 =	simm.s32 $execute0_lowered;
	[smem:$0x3FD2] =	sst s25  }
0xa7: {  	s6 =	sshll.u32 s26, $0x1;
	_ =	strace $0x80000046;
	[dreg:$0x1] =	wrdreg $0xFFFFFFFF  }
0xa8: {  	s28 =	simm.s32 $_size_execute0_lowered;
	s4 =	sadd.s32 s4, s6;
	[dreg:$0x0] =	wrdreg $0x0  }
0xa9: {  	s6 =	sshll.u32 s28, $0x1;
	[dreg:$0x2] =	wrdreg s4  }
0xaa: {  	[dreg:$0x3] =	wrdreg s6  }
0xab: {  	[dreg:$0x4] =	wrdreg $0xC0  }
0xac: {  	_ =	task [dreg:s8], $0x5FFFF  }
0xad: {  	[dreg:$0x1] =	wrdreg $0xFFFFFFFF  }
0xae: {  	[dreg:$0x0] =	wrdreg $0x60  }
0xaf: {  	[dreg:$0x2] =	wrdreg s2  }
0xb0: {  	[dreg:$0x3] =	wrdreg s18  }
0xb1: {  	[dreg:$0x4] =	wrdreg s24  }
0xb2: {  	[dreg:$0x5] =	wrdreg $0x9  }
0xb3: {  	_ =	task.clear_ibuf [dreg:s8], $0x6FFFF;
	_ =	strace $0x90000046  }
0xb4: {  	s29 =	simm.s32 $0x9;
	_ =	strace $0x80000048  }
0xb5: {  	_ =	swait.ge [sflag:s29], $0x1  }
0xb6: {  	[sflag:s29] =	ssyncadd.s32 $0xFFFFFFFF  }
0xb7: {  	_ =	strace $0x90000048  }
0xb8: {  	_ =	sfence  }
0xb9: {  	s30 =	sld [smem:$0x0];
	_ =	sdelay $0x2  }
0xba: {  	s31 =	sshll.u32 s1, $0xD;
	s1 =	sshrl.u32 s1, $0x2  }
0xbb: {  	s3 =	sand.u32 $0x4000, s31;
	s1 =	sadd.s32 s1, s30  }
0xbc: {  	s0 =	sor.u32 s3, s0;
	s1 =	sshll.u32 s1, $0x11  }
0xbd: {  	s0 =	sor.u32 s1, s0  }
0xbe: {  	s0 =	sadd.s32 $0x8F2B, s0  }
0xbf: {  	[sflag:s0] =	ssyncadd.remote.s32 $0x1  }
0xc0: {  	_ =	sfence.sel $0xFFFF  }
0xc1: {  	[dreg:$0x0] =	wrdreg $0xFFFFFFFF;
	(pc) =	sbr.abs _section_cstart, $3  }
0xc2: {  	[dreg:$0x1] =	wrdreg $0xFFFFFFFF  }
0xc3: {  	_ =	task.clear_ibuf [dreg:s8], $0x2FFFF;
	_ =	strace $0x9FFFFFFF  }
0xc4: {  	(tm) =	ssettm $0x7FFFFFFF  }
0xc5: {  	_ =	shalt  }
tec
execute0_lowered:
.L_overlay_start_1:
0x0: {  	(tag) =	ssettag $0x1  }
0x1: {  	s0 =	rddreg [dreg:$0x0]  }
0x2: {  	s6 =	simm.s32 $0x0;
	s2 =	srdreg.scid;
	s3 =	stileid.u32  }
0x3: {  	[smem:$0x7FF] =	sst s6;
	s2 =	sand.u32 $0x1, s2;
	s3 =	sshll.u32 s3, $0x1  }
0x4: {  	s1 =	rddreg [dreg:$0x2];
	_ =	strace $0x80000047;
	s3 =	sor.u32 s2, s3  }
0x5: {  	s2 =	ssub.s32 $0x2, s2;
	s4 =	sshll.u32 s3, $0xB;
	s3 =	sshll.u32 s3, $0x6  }
0x6: {  	v0 =	vlaneseq.u32;
	s5 =	sshrl.u32 s2, $0x1;
	s1 =	sadd.s32 s4, s1;
	s0 =	sadd.s32 s0, s3  }
0x7: {  	v0 =	vmul.u32 $0x80, v0;
	s2 =	ssub.s32 s2, s5;
	[dreg:$0x14] =	wrdreg s0;
	s30 =	sadd.s32 $0x1200, s1  }
0x8: {  	s31 =	smax.u32 s2, $0x1;
	[dreg:$0x15] =	wrdreg s30  }
0x9: {  	v1 =	vor.u32 $0x800, v0;
	s1 =	simm.s32 $0x2;
	s2 =	simm.s32 $0x0;
	[dreg:$0x16] =	wrdreg s31  }
.LBB2_1:
0xa: {  	s0 =	rddreg [dreg:$0x14]  }
0xb: {  	[tilespmem:s6], [sflag:$0x2] =	stream.linear.gather [hbm4b:s0+s6], $0x200, $0x38;
	[tilespmem:$0x14200] =	vst v63  }
0xc: {  	[dreg:$0x17] =	wrdreg s2;
	p0 =	por $0x0, $0x0;
	s0 =	simm.s32 $0xFFFFFFFF  }
0xd: {  	_ =	swait.ge [sflag:s1], $0x200;
	s0 =	simm.s32 @!p0 $0x0  }
0xe: {  	[sflag:s1] =	ssyncset.done $0x0;
	s0 =	sshll.u32 s0, $0x4  }
0xf: {  	[sflag:s1] =	ssyncadd.s32 $0xFFFFFE00;
	s0 =	sand.u32 $0x3FFFFFF0, s0  }
0x10: {  	v4 =	vld [tilespmem:s0+$0x0]  }
0x11: {  	v5 =	vld [tilespmem:s6+$0x0];
	_ =	sdelay $0x2  }
0x12: {  	p0 =	por $0x1, $0x1  }
0x13: {  	(v2sf) =	vpush @!p0 v4, $0x0  }
0x14: {  	(v2sf) =	vpush @p0 v5, $0x0  }
0x15: {  	(v2sf) =	vpush @p0 v5, $0x1  }
0x16: {  	(v2sf) =	vpush @!p0 v5, $0x0;
	_ =	sdelay $0x1  }
0x17: {  	(v2sf) =	vpush @p0 v5, $0x3;
	_ =	sdelay $0x1  }
0x18: {  	(v2sf) =	vpush @!p0 v5, $0x3  }
0x19: {  	(v2sf) =	vpush v5, $0x4  }
0x1a: {  	(v2sf) =	vpush @!p0 v4, $0x5  }
0x1b: {  	(v2sf) =	vpush @p0 v5, $0x5  }
0x1c: {  	(v2sf) =	vpush @!p0 v4, $0x6  }
0x1d: {  	(v2sf) =	vpush @!p0 v5, $0x5  }
0x1e: {  	(v2sf) =	vpush v5, $0x6  }
0x1f: {  	s2 =	simm.s32 @!p0 $0x1;
	(v2sf) =	vpush @!p0 v4, $0x7  }
0x20: {  	s14 =	simm.s32 @p0 $0x7A1400;
	s13 =	simm.s32 @p0 $0x400;
	s0 =	spop @!p0 (v2sf);
	(v2sf) =	vpush @p0 v5, $0x7  }
0x21: {  	s1 =	simm.s32 @p0 $0x200;
	s8 =	rddreg [dreg:$0x1];
	s3 =	spop @p0 (v2sf);
	(v2sf) =	vpush @!p0 v4, $0x8  }
0x22: {  	s0 =	sand.u32 @!p0 $0x7F, s0;
	s3 =	sand.u32 @p0 $0xFFFFF80, s3;
	s4 =	spop @p0 (v2sf);
	(v2sf) =	vpush @!p0 v5, $0x7  }
0x23: {  	v2 =	vlaneseq.u32 @!p0;
	s3 =	sadd.s32 @p0 s8, s3;
	s4 =	sand.u32 @p0 $0xFFFFF80, s4;
	s9 =	spop @!p0 (v2sf);
	(v2sf) =	vpush @!p0 v4, $0x1  }
0x24: {  	v2 =	vmul.u32 @!p0 $0x80, v2;
	[tilespmem:s1], [sflag:$0x1] =	stream.strided.gather @p0 [hbm4b:s3+s13], $0x1000, s14, s13, $0x38;
	(v2sf) =	vpush v5, $0x8;
	[tilespmem:$0x14200] =	vst v63  }
0x25: {  	s1 =	simm.s32 @p0 $0x1200;
	s3 =	sadd.s32 @p0 s8, s4;
	s17 =	spop @p0 (v2sf);
	(v2sf) =	vpush @!p0 v5, $0x1  }
0x26: {  	v3 =	vor.u32 @!p0 s0, v2;
	[tilespmem:s1], [sflag:$0x1] =	stream.strided.gather @p0 [hbm4b:s3+s13], $0x1000, s14, s13, $0x38;
	(v2sf) =	vpush @!p0 v4, $0x2;
	[tilespmem:$0x14200] =	vst v63  }
0x27: {  	_ =	swait.ge @!p0 [sflag:s2], $0x1000  }
0x28: {  	s12 =	spop @!p0 (v2sf)  }
0x29: {  	(v2sf) =	vpush v5, $0x2;
	[sflag:s2] =	ssyncset.done @!p0 $0x0;
	s31 =	spop (v2sf)  }
0x2a: {  	s3 =	simm.s32 @!p0 $0x200;
	(v2sf) =	vpush @!p0 v5, $0x9;
	[sflag:s2] =	ssyncadd.s32 @!p0 $0xFFFFF000;
	s28 =	spop @!p0 (v2sf)  }
0x2b: {  	(v2sf) =	vpush @!p0 v4, $0xB;
	v6 =	vld.idx.msk @!p0 [tilespmem:v3+s3+$0x0], $0xffff;
	v3 =	vor.u32 @!p0 $0x800, v2;
	s29 =	spop @p0 (v2sf)  }
0x2c: {  	(v2sf) =	vpush @p0 v5, $0xB;
	v7 =	vor.u32 @!p0 s0, v3;
	s24 =	spop @!p0 (v2sf)  }
0x2d: {  	(v2sf) =	vpush @!p0 v4, $0xC;
	s26 =	spop @!p0 (v2sf)  }
0x2e: {  	(v2sf) =	vpush @!p0 v5, $0xB;
	s23 =	spop (v2sf)  }
0x2f: {  	s5 =	simm.s32 $0x10100;
	(v2sf) =	vpush v5, $0xC;
	s21 =	spop @!p0 (v2sf)  }
0x30: {  	[tilespmem:s5+$0xFFFFFF00] =	vst @!p0 v6;
	s22 =	spop @p0 (v2sf);
	(v2sf) =	vpush @!p0 v4, $0xD  }
0x31: {  	v6 =	vld.idx.msk @!p0 [tilespmem:v7+s3+$0x0], $0xffff;
	s19 =	spop @!p0 (v2sf);
	(v2sf) =	vpush @p0 v5, $0xD  }
0x32: {  	s20 =	spop @!p0 (v2sf);
	(v2sf) =	vpush @!p0 v4, $0xE  }
0x33: {  	s0 =	spop @!p0 (v2sf);
	(v2sf) =	vpush @!p0 v5, $0xD  }
0x34: {  	s11 =	simm.s32 @!p0 $0x7A1400;
	s18 =	spop (v2sf);
	(v2sf) =	vpush @!p0 v4, $0xF  }
0x35: {  	s15 =	simm.s32 @!p0 $0x400;
	s4 =	sand.u32 @!p0 $0xFFFFF80, s9;
	s10 =	spop @!p0 (v2sf);
	(v2sf) =	vpush v5, $0xE  }
0x36: {  	s9 =	sadd.s32 @!p0 s8, s4;
	s0 =	sand.u32 @!p0 $0x7F, s0;
	[tilespmem:s5+$0xFFFFFF10] =	vst @!p0 v6;
	s30 =	spop @!p0 (v2sf);
	(v2sf) =	vpush @!p0 v4, $0x3  }
0x37: {  	[tilespmem:s3], [sflag:$0x1] =	stream.strided.gather @!p0 [hbm4b:s9+s15], $0x1000, s11, s15, $0x38;
	(v2sf) =	vpush v5, $0xF;
	[tilespmem:$0x14200] =	vst v63  }
0x38: {  	v6 =	vor.u32 @!p0 s0, v2;
	s7 =	spop (v2sf);
	(v2sf) =	vpush @!p0 v4, $0x4  }
0x39: {  	s16 =	spop @!p0 (v2sf);
	(v2sf) =	vpush @p0 v5, $0x9  }
0x3a: {  	_ =	swait.ge @!p0 [sflag:s2], $0x1000  }
0x3b: {  	[sflag:s2] =	ssyncset.done @!p0 $0x0  }
0x3c: {  	s3 =	simm.s32 @!p0 $0x1200;
	[sflag:s2] =	ssyncadd.s32 @!p0 $0xFFFFF000  }
0x3d: {  	v6 =	vld.idx.msk @!p0 [tilespmem:v6+s3+$0x0], $0xffff  }
0x3e: {  	v7 =	vor.u32 @!p0 s0, v3;
	_ =	sdelay $0x3  }
0x3f: {  	[tilespmem:s5+$0xFFFFFF20] =	vst @!p0 v6  }
0x40: {  	v6 =	vld.idx.msk @!p0 [tilespmem:v7+s3+$0x0], $0xffff;
	_ =	sdelay $0x3  }
0x41: {  	s0 =	sand.u32 @!p0 $0xFFFFF80, s10;
	s1 =	spop @!p0 (v2sf)  }
0x42: {  	s0 =	sadd.s32 @!p0 s8, s0;
	(v2sf) =	vpush @!p0 v4, $0x9;
	s25 =	spop @p0 (v2sf);
	[tilespmem:s5+$0xFFFFFF30] =	vst @!p0 v6  }
0x43: {  	(v2sf) =	vpush @!p0 v4, $0xA;
	[tilespmem:s3], [sflag:$0x1] =	stream.strided.gather @!p0 [hbm4b:s0+s15], $0x1000, s11, s15, $0x38;
	[tilespmem:$0x14200] =	vst v63  }
0x44: {  	s0 =	spop @!p0 (v2sf)  }
0x45: {  	[smem:$0x7F9] =	sst s0;
	s0 =	spop @!p0 (v2sf)  }
0x46: {  	[smem:$0x7F8] =	sst s1;
	s1 =	spop (v2sf)  }
0x47: {  	[smem:$0x7FA] =	sst s0;
	s0 =	spop @!p0 (v2sf)  }
0x48: {  	[smem:$0x7FC] =	sst s0;
	s0 =	spop @p0 (v2sf)  }
0x49: {  	[smem:$0x7FD] =	sst s0;
	s0 =	spop @!p0 (v2sf)  }
0x4a: {  	[dreg:$0x1e] =	wrdreg s0;
	s0 =	spop @!p0 (v2sf)  }
0x4b: {  	[dreg:$0x1f] =	wrdreg s0;
	s0 =	spop @!p0 (v2sf)  }
0x4c: {  	s3 =	spop (v2sf)  }
0x4d: {  	[dreg:$0x1b] =	wrdreg s3;
	s3 =	spop @!p0 (v2sf)  }
0x4e: {  	s4 =	spop (v2sf)  }
0x4f: {  	[dreg:$0x19] =	wrdreg s4;
	s4 =	spop @!p0 (v2sf)  }
0x50: {  	[dreg:$0x1a] =	wrdreg s0;
	s0 =	sand.u32 @!p0 $0x7F, s30;
	s10 =	spop @p0 (v2sf)  }
0x51: {  	v4 =	vor.u32 @!p0 s0, v2;
	s9 =	spop @!p0 (v2sf)  }
0x52: {  	[smem:$0x7FB] =	sst s1;
	(v2sf) =	vpush v5, $0xA;
	s30 =	spop @!p0 (v2sf)  }
0x53: {  	_ =	swait.ge @!p0 [sflag:s2], $0x1000  }
0x54: {  	[sflag:s2] =	ssyncset.done @!p0 $0x0  }
0x55: {  	s1 =	simm.s32 @!p0 $0x2200;
	[sflag:s2] =	ssyncadd.s32 @!p0 $0xFFFFF000  }
0x56: {  	v4 =	vld.idx.msk @!p0 [tilespmem:v4+s1+$0x0], $0xffff  }
0x57: {  	v5 =	vor.u32 @!p0 s0, v3;
	_ =	sdelay $0x3  }
0x58: {  	[tilespmem:s5+$0xFFFFFF40] =	vst @!p0 v4  }
0x59: {  	v4 =	vld.idx.msk @!p0 [tilespmem:v5+s1+$0x0], $0xffff;
	_ =	sdelay $0x3  }
0x5a: {  	s6 =	simm.s32 $0x7A1400;
	s7 =	sand.u32 $0xFFFFF80, s7  }
0x5b: {  	s0 =	sadd.s32 s8, s7;
	s7 =	simm.s32 $0x400;
	s1 =	simm.s32 $0x2200;
	[tilespmem:s5+$0xFFFFFF50] =	vst @!p0 v4  }
0x5c: {  	[tilespmem:s1], [sflag:$0x1] =	stream.strided.gather [hbm4b:s0+s7], $0x1000, s6, s7, $0x38;
	[tilespmem:$0x14200] =	vst v63  }
0x5d: {  	s0 =	sand.u32 @p0 $0xFFFFF80, s17;
	s1 =	sand.u32 @!p0 $0x7F, s3  }
0x5e: {  	s3 =	simm.s32 @p0 $0x3200;
	s17 =	spop (v2sf);
	s0 =	sadd.s32 @p0 s8, s0;
	v4 =	vor.u32 @!p0 s1, v2  }
0x5f: {  	[tilespmem:s3], [sflag:$0x1] =	stream.strided.gather @p0 [hbm4b:s0+s13], $0x1000, s14, s13, $0x38;
	[tilespmem:$0x14200] =	vst v63  }
0x60: {  	_ =	swait.ge @!p0 [sflag:s2], $0x1000  }
0x61: {  	[sflag:s2] =	ssyncset.done @!p0 $0x0  }
0x62: {  	s0 =	simm.s32 @!p0 $0x3200;
	[sflag:s2] =	ssyncadd.s32 @!p0 $0xFFFFF000  }
0x63: {  	v4 =	vld.idx.msk @!p0 [tilespmem:v4+s0+$0x0], $0xffff  }
0x64: {  	v5 =	vor.u32 @!p0 s1, v3;
	_ =	sdelay $0x3  }
0x65: {  	[tilespmem:s5+$0xFFFFFF60] =	vst @!p0 v4  }
0x66: {  	v4 =	vld.idx.msk @!p0 [tilespmem:v5+s0+$0x0], $0xffff;
	_ =	sdelay $0x3  }
0x67: {  	s1 =	sand.u32 @!p0 $0xFFFFF80, s12;
	s3 =	sand.u32 @!p0 $0x7F, s4  }
0x68: {  	s1 =	sadd.s32 @!p0 s8, s1;
	[tilespmem:s5+$0xFFFFFF70] =	vst @!p0 v4;
	v4 =	vor.u32 @!p0 s3, v2  }
0x69: {  	[tilespmem:s0], [sflag:$0x1] =	stream.strided.gather @!p0 [hbm4b:s1+s15], $0x1000, s11, s15, $0x38;
	[tilespmem:$0x14200] =	vst v63  }
0x6a: {  	_ =	swait.ge @!p0 [sflag:s2], $0x1000  }
0x6b: {  	[sflag:s2] =	ssyncset.done @!p0 $0x0  }
0x6c: {  	s0 =	simm.s32 @!p0 $0x4200;
	[sflag:s2] =	ssyncadd.s32 @!p0 $0xFFFFF000  }
0x6d: {  	v4 =	vld.idx.msk @!p0 [tilespmem:v4+s0+$0x0], $0xffff  }
0x6e: {  	v5 =	vor.u32 @!p0 s3, v3;
	_ =	sdelay $0x3  }
0x6f: {  	[tilespmem:s5+$0xFFFFFF80] =	vst @!p0 v4  }
0x70: {  	v4 =	vld.idx.msk @!p0 [tilespmem:v5+s0+$0x0], $0xffff;
	_ =	sdelay $0x3  }
0x71: {  	s1 =	sand.u32 $0xFFFFF80, s31  }
0x72: {  	s3 =	simm.s32 $0x4200;
	s0 =	sadd.s32 s8, s1;
	[tilespmem:s5+$0xFFFFFF90] =	vst @!p0 v4  }
0x73: {  	[tilespmem:s3], [sflag:$0x1] =	stream.strided.gather [hbm4b:s0+s7], $0x1000, s6, s7, $0x38;
	[tilespmem:$0x14200] =	vst v63  }
0x74: {  	s1 =	sand.u32 @p0 $0xFFFFF80, s29;
	s0 =	sand.u32 @!p0 $0x7F, s28  }
0x75: {  	s1 =	sadd.s32 @p0 s8, s1;
	s3 =	simm.s32 @p0 $0x5200;
	v4 =	vor.u32 @!p0 s0, v2  }
0x76: {  	[tilespmem:s3], [sflag:$0x1] =	stream.strided.gather @p0 [hbm4b:s1+s13], $0x1000, s14, s13, $0x38;
	[tilespmem:$0x14200] =	vst v63  }
0x77: {  	_ =	swait.ge @!p0 [sflag:s2], $0x1000  }
0x78: {  	[sflag:s2] =	ssyncset.done @!p0 $0x0  }
0x79: {  	s1 =	simm.s32 @!p0 $0x5200;
	[sflag:s2] =	ssyncadd.s32 @!p0 $0xFFFFF000  }
0x7a: {  	v4 =	vld.idx.msk @!p0 [tilespmem:v4+s1+$0x0], $0xffff  }
0x7b: {  	v5 =	vor.u32 @!p0 s0, v3;
	_ =	sdelay $0x3  }
0x7c: {  	[tilespmem:s5+$0xFFFFFFA0] =	vst @!p0 v4  }
0x7d: {  	v4 =	vld.idx.msk @!p0 [tilespmem:v5+s1+$0x0], $0xffff;
	_ =	sdelay $0x3  }
0x7e: {  	s0 =	sand.u32 @!p0 $0x7F, s24;
	s3 =	sand.u32 @!p0 $0xFFFFF80, s26  }
0x7f: {  	s3 =	sadd.s32 @!p0 s8, s3;
	[tilespmem:s5+$0xFFFFFFB0] =	vst @!p0 v4;
	v4 =	vor.u32 @!p0 s0, v2  }
0x80: {  	[tilespmem:s1], [sflag:$0x1] =	stream.strided.gather @!p0 [hbm4b:s3+s15], $0x1000, s11, s15, $0x38;
	[tilespmem:$0x14200] =	vst v63  }
0x81: {  	_ =	swait.ge @!p0 [sflag:s2], $0x1000  }
0x82: {  	[sflag:s2] =	ssyncset.done @!p0 $0x0  }
0x83: {  	s1 =	simm.s32 @!p0 $0x6200;
	[sflag:s2] =	ssyncadd.s32 @!p0 $0xFFFFF000  }
0x84: {  	v4 =	vld.idx.msk @!p0 [tilespmem:v4+s1+$0x0], $0xffff  }
0x85: {  	v5 =	vor.u32 @!p0 s0, v3;
	_ =	sdelay $0x3  }
0x86: {  	[tilespmem:s5+$0xFFFFFFC0] =	vst @!p0 v4  }
0x87: {  	v4 =	vld.idx.msk @!p0 [tilespmem:v5+s1+$0x0], $0xffff;
	_ =	sdelay $0x3  }
0x88: {  	s4 =	sand.u32 $0xFFFFF80, s23  }
0x89: {  	s12 =	simm.s32 $0x6200;
	s0 =	sadd.s32 s8, s4;
	[tilespmem:s5+$0xFFFFFFD0] =	vst @!p0 v4  }
0x8a: {  	[tilespmem:s12], [sflag:$0x1] =	stream.strided.gather [hbm4b:s0+s7], $0x1000, s6, s7, $0x38;
	[tilespmem:$0x14200] =	vst v63  }
0x8b: {  	s1 =	sand.u32 @p0 $0xFFFFF80, s22;
	s0 =	sand.u32 @!p0 $0x7F, s21  }
0x8c: {  	s3 =	simm.s32 @p0 $0x7200;
	s1 =	sadd.s32 @p0 s8, s1;
	v4 =	vor.u32 @!p0 s0, v2  }
0x8d: {  	[tilespmem:s3], [sflag:$0x1] =	stream.strided.gather @p0 [hbm4b:s1+s13], $0x1000, s14, s13, $0x38;
	[tilespmem:$0x14200] =	vst v63  }
0x8e: {  	_ =	swait.ge @!p0 [sflag:s2], $0x1000  }
0x8f: {  	[sflag:s2] =	ssyncset.done @!p0 $0x0  }
0x90: {  	s1 =	simm.s32 @!p0 $0x7200;
	[sflag:s2] =	ssyncadd.s32 @!p0 $0xFFFFF000  }
0x91: {  	v4 =	vld.idx.msk @!p0 [tilespmem:v4+s1+$0x0], $0xffff  }
0x92: {  	v5 =	vor.u32 @!p0 s0, v3;
	_ =	sdelay $0x3  }
0x93: {  	[tilespmem:s5+$0xFFFFFFE0] =	vst @!p0 v4  }
0x94: {  	v4 =	vld.idx.msk @!p0 [tilespmem:v5+s1+$0x0], $0xffff;
	_ =	sdelay $0x3  }
0x95: {  	s0 =	sand.u32 @!p0 $0x7F, s19;
	s3 =	sand.u32 @!p0 $0xFFFFF80, s20  }
0x96: {  	s3 =	sadd.s32 @!p0 s8, s3;
	[tilespmem:s5+$0xFFFFFFF0] =	vst @!p0 v4;
	v4 =	vor.u32 @!p0 s0, v2  }
0x97: {  	[tilespmem:s1], [sflag:$0x1] =	stream.strided.gather @!p0 [hbm4b:s3+s15], $0x1000, s11, s15, $0x38;
	[tilespmem:$0x14200] =	vst v63  }
0x98: {  	_ =	swait.ge @!p0 [sflag:s2], $0x1000  }
0x99: {  	[sflag:s2] =	ssyncset.done @!p0 $0x0  }
0x9a: {  	s1 =	simm.s32 @!p0 $0x8200;
	[sflag:s2] =	ssyncadd.s32 @!p0 $0xFFFFF000  }
0x9b: {  	v4 =	vld.idx.msk @!p0 [tilespmem:v4+s1+$0x0], $0xffff  }
0x9c: {  	v5 =	vor.u32 @!p0 s0, v3;
	_ =	sdelay $0x3  }
0x9d: {  	[tilespmem:s5+$0x0] =	vst @!p0 v4  }
0x9e: {  	v4 =	vld.idx.msk @!p0 [tilespmem:v5+s1+$0x0], $0xffff;
	_ =	sdelay $0x3  }
0x9f: {  	s19 =	sand.u32 $0xFFFFF80, s18;
	s20 =	simm.s32 $0x8200  }
0xa0: {  	s0 =	sadd.s32 s8, s19;
	s3 =	sand.u32 @!p0 $0x7F, s9;
	s1 =	sand.u32 @p0 $0xFFFFF80, s10;
	[tilespmem:s5+$0x10] =	vst @!p0 v4  }
0xa1: {  	[tilespmem:s20], [sflag:$0x1] =	stream.strided.gather [hbm4b:s0+s7], $0x1000, s6, s7, $0x38;
	[tilespmem:$0x14200] =	vst v63  }
0xa2: {  	v4 =	vor.u32 @!p0 s3, v2;
	s0 =	sadd.s32 @p0 s8, s1;
	s1 =	simm.s32 @p0 $0x9200  }
0xa3: {  	[tilespmem:s1], [sflag:$0x1] =	stream.strided.gather @p0 [hbm4b:s0+s13], $0x1000, s14, s13, $0x38;
	[tilespmem:$0x14200] =	vst v63  }
0xa4: {  	_ =	swait.ge @!p0 [sflag:s2], $0x1000  }
0xa5: {  	[sflag:s2] =	ssyncset.done @!p0 $0x0  }
0xa6: {  	s0 =	simm.s32 @!p0 $0x9200;
	[sflag:s2] =	ssyncadd.s32 @!p0 $0xFFFFF000  }
0xa7: {  	v4 =	vld.idx.msk @!p0 [tilespmem:v4+s0+$0x0], $0xffff  }
0xa8: {  	v5 =	vor.u32 @!p0 s3, v3;
	_ =	sdelay $0x3  }
0xa9: {  	[tilespmem:s5+$0x20] =	vst @!p0 v4  }
0xaa: {  	v4 =	vld.idx.msk @!p0 [tilespmem:v5+s0+$0x0], $0xffff;
	_ =	sdelay $0x3  }
0xab: {  	s3 =	sand.u32 @!p0 $0x7F, s30;
	s1 =	sand.u32 @!p0 $0xFFFFF80, s16  }
0xac: {  	s1 =	sadd.s32 @!p0 s8, s1;
	[tilespmem:s5+$0x30] =	vst @!p0 v4;
	v4 =	vor.u32 @!p0 s3, v2  }
0xad: {  	[tilespmem:s0], [sflag:$0x1] =	stream.strided.gather @!p0 [hbm4b:s1+s15], $0x1000, s11, s15, $0x38;
	[tilespmem:$0x14200] =	vst v63  }
0xae: {  	_ =	swait.ge @!p0 [sflag:s2], $0x1000  }
0xaf: {  	[sflag:s2] =	ssyncset.done @!p0 $0x0  }
0xb0: {  	s0 =	simm.s32 @!p0 $0xA200;
	[sflag:s2] =	ssyncadd.s32 @!p0 $0xFFFFF000  }
0xb1: {  	v4 =	vld.idx.msk @!p0 [tilespmem:v4+s0+$0x0], $0xffff  }
0xb2: {  	v5 =	vor.u32 @!p0 s3, v3;
	_ =	sdelay $0x3  }
0xb3: {  	[tilespmem:s5+$0x40] =	vst @!p0 v4  }
0xb4: {  	v4 =	vld.idx.msk @!p0 [tilespmem:v5+s0+$0x0], $0xffff;
	_ =	sdelay $0x1  }
0xb5: {  	s1 =	sld [smem:$0x7F8];
	_ =	sdelay $0x1  }
0xb6: {  	s22 =	simm.s32 $0xA200;
	s21 =	sand.u32 $0xFFFFF80, s17  }
0xb7: {  	s3 =	sand.u32 @p0 $0xFFFFF80, s25;
	s1 =	sand.u32 @!p0 $0x7F, s1;
	s0 =	sadd.s32 s8, s21;
	[tilespmem:s5+$0x50] =	vst @!p0 v4  }
0xb8: {  	[tilespmem:s22], [sflag:$0x1] =	stream.strided.gather [hbm4b:s0+s7], $0x1000, s6, s7, $0x38;
	[tilespmem:$0x14200] =	vst v63  }
0xb9: {  	v4 =	vor.u32 @!p0 s1, v2;
	s0 =	sadd.s32 @p0 s8, s3;
	s3 =	simm.s32 @p0 $0xB200  }
0xba: {  	[tilespmem:s3], [sflag:$0x1] =	stream.strided.gather @p0 [hbm4b:s0+s13], $0x1000, s14, s13, $0x38;
	[tilespmem:$0x14200] =	vst v63  }
0xbb: {  	_ =	swait.ge @!p0 [sflag:s2], $0x1000  }
0xbc: {  	[sflag:s2] =	ssyncset.done @!p0 $0x0  }
0xbd: {  	s0 =	simm.s32 @!p0 $0xB200;
	[sflag:s2] =	ssyncadd.s32 @!p0 $0xFFFFF000  }
0xbe: {  	v4 =	vld.idx.msk @!p0 [tilespmem:v4+s0+$0x0], $0xffff  }
0xbf: {  	v5 =	vor.u32 @!p0 s1, v3;
	_ =	sdelay $0x3  }
0xc0: {  	[tilespmem:s5+$0x60] =	vst @!p0 v4  }
0xc1: {  	s1 =	sld [smem:$0x7F9];
	v4 =	vld.idx.msk @!p0 [tilespmem:v5+s0+$0x0], $0xffff  }
0xc2: {  	s3 =	sld [smem:$0x7FA];
	_ =	sdelay $0x2  }
0xc3: {  	s1 =	sand.u32 @!p0 $0x7F, s1;
	s3 =	sand.u32 @!p0 $0xFFFFF80, s3  }
0xc4: {  	s3 =	sadd.s32 @!p0 s8, s3;
	[tilespmem:s5+$0x70] =	vst @!p0 v4;
	v4 =	vor.u32 @!p0 s1, v2  }
0xc5: {  	[tilespmem:s0], [sflag:$0x1] =	stream.strided.gather @!p0 [hbm4b:s3+s15], $0x1000, s11, s15, $0x38;
	[tilespmem:$0x14200] =	vst v63  }
0xc6: {  	_ =	swait.ge @!p0 [sflag:s2], $0x1000  }
0xc7: {  	[sflag:s2] =	ssyncset.done @!p0 $0x0  }
0xc8: {  	s0 =	simm.s32 @!p0 $0xC200;
	[sflag:s2] =	ssyncadd.s32 @!p0 $0xFFFFF000  }
0xc9: {  	v4 =	vld.idx.msk @!p0 [tilespmem:v4+s0+$0x0], $0xffff  }
0xca: {  	v5 =	vor.u32 @!p0 s1, v3;
	_ =	sdelay $0x3  }
0xcb: {  	[tilespmem:s5+$0x80] =	vst @!p0 v4  }
0xcc: {  	s23 =	sld [smem:$0x7FB];
	v4 =	vld.idx.msk @!p0 [tilespmem:v5+s0+$0x0], $0xffff  }
0xcd: {  	s1 =	sld [smem:$0x7FC]  }
0xce: {  	s3 =	sld [smem:$0x7FD];
	_ =	sdelay $0x1  }
0xcf: {  	s24 =	simm.s32 $0xC200;
	s0 =	sand.u32 $0xFFFFF80, s23  }
0xd0: {  	s1 =	sand.u32 @!p0 $0x7F, s1;
	s3 =	sand.u32 @p0 $0xFFFFF80, s3;
	s0 =	sadd.s32 s8, s0;
	[tilespmem:s5+$0x90] =	vst @!p0 v4  }
0xd1: {  	[tilespmem:s24], [sflag:$0x1] =	stream.strided.gather [hbm4b:s0+s7], $0x1000, s6, s7, $0x38;
	[tilespmem:$0x14200] =	vst v63  }
0xd2: {  	v4 =	vor.u32 @!p0 s1, v2;
	s0 =	sadd.s32 @p0 s8, s3;
	s3 =	simm.s32 @p0 $0xD200  }
0xd3: {  	[tilespmem:s3], [sflag:$0x1] =	stream.strided.gather @p0 [hbm4b:s0+s13], $0x1000, s14, s13, $0x38;
	[tilespmem:$0x14200] =	vst v63  }
0xd4: {  	_ =	swait.ge @!p0 [sflag:s2], $0x1000  }
0xd5: {  	[sflag:s2] =	ssyncset.done @!p0 $0x0  }
0xd6: {  	s0 =	simm.s32 @!p0 $0xD200;
	[sflag:s2] =	ssyncadd.s32 @!p0 $0xFFFFF000  }
0xd7: {  	v4 =	vld.idx.msk @!p0 [tilespmem:v4+s0+$0x0], $0xffff  }
0xd8: {  	v5 =	vor.u32 @!p0 s1, v3;
	_ =	sdelay $0x3  }
0xd9: {  	[tilespmem:s5+$0xA0] =	vst @!p0 v4  }
0xda: {  	v4 =	vld.idx.msk @!p0 [tilespmem:v5+s0+$0x0], $0xffff;
	_ =	sdelay $0x1  }
0xdb: {  	s1 =	rddreg [dreg:$0x1e]  }
0xdc: {  	s3 =	rddreg [dreg:$0x1f]  }
0xdd: {  	s1 =	sand.u32 @!p0 $0x7F, s1;
	s3 =	sand.u32 @!p0 $0xFFFFF80, s3  }
0xde: {  	s3 =	sadd.s32 @!p0 s8, s3;
	[tilespmem:s5+$0xB0] =	vst @!p0 v4;
	v4 =	vor.u32 @!p0 s1, v2  }
0xdf: {  	[tilespmem:s0], [sflag:$0x1] =	stream.strided.gather @!p0 [hbm4b:s3+s15], $0x1000, s11, s15, $0x38;
	[tilespmem:$0x14200] =	vst v63  }
0xe0: {  	_ =	swait.ge @!p0 [sflag:s2], $0x1000  }
0xe1: {  	[sflag:s2] =	ssyncset.done @!p0 $0x0  }
0xe2: {  	s0 =	simm.s32 @!p0 $0xE200;
	[sflag:s2] =	ssyncadd.s32 @!p0 $0xFFFFF000  }
0xe3: {  	v4 =	vld.idx.msk @!p0 [tilespmem:v4+s0+$0x0], $0xffff  }
0xe4: {  	v5 =	vor.u32 @!p0 s1, v3;
	_ =	sdelay $0x2  }
0xe5: {  	s5 =	simm.s32 $0x10100  }
0xe6: {  	[tilespmem:s5+$0xC0] =	vst @!p0 v4  }
0xe7: {  	v4 =	vld.idx.msk @!p0 [tilespmem:v5+s0+$0x0], $0xffff;
	_ =	sdelay $0x1  }
0xe8: {  	s25 =	rddreg [dreg:$0x1b]  }
0xe9: {  	s0 =	rddreg [dreg:$0x1a]  }
0xea: {  	s3 =	sand.u32 @!p0 $0x7F, s0;
	s0 =	sand.u32 $0xFFFFF80, s25  }
0xeb: {  	s26 =	simm.s32 $0xE200;
	s0 =	sadd.s32 s8, s0;
	v2 =	vor.u32 @!p0 s3, v2;
	[tilespmem:s5+$0xD0] =	vst @!p0 v4  }
0xec: {  	[tilespmem:s26], [sflag:$0x1] =	stream.strided.gather [hbm4b:s0+s7], $0x1000, s6, s7, $0x38;
	[tilespmem:$0x14200] =	vst v63  }
0xed: {  	_ =	swait.ge @!p0 [sflag:s2], $0x1000  }
0xee: {  	s29 =	simm.s32 $0x0;
	s28 =	simm.s32 $0x1;
	[sflag:s2] =	ssyncset.done @!p0 $0x0  }
0xef: {  	s1 =	simm.s32 @!p0 $0xF200;
	s31 =	rddreg [dreg:$0x19];
	[sflag:s2] =	ssyncadd.s32 @!p0 $0xFFFFF000  }
0xf0: {  	s30 =	simm.s32 $0x10300;
	s6 =	sand.u32 $0xFFFFF80, s31;
	s2 =	simm.s32 $0x0;
	v4 =	vld.idx.msk @!p0 [tilespmem:v2+s1+$0x0], $0xffff;
	v2 =	vor.u32 @!p0 s3, v3  }
.LBB2_2:
0xf1: {  	_ =	sdelay $0x3  }
0xf2: {  	[tilespmem:s5+$0xE0] =	vst @!p0 v4  }
0xf3: {  	v2 =	vld.idx.msk @!p0 [tilespmem:v2+s1+$0x0], $0xffff;
	_ =	sdelay $0x1  }
0xf4: {  	p2 =	sgt.s32 s29, $0x0;
	s4 =	smov.u32 s29  }
0xf5: {  	s0 =	rddreg [dreg:$0x1];
	s4 =	simm.s32 @!p2 $0x0  }
0xf6: {  	s20 =	simm.s32 $0x400;
	s7 =	simm.s32 $0x7A1400;
	s17 =	sshll.u32 s4, $0x4  }
0xf7: {  	s21 =	simm.s32 $0xF200;
	s18 =	sadd.s32 s0, s6;
	s1 =	sand.u32 $0x3FFFFFF0, s17;
	[tilespmem:s5+$0xF0] =	vst @!p0 v2  }
0xf8: {  	[tilespmem:s21], [sflag:$0x1] =	stream.strided.gather [hbm4b:s18+s20], $0x1000, s7, s20, $0x38;
	[tilespmem:$0x14200] =	vst v63  }
0xf9: {  	s2 =	sadd.s32 $0x10, s2;
	v5 =	vld [tilespmem:s1+$0x0]  }
0xfa: {  	v4 =	vld [tilespmem:s2+$0x0];
	_ =	sdelay $0x2  }
0xfb: {  	p0 =	seq.s32 s29, $0xFFFFFFFF  }
0xfc: {  	(v2sf) =	vpush @!p0 v5, $0x0  }
0xfd: {  	(v2sf) =	vpush @p0 v4, $0x0  }
0xfe: {  	(v2sf) =	vpush @p0 v4, $0x1  }
0xff: {  	(v2sf) =	vpush @!p0 v4, $0x0;
	_ =	sdelay $0x1  }
0x100: {  	(v2sf) =	vpush @p0 v4, $0x3;
	_ =	sdelay $0x1  }
0x101: {  	(v2sf) =	vpush @!p0 v4, $0x3  }
0x102: {  	(v2sf) =	vpush v4, $0x4  }
0x103: {  	(v2sf) =	vpush @!p0 v5, $0x5  }
0x104: {  	(v2sf) =	vpush @p0 v4, $0x5  }
0x105: {  	(v2sf) =	vpush @!p0 v5, $0x6  }
0x106: {  	(v2sf) =	vpush @!p0 v4, $0x5  }
0x107: {  	s3 =	smov.u32 s28;
	s19 =	smov.u32 s30;
	(v2sf) =	vpush v4, $0x6  }
0x108: {  	[dreg:$0x4] =	wrdreg s19;
	s29 =	smov.u32 s3;
	(v2sf) =	vpush @!p0 v5, $0x7  }
0x109: {  	s19 =	simm.s32 @!p0 $0x1;
	s3 =	simm.s32 @p0 $0x200;
	s4 =	spop @!p0 (v2sf);
	(v2sf) =	vpush @p0 v4, $0x7  }
0x10a: {  	s20 =	simm.s32 @p0 $0x7A1400;
	s6 =	sand.u32 @!p0 $0x7F, s4;
	s4 =	spop @p0 (v2sf);
	(v2sf) =	vpush @!p0 v5, $0x8  }
0x10b: {  	s21 =	simm.s32 @p0 $0x400;
	s4 =	sand.u32 @p0 $0xFFFFF80, s4;
	s7 =	spop @p0 (v2sf);
	(v2sf) =	vpush @!p0 v4, $0x7  }
0x10c: {  	s4 =	sadd.s32 @p0 s0, s4;
	s7 =	sand.u32 @p0 $0xFFFFF80, s7;
	s9 =	spop @!p0 (v2sf);
	(v2sf) =	vpush @!p0 v5, $0x1  }
0x10d: {  	[tilespmem:s3], [sflag:$0x1] =	stream.strided.gather @p0 [hbm4b:s4+s21], $0x1000, s20, s21, $0x38;
	(v2sf) =	vpush v4, $0x8;
	[tilespmem:$0x14200] =	vst v63  }
0x10e: {  	v2 =	vlaneseq.u32 @!p0;
	s5 =	simm.s32 @p0 $0x1200;
	s3 =	sadd.s32 @p0 s0, s7;
	s7 =	spop @p0 (v2sf);
	(v2sf) =	vpush @!p0 v4, $0x1  }
0x10f: {  	v2 =	vmul.u32 @!p0 $0x80, v2;
	[tilespmem:s5], [sflag:$0x1] =	stream.strided.gather @p0 [hbm4b:s3+s21], $0x1000, s20, s21, $0x38;
	(v2sf) =	vpush @!p0 v5, $0x2;
	[tilespmem:$0x14200] =	vst v63  }
0x110: {  	_ =	swait.ge @!p0 [sflag:s19], $0x1000  }
0x111: {  	v3 =	vor.u32 @!p0 s6, v2;
	s3 =	spop @!p0 (v2sf)  }
0x112: {  	(v2sf) =	vpush v4, $0x2;
	s22 =	spop (v2sf)  }
0x113: {  	s1 =	simm.s32 @!p0 $0x200;
	s12 =	sand.u32 @!p0 $0xFFFFF80, s3;
	s3 =	spop @!p0 (v2sf)  }
0x114: {  	[sflag:s19] =	ssyncset.done @!p0 $0x0;
	(v2sf) =	vpush @!p0 v4, $0x9;
	s5 =	sand.u32 @!p0 $0x7F, s3;
	s3 =	spop @p0 (v2sf)  }
0x115: {  	[sflag:s19] =	ssyncadd.s32 @!p0 $0xFFFFF000;
	(v2sf) =	vpush @!p0 v5, $0xB;
	s11 =	sand.u32 @p0 $0xFFFFF80, s3;
	s3 =	spop @!p0 (v2sf)  }
0x116: {  	v6 =	vld.idx.msk @!p0 [tilespmem:v3+s1+$0x0], $0xffff;
	v3 =	vor.u32 @!p0 $0x800, v2;
	(v2sf) =	vpush @p0 v4, $0xB;
	s31 =	sand.u32 @!p0 $0x7F, s3;
	s3 =	spop @!p0 (v2sf)  }
0x117: {  	v7 =	vor.u32 @!p0 s6, v3;
	(v2sf) =	vpush @!p0 v5, $0xC;
	s23 =	spop (v2sf)  }
0x118: {  	s26 =	sand.u32 @!p0 $0xFFFFF80, s3;
	(v2sf) =	vpush @!p0 v4, $0xB;
	s3 =	sand.u32 $0xFFFFF80, s23  }
0x119: {  	[dreg:$0x12] =	wrdreg s3;
	s3 =	spop @!p0 (v2sf);
	(v2sf) =	vpush v4, $0xC  }
0x11a: {  	s16 =	sand.u32 @!p0 $0x7F, s3;
	s3 =	spop @p0 (v2sf);
	(v2sf) =	vpush @!p0 v5, $0xD  }
0x11b: {  	[tilespmem:s30+$0xFFFFFF00] =	vst @!p0 v6;
	s6 =	spop @!p0 (v2sf);
	(v2sf) =	vpush @p0 v4, $0xD  }
0x11c: {  	v6 =	vld.idx.msk @!p0 [tilespmem:v7+s1+$0x0], $0xffff;
	s3 =	sand.u32 @p0 $0xFFFFF80, s3;
	s14 =	sand.u32 @!p0 $0x7F, s6;
	s6 =	spop @!p0 (v2sf);
	(v2sf) =	vpush @!p0 v5, $0xE  }
0x11d: {  	[dreg:$0x13] =	wrdreg s3;
	s3 =	sand.u32 @!p0 $0xFFFFF80, s6;
	s6 =	spop @!p0 (v2sf);
	(v2sf) =	vpush @!p0 v4, $0xD  }
0x11e: {  	s4 =	sand.u32 @!p0 $0xFFFFF80, s9;
	s13 =	sand.u32 @p0 $0xFFFFF80, s7;
	s24 =	spop (v2sf);
	(v2sf) =	vpush @!p0 v5, $0xF  }
0x11f: {  	s4 =	sadd.s32 @!p0 s0, s4;
	s23 =	simm.s32 @!p0 $0x7A1400;
	s7 =	spop @!p0 (v2sf);
	(v2sf) =	vpush v4, $0xE  }
0x120: {  	[dreg:$0x10] =	wrdreg s3;
	s6 =	sand.u32 @!p0 $0x7F, s6;
	s10 =	spop @!p0 (v2sf);
	(v2sf) =	vpush @!p0 v5, $0x3  }
0x121: {  	[tilespmem:s30+$0xFFFFFF10] =	vst @!p0 v6;
	s25 =	sand.u32 $0xFFFFF80, s24;
	s24 =	simm.s32 @!p0 $0x400;
	s3 =	spop (v2sf);
	(v2sf) =	vpush v4, $0xF  }
0x122: {  	[tilespmem:s1], [sflag:$0x1] =	stream.strided.gather @!p0 [hbm4b:s4+s24], $0x1000, s23, s24, $0x38;
	(v2sf) =	vpush @!p0 v5, $0x4;
	[tilespmem:$0x14200] =	vst v63  }
0x123: {  	v6 =	vor.u32 @!p0 s6, v2;
	[dreg:$0xf] =	wrdreg s25;
	s15 =	sand.u32 @!p0 $0x7F, s10;
	s10 =	spop @!p0 (v2sf);
	(v2sf) =	vpush @p0 v4, $0x9  }
0x124: {  	s1 =	sand.u32 @!p0 $0xFFFFF80, s10;
	_ =	swait.ge @!p0 [sflag:s19], $0x1000  }
0x125: {  	[dreg:$0xe] =	wrdreg s1;
	s1 =	spop @!p0 (v2sf)  }
0x126: {  	[sflag:s19] =	ssyncset.done @!p0 $0x0;
	s10 =	sand.u32 @!p0 $0x7F, s1;
	s1 =	spop @p0 (v2sf)  }
0x127: {  	s9 =	simm.s32 @!p0 $0x1200;
	(v2sf) =	vpush @!p0 v5, $0x9;
	[sflag:s19] =	ssyncadd.s32 @!p0 $0xFFFFF000;
	s1 =	sand.u32 @p0 $0xFFFFF80, s1  }
0x128: {  	(v2sf) =	vpush @!p0 v5, $0xA;
	v5 =	vld.idx.msk @!p0 [tilespmem:v6+s9+$0x0], $0xffff;
	[dreg:$0xd] =	wrdreg s1;
	s1 =	spop @!p0 (v2sf)  }
0x129: {  	s25 =	sand.u32 $0xFFFFF80, s3;
	(v2sf) =	vpush v4, $0xA;
	v4 =	vor.u32 @!p0 s6, v3;
	s3 =	sand.u32 @!p0 $0x7F, s1;
	s1 =	spop @!p0 (v2sf)  }
0x12a: {  	s1 =	sand.u32 @!p0 $0xFFFFF80, s1;
	s4 =	spop (v2sf)  }
0x12b: {  	[dreg:$0xc] =	wrdreg s1;
	s1 =	sand.u32 $0xFFFFF80, s4  }
0x12c: {  	[dreg:$0xa] =	wrdreg s1;
	s1 =	spop @!p0 (v2sf)  }
0x12d: {  	[tilespmem:s30+$0xFFFFFF20] =	vst @!p0 v5;
	s1 =	sand.u32 @!p0 $0x7F, s1  }
0x12e: {  	v4 =	vld.idx.msk @!p0 [tilespmem:v4+s9+$0x0], $0xffff;
	[dreg:$0x9] =	wrdreg s1;
	s1 =	spop @p0 (v2sf)  }
0x12f: {  	s1 =	sand.u32 @p0 $0xFFFFF80, s1  }
0x130: {  	[dreg:$0xb] =	wrdreg s1;
	s1 =	spop @!p0 (v2sf)  }
0x131: {  	s1 =	sand.u32 @!p0 $0x7F, s1  }
0x132: {  	s7 =	sand.u32 @!p0 $0xFFFFF80, s7;
	[dreg:$0x7] =	wrdreg s1;
	s1 =	spop @!p0 (v2sf)  }
0x133: {  	s18 =	sand.u32 $0xFFFFF80, s22;
	s22 =	sadd.s32 @!p0 s0, s7;
	[tilespmem:s30+$0xFFFFFF30] =	vst @!p0 v4;
	s1 =	sand.u32 @!p0 $0xFFFFF80, s1  }
0x134: {  	[tilespmem:s9], [sflag:$0x1] =	stream.strided.gather @!p0 [hbm4b:s22+s24], $0x1000, s23, s24, $0x38;
	[tilespmem:$0x14200] =	vst v63  }
0x135: {  	[dreg:$0x8] =	wrdreg s1;
	s1 =	spop @!p0 (v2sf)  }
0x136: {  	s1 =	sand.u32 @!p0 $0x7F, s1;
	s6 =	spop (v2sf)  }
0x137: {  	[dreg:$0x5] =	wrdreg s1;
	s1 =	sand.u32 $0xFFFFF80, s6  }
0x138: {  	[dreg:$0x6] =	wrdreg s1;
	s1 =	spop @!p0 (v2sf)  }
0x139: {  	s8 =	spop (v2sf)  }
0x13a: {  	s17 =	sand.u32 @!p0 $0x7F, s1;
	s1 =	spop @!p0 (v2sf)  }
0x13b: {  	s4 =	sand.u32 @!p0 $0x7F, s1;
	s1 =	spop @p0 (v2sf)  }
0x13c: {  	s6 =	sand.u32 $0xFFFFF80, s8;
	s8 =	spop @!p0 (v2sf)  }
0x13d: {  	v4 =	vor.u32 @!p0 s15, v2;
	s7 =	sand.u32 @!p0 $0x7F, s8;
	s8 =	spop @!p0 (v2sf)  }
0x13e: {  	_ =	swait.ge @!p0 [sflag:s19], $0x1000  }
0x13f: {  	s22 =	spop (v2sf)  }
0x140: {  	s9 =	sand.u32 @!p0 $0x7F, s8;
	[sflag:s19] =	ssyncset.done @!p0 $0x0;
	s8 =	sand.u32 $0xFFFFF80, s22  }
0x141: {  	[sflag:s19] =	ssyncadd.s32 @!p0 $0xFFFFF000;
	[dreg:$0x11] =	wrdreg s8;
	s8 =	simm.s32 @!p0 $0x2200  }
0x142: {  	v4 =	vld.idx.msk @!p0 [tilespmem:v4+s8+$0x0], $0xffff  }
0x143: {  	v5 =	vor.u32 @!p0 s15, v3;
	_ =	sdelay $0x3  }
0x144: {  	[tilespmem:s30+$0xFFFFFF40] =	vst @!p0 v4  }
0x145: {  	v4 =	vld.idx.msk @!p0 [tilespmem:v5+s8+$0x0], $0xffff;
	_ =	sdelay $0x3  }
0x146: {  	s15 =	simm.s32 $0x2200  }
0x147: {  	s22 =	simm.s32 $0x7A1400;
	s8 =	sadd.s32 s0, s25;
	s25 =	simm.s32 $0x400;
	[tilespmem:s30+$0xFFFFFF50] =	vst @!p0 v4  }
0x148: {  	[tilespmem:s15], [sflag:$0x1] =	stream.strided.gather [hbm4b:s8+s25], $0x1000, s22, s25, $0x38;
	[tilespmem:$0x14200] =	vst v63  }
0x149: {  	v4 =	vor.u32 @!p0 s17, v2;
	s8 =	sadd.s32 @p0 s0, s13;
	s13 =	simm.s32 @p0 $0x3200  }
0x14a: {  	[tilespmem:s13], [sflag:$0x1] =	stream.strided.gather @p0 [hbm4b:s8+s21], $0x1000, s20, s21, $0x38;
	[tilespmem:$0x14200] =	vst v63  }
0x14b: {  	_ =	swait.ge @!p0 [sflag:s19], $0x1000  }
0x14c: {  	[sflag:s19] =	ssyncset.done @!p0 $0x0  }
0x14d: {  	s8 =	simm.s32 @!p0 $0x3200;
	[sflag:s19] =	ssyncadd.s32 @!p0 $0xFFFFF000  }
0x14e: {  	v4 =	vld.idx.msk @!p0 [tilespmem:v4+s8+$0x0], $0xffff  }
0x14f: {  	v5 =	vor.u32 @!p0 s17, v3;
	_ =	sdelay $0x3  }
0x150: {  	[tilespmem:s30+$0xFFFFFF60] =	vst @!p0 v4  }
0x151: {  	v4 =	vld.idx.msk @!p0 [tilespmem:v5+s8+$0x0], $0xffff;
	_ =	sdelay $0x4  }
0x152: {  	s12 =	sadd.s32 @!p0 s0, s12;
	[tilespmem:s30+$0xFFFFFF70] =	vst @!p0 v4;
	v4 =	vor.u32 @!p0 s4, v2  }
0x153: {  	[tilespmem:s8], [sflag:$0x1] =	stream.strided.gather @!p0 [hbm4b:s12+s24], $0x1000, s23, s24, $0x38;
	[tilespmem:$0x14200] =	vst v63  }
0x154: {  	_ =	swait.ge @!p0 [sflag:s19], $0x1000  }
0x155: {  	[sflag:s19] =	ssyncset.done @!p0 $0x0  }
0x156: {  	s8 =	simm.s32 @!p0 $0x4200;
	[sflag:s19] =	ssyncadd.s32 @!p0 $0xFFFFF000  }
0x157: {  	v4 =	vld.idx.msk @!p0 [tilespmem:v4+s8+$0x0], $0xffff  }
0x158: {  	v5 =	vor.u32 @!p0 s4, v3;
	_ =	sdelay $0x3  }
0x159: {  	[tilespmem:s30+$0xFFFFFF80] =	vst @!p0 v4  }
0x15a: {  	v4 =	vld.idx.msk @!p0 [tilespmem:v5+s8+$0x0], $0xffff;
	_ =	sdelay $0x4  }
0x15b: {  	s17 =	sadd.s32 s0, s18;
	s18 =	simm.s32 $0x4200;
	[tilespmem:s30+$0xFFFFFF90] =	vst @!p0 v4  }
0x15c: {  	[tilespmem:s18], [sflag:$0x1] =	stream.strided.gather [hbm4b:s17+s25], $0x1000, s22, s25, $0x38;
	[tilespmem:$0x14200] =	vst v63  }
0x15d: {  	s4 =	sadd.s32 @p0 s0, s11;
	s8 =	simm.s32 @p0 $0x5200;
	v4 =	vor.u32 @!p0 s5, v2  }
0x15e: {  	[tilespmem:s8], [sflag:$0x1] =	stream.strided.gather @p0 [hbm4b:s4+s21], $0x1000, s20, s21, $0x38;
	[tilespmem:$0x14200] =	vst v63  }
0x15f: {  	_ =	swait.ge @!p0 [sflag:s19], $0x1000  }
0x160: {  	[sflag:s19] =	ssyncset.done @!p0 $0x0  }
0x161: {  	s4 =	simm.s32 @!p0 $0x5200;
	[sflag:s19] =	ssyncadd.s32 @!p0 $0xFFFFF000  }
0x162: {  	v4 =	vld.idx.msk @!p0 [tilespmem:v4+s4+$0x0], $0xffff  }
0x163: {  	v5 =	vor.u32 @!p0 s5, v3;
	_ =	sdelay $0x3  }
0x164: {  	[tilespmem:s30+$0xFFFFFFA0] =	vst @!p0 v4  }
0x165: {  	v4 =	vld.idx.msk @!p0 [tilespmem:v5+s4+$0x0], $0xffff;
	_ =	sdelay $0x4  }
0x166: {  	s5 =	sadd.s32 @!p0 s0, s26;
	[tilespmem:s30+$0xFFFFFFB0] =	vst @!p0 v4;
	v4 =	vor.u32 @!p0 s31, v2  }
0x167: {  	[tilespmem:s4], [sflag:$0x1] =	stream.strided.gather @!p0 [hbm4b:s5+s24], $0x1000, s23, s24, $0x38;
	[tilespmem:$0x14200] =	vst v63  }
0x168: {  	_ =	swait.ge @!p0 [sflag:s19], $0x1000  }
0x169: {  	[sflag:s19] =	ssyncset.done @!p0 $0x0  }
0x16a: {  	s4 =	simm.s32 @!p0 $0x6200;
	[sflag:s19] =	ssyncadd.s32 @!p0 $0xFFFFF000  }
0x16b: {  	v4 =	vld.idx.msk @!p0 [tilespmem:v4+s4+$0x0], $0xffff  }
0x16c: {  	v5 =	vor.u32 @!p0 s31, v3;
	_ =	sdelay $0x3  }
0x16d: {  	[tilespmem:s30+$0xFFFFFFC0] =	vst @!p0 v4  }
0x16e: {  	v4 =	vld.idx.msk @!p0 [tilespmem:v5+s4+$0x0], $0xffff;
	_ =	sdelay $0x3  }
0x16f: {  	s13 =	simm.s32 $0x400;
	s8 =	rddreg [dreg:$0x12]  }
0x170: {  	s11 =	simm.s32 $0x6200;
	s12 =	simm.s32 $0x7A1400;
	s4 =	sadd.s32 s0, s8;
	[tilespmem:s30+$0xFFFFFFD0] =	vst @!p0 v4  }
0x171: {  	[tilespmem:s11], [sflag:$0x1] =	stream.strided.gather [hbm4b:s4+s13], $0x1000, s12, s13, $0x38;
	[tilespmem:$0x14200] =	vst v63  }
0x172: {  	s4 =	rddreg [dreg:$0x13]  }
0x173: {  	s5 =	simm.s32 @p0 $0x7200;
	v4 =	vor.u32 @!p0 s16, v2;
	s4 =	sadd.s32 @p0 s0, s4  }
0x174: {  	[tilespmem:s5], [sflag:$0x1] =	stream.strided.gather @p0 [hbm4b:s4+s21], $0x1000, s20, s21, $0x38;
	[tilespmem:$0x14200] =	vst v63  }
0x175: {  	_ =	swait.ge @!p0 [sflag:s19], $0x1000  }
0x176: {  	[sflag:s19] =	ssyncset.done @!p0 $0x0  }
0x177: {  	s4 =	simm.s32 @!p0 $0x7200;
	[sflag:s19] =	ssyncadd.s32 @!p0 $0xFFFFF000  }
0x178: {  	v4 =	vld.idx.msk @!p0 [tilespmem:v4+s4+$0x0], $0xffff  }
0x179: {  	v5 =	vor.u32 @!p0 s16, v3;
	_ =	sdelay $0x3  }
0x17a: {  	[tilespmem:s30+$0xFFFFFFE0] =	vst @!p0 v4  }
0x17b: {  	v4 =	vld.idx.msk @!p0 [tilespmem:v5+s4+$0x0], $0xffff;
	_ =	sdelay $0x3  }
0x17c: {  	s5 =	rddreg [dreg:$0x10]  }
0x17d: {  	s5 =	sadd.s32 @!p0 s0, s5;
	[tilespmem:s30+$0xFFFFFFF0] =	vst @!p0 v4;
	v4 =	vor.u32 @!p0 s14, v2  }
0x17e: {  	[tilespmem:s4], [sflag:$0x1] =	stream.strided.gather @!p0 [hbm4b:s5+s24], $0x1000, s23, s24, $0x38;
	[tilespmem:$0x14200] =	vst v63  }
0x17f: {  	_ =	swait.ge @!p0 [sflag:s19], $0x1000  }
0x180: {  	[sflag:s19] =	ssyncset.done @!p0 $0x0  }
0x181: {  	s4 =	simm.s32 @!p0 $0x8200;
	[sflag:s19] =	ssyncadd.s32 @!p0 $0xFFFFF000  }
0x182: {  	v4 =	vld.idx.msk @!p0 [tilespmem:v4+s4+$0x0], $0xffff  }
0x183: {  	v5 =	vor.u32 @!p0 s14, v3;
	_ =	sdelay $0x3  }
0x184: {  	[tilespmem:s30+$0x0] =	vst @!p0 v4  }
0x185: {  	v4 =	vld.idx.msk @!p0 [tilespmem:v5+s4+$0x0], $0xffff;
	_ =	sdelay $0x3  }
0x186: {  	s15 =	rddreg [dreg:$0xf]  }
0x187: {  	s1 =	sand.u32 @p0 $0xFFFFF80, s1;
	s16 =	simm.s32 $0x8200;
	s4 =	sadd.s32 s0, s15;
	[tilespmem:s30+$0x10] =	vst @!p0 v4  }
0x188: {  	[tilespmem:s16], [sflag:$0x1] =	stream.strided.gather [hbm4b:s4+s13], $0x1000, s12, s13, $0x38;
	[tilespmem:$0x14200] =	vst v63  }
0x189: {  	s1 =	sadd.s32 @p0 s0, s1;
	v4 =	vor.u32 @!p0 s7, v2;
	s4 =	simm.s32 @p0 $0x9200  }
0x18a: {  	[tilespmem:s4], [sflag:$0x1] =	stream.strided.gather @p0 [hbm4b:s1+s21], $0x1000, s20, s21, $0x38;
	[tilespmem:$0x14200] =	vst v63  }
0x18b: {  	_ =	swait.ge @!p0 [sflag:s19], $0x1000  }
0x18c: {  	[sflag:s19] =	ssyncset.done @!p0 $0x0  }
0x18d: {  	s1 =	simm.s32 @!p0 $0x9200;
	[sflag:s19] =	ssyncadd.s32 @!p0 $0xFFFFF000  }
0x18e: {  	v4 =	vld.idx.msk @!p0 [tilespmem:v4+s1+$0x0], $0xffff  }
0x18f: {  	v5 =	vor.u32 @!p0 s7, v3;
	_ =	sdelay $0x3  }
0x190: {  	[tilespmem:s30+$0x20] =	vst @!p0 v4  }
0x191: {  	v4 =	vld.idx.msk @!p0 [tilespmem:v5+s1+$0x0], $0xffff;
	_ =	sdelay $0x3  }
0x192: {  	s4 =	rddreg [dreg:$0xe]  }
0x193: {  	s4 =	sadd.s32 @!p0 s0, s4;
	[tilespmem:s30+$0x30] =	vst @!p0 v4;
	v4 =	vor.u32 @!p0 s9, v2  }
0x194: {  	[tilespmem:s1], [sflag:$0x1] =	stream.strided.gather @!p0 [hbm4b:s4+s24], $0x1000, s23, s24, $0x38;
	[tilespmem:$0x14200] =	vst v63  }
0x195: {  	s5 =	rddreg [dreg:$0x4];
	_ =	swait.ge @!p0 [sflag:s19], $0x1000  }
0x196: {  	[sflag:s19] =	ssyncset.done @!p0 $0x0  }
0x197: {  	s1 =	simm.s32 @!p0 $0xA200;
	[sflag:s19] =	ssyncadd.s32 @!p0 $0xFFFFF000  }
0x198: {  	v4 =	vld.idx.msk @!p0 [tilespmem:v4+s1+$0x0], $0xffff  }
0x199: {  	v5 =	vor.u32 @!p0 s9, v3;
	_ =	sdelay $0x3  }
0x19a: {  	[tilespmem:s30+$0x40] =	vst @!p0 v4  }
0x19b: {  	v4 =	vld.idx.msk @!p0 [tilespmem:v5+s1+$0x0], $0xffff;
	_ =	sdelay $0x3  }
0x19c: {  	s17 =	rddreg [dreg:$0x11]  }
0x19d: {  	s18 =	simm.s32 $0xA200;
	s1 =	sadd.s32 s0, s17;
	[tilespmem:s30+$0x50] =	vst @!p0 v4  }
0x19e: {  	[tilespmem:s18], [sflag:$0x1] =	stream.strided.gather [hbm4b:s1+s13], $0x1000, s12, s13, $0x38;
	[tilespmem:$0x14200] =	vst v63  }
0x19f: {  	s1 =	rddreg [dreg:$0xd]  }
0x1a0: {  	s4 =	simm.s32 @p0 $0xB200;
	v4 =	vor.u32 @!p0 s10, v2;
	s1 =	sadd.s32 @p0 s0, s1  }
0x1a1: {  	[tilespmem:s4], [sflag:$0x1] =	stream.strided.gather @p0 [hbm4b:s1+s21], $0x1000, s20, s21, $0x38;
	[tilespmem:$0x14200] =	vst v63  }
0x1a2: {  	_ =	swait.ge @!p0 [sflag:s19], $0x1000  }
0x1a3: {  	[sflag:s19] =	ssyncset.done @!p0 $0x0  }
0x1a4: {  	s1 =	simm.s32 @!p0 $0xB200;
	[sflag:s19] =	ssyncadd.s32 @!p0 $0xFFFFF000  }
0x1a5: {  	v4 =	vld.idx.msk @!p0 [tilespmem:v4+s1+$0x0], $0xffff  }
0x1a6: {  	v5 =	vor.u32 @!p0 s10, v3;
	_ =	sdelay $0x3  }
0x1a7: {  	[tilespmem:s30+$0x60] =	vst @!p0 v4  }
0x1a8: {  	v4 =	vld.idx.msk @!p0 [tilespmem:v5+s1+$0x0], $0xffff;
	_ =	sdelay $0x3  }
0x1a9: {  	s4 =	rddreg [dreg:$0xc]  }
0x1aa: {  	s4 =	sadd.s32 @!p0 s0, s4;
	[tilespmem:s30+$0x70] =	vst @!p0 v4;
	v4 =	vor.u32 @!p0 s3, v2  }
0x1ab: {  	[tilespmem:s1], [sflag:$0x1] =	stream.strided.gather @!p0 [hbm4b:s4+s24], $0x1000, s23, s24, $0x38;
	[tilespmem:$0x14200] =	vst v63  }
0x1ac: {  	_ =	swait.ge @!p0 [sflag:s19], $0x1000  }
0x1ad: {  	[sflag:s19] =	ssyncset.done @!p0 $0x0  }
0x1ae: {  	s1 =	simm.s32 @!p0 $0xC200;
	[sflag:s19] =	ssyncadd.s32 @!p0 $0xFFFFF000  }
0x1af: {  	v4 =	vld.idx.msk @!p0 [tilespmem:v4+s1+$0x0], $0xffff  }
0x1b0: {  	v5 =	vor.u32 @!p0 s3, v3;
	_ =	sdelay $0x3  }
0x1b1: {  	[tilespmem:s30+$0x80] =	vst @!p0 v4  }
0x1b2: {  	v4 =	vld.idx.msk @!p0 [tilespmem:v5+s1+$0x0], $0xffff;
	_ =	sdelay $0x3  }
0x1b3: {  	s22 =	rddreg [dreg:$0xa]  }
0x1b4: {  	s25 =	simm.s32 $0xC200;
	s3 =	rddreg [dreg:$0x9];
	s1 =	sadd.s32 s0, s22;
	[tilespmem:s30+$0x90] =	vst @!p0 v4  }
0x1b5: {  	[tilespmem:s25], [sflag:$0x1] =	stream.strided.gather [hbm4b:s1+s13], $0x1000, s12, s13, $0x38;
	[tilespmem:$0x14200] =	vst v63  }
0x1b6: {  	s1 =	rddreg [dreg:$0xb]  }
0x1b7: {  	s4 =	simm.s32 @p0 $0xD200;
	v4 =	vor.u32 @!p0 s3, v2;
	s1 =	sadd.s32 @p0 s0, s1  }
0x1b8: {  	[tilespmem:s4], [sflag:$0x1] =	stream.strided.gather @p0 [hbm4b:s1+s21], $0x1000, s20, s21, $0x38;
	[tilespmem:$0x14200] =	vst v63  }
0x1b9: {  	_ =	swait.ge @!p0 [sflag:s19], $0x1000  }
0x1ba: {  	[sflag:s19] =	ssyncset.done @!p0 $0x0  }
0x1bb: {  	s1 =	simm.s32 @!p0 $0xD200;
	[sflag:s19] =	ssyncadd.s32 @!p0 $0xFFFFF000  }
0x1bc: {  	v4 =	vld.idx.msk @!p0 [tilespmem:v4+s1+$0x0], $0xffff  }
0x1bd: {  	v5 =	vor.u32 @!p0 s3, v3;
	_ =	sdelay $0x3  }
0x1be: {  	[tilespmem:s30+$0xA0] =	vst @!p0 v4  }
0x1bf: {  	v4 =	vld.idx.msk @!p0 [tilespmem:v5+s1+$0x0], $0xffff;
	_ =	sdelay $0x2  }
0x1c0: {  	s3 =	rddreg [dreg:$0x8]  }
0x1c1: {  	s4 =	rddreg [dreg:$0x7]  }
0x1c2: {  	s3 =	sadd.s32 @!p0 s0, s3;
	[tilespmem:s30+$0xB0] =	vst @!p0 v4;
	v4 =	vor.u32 @!p0 s4, v2  }
0x1c3: {  	[tilespmem:s1], [sflag:$0x1] =	stream.strided.gather @!p0 [hbm4b:s3+s24], $0x1000, s23, s24, $0x38;
	[tilespmem:$0x14200] =	vst v63  }
0x1c4: {  	_ =	swait.ge @!p0 [sflag:s19], $0x1000  }
0x1c5: {  	[sflag:s19] =	ssyncset.done @!p0 $0x0  }
0x1c6: {  	s1 =	simm.s32 @!p0 $0xE200;
	[sflag:s19] =	ssyncadd.s32 @!p0 $0xFFFFF000  }
0x1c7: {  	v4 =	vld.idx.msk @!p0 [tilespmem:v4+s1+$0x0], $0xffff  }
0x1c8: {  	v5 =	vor.u32 @!p0 s4, v3;
	_ =	sdelay $0x3  }
0x1c9: {  	[tilespmem:s30+$0xC0] =	vst @!p0 v4  }
0x1ca: {  	v4 =	vld.idx.msk @!p0 [tilespmem:v5+s1+$0x0], $0xffff;
	_ =	sdelay $0x2  }
0x1cb: {  	s28 =	sadd.s32 $0x1, s28  }
0x1cc: {  	p1 =	sne.s32 s28, $0x1F;
	s26 =	rddreg [dreg:$0x6]  }
0x1cd: {  	s31 =	simm.s32 $0xE200;
	s3 =	rddreg [dreg:$0x5];
	s1 =	sadd.s32 s0, s26;
	[tilespmem:s30+$0xD0] =	vst @!p0 v4  }
0x1ce: {  	v2 =	vor.u32 @!p0 s3, v2;
	[tilespmem:s31], [sflag:$0x1] =	stream.strided.gather [hbm4b:s1+s13], $0x1000, s12, s13, $0x38;
	[tilespmem:$0x14200] =	vst v63  }
.Ltmp0:
0x1cf: {  	_ = 	snop;
	(pc) =	sbr.rel @p1 .LBB2_2-.Ltmp0, $4  }
0x1d0: {  	_ =	swait.ge @!p0 [sflag:s19], $0x1000  }
0x1d1: {  	[sflag:s19] =	ssyncset.done @!p0 $0x0  }
0x1d2: {  	s1 =	simm.s32 @!p0 $0xF200;
	[sflag:s19] =	ssyncadd.s32 @!p0 $0xFFFFF000  }
0x1d3: {  	s30 =	sadd.s32 $0x200, s30;
	v4 =	vld.idx.msk @!p0 [tilespmem:v2+s1+$0x0], $0xffff;
	v2 =	vor.u32 @!p0 s3, v3  }
0x1d4: {  	_ =	sdelay $0x3  }
0x1d5: {  	[tilespmem:s5+$0xE0] =	vst @!p0 v4  }
0x1d6: {  	v2 =	vld.idx.msk @!p0 [tilespmem:v2+s1+$0x0], $0xffff;
	_ =	sdelay $0x2  }
0x1d7: {  	p2 =	sgt.s32 s29, $0x0  }
0x1d8: {  	p1 =	seq.s32 s29, $0xFFFFFFFF;
	s19 =	simm.s32 $0x400;
	s29 =	simm.s32 @!p2 $0x0  }
0x1d9: {  	s18 =	simm.s32 $0x7A1400;
	s0 =	sshll.u32 s29, $0x4;
	[tilespmem:s5+$0xF0] =	vst @!p0 v2;
	s5 =	rddreg [dreg:$0x1]  }
0x1da: {  	s3 =	simm.s32 $0xF200;
	s0 =	sand.u32 $0x3FFFFFF0, s0;
	s26 =	sadd.s32 s5, s6  }
0x1db: {  	[tilespmem:s3], [sflag:$0x1] =	stream.strided.gather [hbm4b:s26+s19], $0x1000, s18, s19, $0x38;
	[tilespmem:$0x14200] =	vst v63  }
0x1dc: {  	s28 =	sadd.s32 $0x10, s2;
	v4 =	vld [tilespmem:s0+$0x0]  }
0x1dd: {  	v5 =	vld [tilespmem:s28+$0x0];
	_ =	sdelay $0x3  }
0x1de: {  	(v2sf) =	vpush @!p1 v4, $0x0  }
0x1df: {  	(v2sf) =	vpush @p1 v5, $0x0  }
0x1e0: {  	(v2sf) =	vpush @p1 v5, $0x1  }
0x1e1: {  	(v2sf) =	vpush @!p1 v5, $0x0;
	_ =	sdelay $0x1  }
0x1e2: {  	(v2sf) =	vpush @p1 v5, $0x3;
	_ =	sdelay $0x1  }
0x1e3: {  	(v2sf) =	vpush @!p1 v5, $0x3  }
0x1e4: {  	(v2sf) =	vpush v5, $0x4  }
0x1e5: {  	(v2sf) =	vpush @!p1 v4, $0x5  }
0x1e6: {  	(v2sf) =	vpush @p1 v5, $0x5  }
0x1e7: {  	(v2sf) =	vpush @!p1 v4, $0x6  }
0x1e8: {  	(v2sf) =	vpush @!p1 v5, $0x5  }
0x1e9: {  	(v2sf) =	vpush v5, $0x6  }
0x1ea: {  	(v2sf) =	vpush @!p1 v4, $0x7  }
0x1eb: {  	s2 =	simm.s32 @p1 $0x200;
	s14 =	simm.s32 @p1 $0x7A1400;
	s0 =	spop @!p1 (v2sf);
	(v2sf) =	vpush @p1 v5, $0x7  }
0x1ec: {  	s13 =	simm.s32 @p1 $0x400;
	s1 =	simm.s32 @!p1 $0x1;
	s3 =	spop @p1 (v2sf);
	(v2sf) =	vpush @!p1 v4, $0x8  }
0x1ed: {  	s0 =	sand.u32 @!p1 $0x7F, s0;
	s3 =	sand.u32 @p1 $0xFFFFF80, s3;
	s4 =	spop @p1 (v2sf);
	(v2sf) =	vpush @!p1 v5, $0x7  }
0x1ee: {  	v2 =	vlaneseq.u32 @!p1;
	s3 =	sadd.s32 @p1 s5, s3;
	s4 =	sand.u32 @p1 $0xFFFFF80, s4;
	s6 =	spop @!p1 (v2sf);
	(v2sf) =	vpush @!p1 v4, $0x1  }
0x1ef: {  	v2 =	vmul.u32 @!p1 $0x80, v2;
	[tilespmem:s2], [sflag:$0x1] =	stream.strided.gather @p1 [hbm4b:s3+s13], $0x1000, s14, s13, $0x38;
	(v2sf) =	vpush v5, $0x8;
	[tilespmem:$0x14200] =	vst v63  }
0x1f0: {  	s2 =	simm.s32 @p1 $0x1200;
	s3 =	sadd.s32 @p1 s5, s4;
	s17 =	spop @p1 (v2sf);
	(v2sf) =	vpush @!p1 v5, $0x1  }
0x1f1: {  	v3 =	vor.u32 @!p1 s0, v2;
	[tilespmem:s2], [sflag:$0x1] =	stream.strided.gather @p1 [hbm4b:s3+s13], $0x1000, s14, s13, $0x38;
	(v2sf) =	vpush @!p1 v4, $0x2;
	[tilespmem:$0x14200] =	vst v63  }
0x1f2: {  	_ =	swait.ge @!p1 [sflag:s1], $0x1000  }
0x1f3: {  	s7 =	spop @!p1 (v2sf)  }
0x1f4: {  	(v2sf) =	vpush v5, $0x2;
	[sflag:s1] =	ssyncset.done @!p1 $0x0;
	s16 =	spop (v2sf)  }
0x1f5: {  	s3 =	simm.s32 @!p1 $0x200;
	(v2sf) =	vpush @!p1 v5, $0x9;
	[sflag:s1] =	ssyncadd.s32 @!p1 $0xFFFFF000;
	s28 =	spop @!p1 (v2sf)  }
0x1f6: {  	v6 =	vld.idx.msk @!p1 [tilespmem:v3+s3+$0x0], $0xffff;
	v3 =	vor.u32 @!p1 $0x800, v2;
	s31 =	spop @p1 (v2sf)  }
0x1f7: {  	(v2sf) =	vpush @!p1 v4, $0xB;
	v7 =	vor.u32 @!p1 s0, v3;
	s24 =	spop @!p1 (v2sf)  }
0x1f8: {  	(v2sf) =	vpush @p1 v5, $0xB;
	s26 =	spop @!p1 (v2sf)  }
0x1f9: {  	(v2sf) =	vpush @!p1 v4, $0xC;
	s23 =	spop (v2sf)  }
0x1fa: {  	(v2sf) =	vpush @!p1 v5, $0xB;
	s21 =	spop @!p1 (v2sf)  }
0x1fb: {  	(v2sf) =	vpush v5, $0xC;
	[tilespmem:s30+$0xFFFFFF00] =	vst @!p1 v6;
	s22 =	spop @p1 (v2sf)  }
0x1fc: {  	(v2sf) =	vpush @!p1 v4, $0xD;
	v6 =	vld.idx.msk @!p1 [tilespmem:v7+s3+$0x0], $0xffff;
	s25 =	spop @!p1 (v2sf)  }
0x1fd: {  	(v2sf) =	vpush @p1 v5, $0xD;
	s20 =	spop @!p1 (v2sf)  }
0x1fe: {  	(v2sf) =	vpush @!p1 v4, $0xE;
	s0 =	spop @!p1 (v2sf)  }
0x1ff: {  	(v2sf) =	vpush @!p1 v5, $0xD;
	s29 =	spop (v2sf)  }
0x200: {  	s15 =	simm.s32 @!p1 $0x400;
	s4 =	sand.u32 @!p1 $0xFFFFF80, s6;
	(v2sf) =	vpush @!p1 v4, $0xF;
	s8 =	spop @!p1 (v2sf)  }
0x201: {  	s6 =	simm.s32 @!p1 $0x7A1400;
	s12 =	sadd.s32 @!p1 s5, s4;
	(v2sf) =	vpush v5, $0xE;
	[tilespmem:s30+$0xFFFFFF10] =	vst @!p1 v6;
	s2 =	spop @!p1 (v2sf)  }
0x202: {  	(v2sf) =	vpush @!p1 v4, $0x3;
	[tilespmem:s3], [sflag:$0x1] =	stream.strided.gather @!p1 [hbm4b:s12+s15], $0x1000, s6, s15, $0x38;
	[tilespmem:$0x14200] =	vst v63  }
0x203: {  	s10 =	sand.u32 @!p1 $0x7F, s0;
	s11 =	spop (v2sf);
	(v2sf) =	vpush v5, $0xF  }
0x204: {  	[smem:$0x7EF] =	sst s29;
	v6 =	vor.u32 @!p1 s10, v2;
	(v2sf) =	vpush @!p1 v4, $0x4;
	s0 =	spop @!p1 (v2sf)  }
0x205: {  	[smem:$0x7F0] =	sst s0;
	(v2sf) =	vpush @p1 v5, $0x9  }
0x206: {  	_ =	swait.ge @!p1 [sflag:s1], $0x1000  }
0x207: {  	[sflag:s1] =	ssyncset.done @!p1 $0x0  }
0x208: {  	s3 =	simm.s32 @!p1 $0x1200;
	[sflag:s1] =	ssyncadd.s32 @!p1 $0xFFFFF000  }
0x209: {  	v6 =	vld.idx.msk @!p1 [tilespmem:v6+s3+$0x0], $0xffff  }
0x20a: {  	v7 =	vor.u32 @!p1 s10, v3  }
0x20b: {  	s12 =	spop @!p1 (v2sf)  }
0x20c: {  	(v2sf) =	vpush @!p1 v4, $0x9;
	s10 =	spop @p1 (v2sf)  }
0x20d: {  	(v2sf) =	vpush @!p1 v4, $0xA;
	s0 =	spop @!p1 (v2sf)  }
0x20e: {  	[smem:$0x7F1] =	sst s0;
	s0 =	spop @!p1 (v2sf);
	[tilespmem:s30+$0xFFFFFF20] =	vst @!p1 v6  }
0x20f: {  	s4 =	spop (v2sf);
	v6 =	vld.idx.msk @!p1 [tilespmem:v7+s3+$0x0], $0xffff  }
0x210: {  	[smem:$0x7F2] =	sst s0;
	s0 =	spop @!p1 (v2sf)  }
0x211: {  	[smem:$0x7F4] =	sst s0;
	s0 =	spop @p1 (v2sf)  }
0x212: {  	[smem:$0x7F5] =	sst s0;
	s0 =	spop @!p1 (v2sf)  }
0x213: {  	s8 =	sand.u32 @!p1 $0xFFFFF80, s8;
	[smem:$0x7F6] =	sst s0;
	s0 =	spop @!p1 (v2sf)  }
0x214: {  	s8 =	sadd.s32 @!p1 s5, s8;
	[smem:$0x7F7] =	sst s0;
	s0 =	spop @!p1 (v2sf);
	[tilespmem:s30+$0xFFFFFF30] =	vst @!p1 v6  }
0x215: {  	[tilespmem:s3], [sflag:$0x1] =	stream.strided.gather @!p1 [hbm4b:s8+s15], $0x1000, s6, s15, $0x38;
	[tilespmem:$0x14200] =	vst v63  }
0x216: {  	s8 =	spop (v2sf)  }
0x217: {  	s3 =	spop @!p1 (v2sf)  }
0x218: {  	[smem:$0x7F3] =	sst s4;
	s9 =	spop (v2sf)  }
0x219: {  	[dreg:$0x1c] =	wrdreg s0;
	s4 =	spop @!p1 (v2sf)  }
0x21a: {  	s0 =	sand.u32 @!p1 $0x7F, s2;
	[dreg:$0x18] =	wrdreg s9;
	s9 =	spop @p1 (v2sf)  }
0x21b: {  	v4 =	vor.u32 @!p1 s0, v2;
	[dreg:$0x1d] =	wrdreg s8;
	s8 =	spop @!p1 (v2sf)  }
0x21c: {  	(v2sf) =	vpush v5, $0xA;
	s29 =	spop @!p1 (v2sf)  }
0x21d: {  	_ =	swait.ge @!p1 [sflag:s1], $0x1000  }
0x21e: {  	[sflag:s1] =	ssyncset.done @!p1 $0x0  }
0x21f: {  	s2 =	simm.s32 @!p1 $0x2200;
	[sflag:s1] =	ssyncadd.s32 @!p1 $0xFFFFF000  }
0x220: {  	v4 =	vld.idx.msk @!p1 [tilespmem:v4+s2+$0x0], $0xffff  }
0x221: {  	v5 =	vor.u32 @!p1 s0, v3;
	_ =	sdelay $0x3  }
0x222: {  	[tilespmem:s30+$0xFFFFFF40] =	vst @!p1 v4  }
0x223: {  	v4 =	vld.idx.msk @!p1 [tilespmem:v5+s2+$0x0], $0xffff;
	_ =	sdelay $0x3  }
0x224: {  	s11 =	sand.u32 $0xFFFFF80, s11  }
0x225: {  	s0 =	sadd.s32 s5, s11;
	s11 =	simm.s32 $0x2200;
	[tilespmem:s30+$0xFFFFFF50] =	vst @!p1 v4  }
0x226: {  	[tilespmem:s11], [sflag:$0x1] =	stream.strided.gather [hbm4b:s0+s19], $0x1000, s18, s19, $0x38;
	[tilespmem:$0x14200] =	vst v63  }
0x227: {  	s2 =	sand.u32 @!p1 $0x7F, s3;
	s0 =	sand.u32 @p1 $0xFFFFF80, s17  }
0x228: {  	s3 =	simm.s32 @p1 $0x3200;
	v4 =	vor.u32 @!p1 s2, v2;
	s17 =	spop (v2sf);
	s0 =	sadd.s32 @p1 s5, s0  }
0x229: {  	[tilespmem:s3], [sflag:$0x1] =	stream.strided.gather @p1 [hbm4b:s0+s13], $0x1000, s14, s13, $0x38;
	[tilespmem:$0x14200] =	vst v63  }
0x22a: {  	_ =	swait.ge @!p1 [sflag:s1], $0x1000  }
0x22b: {  	[sflag:s1] =	ssyncset.done @!p1 $0x0  }
0x22c: {  	s0 =	simm.s32 @!p1 $0x3200;
	[sflag:s1] =	ssyncadd.s32 @!p1 $0xFFFFF000  }
0x22d: {  	v4 =	vld.idx.msk @!p1 [tilespmem:v4+s0+$0x0], $0xffff  }
0x22e: {  	v5 =	vor.u32 @!p1 s2, v3;
	_ =	sdelay $0x3  }
0x22f: {  	[tilespmem:s30+$0xFFFFFF60] =	vst @!p1 v4  }
0x230: {  	v4 =	vld.idx.msk @!p1 [tilespmem:v5+s0+$0x0], $0xffff;
	_ =	sdelay $0x3  }
0x231: {  	s2 =	sand.u32 @!p1 $0xFFFFF80, s7;
	s3 =	sand.u32 @!p1 $0x7F, s4  }
0x232: {  	s2 =	sadd.s32 @!p1 s5, s2;
	[tilespmem:s30+$0xFFFFFF70] =	vst @!p1 v4;
	v4 =	vor.u32 @!p1 s3, v2  }
0x233: {  	[tilespmem:s0], [sflag:$0x1] =	stream.strided.gather @!p1 [hbm4b:s2+s15], $0x1000, s6, s15, $0x38;
	[tilespmem:$0x14200] =	vst v63  }
0x234: {  	_ =	swait.ge @!p1 [sflag:s1], $0x1000  }
0x235: {  	[sflag:s1] =	ssyncset.done @!p1 $0x0  }
0x236: {  	s0 =	simm.s32 @!p1 $0x4200;
	[sflag:s1] =	ssyncadd.s32 @!p1 $0xFFFFF000  }
0x237: {  	v4 =	vld.idx.msk @!p1 [tilespmem:v4+s0+$0x0], $0xffff  }
0x238: {  	v5 =	vor.u32 @!p1 s3, v3;
	_ =	sdelay $0x3  }
0x239: {  	[tilespmem:s30+$0xFFFFFF80] =	vst @!p1 v4  }
0x23a: {  	v4 =	vld.idx.msk @!p1 [tilespmem:v5+s0+$0x0], $0xffff;
	_ =	sdelay $0x3  }
0x23b: {  	s16 =	sand.u32 $0xFFFFF80, s16  }
0x23c: {  	s4 =	simm.s32 $0x4200;
	s0 =	sadd.s32 s5, s16;
	[tilespmem:s30+$0xFFFFFF90] =	vst @!p1 v4  }
0x23d: {  	[tilespmem:s4], [sflag:$0x1] =	stream.strided.gather [hbm4b:s0+s19], $0x1000, s18, s19, $0x38;
	[tilespmem:$0x14200] =	vst v63  }
0x23e: {  	s2 =	sand.u32 @p1 $0xFFFFF80, s31;
	s0 =	sand.u32 @!p1 $0x7F, s28  }
0x23f: {  	s3 =	simm.s32 @p1 $0x5200;
	s2 =	sadd.s32 @p1 s5, s2;
	v4 =	vor.u32 @!p1 s0, v2  }
0x240: {  	[tilespmem:s3], [sflag:$0x1] =	stream.strided.gather @p1 [hbm4b:s2+s13], $0x1000, s14, s13, $0x38;
	[tilespmem:$0x14200] =	vst v63  }
0x241: {  	_ =	swait.ge @!p1 [sflag:s1], $0x1000  }
0x242: {  	[sflag:s1] =	ssyncset.done @!p1 $0x0  }
0x243: {  	s2 =	simm.s32 @!p1 $0x5200;
	[sflag:s1] =	ssyncadd.s32 @!p1 $0xFFFFF000  }
0x244: {  	v4 =	vld.idx.msk @!p1 [tilespmem:v4+s2+$0x0], $0xffff  }
0x245: {  	v5 =	vor.u32 @!p1 s0, v3;
	_ =	sdelay $0x3  }
0x246: {  	[tilespmem:s30+$0xFFFFFFA0] =	vst @!p1 v4  }
0x247: {  	v4 =	vld.idx.msk @!p1 [tilespmem:v5+s2+$0x0], $0xffff;
	_ =	sdelay $0x3  }
0x248: {  	s0 =	sand.u32 @!p1 $0x7F, s24;
	s3 =	sand.u32 @!p1 $0xFFFFF80, s26  }
0x249: {  	s3 =	sadd.s32 @!p1 s5, s3;
	[tilespmem:s30+$0xFFFFFFB0] =	vst @!p1 v4;
	v4 =	vor.u32 @!p1 s0, v2  }
0x24a: {  	[tilespmem:s2], [sflag:$0x1] =	stream.strided.gather @!p1 [hbm4b:s3+s15], $0x1000, s6, s15, $0x38;
	[tilespmem:$0x14200] =	vst v63  }
0x24b: {  	_ =	swait.ge @!p1 [sflag:s1], $0x1000  }
0x24c: {  	[sflag:s1] =	ssyncset.done @!p1 $0x0  }
0x24d: {  	s2 =	simm.s32 @!p1 $0x6200;
	[sflag:s1] =	ssyncadd.s32 @!p1 $0xFFFFF000  }
0x24e: {  	v4 =	vld.idx.msk @!p1 [tilespmem:v4+s2+$0x0], $0xffff  }
0x24f: {  	v5 =	vor.u32 @!p1 s0, v3;
	_ =	sdelay $0x3  }
0x250: {  	[tilespmem:s30+$0xFFFFFFC0] =	vst @!p1 v4  }
0x251: {  	v4 =	vld.idx.msk @!p1 [tilespmem:v5+s2+$0x0], $0xffff;
	_ =	sdelay $0x3  }
0x252: {  	s2 =	sand.u32 $0xFFFFF80, s23  }
0x253: {  	s7 =	simm.s32 $0x6200;
	s0 =	sadd.s32 s5, s2;
	[tilespmem:s30+$0xFFFFFFD0] =	vst @!p1 v4  }
0x254: {  	[tilespmem:s7], [sflag:$0x1] =	stream.strided.gather [hbm4b:s0+s19], $0x1000, s18, s19, $0x38;
	[tilespmem:$0x14200] =	vst v63  }
0x255: {  	s2 =	sand.u32 @p1 $0xFFFFF80, s22;
	s0 =	sand.u32 @!p1 $0x7F, s21  }
0x256: {  	s3 =	simm.s32 @p1 $0x7200;
	s2 =	sadd.s32 @p1 s5, s2;
	v4 =	vor.u32 @!p1 s0, v2  }
0x257: {  	[tilespmem:s3], [sflag:$0x1] =	stream.strided.gather @p1 [hbm4b:s2+s13], $0x1000, s14, s13, $0x38;
	[tilespmem:$0x14200] =	vst v63  }
0x258: {  	_ =	swait.ge @!p1 [sflag:s1], $0x1000  }
0x259: {  	[sflag:s1] =	ssyncset.done @!p1 $0x0  }
0x25a: {  	s2 =	simm.s32 @!p1 $0x7200;
	[sflag:s1] =	ssyncadd.s32 @!p1 $0xFFFFF000  }
0x25b: {  	v4 =	vld.idx.msk @!p1 [tilespmem:v4+s2+$0x0], $0xffff  }
0x25c: {  	v5 =	vor.u32 @!p1 s0, v3;
	_ =	sdelay $0x3  }
0x25d: {  	[tilespmem:s30+$0xFFFFFFE0] =	vst @!p1 v4  }
0x25e: {  	v4 =	vld.idx.msk @!p1 [tilespmem:v5+s2+$0x0], $0xffff;
	_ =	sdelay $0x3  }
0x25f: {  	s0 =	sand.u32 @!p1 $0x7F, s25;
	s3 =	sand.u32 @!p1 $0xFFFFF80, s20  }
0x260: {  	s3 =	sadd.s32 @!p1 s5, s3;
	[tilespmem:s30+$0xFFFFFFF0] =	vst @!p1 v4;
	v4 =	vor.u32 @!p1 s0, v2  }
0x261: {  	[tilespmem:s2], [sflag:$0x1] =	stream.strided.gather @!p1 [hbm4b:s3+s15], $0x1000, s6, s15, $0x38;
	[tilespmem:$0x14200] =	vst v63  }
0x262: {  	_ =	swait.ge @!p1 [sflag:s1], $0x1000  }
0x263: {  	[sflag:s1] =	ssyncset.done @!p1 $0x0  }
0x264: {  	s2 =	simm.s32 @!p1 $0x8200;
	[sflag:s1] =	ssyncadd.s32 @!p1 $0xFFFFF000  }
0x265: {  	v4 =	vld.idx.msk @!p1 [tilespmem:v4+s2+$0x0], $0xffff  }
0x266: {  	v5 =	vor.u32 @!p1 s0, v3;
	_ =	sdelay $0x3  }
0x267: {  	[tilespmem:s30+$0x0] =	vst @!p1 v4  }
0x268: {  	v4 =	vld.idx.msk @!p1 [tilespmem:v5+s2+$0x0], $0xffff  }
0x269: {  	s3 =	sld [smem:$0x7EF];
	_ =	sdelay $0x2  }
0x26a: {  	s16 =	simm.s32 $0x8200;
	s0 =	sand.u32 $0xFFFFF80, s3  }
0x26b: {  	s3 =	sand.u32 @!p1 $0x7F, s8;
	s0 =	sadd.s32 s5, s0;
	s2 =	sand.u32 @p1 $0xFFFFF80, s9;
	[tilespmem:s30+$0x10] =	vst @!p1 v4  }
0x26c: {  	[tilespmem:s16], [sflag:$0x1] =	stream.strided.gather [hbm4b:s0+s19], $0x1000, s18, s19, $0x38;
	[tilespmem:$0x14200] =	vst v63  }
0x26d: {  	v4 =	vor.u32 @!p1 s3, v2;
	s0 =	sadd.s32 @p1 s5, s2;
	s2 =	simm.s32 @p1 $0x9200  }
0x26e: {  	[tilespmem:s2], [sflag:$0x1] =	stream.strided.gather @p1 [hbm4b:s0+s13], $0x1000, s14, s13, $0x38;
	[tilespmem:$0x14200] =	vst v63  }
0x26f: {  	_ =	swait.ge @!p1 [sflag:s1], $0x1000  }
0x270: {  	[sflag:s1] =	ssyncset.done @!p1 $0x0  }
0x271: {  	s0 =	simm.s32 @!p1 $0x9200;
	[sflag:s1] =	ssyncadd.s32 @!p1 $0xFFFFF000  }
0x272: {  	v4 =	vld.idx.msk @!p1 [tilespmem:v4+s0+$0x0], $0xffff  }
0x273: {  	v5 =	vor.u32 @!p1 s3, v3;
	_ =	sdelay $0x3  }
0x274: {  	[tilespmem:s30+$0x20] =	vst @!p1 v4  }
0x275: {  	v4 =	vld.idx.msk @!p1 [tilespmem:v5+s0+$0x0], $0xffff  }
0x276: {  	s2 =	sld [smem:$0x7F0];
	_ =	sdelay $0x2  }
0x277: {  	s3 =	sand.u32 @!p1 $0x7F, s29;
	s2 =	sand.u32 @!p1 $0xFFFFF80, s2  }
0x278: {  	s2 =	sadd.s32 @!p1 s5, s2;
	[tilespmem:s30+$0x30] =	vst @!p1 v4;
	v4 =	vor.u32 @!p1 s3, v2  }
0x279: {  	[tilespmem:s0], [sflag:$0x1] =	stream.strided.gather @!p1 [hbm4b:s2+s15], $0x1000, s6, s15, $0x38;
	[tilespmem:$0x14200] =	vst v63  }
0x27a: {  	_ =	swait.ge @!p1 [sflag:s1], $0x1000  }
0x27b: {  	[sflag:s1] =	ssyncset.done @!p1 $0x0  }
0x27c: {  	s0 =	simm.s32 @!p1 $0xA200;
	[sflag:s1] =	ssyncadd.s32 @!p1 $0xFFFFF000  }
0x27d: {  	v4 =	vld.idx.msk @!p1 [tilespmem:v4+s0+$0x0], $0xffff  }
0x27e: {  	v5 =	vor.u32 @!p1 s3, v3;
	_ =	sdelay $0x3  }
0x27f: {  	[tilespmem:s30+$0x40] =	vst @!p1 v4  }
0x280: {  	v4 =	vld.idx.msk @!p1 [tilespmem:v5+s0+$0x0], $0xffff;
	_ =	sdelay $0x3  }
0x281: {  	s17 =	sand.u32 $0xFFFFF80, s17;
	s9 =	simm.s32 $0xA200  }
0x282: {  	s3 =	sand.u32 @p1 $0xFFFFF80, s10;
	s2 =	sand.u32 @!p1 $0x7F, s12;
	s0 =	sadd.s32 s5, s17;
	[tilespmem:s30+$0x50] =	vst @!p1 v4  }
0x283: {  	[tilespmem:s9], [sflag:$0x1] =	stream.strided.gather [hbm4b:s0+s19], $0x1000, s18, s19, $0x38;
	[tilespmem:$0x14200] =	vst v63  }
0x284: {  	v4 =	vor.u32 @!p1 s2, v2;
	s0 =	sadd.s32 @p1 s5, s3;
	s3 =	simm.s32 @p1 $0xB200  }
0x285: {  	[tilespmem:s3], [sflag:$0x1] =	stream.strided.gather @p1 [hbm4b:s0+s13], $0x1000, s14, s13, $0x38;
	[tilespmem:$0x14200] =	vst v63  }
0x286: {  	_ =	swait.ge @!p1 [sflag:s1], $0x1000  }
0x287: {  	[sflag:s1] =	ssyncset.done @!p1 $0x0  }
0x288: {  	s0 =	simm.s32 @!p1 $0xB200;
	[sflag:s1] =	ssyncadd.s32 @!p1 $0xFFFFF000  }
0x289: {  	v4 =	vld.idx.msk @!p1 [tilespmem:v4+s0+$0x0], $0xffff  }
0x28a: {  	v5 =	vor.u32 @!p1 s2, v3;
	_ =	sdelay $0x3  }
0x28b: {  	[tilespmem:s30+$0x60] =	vst @!p1 v4  }
0x28c: {  	s2 =	sld [smem:$0x7F1];
	v4 =	vld.idx.msk @!p1 [tilespmem:v5+s0+$0x0], $0xffff  }
0x28d: {  	s3 =	sld [smem:$0x7F2];
	_ =	sdelay $0x2  }
0x28e: {  	s2 =	sand.u32 @!p1 $0x7F, s2;
	s3 =	sand.u32 @!p1 $0xFFFFF80, s3  }
0x28f: {  	s3 =	sadd.s32 @!p1 s5, s3;
	[tilespmem:s30+$0x70] =	vst @!p1 v4;
	v4 =	vor.u32 @!p1 s2, v2  }
0x290: {  	[tilespmem:s0], [sflag:$0x1] =	stream.strided.gather @!p1 [hbm4b:s3+s15], $0x1000, s6, s15, $0x38;
	[tilespmem:$0x14200] =	vst v63  }
0x291: {  	_ =	swait.ge @!p1 [sflag:s1], $0x1000  }
0x292: {  	[sflag:s1] =	ssyncset.done @!p1 $0x0  }
0x293: {  	s0 =	simm.s32 @!p1 $0xC200;
	[sflag:s1] =	ssyncadd.s32 @!p1 $0xFFFFF000  }
0x294: {  	v4 =	vld.idx.msk @!p1 [tilespmem:v4+s0+$0x0], $0xffff  }
0x295: {  	v5 =	vor.u32 @!p1 s2, v3;
	_ =	sdelay $0x3  }
0x296: {  	[tilespmem:s30+$0x80] =	vst @!p1 v4  }
0x297: {  	s20 =	sld [smem:$0x7F3];
	v4 =	vld.idx.msk @!p1 [tilespmem:v5+s0+$0x0], $0xffff  }
0x298: {  	s2 =	sld [smem:$0x7F4]  }
0x299: {  	s3 =	sld [smem:$0x7F5];
	_ =	sdelay $0x1  }
0x29a: {  	s10 =	simm.s32 $0xC200;
	s0 =	sand.u32 $0xFFFFF80, s20  }
0x29b: {  	s2 =	sand.u32 @!p1 $0x7F, s2;
	s3 =	sand.u32 @p1 $0xFFFFF80, s3;
	s0 =	sadd.s32 s5, s0;
	[tilespmem:s30+$0x90] =	vst @!p1 v4  }
0x29c: {  	[tilespmem:s10], [sflag:$0x1] =	stream.strided.gather [hbm4b:s0+s19], $0x1000, s18, s19, $0x38;
	[tilespmem:$0x14200] =	vst v63  }
0x29d: {  	v4 =	vor.u32 @!p1 s2, v2;
	s0 =	sadd.s32 @p1 s5, s3;
	s3 =	simm.s32 @p1 $0xD200  }
0x29e: {  	[tilespmem:s3], [sflag:$0x1] =	stream.strided.gather @p1 [hbm4b:s0+s13], $0x1000, s14, s13, $0x38;
	[tilespmem:$0x14200] =	vst v63  }
0x29f: {  	_ =	swait.ge @!p1 [sflag:s1], $0x1000  }
0x2a0: {  	[sflag:s1] =	ssyncset.done @!p1 $0x0  }
0x2a1: {  	s0 =	simm.s32 @!p1 $0xD200;
	[sflag:s1] =	ssyncadd.s32 @!p1 $0xFFFFF000  }
0x2a2: {  	v4 =	vld.idx.msk @!p1 [tilespmem:v4+s0+$0x0], $0xffff  }
0x2a3: {  	v5 =	vor.u32 @!p1 s2, v3;
	_ =	sdelay $0x3  }
0x2a4: {  	[tilespmem:s30+$0xA0] =	vst @!p1 v4  }
0x2a5: {  	s2 =	sld [smem:$0x7F6];
	v4 =	vld.idx.msk @!p1 [tilespmem:v5+s0+$0x0], $0xffff  }
0x2a6: {  	s3 =	sld [smem:$0x7F7];
	_ =	sdelay $0x2  }
0x2a7: {  	s2 =	sand.u32 @!p1 $0x7F, s2;
	s3 =	sand.u32 @!p1 $0xFFFFF80, s3  }
0x2a8: {  	s3 =	sadd.s32 @!p1 s5, s3;
	[tilespmem:s30+$0xB0] =	vst @!p1 v4;
	v4 =	vor.u32 @!p1 s2, v2  }
0x2a9: {  	[tilespmem:s0], [sflag:$0x1] =	stream.strided.gather @!p1 [hbm4b:s3+s15], $0x1000, s6, s15, $0x38;
	[tilespmem:$0x14200] =	vst v63  }
0x2aa: {  	_ =	swait.ge @!p1 [sflag:s1], $0x1000  }
0x2ab: {  	[sflag:s1] =	ssyncset.done @!p1 $0x0  }
0x2ac: {  	s0 =	simm.s32 @!p1 $0xE200;
	[sflag:s1] =	ssyncadd.s32 @!p1 $0xFFFFF000  }
0x2ad: {  	v4 =	vld.idx.msk @!p1 [tilespmem:v4+s0+$0x0], $0xffff  }
0x2ae: {  	v5 =	vor.u32 @!p1 s2, v3;
	_ =	sdelay $0x3  }
0x2af: {  	[tilespmem:s30+$0xC0] =	vst @!p1 v4  }
0x2b0: {  	v4 =	vld.idx.msk @!p1 [tilespmem:v5+s0+$0x0], $0xffff;
	_ =	sdelay $0x1  }
0x2b1: {  	s21 =	rddreg [dreg:$0x1d]  }
0x2b2: {  	s0 =	rddreg [dreg:$0x1c]  }
0x2b3: {  	s2 =	sand.u32 $0xFFFFF80, s21;
	s0 =	sand.u32 @!p1 $0x7F, s0  }
0x2b4: {  	s3 =	simm.s32 $0xE200;
	s2 =	sadd.s32 s5, s2;
	v2 =	vor.u32 @!p1 s0, v2;
	[tilespmem:s30+$0xD0] =	vst @!p1 v4  }
0x2b5: {  	[tilespmem:s3], [sflag:$0x1] =	stream.strided.gather [hbm4b:s2+s19], $0x1000, s18, s19, $0x38;
	[tilespmem:$0x14200] =	vst v63  }
0x2b6: {  	_ =	swait.ge @!p1 [sflag:s1], $0x1000  }
0x2b7: {  	[sflag:s1] =	ssyncset.done @!p1 $0x0  }
0x2b8: {  	[sflag:s1] =	ssyncadd.s32 @!p1 $0xFFFFF000;
	s1 =	simm.s32 @!p1 $0xF200  }
0x2b9: {  	v2 =	vld.idx.msk @!p1 [tilespmem:v2+s1+$0x0], $0xffff  }
0x2ba: {  	v3 =	vor.u32 @!p1 s0, v3;
	_ =	sdelay $0x3  }
0x2bb: {  	[tilespmem:s30+$0xE0] =	vst @!p1 v2  }
0x2bc: {  	v2 =	vld.idx.msk @!p1 [tilespmem:v3+s1+$0x0], $0xffff;
	_ =	sdelay $0x2  }
0x2bd: {  	s22 =	rddreg [dreg:$0x18]  }
0x2be: {  	s0 =	sand.u32 $0xFFFFF80, s22  }
0x2bf: {  	s23 =	simm.s32 $0xF200;
	s0 =	sadd.s32 s5, s0;
	[tilespmem:s30+$0xF0] =	vst @!p1 v2  }
0x2c0: {  	[tilespmem:s23], [sflag:$0x1] =	stream.strided.gather [hbm4b:s0+s19], $0x1000, s18, s19, $0x38;
	[tilespmem:$0x14200] =	vst v63  }
0x2c1: {  	v2 =	vld [tilespmem:$0x1F0];
	_ =	sdelay $0x2  }
0x2c2: {  	s1 =	simm.s32 $0x1  }
0x2c3: {  	_ =	swait.ge [sflag:s1], $0x1000  }
0x2c4: {  	(v2sf) =	vpush v2, $0x0;
	_ =	sdelay $0xe  }
0x2c5: {  	s24 =	spop (v2sf)  }
0x2c6: {  	s0 =	sand.u32 $0x7F, s24  }
0x2c7: {  	v3 =	vor.u32 s0, v0;
	_ =	sdelay $0x2  }
0x2c8: {  	[sflag:s1] =	ssyncset.done $0x0  }
0x2c9: {  	s25 =	simm.s32 $0x200;
	[sflag:s1] =	ssyncadd.s32 $0xFFFFF000  }
0x2ca: {  	v3 =	vld.idx.msk [tilespmem:v3+s25+$0x0], $0xffff  }
0x2cb: {  	v49 =	vor.u32 s0, v1;
	_ =	sdelay $0x3  }
0x2cc: {  	[tilespmem:$0x14000] =	vst v3  }
0x2cd: {  	v3 =	vld.idx.msk [tilespmem:v49+s25+$0x0], $0xffff;
	_ =	sdelay $0x4  }
0x2ce: {  	[tilespmem:$0x14010] =	vst v3  }
0x2cf: {  	_ =	swait.ge [sflag:s1], $0x1000  }
0x2d0: {  	(v2sf) =	vpush v2, $0x1;
	_ =	sdelay $0xe  }
0x2d1: {  	s26 =	spop (v2sf)  }
0x2d2: {  	s0 =	sand.u32 $0x7F, s26  }
0x2d3: {  	v3 =	vor.u32 s0, v0;
	_ =	sdelay $0x2  }
0x2d4: {  	[sflag:s1] =	ssyncset.done $0x0  }
0x2d5: {  	s28 =	simm.s32 $0x1200;
	[sflag:s1] =	ssyncadd.s32 $0xFFFFF000  }
0x2d6: {  	v3 =	vld.idx.msk [tilespmem:v3+s28+$0x0], $0xffff  }
0x2d7: {  	v50 =	vor.u32 s0, v1;
	_ =	sdelay $0x3  }
0x2d8: {  	[tilespmem:$0x14020] =	vst v3  }
0x2d9: {  	v3 =	vld.idx.msk [tilespmem:v50+s28+$0x0], $0xffff;
	_ =	sdelay $0x4  }
0x2da: {  	[tilespmem:$0x14030] =	vst v3  }
0x2db: {  	_ =	swait.ge [sflag:s1], $0x1000  }
0x2dc: {  	(v2sf) =	vpush v2, $0x2;
	_ =	sdelay $0xe  }
0x2dd: {  	s29 =	spop (v2sf)  }
0x2de: {  	s0 =	sand.u32 $0x7F, s29  }
0x2df: {  	v3 =	vor.u32 s0, v0;
	_ =	sdelay $0x2  }
0x2e0: {  	[sflag:s1] =	ssyncset.done $0x0  }
0x2e1: {  	[sflag:s1] =	ssyncadd.s32 $0xFFFFF000  }
0x2e2: {  	v3 =	vld.idx.msk [tilespmem:v3+s11+$0x0], $0xffff  }
0x2e3: {  	v51 =	vor.u32 s0, v1;
	_ =	sdelay $0x3  }
0x2e4: {  	[tilespmem:$0x14040] =	vst v3  }
0x2e5: {  	v3 =	vld.idx.msk [tilespmem:v51+s11+$0x0], $0xffff;
	_ =	sdelay $0x4  }
0x2e6: {  	[tilespmem:$0x14050] =	vst v3  }
0x2e7: {  	_ =	swait.ge [sflag:s1], $0x1000  }
0x2e8: {  	(v2sf) =	vpush v2, $0x3;
	_ =	sdelay $0xe  }
0x2e9: {  	s30 =	spop (v2sf)  }
0x2ea: {  	s0 =	sand.u32 $0x7F, s30  }
0x2eb: {  	v3 =	vor.u32 s0, v0;
	_ =	sdelay $0x2  }
0x2ec: {  	[sflag:s1] =	ssyncset.done $0x0  }
0x2ed: {  	s31 =	simm.s32 $0x3200;
	[sflag:s1] =	ssyncadd.s32 $0xFFFFF000  }
0x2ee: {  	v3 =	vld.idx.msk [tilespmem:v3+s31+$0x0], $0xffff  }
0x2ef: {  	v52 =	vor.u32 s0, v1;
	_ =	sdelay $0x3  }
0x2f0: {  	[tilespmem:$0x14060] =	vst v3  }
0x2f1: {  	v3 =	vld.idx.msk [tilespmem:v52+s31+$0x0], $0xffff;
	_ =	sdelay $0x4  }
0x2f2: {  	[tilespmem:$0x14070] =	vst v3  }
0x2f3: {  	_ =	swait.ge [sflag:s1], $0x1000  }
0x2f4: {  	(v2sf) =	vpush v2, $0x4;
	_ =	sdelay $0xe  }
0x2f5: {  	s5 =	spop (v2sf)  }
0x2f6: {  	s0 =	sand.u32 $0x7F, s5  }
0x2f7: {  	v3 =	vor.u32 s0, v0;
	_ =	sdelay $0x2  }
0x2f8: {  	[sflag:s1] =	ssyncset.done $0x0  }
0x2f9: {  	[sflag:s1] =	ssyncadd.s32 $0xFFFFF000  }
0x2fa: {  	v3 =	vld.idx.msk [tilespmem:v3+s4+$0x0], $0xffff  }
0x2fb: {  	v53 =	vor.u32 s0, v1;
	_ =	sdelay $0x3  }
0x2fc: {  	[tilespmem:$0x14080] =	vst v3  }
0x2fd: {  	v3 =	vld.idx.msk [tilespmem:v53+s4+$0x0], $0xffff;
	_ =	sdelay $0x4  }
0x2fe: {  	[tilespmem:$0x14090] =	vst v3  }
0x2ff: {  	_ =	swait.ge [sflag:s1], $0x1000  }
0x300: {  	(v2sf) =	vpush v2, $0x5;
	_ =	sdelay $0xe  }
0x301: {  	s6 =	spop (v2sf)  }
0x302: {  	s0 =	sand.u32 $0x7F, s6  }
0x303: {  	v3 =	vor.u32 s0, v0;
	_ =	sdelay $0x2  }
0x304: {  	[sflag:s1] =	ssyncset.done $0x0  }
0x305: {  	s11 =	simm.s32 $0x5200;
	[sflag:s1] =	ssyncadd.s32 $0xFFFFF000  }
0x306: {  	v3 =	vld.idx.msk [tilespmem:v3+s11+$0x0], $0xffff  }
0x307: {  	v54 =	vor.u32 s0, v1;
	_ =	sdelay $0x3  }
0x308: {  	[tilespmem:$0x140A0] =	vst v3  }
0x309: {  	v3 =	vld.idx.msk [tilespmem:v54+s11+$0x0], $0xffff;
	_ =	sdelay $0x4  }
0x30a: {  	[tilespmem:$0x140B0] =	vst v3  }
0x30b: {  	_ =	swait.ge [sflag:s1], $0x1000  }
0x30c: {  	(v2sf) =	vpush v2, $0x6;
	_ =	sdelay $0xe  }
0x30d: {  	s12 =	spop (v2sf)  }
0x30e: {  	s0 =	sand.u32 $0x7F, s12  }
0x30f: {  	v3 =	vor.u32 s0, v0;
	_ =	sdelay $0x2  }
0x310: {  	[sflag:s1] =	ssyncset.done $0x0  }
0x311: {  	[sflag:s1] =	ssyncadd.s32 $0xFFFFF000  }
0x312: {  	v3 =	vld.idx.msk [tilespmem:v3+s7+$0x0], $0xffff  }
0x313: {  	v55 =	vor.u32 s0, v1;
	_ =	sdelay $0x3  }
0x314: {  	[tilespmem:$0x140C0] =	vst v3  }
0x315: {  	v3 =	vld.idx.msk [tilespmem:v55+s7+$0x0], $0xffff;
	_ =	sdelay $0x4  }
0x316: {  	[tilespmem:$0x140D0] =	vst v3  }
0x317: {  	_ =	swait.ge [sflag:s1], $0x1000  }
0x318: {  	(v2sf) =	vpush v2, $0x7;
	_ =	sdelay $0xe  }
0x319: {  	s13 =	spop (v2sf)  }
0x31a: {  	s0 =	sand.u32 $0x7F, s13  }
0x31b: {  	v3 =	vor.u32 s0, v0;
	_ =	sdelay $0x2  }
0x31c: {  	[sflag:s1] =	ssyncset.done $0x0  }
0x31d: {  	s14 =	simm.s32 $0x7200;
	[sflag:s1] =	ssyncadd.s32 $0xFFFFF000  }
0x31e: {  	v3 =	vld.idx.msk [tilespmem:v3+s14+$0x0], $0xffff  }
0x31f: {  	v56 =	vor.u32 s0, v1;
	_ =	sdelay $0x3  }
0x320: {  	[tilespmem:$0x140E0] =	vst v3  }
0x321: {  	v3 =	vld.idx.msk [tilespmem:v56+s14+$0x0], $0xffff;
	_ =	sdelay $0x4  }
0x322: {  	[tilespmem:$0x140F0] =	vst v3  }
0x323: {  	_ =	swait.ge [sflag:s1], $0x1000  }
0x324: {  	(v2sf) =	vpush v2, $0x8;
	_ =	sdelay $0xe  }
0x325: {  	s15 =	spop (v2sf)  }
0x326: {  	s0 =	sand.u32 $0x7F, s15  }
0x327: {  	v3 =	vor.u32 s0, v0;
	_ =	sdelay $0x2  }
0x328: {  	[sflag:s1] =	ssyncset.done $0x0  }
0x329: {  	[sflag:s1] =	ssyncadd.s32 $0xFFFFF000  }
0x32a: {  	v3 =	vld.idx.msk [tilespmem:v3+s16+$0x0], $0xffff  }
0x32b: {  	v57 =	vor.u32 s0, v1;
	_ =	sdelay $0x3  }
0x32c: {  	[tilespmem:$0x14100] =	vst v3  }
0x32d: {  	v3 =	vld.idx.msk [tilespmem:v57+s16+$0x0], $0xffff;
	_ =	sdelay $0x4  }
0x32e: {  	[tilespmem:$0x14110] =	vst v3  }
0x32f: {  	_ =	swait.ge [sflag:s1], $0x1000  }
0x330: {  	(v2sf) =	vpush v2, $0x9;
	_ =	sdelay $0xe  }
0x331: {  	s16 =	spop (v2sf)  }
0x332: {  	s0 =	sand.u32 $0x7F, s16  }
0x333: {  	v3 =	vor.u32 s0, v0;
	_ =	sdelay $0x2  }
0x334: {  	[sflag:s1] =	ssyncset.done $0x0  }
0x335: {  	s17 =	simm.s32 $0x9200;
	[sflag:s1] =	ssyncadd.s32 $0xFFFFF000  }
0x336: {  	v3 =	vld.idx.msk [tilespmem:v3+s17+$0x0], $0xffff  }
0x337: {  	v58 =	vor.u32 s0, v1;
	_ =	sdelay $0x3  }
0x338: {  	[tilespmem:$0x14120] =	vst v3  }
0x339: {  	v3 =	vld.idx.msk [tilespmem:v58+s17+$0x0], $0xffff;
	_ =	sdelay $0x4  }
0x33a: {  	[tilespmem:$0x14130] =	vst v3  }
0x33b: {  	_ =	swait.ge [sflag:s1], $0x1000  }
0x33c: {  	(v2sf) =	vpush v2, $0xA;
	_ =	sdelay $0xe  }
0x33d: {  	s18 =	spop (v2sf)  }
0x33e: {  	s0 =	sand.u32 $0x7F, s18  }
0x33f: {  	v3 =	vor.u32 s0, v0;
	_ =	sdelay $0x2  }
0x340: {  	[sflag:s1] =	ssyncset.done $0x0  }
0x341: {  	[sflag:s1] =	ssyncadd.s32 $0xFFFFF000  }
0x342: {  	v3 =	vld.idx.msk [tilespmem:v3+s9+$0x0], $0xffff  }
0x343: {  	v59 =	vor.u32 s0, v1;
	_ =	sdelay $0x3  }
0x344: {  	[tilespmem:$0x14140] =	vst v3  }
0x345: {  	v3 =	vld.idx.msk [tilespmem:v59+s9+$0x0], $0xffff;
	_ =	sdelay $0x4  }
0x346: {  	[tilespmem:$0x14150] =	vst v3  }
0x347: {  	_ =	swait.ge [sflag:s1], $0x1000  }
0x348: {  	(v2sf) =	vpush v2, $0xB;
	_ =	sdelay $0xe  }
0x349: {  	s19 =	spop (v2sf)  }
0x34a: {  	s0 =	sand.u32 $0x7F, s19  }
0x34b: {  	v3 =	vor.u32 s0, v0;
	_ =	sdelay $0x2  }
0x34c: {  	[sflag:s1] =	ssyncset.done $0x0  }
0x34d: {  	s20 =	simm.s32 $0xB200;
	[sflag:s1] =	ssyncadd.s32 $0xFFFFF000  }
0x34e: {  	v3 =	vld.idx.msk [tilespmem:v3+s20+$0x0], $0xffff  }
0x34f: {  	v60 =	vor.u32 s0, v1;
	_ =	sdelay $0x3  }
0x350: {  	[tilespmem:$0x14160] =	vst v3  }
0x351: {  	v3 =	vld.idx.msk [tilespmem:v60+s20+$0x0], $0xffff;
	_ =	sdelay $0x4  }
0x352: {  	[tilespmem:$0x14170] =	vst v3  }
0x353: {  	_ =	swait.ge [sflag:s1], $0x1000  }
0x354: {  	(v2sf) =	vpush v2, $0xC;
	_ =	sdelay $0xe  }
0x355: {  	s21 =	spop (v2sf)  }
0x356: {  	s0 =	sand.u32 $0x7F, s21  }
0x357: {  	v3 =	vor.u32 s0, v0;
	_ =	sdelay $0x2  }
0x358: {  	[sflag:s1] =	ssyncset.done $0x0  }
0x359: {  	[sflag:s1] =	ssyncadd.s32 $0xFFFFF000  }
0x35a: {  	v3 =	vld.idx.msk [tilespmem:v3+s10+$0x0], $0xffff  }
0x35b: {  	v61 =	vor.u32 s0, v1;
	_ =	sdelay $0x3  }
0x35c: {  	[tilespmem:$0x14180] =	vst v3  }
0x35d: {  	v3 =	vld.idx.msk [tilespmem:v61+s10+$0x0], $0xffff;
	_ =	sdelay $0x4  }
0x35e: {  	[tilespmem:$0x14190] =	vst v3  }
0x35f: {  	_ =	swait.ge [sflag:s1], $0x1000  }
0x360: {  	(v2sf) =	vpush v2, $0xD;
	_ =	sdelay $0xe  }
0x361: {  	s22 =	spop (v2sf)  }
0x362: {  	s0 =	sand.u32 $0x7F, s22  }
0x363: {  	v3 =	vor.u32 s0, v0;
	_ =	sdelay $0x2  }
0x364: {  	[sflag:s1] =	ssyncset.done $0x0  }
0x365: {  	s23 =	simm.s32 $0xD200;
	[sflag:s1] =	ssyncadd.s32 $0xFFFFF000  }
0x366: {  	v3 =	vld.idx.msk [tilespmem:v3+s23+$0x0], $0xffff  }
0x367: {  	v62 =	vor.u32 s0, v1;
	_ =	sdelay $0x3  }
0x368: {  	[tilespmem:$0x141A0] =	vst v3  }
0x369: {  	v3 =	vld.idx.msk [tilespmem:v62+s23+$0x0], $0xffff;
	_ =	sdelay $0x4  }
0x36a: {  	[tilespmem:$0x141B0] =	vst v3  }
0x36b: {  	_ =	swait.ge [sflag:s1], $0x1000  }
0x36c: {  	(v2sf) =	vpush v2, $0xE;
	_ =	sdelay $0xe  }
0x36d: {  	s24 =	spop (v2sf)  }
0x36e: {  	s0 =	sand.u32 $0x7F, s24  }
0x36f: {  	v3 =	vor.u32 s0, v0;
	_ =	sdelay $0x2  }
0x370: {  	[sflag:s1] =	ssyncset.done $0x0  }
0x371: {  	[sflag:s1] =	ssyncadd.s32 $0xFFFFF000  }
0x372: {  	v3 =	vld.idx.msk [tilespmem:v3+s3+$0x0], $0xffff  }
0x373: {  	v63 =	vor.u32 s0, v1;
	_ =	sdelay $0x3  }
0x374: {  	[tilespmem:$0x141C0] =	vst v3  }
0x375: {  	v3 =	vld.idx.msk [tilespmem:v63+s3+$0x0], $0xffff;
	_ =	sdelay $0x4  }
0x376: {  	[tilespmem:$0x141D0] =	vst v3  }
0x377: {  	_ =	swait.ge [sflag:s1], $0x1000  }
0x378: {  	(v2sf) =	vpush v2, $0xF;
	_ =	sdelay $0xe  }
0x379: {  	s25 =	spop (v2sf)  }
0x37a: {  	s0 =	sand.u32 $0x7F, s25  }
0x37b: {  	v2 =	vor.u32 s0, v0;
	_ =	sdelay $0x2  }
0x37c: {  	[sflag:s1] =	ssyncset.done $0x0  }
0x37d: {  	s26 =	simm.s32 $0xF200;
	[sflag:s1] =	ssyncadd.s32 $0xFFFFF000  }
0x37e: {  	v2 =	vld.idx.msk [tilespmem:v2+s26+$0x0], $0xffff  }
0x37f: {  	v3 =	vor.u32 s0, v1;
	_ =	sdelay $0x3  }
0x380: {  	[tilespmem:$0x141E0] =	vst v2  }
0x381: {  	v2 =	vld.idx.msk [tilespmem:v3+s26+$0x0], $0xffff;
	_ =	sdelay $0x3  }
0x382: {  	s29 =	simm.s32 $0x10200  }
0x383: {  	s6 =	simm.s32 $0x0;
	s28 =	rddreg [dreg:$0x15];
	s1 =	simm.s32 $0x2;
	[tilespmem:$0x141F0] =	vst v2  }
0x384: {  	[hbm4b:s28+s6] =	stream.linear.scatter [tilespmem:s29], [sflag:$0x2], $0x4000, $0x38;
	[tilespmem:$0x14200] =	vst v63  }
0x385: {  	_ =	swait.ge [sflag:s1], $0x4000  }
0x386: {  	s30 =	rddreg [dreg:$0x17]  }
0x387: {  	s31 =	rddreg [dreg:$0x16];
	s2 =	sadd.s32 $0x1, s30  }
0x388: {  	p0 =	sne.s32 s2, s31  }
.Ltmp1:
0x389: {  	_ = 	snop;
	(pc) =	sbr.rel @p0 .LBB2_1-.Ltmp1, $3  }
0x38a: {  	_ =	sdelay $0x1  }
0x38b: {  	[sflag:s1] =	ssyncset.done $0x0  }
0x38c: {  	[sflag:s1] =	ssyncadd.s32 $0xFFFFC000  }
0x38d: {  	_ =	sfence.sel $0x180000  }
0x38e: {  	[bflag:$0x0] =	sbarrier.arrive $0xFFFF  }
0x38f: {  	_ =	strace $0x90000047  }
0x390: {  	s0 =	stileid.u32;
	[bflag:$0x2] =	sbarrier.arrive $0xFFFF  }
0x391: {  	p0 =	sne.s32 s0, $0x0;
	s0 =	rddreg [dreg:$0x3]  }
0x392: {  	s0 =	sadd.s32 @!p0 $0x100000, s0  }
0x393: {  	[sflag:s0] =	ssyncadd.tile.s32 @!p0 $0x1;
	_ =	shalt  }
.Lfunc_end2:
_tile_overlayer_lowered:
.L_overlay_start_2:
0x394: {  	(tag) =	ssettag $0x2  }
0x395: {  	s0 =	rddreg [dreg:$0x0];
	s2 =	stileid.u32  }
0x396: {  	s1 =	rddreg [dreg:$0x1];
	p0 =	sne.s32 s2, $0x0  }
0x397: {  	s3 =	rddreg [dreg:$0x2];
	[bflag:$0x3] =	sbarrier.arrive $0xFFFF;
	s2 =	simm.s32 @!p0 $0x1C02  }
0x398: {  	[timem:s3], [sflag:s2] =	dma.local @!p0 [hbm:s0], s1  }
0x399: {  	s0 =	simm.s32 @!p0 $0x2  }
0x39a: {  	_ =	swait.ge @!p0 [sflag:s0], s1  }
0x39b: {  	s1 =	ssub.s32 @!p0 $0x0, s1;
	[sflag:s0] =	ssyncset.done @!p0 $0x0  }
0x39c: {  	[sflag:s0] =	ssyncadd.s32 @!p0 s1  }
0x39d: {  	[bflag:$0x3] =	sbarrier.arrive $0xFFFF  }
0x39e: {  	_ =	shalt  }

// kernel: kernel.7.cloned.1.call-start
scs
__scs_entry_jumppad:
0x0: {  	(pc) =	sbr.rel $0x88, $3  }
0x1: {  	(tag) =	ssettag $0x0;
	lr =	simm.s32 $0x1  }
0x2: {  	[smem:$0x3F9B] =	sst lr;
	_ =	strace $0xD0000000  }
0x3: {  	_ = 	snop  }
0x4: {  	_ = 	snop  }
0x5: {  	_ = 	snop  }
0x6: {  	_ = 	snop  }
0x7: {  	_ = 	snop  }
__scs_overlays_trampoline_lowered:
0x8: {  	[smem:$0x3FAA] =	sst s0  }
0x9: {  	[smem:$0x3FAB] =	sst s1  }
0xa: {  	[smem:$0x3FAC] =	sst s2  }
0xb: {  	[smem:$0x3FAD] =	sst s3  }
0xc: {  	[smem:$0x3FAE] =	sst s4  }
0xd: {  	[smem:$0x3FAF] =	sst s5  }
0xe: {  	[smem:$0x3FB0] =	sst s6  }
0xf: {  	[smem:$0x3FB1] =	sst s7  }
0x10: {  	[smem:$0x3FB2] =	sst s8  }
0x11: {  	[smem:$0x3FB3] =	sst s9;
	s0 =	simm.s32 @!p0 $0x0  }
0x12: {  	s1 =	sld [smem:$0x3F99];
	s0 =	simm.s32 @p0 $0x1  }
0x13: {  	[smem:$0x3FB4] =	sst s0;
	s0 =	simm.s32 @!p1 $0x0  }
0x14: {  	s2 =	sld [smem:$0x3F98];
	s0 =	simm.s32 @p1 $0x1  }
0x15: {  	[smem:$0x3FB5] =	sst s0;
	s0 =	simm.s32 @!p2 $0x0  }
0x16: {  	s3 =	sld [smem:$0x3FDB];
	s0 =	simm.s32 @p2 $0x1  }
0x17: {  	s4 =	simm.s32 $0x1BF5;
	[smem:$0x3FB7] =	sst s0  }
0x18: {  	s0 =	sld [smem:$0x3F9A];
	_ =	swait.ge [sflag:s4], $0x0  }
0x19: {  	s7 =	sld [smem:$0x3F9B]  }
0x1a: {  	s8 =	sadd.s32 $0xFFFFE003, lr  }
0x1b: {  	s9 =	sadd.s32 $0xFFFFFEF7, lr;
	s5 =	simm.s32 $0xFFFFFFFF;
	p2 =	slt.u32 s8, $0xFFFFF086  }
0x1c: {  	p1 =	slt.u32 s9, $0xF7A;
	s5 =	simm.s32 @!p2 $0x0  }
0x1d: {  	s5 =	simm.s32 @p1 $0x1;
	p0 =	seq.s32 s7, s2  }
0x1e: {  	s7 =	smul.u32 @!p0 $0xF7A, s2;
	p2 =	seq.s32 @!p0 s5, $0x0  }
0x1f: {  	s9 =	smul.u32 $0xF7A, s1;
	s8 =	simm.s32 @!p0 $0x1BF5;
	p2 =	por !p2, p0  }
0x20: {  	[sflag:s8] =	ssyncset.s32 @!p0 $0xFFFFF086;
	s6 =	sadd.s32 @!p0 s3, s7;
	s7 =	simm.s32 @!p0 $0x108  }
0x21: {  	s3 =	sadd.s32 s3, s9;
	s6 =	sadd.s32 @!p0 $0x88, s6;
	s7 =	simm.s32 @p2 $0x1082  }
0x22: {  	[simem:s7], [sflag:s8] =	dma.local @!p0 [hbm:s6], $0xF7A  }
0x23: {  	s9 =	sor.u32 $0xD0000000, s2;
	s6 =	simm.s32 $0x108;
	_ =	swait.ge @!p0 [sflag:s8], $0x0  }
0x24: {  	s3 =	sadd.s32 $0x88, s3;
	s6 =	simm.s32 @!p1 $0x1082;
	[sflag:s4] =	ssyncset.s32 $0xFFFFF086  }
0x25: {  	[simem:s6], [sflag:s4] =	dma.local [hbm:s3], $0xF7A  }
0x26: {  	[smem:$0x3F9B] =	sst s1;
	(tag) =	ssettag s2;
	_ =	strace s9  }
0x27: {  	s1 =	sld [smem:$0x3FAB]  }
0x28: {  	s2 =	sld [smem:$0x3FAC]  }
0x29: {  	s4 =	sld [smem:$0x3FAE]  }
0x2a: {  	p0 =	seq.s32 s5, $0x0;
	s5 =	sld [smem:$0x3FAF]  }
0x2b: {  	s6 =	sld [smem:$0x3FB0]  }
0x2c: {  	s7 =	sld [smem:$0x3FB1]  }
0x2d: {  	s3 =	simm.s32 $0x108;
	s8 =	sld [smem:$0x3FB2]  }
0x2e: {  	s3 =	simm.s32 @!p0 $0x1082;
	s9 =	sld [smem:$0x3FB3]  }
0x2f: {  	lr =	sadd.s32 s0, s3;
	s0 =	sld [smem:$0x3FAA]  }
0x30: {  	s3 =	sld [smem:$0x3FAD]  }
0x31: {  	[smem:$0x3FB6] =	sst s10  }
0x32: {  	s10 =	sld [smem:$0x3FB4];
	_ =	sdelay $0x3  }
0x33: {  	p0 =	seq.s32 s10, $0x1;
	s10 =	sld [smem:$0x3FB6];
	_ =	sdelay $0x3  }
0x34: {  	[smem:$0x3FB6] =	sst s10  }
0x35: {  	s10 =	sld [smem:$0x3FB5];
	_ =	sdelay $0x3  }
0x36: {  	p1 =	seq.s32 s10, $0x1;
	s10 =	sld [smem:$0x3FB6];
	_ =	sdelay $0x3  }
0x37: {  	[smem:$0x3FB6] =	sst s10  }
0x38: {  	s10 =	sld [smem:$0x3FB7]  }
0x39: {  	_ = 	snop;
	(pc) =	sbr.ind lr, $3  }
0x3a: {  	_ = 	snop  }
0x3b: {  	_ = 	snop  }
0x3c: {  	p2 =	seq.s32 s10, $0x1;
	s10 =	sld [smem:$0x3FB6]  }
0x3d: {  	_ =	shalt  }
0x3e: {  	_ =	shalt  }
0x3f: {  	_ =	shalt  }
0x40: {  	_ =	shalt  }
0x41: {  	_ =	shalt  }
0x42: {  	_ =	shalt  }
0x43: {  	_ =	shalt  }
0x44: {  	_ =	shalt  }
0x45: {  	_ =	shalt  }
0x46: {  	_ =	shalt  }
0x47: {  	_ =	shalt  }
0x48: {  	_ =	shalt  }
0x49: {  	_ =	shalt  }
0x4a: {  	_ =	shalt  }
0x4b: {  	_ =	shalt  }
0x4c: {  	_ =	shalt  }
0x4d: {  	_ =	shalt  }
0x4e: {  	_ =	shalt  }
0x4f: {  	_ =	shalt  }
0x50: {  	_ =	shalt  }
0x51: {  	_ =	shalt  }
0x52: {  	_ =	shalt  }
0x53: {  	_ =	shalt  }
0x54: {  	_ =	shalt  }
0x55: {  	_ =	shalt  }
0x56: {  	_ =	shalt  }
0x57: {  	_ =	shalt  }
0x58: {  	_ =	shalt  }
0x59: {  	_ =	shalt  }
0x5a: {  	_ =	shalt  }
0x5b: {  	_ =	shalt  }
0x5c: {  	_ =	shalt  }
0x5d: {  	_ =	shalt  }
0x5e: {  	_ =	shalt  }
0x5f: {  	_ =	shalt  }
0x60: {  	_ =	shalt  }
0x61: {  	_ =	shalt  }
0x62: {  	_ =	shalt  }
0x63: {  	_ =	shalt  }
0x64: {  	_ =	shalt  }
0x65: {  	_ =	shalt  }
0x66: {  	_ =	shalt  }
0x67: {  	_ =	shalt  }
0x68: {  	_ =	shalt  }
0x69: {  	_ =	shalt  }
0x6a: {  	_ =	shalt  }
0x6b: {  	_ =	shalt  }
0x6c: {  	_ =	shalt  }
0x6d: {  	_ =	shalt  }
0x6e: {  	_ =	shalt  }
0x6f: {  	_ =	shalt  }
0x70: {  	_ =	shalt  }
0x71: {  	_ =	shalt  }
0x72: {  	_ =	shalt  }
0x73: {  	_ =	shalt  }
0x74: {  	_ =	shalt  }
0x75: {  	_ =	shalt  }
0x76: {  	_ =	shalt  }
0x77: {  	_ =	shalt  }
0x78: {  	_ =	shalt  }
0x79: {  	_ =	shalt  }
0x7a: {  	_ =	shalt  }
0x7b: {  	_ =	shalt  }
0x7c: {  	_ =	shalt  }
0x7d: {  	_ =	shalt  }
0x7e: {  	_ =	shalt  }
0x7f: {  	_ =	shalt  }
0x80: {  	_ =	shalt  }
0x81: {  	_ =	shalt  }
0x82: {  	_ =	shalt  }
0x83: {  	_ =	shalt  }
0x84: {  	_ =	shalt  }
0x85: {  	_ =	shalt  }
0x86: {  	_ =	shalt  }
0x87: {  	_ =	shalt  }
.Lfunc_end0:
.L_simem_size_0:
called_computation.1_lowered:
.L_overlay_start_0:
0x88: {  	s2 =	sld [smem:$0x3FD9]  }
0x89: {  	s3 =	sld [smem:$0x3FFE];
	_ =	sdelay $0x1  }
0x8a: {  	s1 =	srdreg.scid  }
0x8b: {  	s0 =	sand.u32 $0x1, s1  }
0x8c: {  	s17 =	sshll.u32 s0, $0xA;
	s2 =	sadd.s32 s3, s2  }
0x8d: {  	s2 =	sadd.s32 s2, s17  }
0x8e: {  	[smem:$0x3FC2] =	sst s2  }
0x8f: {  	_ = 	snop  }
0x90: {  	s2 =	sld [smem:$0x3FC9]  }
0x91: {  	s18 =	sld [smem:$0x3FC8]  }
0x92: {  	s4 =	sld [smem:$0x3FD0];
	(tm) =	ssettm $0x1  }
0x93: {  	s5 =	sld [smem:$0x3FFB];
	_ =	sdelay $0x3  }
0x94: {  	_ =	strace s5  }
0x95: {  	s5 =	sld [smem:$0x3FFC];
	_ =	sdelay $0x3  }
0x96: {  	_ =	strace s5  }
0x97: {  	s5 =	sld [smem:$0x3FFD];
	_ =	sdelay $0x3  }
0x98: {  	_ =	strace s5  }
0x99: {  	_ =	strace $0x8FFFFFFF  }
0x9a: {  	s19 =	sld [smem:$0x3FDB];
	_ =	sdelay $0x1  }
0x9b: {  	s6 =	simm.s32 $_scs_section_size  }
0x9c: {  	s7 =	simm.s32 $_size__tile_overlayer_lowered;
	s8 =	simm.s32 $_tile_overlayer_lowered  }
0x9d: {  	s22 =	simm.s32 $0x1BFF;
	s21 =	sshll.u32 s8, $0x1;
	s5 =	sadd.s32 s6, s19  }
0x9e: {  	s9 =	simm.s32 $0x0;
	s20 =	sshll.u32 s7, $0x1;
	s7 =	sadd.s32 s21, s5  }
0x9f: {  	[timem:s9], [sflag:s22] =	dma.local [hbm:s7], s20  }
0xa0: {  	_ =	swait.ge [sflag:s22], s20  }
0xa1: {  	s6 =	ssub.s32 $0x0, s20;
	[sflag:s22] =	ssyncset.done $0x0  }
0xa2: {  	[sflag:s22] =	ssyncadd.s32 s6;
	_ =	sdelay $0x1  }
0xa3: {  	s23 =	simm.s32 $0x1B8B  }
0xa4: {  	_ =	swait.ge [sflag:s23], $0x1  }
0xa5: {  	[sflag:s23] =	ssyncset.done $0x0  }
0xa6: {  	s25 =	simm.s32 $0x1B8E;
	s24 =	sld [smem:$0x3FFE];
	[sflag:s23] =	ssyncadd.s32 $0xFFFFFFFF  }
0xa7: {  	s26 =	simm.s32 $execute0_lowered;
	[smem:$0x3FD2] =	sst s25  }
0xa8: {  	s7 =	sshll.u32 s26, $0x1;
	_ =	strace $0x80000049;
	[dreg:$0x1] =	wrdreg $0xFFFFFFFF  }
0xa9: {  	s28 =	simm.s32 $_size_execute0_lowered;
	s5 =	sadd.s32 s5, s7;
	[dreg:$0x0] =	wrdreg $0x0  }
0xaa: {  	s7 =	sshll.u32 s28, $0x1;
	[dreg:$0x2] =	wrdreg s5  }
0xab: {  	[dreg:$0x3] =	wrdreg s7  }
0xac: {  	[dreg:$0x4] =	wrdreg $0xC0  }
0xad: {  	_ =	task [dreg:s9], $0x5FFFF  }
0xae: {  	[dreg:$0x1] =	wrdreg $0xFFFFFFFF  }
0xaf: {  	[dreg:$0x0] =	wrdreg $0x60  }
0xb0: {  	[dreg:$0x2] =	wrdreg s24  }
0xb1: {  	[dreg:$0x3] =	wrdreg s2  }
0xb2: {  	[dreg:$0x4] =	wrdreg s18  }
0xb3: {  	[dreg:$0x5] =	wrdreg s4  }
0xb4: {  	[dreg:$0x6] =	wrdreg $0x9  }
0xb5: {  	_ =	task.clear_ibuf [dreg:s9], $0x7FFFF;
	_ =	strace $0x90000049  }
0xb6: {  	s29 =	simm.s32 $0x9;
	_ =	strace $0x8000004B  }
0xb7: {  	_ =	swait.ge [sflag:s29], $0x1  }
0xb8: {  	[sflag:s29] =	ssyncadd.s32 $0xFFFFFFFF  }
0xb9: {  	_ =	strace $0x9000004B  }
0xba: {  	_ =	sfence  }
0xbb: {  	s30 =	sld [smem:$0x0];
	_ =	sdelay $0x2  }
0xbc: {  	s31 =	sshll.u32 s1, $0xD;
	s1 =	sshrl.u32 s1, $0x2  }
0xbd: {  	s3 =	sand.u32 $0x4000, s31;
	s1 =	sadd.s32 s1, s30  }
0xbe: {  	s0 =	sor.u32 s3, s0;
	s1 =	sshll.u32 s1, $0x11  }
0xbf: {  	s0 =	sor.u32 s1, s0  }
0xc0: {  	s0 =	sadd.s32 $0x8F2B, s0  }
0xc1: {  	[sflag:s0] =	ssyncadd.remote.s32 $0x1  }
0xc2: {  	_ =	sfence.sel $0xFFFF  }
0xc3: {  	[dreg:$0x0] =	wrdreg $0xFFFFFFFF;
	(pc) =	sbr.abs _section_cstart, $3  }
0xc4: {  	[dreg:$0x1] =	wrdreg $0xFFFFFFFF  }
0xc5: {  	_ =	task.clear_ibuf [dreg:s9], $0x2FFFF;
	_ =	strace $0x9FFFFFFF  }
0xc6: {  	(tm) =	ssettm $0x7FFFFFFF  }
0xc7: {  	_ =	shalt  }
tec
execute0_lowered:
.L_overlay_start_1:
0x0: {  	(tag) =	ssettag $0x1  }
0x1: {  	s5 =	rddreg [dreg:$0x0]  }
0x2: {  	s6 =	rddreg [dreg:$0x1]  }
0x3: {  	s7 =	rddreg [dreg:$0x2]  }
0x4: {  	s1 =	srdreg.scid;
	s9 =	rddreg [dreg:$0x3]  }
0x5: {  	s2 =	simm.s32 $0x0;
	s8 =	sand.u32 $0x1, s1;
	s1 =	rddreg [dreg:$0x4]  }
0x6: {  	s4 =	simm.s32 $0x400;
	[smem:$0x7FF] =	sst s2  }
0x7: {  	s12 =	simm.s32 $0x800;
	_ =	strace $0x8000004A;
	[dreg:$0x5] =	wrdreg s4  }
0x8: {  	s19 =	simm.s32 $0xC00;
	[dreg:$0x6] =	wrdreg s12  }
0x9: {  	s20 =	simm.s32 $0x1000;
	[dreg:$0x7] =	wrdreg s19  }
0xa: {  	s21 =	simm.s32 $0x1400;
	[dreg:$0x8] =	wrdreg s20  }
0xb: {  	s22 =	simm.s32 $0x1800;
	[dreg:$0x9] =	wrdreg s21  }
0xc: {  	s23 =	simm.s32 $0x1C00;
	[dreg:$0xa] =	wrdreg s22  }
0xd: {  	s24 =	simm.s32 $0x2000;
	[dreg:$0xb] =	wrdreg s23  }
0xe: {  	s0 =	stileid.u32;
	s25 =	simm.s32 $0x2400;
	[dreg:$0xc] =	wrdreg s24  }
0xf: {  	s26 =	simm.s32 $0x2800;
	s28 =	simm.s32 $0x2C00;
	[dreg:$0xd] =	wrdreg s25  }
0x10: {  	s29 =	simm.s32 $0x3000;
	s30 =	simm.s32 $0x3400;
	[dreg:$0xe] =	wrdreg s26  }
0x11: {  	s31 =	simm.s32 $0x3800;
	s14 =	simm.s32 $0x3C00;
	[dreg:$0xf] =	wrdreg s28  }
0x12: {  	s16 =	simm.s32 $0x4000;
	s15 =	simm.s32 $0x1;
	[dreg:$0x10] =	wrdreg s29  }
0x13: {  	s17 =	simm.s32 $0x8800;
	s3 =	sshll.u32 s0, $0x1;
	[dreg:$0x11] =	wrdreg s30  }
0x14: {  	s18 =	simm.s32 $0x0;
	s10 =	sor.u32 s8, s3;
	[dreg:$0x12] =	wrdreg s31  }
0x15: {  	s4 =	sadd.s32 $0x14400, s5;
	s8 =	ssub.s32 $0x2, s8;
	[dreg:$0x13] =	wrdreg s14  }
0x16: {  	vm1 =	vmmov $0x1;
	s12 =	simm.s32 $0x4400;
	s14 =	simm.s32 $0x8600;
	[dreg:$0x14] =	wrdreg s16  }
0x17: {  	vm3 =	vcmask $0x704;
	vm5 =	vcmask $0xB08;
	vm6 =	vcmask $0xF0C;
	s16 =	simm.s32 $0x2;
	s3 =	sshll.u32 s10, $0xB;
	s13 =	sshrl.u32 s8, $0x1  }
0x18: {  	vm7 =	vcmask $0x1310;
	vm8 =	vcmask $0x1714;
	vm9 =	vcmask $0x1B18;
	s10 =	sshll.u32 s10, $0x6;
	s11 =	sadd.s32 s3, s5;
	s3 =	sadd.s32 $0x32E00, s5  }
0x19: {  	vm10 =	vcmask $0x1F1C;
	vm2 =	vmmov $0x7fff;
	v0 =	vimm.s32 $0x0;
	s5 =	sadd.s32 $0x11200, s5;
	s13 =	ssub.s32 s8, s13;
	s6 =	sadd.s32 s6, s10  }
0x1a: {  	vm11 =	vcmask $0x2320;
	vm12 =	vcmask $0x2724;
	v0 =	vsel vm2, $0xFFFFFFFF, v0;
	s7 =	sadd.s32 s7, s10;
	s9 =	sadd.s32 s9, s10;
	s8 =	sadd.s32 $0x1200, s11  }
0x1b: {  	vm13 =	vcmask $0x2B28;
	vm14 =	vcmask $0x2F2C;
	vm15 =	vcmask $0x3330;
	[tilespmem:$0x1FFF0] =	vst v0;
	s10 =	smax.u32 s13, $0x1;
	s11 =	simm.s32 $0x3;
	s13 =	simm.s32 $0x8400  }
.LBB2_1:
0x1c: {  	[tilespmem:s2], [sflag:$0x3] =	stream.linear.gather [hbm4b:s6+s2], $0x200, $0x38;
	[tilespmem:$0x8A00] =	vst v63  }
0x1d: {  	_ =	swait.ge [sflag:s11], $0x200  }
0x1e: {  	[sflag:s11] =	ssyncset.done $0x0  }
0x1f: {  	s19 =	simm.s32 $0x200;
	[sflag:s11] =	ssyncadd.s32 $0xFFFFFE00  }
0x20: {  	[tilespmem:s19], [sflag:$0x3] =	stream.linear.gather [hbm4b:s7+s2], $0x200, $0x38;
	[tilespmem:$0x8A00] =	vst v63  }
0x21: {  	_ =	swait.ge [sflag:s11], $0x200  }
0x22: {  	[sflag:s11] =	ssyncset.done $0x0  }
0x23: {  	[sflag:s11] =	ssyncadd.s32 $0xFFFFFE00  }
0x24: {  	[tilespmem:s12], [sflag:$0x1] =	stream.linear.gather [hbm4b:s8+s2], $0x4000, $0x38;
	[tilespmem:$0x8A00] =	vst v63  }
0x25: {  	_ = 	snop  }
0x26: {  	[tilespmem:s13], [sflag:$0x1] =	stream.indirect.gather [hbm4b:s4+s19], $0x1, s2, s19, $0xb8;
	[tilespmem:$0x8A00] =	vst v63  }
0x27: {  	_ = 	snop  }
0x28: {  	[tilespmem:s14], [sflag:$0x1] =	stream.indirect.gather [hbm4b:s5+s19], $0x1, s19, s19, $0xb8;
	[tilespmem:$0x8A00] =	vst v63  }
0x29: {  	_ =	swait.ge [sflag:s15], $0x4000  }
0x2a: {  	s20 =	simm.s32 $0x8800;
	[sflag:s15] =	ssyncset.done $0x0  }
0x2b: {  	s21 =	simm.s32 $0x0;
	s22 =	simm.s32 $0x0;
	[sflag:s15] =	ssyncadd.s32 $0xFFFFC000  }
.LBB2_2:
0x2c: {  	s25 =	smin.u32 s22, $0x1  }
0x2d: {  	s23 =	sshll.u32 s25, $0x6  }
0x2e: {  	s23 =	ssub.s32 $0x0, s23  }
0x2f: {  	s24 =	sshra.s32 s23, $0x2  }
0x30: {  	s24 =	sadd.s32 s24, s19  }
0x31: {  	v1 =	vld [tilespmem:s24+$0x0];
	_ =	sdelay $0x1  }
0x32: {  	p0 =	seq.s32 s21, $0x0  }
0x33: {  	s24 =	simm.s32 @!p0 $0x2  }
0x34: {  	v0 =	vld [tilespmem:s19+$0x0];
	_ =	swait.ge @!p0 [sflag:s24], $0x400  }
0x35: {  	(v2sf) =	vpush v1, $0x0;
	_ =	sdelay $0xa  }
0x36: {  	s25 =	sshll.u32 s25, $0xB  }
0x37: {  	s25 =	ssub.s32 $0x0, s25  }
0x38: {  	s25 =	sshra.s32 s25, $0x2  }
0x39: {  	s28 =	sshra.s32 s21, $0x2;
	s25 =	sadd.s32 $0x4400, s25;
	[sflag:s24] =	ssyncset.done @!p0 $0x0  }
0x3a: {  	s25 =	sadd.s32 s28, s25;
	[sflag:s24] =	ssyncadd.s32 @!p0 $0xFFFFFC00;
	s26 =	spop (v2sf)  }
0x3b: {  	v4 =	vld [tilespmem:s25+$0x0];
	s26 =	sshll.u32 s26, $0x7  }
0x3c: {  	v5 =	vld [tilespmem:s25+$0x10];
	s26 =	sand.u32 $0x380, s26  }
0x3d: {  	v2 =	vld [tilespmem:s26+$0x400]  }
0x3e: {  	(v2sf) =	vpush v0, $0x0;
	v3 =	vld [tilespmem:s26+$0x410];
	_ =	sdelay $0x4  }
0x3f: {  	v2 =	vmul.f32 v4, v2;
	v3 =	vmul.f32 v5, v3;
	_ =	sdelay $0x1  }
0x40: {  	v2 =	vadd.f32 v3, v2;
	_ =	sdelay $0x1  }
0x41: {  	(xrf2) =	vadd.scan.msk.f32 $0xffff, v2;
	_ =	sdelay $0x5  }
0x42: {  	s30 =	spop (v2sf)  }
0x43: {  	s26 =	sshll.u32 s30, $0x4  }
0x44: {  	s26 =	sand.u32 $0xFFFFF80, s26  }
0x45: {  	s31 =	rddreg [dreg:$0x5];
	s26 =	sadd.s32 s3, s26  }
0x46: {  	[tilespmem:s31], [sflag:$0x2] =	stream.linear.gather [hbm4b:s26+s2], $0x400, $0x38;
	v2, _, _ =	vpop (xrf2);
	[tilespmem:$0x8A00] =	vst v63  }
0x47: {  	_ =	swait.ge @!p0 [sflag:s24], $0x400  }
0x48: {  	(v2sf) =	vpush v1, $0x1;
	_ =	sdelay $0xd  }
0x49: {  	[sflag:s24] =	ssyncset.done @!p0 $0x0  }
0x4a: {  	[sflag:s24] =	ssyncadd.s32 @!p0 $0xFFFFFC00;
	s29 =	spop (v2sf)  }
0x4b: {  	v52 =	vld [tilespmem:s25+$0x20];
	s26 =	sshll.u32 s29, $0x7  }
0x4c: {  	v6 =	vld [tilespmem:s25+$0x30];
	s26 =	sand.u32 $0x380, s26  }
0x4d: {  	v50 =	vld [tilespmem:s26+$0x800]  }
0x4e: {  	(v2sf) =	vpush v0, $0x1;
	v51 =	vld [tilespmem:s26+$0x810];
	_ =	sdelay $0x4  }
0x4f: {  	v3 =	vmul.f32 v52, v50;
	v4 =	vmul.f32 v6, v51;
	_ =	sdelay $0x1  }
0x50: {  	v3 =	vadd.f32 v4, v3;
	_ =	sdelay $0x1  }
0x51: {  	(xrf2) =	vadd.scan.msk.f32 $0xffff, v3;
	_ =	sdelay $0x5  }
0x52: {  	s30 =	spop (v2sf)  }
0x53: {  	s26 =	sshll.u32 s30, $0x4  }
0x54: {  	s26 =	sand.u32 $0xFFFFF80, s26  }
0x55: {  	s31 =	rddreg [dreg:$0x6];
	s26 =	sadd.s32 s3, s26  }
0x56: {  	[tilespmem:s31], [sflag:$0x2] =	stream.linear.gather [hbm4b:s26+s2], $0x400, $0x38;
	v3, _, _ =	vpop (xrf2);
	[tilespmem:$0x8A00] =	vst v63  }
0x57: {  	_ =	swait.ge @!p0 [sflag:s24], $0x400  }
0x58: {  	(v2sf) =	vpush v1, $0x2;
	_ =	sdelay $0xd  }
0x59: {  	[sflag:s24] =	ssyncset.done @!p0 $0x0  }
0x5a: {  	[sflag:s24] =	ssyncadd.s32 @!p0 $0xFFFFFC00;
	s29 =	spop (v2sf)  }
0x5b: {  	v55 =	vld [tilespmem:s25+$0x40];
	s26 =	sshll.u32 s29, $0x7  }
0x5c: {  	v7 =	vld [tilespmem:s25+$0x50];
	s26 =	sand.u32 $0x380, s26  }
0x5d: {  	v53 =	vld [tilespmem:s26+$0xC00]  }
0x5e: {  	(v2sf) =	vpush v0, $0x2;
	v54 =	vld [tilespmem:s26+$0xC10];
	_ =	sdelay $0x4  }
0x5f: {  	v4 =	vmul.f32 v55, v53;
	v5 =	vmul.f32 v7, v54;
	_ =	sdelay $0x1  }
0x60: {  	v4 =	vadd.f32 v5, v4;
	_ =	sdelay $0x1  }
0x61: {  	(xrf2) =	vadd.scan.msk.f32 $0xffff, v4;
	_ =	sdelay $0x5  }
0x62: {  	s30 =	spop (v2sf)  }
0x63: {  	s26 =	sshll.u32 s30, $0x4  }
0x64: {  	s26 =	sand.u32 $0xFFFFF80, s26  }
0x65: {  	s31 =	rddreg [dreg:$0x7];
	s26 =	sadd.s32 s3, s26  }
0x66: {  	[tilespmem:s31], [sflag:$0x2] =	stream.linear.gather [hbm4b:s26+s2], $0x400, $0x38;
	v4, _, _ =	vpop (xrf2);
	[tilespmem:$0x8A00] =	vst v63  }
0x67: {  	_ =	swait.ge @!p0 [sflag:s24], $0x400  }
0x68: {  	(v2sf) =	vpush v1, $0x3;
	_ =	sdelay $0xd  }
0x69: {  	[sflag:s24] =	ssyncset.done @!p0 $0x0  }
0x6a: {  	[sflag:s24] =	ssyncadd.s32 @!p0 $0xFFFFFC00;
	s29 =	spop (v2sf)  }
0x6b: {  	v58 =	vld [tilespmem:s25+$0x60];
	s26 =	sshll.u32 s29, $0x7  }
0x6c: {  	v8 =	vld [tilespmem:s25+$0x70];
	s26 =	sand.u32 $0x380, s26  }
0x6d: {  	v56 =	vld [tilespmem:s26+$0x1000]  }
0x6e: {  	(v2sf) =	vpush v0, $0x3;
	v57 =	vld [tilespmem:s26+$0x1010];
	_ =	sdelay $0x4  }
0x6f: {  	v5 =	vmul.f32 v58, v56;
	v6 =	vmul.f32 v8, v57;
	_ =	sdelay $0x1  }
0x70: {  	v5 =	vadd.f32 v6, v5;
	_ =	sdelay $0x1  }
0x71: {  	(xrf2) =	vadd.scan.msk.f32 $0xffff, v5;
	_ =	sdelay $0x5  }
0x72: {  	s30 =	spop (v2sf)  }
0x73: {  	s26 =	sshll.u32 s30, $0x4  }
0x74: {  	s26 =	sand.u32 $0xFFFFF80, s26  }
0x75: {  	s31 =	rddreg [dreg:$0x8];
	s26 =	sadd.s32 s3, s26  }
0x76: {  	[tilespmem:s31], [sflag:$0x2] =	stream.linear.gather [hbm4b:s26+s2], $0x400, $0x38;
	v5, _, _ =	vpop (xrf2);
	[tilespmem:$0x8A00] =	vst v63  }
0x77: {  	_ =	swait.ge @!p0 [sflag:s24], $0x400  }
0x78: {  	(v2sf) =	vpush v1, $0x4;
	_ =	sdelay $0xd  }
0x79: {  	[sflag:s24] =	ssyncset.done @!p0 $0x0  }
0x7a: {  	[sflag:s24] =	ssyncadd.s32 @!p0 $0xFFFFFC00;
	s29 =	spop (v2sf)  }
0x7b: {  	v61 =	vld [tilespmem:s25+$0x80];
	s26 =	sshll.u32 s29, $0x7  }
0x7c: {  	v9 =	vld [tilespmem:s25+$0x90];
	s26 =	sand.u32 $0x380, s26  }
0x7d: {  	v59 =	vld [tilespmem:s26+$0x1400]  }
0x7e: {  	(v2sf) =	vpush v0, $0x4;
	v60 =	vld [tilespmem:s26+$0x1410];
	_ =	sdelay $0x4  }
0x7f: {  	v6 =	vmul.f32 v61, v59;
	v7 =	vmul.f32 v9, v60;
	_ =	sdelay $0x1  }
0x80: {  	v6 =	vadd.f32 v7, v6;
	_ =	sdelay $0x1  }
0x81: {  	(xrf2) =	vadd.scan.msk.f32 $0xffff, v6;
	_ =	sdelay $0x5  }
0x82: {  	s30 =	spop (v2sf)  }
0x83: {  	s26 =	sshll.u32 s30, $0x4  }
0x84: {  	s26 =	sand.u32 $0xFFFFF80, s26  }
0x85: {  	s31 =	rddreg [dreg:$0x9];
	s26 =	sadd.s32 s3, s26  }
0x86: {  	[tilespmem:s31], [sflag:$0x2] =	stream.linear.gather [hbm4b:s26+s2], $0x400, $0x38;
	v6, _, _ =	vpop (xrf2);
	[tilespmem:$0x8A00] =	vst v63  }
0x87: {  	_ =	swait.ge @!p0 [sflag:s24], $0x400  }
0x88: {  	(v2sf) =	vpush v1, $0x5;
	_ =	sdelay $0xd  }
0x89: {  	[sflag:s24] =	ssyncset.done @!p0 $0x0  }
0x8a: {  	[sflag:s24] =	ssyncadd.s32 @!p0 $0xFFFFFC00;
	s29 =	spop (v2sf)  }
0x8b: {  	v12 =	vld [tilespmem:s25+$0xA0];
	s26 =	sshll.u32 s29, $0x7  }
0x8c: {  	v10 =	vld [tilespmem:s25+$0xB0];
	s26 =	sand.u32 $0x380, s26  }
0x8d: {  	v62 =	vld [tilespmem:s26+$0x1800]  }
0x8e: {  	(v2sf) =	vpush v0, $0x5;
	v63 =	vld [tilespmem:s26+$0x1810];
	_ =	sdelay $0x4  }
0x8f: {  	v7 =	vmul.f32 v12, v62;
	v8 =	vmul.f32 v10, v63;
	_ =	sdelay $0x1  }
0x90: {  	v7 =	vadd.f32 v8, v7;
	_ =	sdelay $0x1  }
0x91: {  	(xrf2) =	vadd.scan.msk.f32 $0xffff, v7;
	_ =	sdelay $0x5  }
0x92: {  	s30 =	spop (v2sf)  }
0x93: {  	s26 =	sshll.u32 s30, $0x4  }
0x94: {  	s26 =	sand.u32 $0xFFFFF80, s26  }
0x95: {  	s31 =	rddreg [dreg:$0xa];
	s26 =	sadd.s32 s3, s26  }
0x96: {  	[tilespmem:s31], [sflag:$0x2] =	stream.linear.gather [hbm4b:s26+s2], $0x400, $0x38;
	v7, _, _ =	vpop (xrf2);
	[tilespmem:$0x8A00] =	vst v63  }
0x97: {  	_ =	swait.ge @!p0 [sflag:s24], $0x400  }
0x98: {  	(v2sf) =	vpush v1, $0x6;
	_ =	sdelay $0xd  }
0x99: {  	[sflag:s24] =	ssyncset.done @!p0 $0x0  }
0x9a: {  	[sflag:s24] =	ssyncadd.s32 @!p0 $0xFFFFFC00;
	s29 =	spop (v2sf)  }
0x9b: {  	v15 =	vld [tilespmem:s25+$0xC0];
	s26 =	sshll.u32 s29, $0x7  }
0x9c: {  	v11 =	vld [tilespmem:s25+$0xD0];
	s26 =	sand.u32 $0x380, s26  }
0x9d: {  	v13 =	vld [tilespmem:s26+$0x1C00]  }
0x9e: {  	(v2sf) =	vpush v0, $0x6;
	v14 =	vld [tilespmem:s26+$0x1C10];
	_ =	sdelay $0x4  }
0x9f: {  	v8 =	vmul.f32 v15, v13;
	v9 =	vmul.f32 v11, v14;
	_ =	sdelay $0x1  }
0xa0: {  	v8 =	vadd.f32 v9, v8;
	_ =	sdelay $0x1  }
0xa1: {  	(xrf2) =	vadd.scan.msk.f32 $0xffff, v8;
	_ =	sdelay $0x5  }
0xa2: {  	s30 =	spop (v2sf)  }
0xa3: {  	s26 =	sshll.u32 s30, $0x4  }
0xa4: {  	s26 =	sand.u32 $0xFFFFF80, s26  }
0xa5: {  	s31 =	rddreg [dreg:$0xb];
	s26 =	sadd.s32 s3, s26  }
0xa6: {  	[tilespmem:s31], [sflag:$0x2] =	stream.linear.gather [hbm4b:s26+s2], $0x400, $0x38;
	v8, _, _ =	vpop (xrf2);
	[tilespmem:$0x8A00] =	vst v63  }
0xa7: {  	_ =	swait.ge @!p0 [sflag:s24], $0x400  }
0xa8: {  	(v2sf) =	vpush v1, $0x7;
	_ =	sdelay $0xd  }
0xa9: {  	[sflag:s24] =	ssyncset.done @!p0 $0x0  }
0xaa: {  	[sflag:s24] =	ssyncadd.s32 @!p0 $0xFFFFFC00;
	s29 =	spop (v2sf)  }
0xab: {  	v18 =	vld [tilespmem:s25+$0xE0];
	s26 =	sshll.u32 s29, $0x7  }
0xac: {  	v12 =	vld [tilespmem:s25+$0xF0];
	s26 =	sand.u32 $0x380, s26  }
0xad: {  	v16 =	vld [tilespmem:s26+$0x2000]  }
0xae: {  	(v2sf) =	vpush v0, $0x7;
	v17 =	vld [tilespmem:s26+$0x2010];
	_ =	sdelay $0x4  }
0xaf: {  	v9 =	vmul.f32 v18, v16;
	v10 =	vmul.f32 v12, v17;
	_ =	sdelay $0x1  }
0xb0: {  	v9 =	vadd.f32 v10, v9;
	_ =	sdelay $0x1  }
0xb1: {  	(xrf2) =	vadd.scan.msk.f32 $0xffff, v9;
	_ =	sdelay $0x5  }
0xb2: {  	s30 =	spop (v2sf)  }
0xb3: {  	s26 =	sshll.u32 s30, $0x4  }
0xb4: {  	s26 =	sand.u32 $0xFFFFF80, s26  }
0xb5: {  	s31 =	rddreg [dreg:$0xc];
	s26 =	sadd.s32 s3, s26  }
0xb6: {  	[tilespmem:s31], [sflag:$0x2] =	stream.linear.gather [hbm4b:s26+s2], $0x400, $0x38;
	v9, _, _ =	vpop (xrf2);
	[tilespmem:$0x8A00] =	vst v63  }
0xb7: {  	_ =	swait.ge @!p0 [sflag:s24], $0x400  }
0xb8: {  	(v2sf) =	vpush v1, $0x8;
	_ =	sdelay $0xd  }
0xb9: {  	[sflag:s24] =	ssyncset.done @!p0 $0x0  }
0xba: {  	[sflag:s24] =	ssyncadd.s32 @!p0 $0xFFFFFC00;
	s29 =	spop (v2sf)  }
0xbb: {  	v21 =	vld [tilespmem:s25+$0x100];
	s26 =	sshll.u32 s29, $0x7  }
0xbc: {  	v13 =	vld [tilespmem:s25+$0x110];
	s26 =	sand.u32 $0x380, s26  }
0xbd: {  	v19 =	vld [tilespmem:s26+$0x2400]  }
0xbe: {  	(v2sf) =	vpush v0, $0x8;
	v20 =	vld [tilespmem:s26+$0x2410];
	_ =	sdelay $0x4  }
0xbf: {  	v10 =	vmul.f32 v21, v19;
	v11 =	vmul.f32 v13, v20;
	_ =	sdelay $0x1  }
0xc0: {  	v10 =	vadd.f32 v11, v10;
	_ =	sdelay $0x1  }
0xc1: {  	(xrf2) =	vadd.scan.msk.f32 $0xffff, v10;
	_ =	sdelay $0x5  }
0xc2: {  	s30 =	spop (v2sf)  }
0xc3: {  	s26 =	sshll.u32 s30, $0x4  }
0xc4: {  	s26 =	sand.u32 $0xFFFFF80, s26  }
0xc5: {  	s31 =	rddreg [dreg:$0xd];
	s26 =	sadd.s32 s3, s26  }
0xc6: {  	[tilespmem:s31], [sflag:$0x2] =	stream.linear.gather [hbm4b:s26+s2], $0x400, $0x38;
	v10, _, _ =	vpop (xrf2);
	[tilespmem:$0x8A00] =	vst v63  }
0xc7: {  	_ =	swait.ge @!p0 [sflag:s24], $0x400  }
0xc8: {  	(v2sf) =	vpush v1, $0x9;
	_ =	sdelay $0xd  }
0xc9: {  	[sflag:s24] =	ssyncset.done @!p0 $0x0  }
0xca: {  	[sflag:s24] =	ssyncadd.s32 @!p0 $0xFFFFFC00;
	s29 =	spop (v2sf)  }
0xcb: {  	v24 =	vld [tilespmem:s25+$0x120];
	s26 =	sshll.u32 s29, $0x7  }
0xcc: {  	v14 =	vld [tilespmem:s25+$0x130];
	s26 =	sand.u32 $0x380, s26  }
0xcd: {  	v22 =	vld [tilespmem:s26+$0x2800]  }
0xce: {  	(v2sf) =	vpush v0, $0x9;
	v23 =	vld [tilespmem:s26+$0x2810];
	_ =	sdelay $0x4  }
0xcf: {  	v11 =	vmul.f32 v24, v22;
	v12 =	vmul.f32 v14, v23;
	_ =	sdelay $0x1  }
0xd0: {  	v11 =	vadd.f32 v12, v11;
	_ =	sdelay $0x1  }
0xd1: {  	(xrf2) =	vadd.scan.msk.f32 $0xffff, v11;
	_ =	sdelay $0x5  }
0xd2: {  	s30 =	spop (v2sf)  }
0xd3: {  	s26 =	sshll.u32 s30, $0x4  }
0xd4: {  	s26 =	sand.u32 $0xFFFFF80, s26  }
0xd5: {  	s31 =	rddreg [dreg:$0xe];
	s26 =	sadd.s32 s3, s26  }
0xd6: {  	[tilespmem:s31], [sflag:$0x2] =	stream.linear.gather [hbm4b:s26+s2], $0x400, $0x38;
	v11, _, _ =	vpop (xrf2);
	[tilespmem:$0x8A00] =	vst v63  }
0xd7: {  	_ =	swait.ge @!p0 [sflag:s24], $0x400  }
0xd8: {  	(v2sf) =	vpush v1, $0xA;
	_ =	sdelay $0xd  }
0xd9: {  	[sflag:s24] =	ssyncset.done @!p0 $0x0  }
0xda: {  	[sflag:s24] =	ssyncadd.s32 @!p0 $0xFFFFFC00;
	s29 =	spop (v2sf)  }
0xdb: {  	v27 =	vld [tilespmem:s25+$0x140];
	s26 =	sshll.u32 s29, $0x7  }
0xdc: {  	v15 =	vld [tilespmem:s25+$0x150];
	s26 =	sand.u32 $0x380, s26  }
0xdd: {  	v25 =	vld [tilespmem:s26+$0x2C00]  }
0xde: {  	(v2sf) =	vpush v0, $0xA;
	v26 =	vld [tilespmem:s26+$0x2C10];
	_ =	sdelay $0x4  }
0xdf: {  	v12 =	vmul.f32 v27, v25;
	v13 =	vmul.f32 v15, v26;
	_ =	sdelay $0x1  }
0xe0: {  	v12 =	vadd.f32 v13, v12;
	_ =	sdelay $0x1  }
0xe1: {  	(xrf2) =	vadd.scan.msk.f32 $0xffff, v12;
	_ =	sdelay $0x5  }
0xe2: {  	s30 =	spop (v2sf)  }
0xe3: {  	s26 =	sshll.u32 s30, $0x4  }
0xe4: {  	s26 =	sand.u32 $0xFFFFF80, s26  }
0xe5: {  	s31 =	rddreg [dreg:$0xf];
	s26 =	sadd.s32 s3, s26  }
0xe6: {  	[tilespmem:s31], [sflag:$0x2] =	stream.linear.gather [hbm4b:s26+s2], $0x400, $0x38;
	v12, _, _ =	vpop (xrf2);
	[tilespmem:$0x8A00] =	vst v63  }
0xe7: {  	_ =	swait.ge @!p0 [sflag:s24], $0x400  }
0xe8: {  	(v2sf) =	vpush v1, $0xB;
	_ =	sdelay $0xd  }
0xe9: {  	[sflag:s24] =	ssyncset.done @!p0 $0x0  }
0xea: {  	[sflag:s24] =	ssyncadd.s32 @!p0 $0xFFFFFC00;
	s29 =	spop (v2sf)  }
0xeb: {  	v30 =	vld [tilespmem:s25+$0x160];
	s26 =	sshll.u32 s29, $0x7  }
0xec: {  	v16 =	vld [tilespmem:s25+$0x170];
	s26 =	sand.u32 $0x380, s26  }
0xed: {  	v28 =	vld [tilespmem:s26+$0x3000]  }
0xee: {  	(v2sf) =	vpush v0, $0xB;
	v29 =	vld [tilespmem:s26+$0x3010];
	_ =	sdelay $0x4  }
0xef: {  	v13 =	vmul.f32 v30, v28;
	v14 =	vmul.f32 v16, v29;
	_ =	sdelay $0x1  }
0xf0: {  	v13 =	vadd.f32 v14, v13;
	_ =	sdelay $0x1  }
0xf1: {  	(xrf2) =	vadd.scan.msk.f32 $0xffff, v13;
	_ =	sdelay $0x5  }
0xf2: {  	s30 =	spop (v2sf)  }
0xf3: {  	s26 =	sshll.u32 s30, $0x4  }
0xf4: {  	s26 =	sand.u32 $0xFFFFF80, s26  }
0xf5: {  	s31 =	rddreg [dreg:$0x10];
	s26 =	sadd.s32 s3, s26  }
0xf6: {  	[tilespmem:s31], [sflag:$0x2] =	stream.linear.gather [hbm4b:s26+s2], $0x400, $0x38;
	v13, _, _ =	vpop (xrf2);
	[tilespmem:$0x8A00] =	vst v63  }
0xf7: {  	_ =	swait.ge @!p0 [sflag:s24], $0x400  }
0xf8: {  	(v2sf) =	vpush v1, $0xC;
	_ =	sdelay $0xd  }
0xf9: {  	[sflag:s24] =	ssyncset.done @!p0 $0x0  }
0xfa: {  	[sflag:s24] =	ssyncadd.s32 @!p0 $0xFFFFFC00;
	s29 =	spop (v2sf)  }
0xfb: {  	v33 =	vld [tilespmem:s25+$0x180];
	s26 =	sshll.u32 s29, $0x7  }
0xfc: {  	v17 =	vld [tilespmem:s25+$0x190];
	s26 =	sand.u32 $0x380, s26  }
0xfd: {  	v31 =	vld [tilespmem:s26+$0x3400]  }
0xfe: {  	(v2sf) =	vpush v0, $0xC;
	v32 =	vld [tilespmem:s26+$0x3410];
	_ =	sdelay $0x4  }
0xff: {  	v14 =	vmul.f32 v33, v31;
	v15 =	vmul.f32 v17, v32;
	_ =	sdelay $0x1  }
0x100: {  	v14 =	vadd.f32 v15, v14;
	_ =	sdelay $0x1  }
0x101: {  	(xrf2) =	vadd.scan.msk.f32 $0xffff, v14;
	_ =	sdelay $0x5  }
0x102: {  	s30 =	spop (v2sf)  }
0x103: {  	s26 =	sshll.u32 s30, $0x4  }
0x104: {  	s26 =	sand.u32 $0xFFFFF80, s26  }
0x105: {  	s31 =	rddreg [dreg:$0x11];
	s26 =	sadd.s32 s3, s26  }
0x106: {  	[tilespmem:s31], [sflag:$0x2] =	stream.linear.gather [hbm4b:s26+s2], $0x400, $0x38;
	v14, _, _ =	vpop (xrf2);
	[tilespmem:$0x8A00] =	vst v63  }
0x107: {  	_ =	swait.ge @!p0 [sflag:s24], $0x400  }
0x108: {  	(v2sf) =	vpush v1, $0xD;
	_ =	sdelay $0xd  }
0x109: {  	[sflag:s24] =	ssyncset.done @!p0 $0x0  }
0x10a: {  	[sflag:s24] =	ssyncadd.s32 @!p0 $0xFFFFFC00;
	s29 =	spop (v2sf)  }
0x10b: {  	v36 =	vld [tilespmem:s25+$0x1A0];
	s26 =	sshll.u32 s29, $0x7  }
0x10c: {  	v18 =	vld [tilespmem:s25+$0x1B0];
	s26 =	sand.u32 $0x380, s26  }
0x10d: {  	v34 =	vld [tilespmem:s26+$0x3800]  }
0x10e: {  	(v2sf) =	vpush v0, $0xD;
	v35 =	vld [tilespmem:s26+$0x3810];
	_ =	sdelay $0x4  }
0x10f: {  	v15 =	vmul.f32 v36, v34;
	v16 =	vmul.f32 v18, v35;
	_ =	sdelay $0x1  }
0x110: {  	v15 =	vadd.f32 v16, v15;
	_ =	sdelay $0x1  }
0x111: {  	(xrf2) =	vadd.scan.msk.f32 $0xffff, v15;
	_ =	sdelay $0x5  }
0x112: {  	s30 =	spop (v2sf)  }
0x113: {  	s26 =	sshll.u32 s30, $0x4  }
0x114: {  	s26 =	sand.u32 $0xFFFFF80, s26  }
0x115: {  	s31 =	rddreg [dreg:$0x12];
	s26 =	sadd.s32 s3, s26  }
0x116: {  	[tilespmem:s31], [sflag:$0x2] =	stream.linear.gather [hbm4b:s26+s2], $0x400, $0x38;
	v15, _, _ =	vpop (xrf2);
	[tilespmem:$0x8A00] =	vst v63  }
0x117: {  	_ =	swait.ge @!p0 [sflag:s24], $0x400  }
0x118: {  	(v2sf) =	vpush v1, $0xE;
	_ =	sdelay $0xd  }
0x119: {  	[sflag:s24] =	ssyncset.done @!p0 $0x0  }
0x11a: {  	[sflag:s24] =	ssyncadd.s32 @!p0 $0xFFFFFC00;
	s29 =	spop (v2sf)  }
0x11b: {  	v39 =	vld [tilespmem:s25+$0x1C0];
	s26 =	sshll.u32 s29, $0x7  }
0x11c: {  	v19 =	vld [tilespmem:s25+$0x1D0];
	s26 =	sand.u32 $0x380, s26  }
0x11d: {  	v37 =	vld [tilespmem:s26+$0x3C00]  }
0x11e: {  	(v2sf) =	vpush v0, $0xE;
	v38 =	vld [tilespmem:s26+$0x3C10];
	_ =	sdelay $0x4  }
0x11f: {  	v16 =	vmul.f32 v39, v37;
	v17 =	vmul.f32 v19, v38;
	_ =	sdelay $0x1  }
0x120: {  	v16 =	vadd.f32 v17, v16;
	_ =	sdelay $0x1  }
0x121: {  	(xrf2) =	vadd.scan.msk.f32 $0xffff, v16;
	_ =	sdelay $0x5  }
0x122: {  	s30 =	spop (v2sf)  }
0x123: {  	s26 =	sshll.u32 s30, $0x4  }
0x124: {  	s26 =	sand.u32 $0xFFFFF80, s26  }
0x125: {  	s31 =	rddreg [dreg:$0x13];
	s26 =	sadd.s32 s3, s26  }
0x126: {  	[tilespmem:s31], [sflag:$0x2] =	stream.linear.gather [hbm4b:s26+s2], $0x400, $0x38;
	v16, _, _ =	vpop (xrf2);
	[tilespmem:$0x8A00] =	vst v63  }
0x127: {  	_ =	swait.ge @!p0 [sflag:s24], $0x400  }
0x128: {  	(v2sf) =	vpush v1, $0xF  }
0x129: {  	p1 =	sne.s32 s21, $0x0;
	vm0 =	vmxor vm0, vm0  }
0x12a: {  	vm0 =	vmneg @p1 vm0  }
0x12b: {  	vm4 =	vmmov vm1;
	vm2 =	vmand vm0, vm1  }
0x12c: {  	vm1 =	vmmov vm15;
	vm15 =	vmmov vm14;
	vm14 =	vmmov vm13  }
0x12d: {  	vm13 =	vmmov vm12;
	vm12 =	vmmov vm11;
	vm11 =	vmmov vm10  }
0x12e: {  	vm10 =	vmmov vm9;
	vm9 =	vmmov vm8;
	v40 =	vadd.f32 $0.0e+00, v2  }
0x12f: {  	vm8 =	vmmov vm7;
	vm7 =	vmmov vm6;
	v41 =	vbroadcast v3, $0xF  }
0x130: {  	vm6 =	vmmov vm5;
	vm5 =	vmand vm0, vm3;
	v1 =	vbroadcast v40, $0xF  }
0x131: {  	v2 =	vnsel vm5, $0x0, v41  }
0x132: {  	vm5 =	vmmov vm6;
	v42 =	vbroadcast v4, $0xF;
	v1 =	vnsel vm2, $0x0, v1  }
0x133: {  	vm2 =	vmand vm0, vm5;
	v1 =	vadd.f32 v2, v1  }
0x134: {  	vm6 =	vmmov vm7;
	v44 =	vbroadcast v5, $0xF;
	v43 =	vnsel vm2, $0x0, v42  }
0x135: {  	vm2 =	vmand vm0, vm6;
	v1 =	vadd.f32 v43, v1  }
0x136: {  	vm7 =	vmmov vm8;
	v46 =	vbroadcast v6, $0xF;
	[sflag:s24] =	ssyncset.done @!p0 $0x0;
	v45 =	vnsel vm2, $0x0, v44  }
0x137: {  	[sflag:s24] =	ssyncadd.s32 @!p0 $0xFFFFFC00;
	vm2 =	vmand vm0, vm7;
	v1 =	vadd.f32 v45, v1;
	s28 =	spop (v2sf)  }
0x138: {  	v6 =	vld [tilespmem:s25+$0x1E0];
	v3 =	vnsel vm2, $0x0, v46;
	s26 =	sshll.u32 s28, $0x7  }
0x139: {  	v1 =	vadd.f32 v3, v1;
	v3 =	vld [tilespmem:s25+$0x1F0];
	s29 =	sand.u32 $0x380, s26  }
0x13a: {  	v4 =	vld [tilespmem:s29+$0x4000]  }
0x13b: {  	vm8 =	vmmov vm9;
	v47 =	vbroadcast v7, $0xF;
	v2 =	vld [tilespmem:s29+$0x4010]  }
0x13c: {  	vm9 =	vmmov vm10;
	vm2 =	vmand vm0, vm8  }
0x13d: {  	vm10 =	vmmov vm11;
	v48 =	vbroadcast v8, $0xF;
	v5 =	vnsel vm2, $0x0, v47  }
0x13e: {  	v50 =	vbroadcast v9, $0xF;
	vm2 =	vmand vm0, vm9;
	v1 =	vadd.f32 v5, v1  }
0x13f: {  	v49 =	vnsel vm2, $0x0, v48;
	vm2 =	vmand vm0, vm10;
	(v2sf) =	vpush v0, $0xF  }
0x140: {  	v0 =	vadd.f32 v49, v1;
	v4 =	vmul.f32 @!p0 v6, v4;
	v2 =	vmul.f32 @!p0 v3, v2  }
0x141: {  	vm11 =	vmmov vm12;
	v51 =	vbroadcast v10, $0xF;
	v1 =	vnsel vm2, $0x0, v50  }
0x142: {  	vm2 =	vmand vm0, vm11;
	v0 =	vadd.f32 v1, v0;
	v1 =	vadd.f32 @!p0 v2, v4  }
0x143: {  	vm12 =	vmmov vm13;
	v53 =	vbroadcast v11, $0xF;
	v52 =	vnsel vm2, $0x0, v51  }
0x144: {  	vm2 =	vmand vm0, vm12;
	v0 =	vadd.f32 v52, v0;
	(xrf2) =	vadd.scan.msk.f32 @!p0 $0xffff, v1  }
0x145: {  	vm13 =	vmmov vm14;
	v55 =	vbroadcast v12, $0xF;
	v54 =	vnsel vm2, $0x0, v53  }
0x146: {  	vm2 =	vmand vm0, vm13;
	v0 =	vadd.f32 v54, v0  }
0x147: {  	vm14 =	vmmov vm15;
	v57 =	vbroadcast v13, $0xF;
	v56 =	vnsel vm2, $0x0, v55  }
0x148: {  	vm2 =	vmand vm0, vm14;
	v0 =	vadd.f32 v56, v0  }
0x149: {  	vm15 =	vmmov vm1;
	v59 =	vbroadcast v14, $0xF;
	v58 =	vnsel vm2, $0x0, v57  }
0x14a: {  	vm1 =	vmmov vm4;
	vm2 =	vmand vm0, vm15;
	v0 =	vadd.f32 v58, v0  }
0x14b: {  	vm4 =	vcmask $0x3734;
	v61 =	vbroadcast v15, $0xF;
	v60 =	vnsel vm2, $0x0, v59  }
0x14c: {  	vm2 =	vmand vm0, vm4;
	v0 =	vadd.f32 v60, v0  }
0x14d: {  	v63 =	vbroadcast v16, $0xF;
	v62 =	vnsel vm2, $0x0, v61;
	vm2 =	vcmask $0x3B38  }
0x14e: {  	s21 =	sadd.s32 $0x800, s21;
	vm2 =	vmand vm0, vm2;
	v0 =	vadd.f32 v62, v0;
	v1, _, _ =	vpop @!p0 (xrf2)  }
0x14f: {  	p1 =	sne.s32 s21, $0x10000;
	v2 =	vnsel vm2, $0x0, v63;
	vm2 =	vcmask @!p0 $0x3F3C;
	s30 =	spop (v2sf);
	v1 =	vbroadcast @!p0 v1, $0xF  }
.Ltmp0:
0x150: {  	vm0 =	vmand @!p0 vm0, vm2;
	s24 =	sshll.u32 s30, $0x4;
	v0 =	vadd.f32 v2, v0;
	(pc) =	sbr.rel @p1 .LBB2_2-.Ltmp0, $4  }
0x151: {  	s23 =	sshra.s32 @!p0 s23, $0x2;
	s24 =	sand.u32 $0xFFFFF80, s24;
	v1 =	vnsel @!p0 vm0, $0x0, v1  }
0x152: {  	s23 =	sadd.s32 @!p0 s23, s20;
	s31 =	rddreg [dreg:$0x14];
	s24 =	sadd.s32 s3, s24;
	v0 =	vadd.f32 @!p0 v1, v0  }
0x153: {  	[tilespmem:s31], [sflag:$0x2] =	stream.linear.gather [hbm4b:s24+s2], $0x400, $0x38;
	[tilespmem:$0x8A00] =	vst v63  }
0x154: {  	s22 =	sadd.s32 $0x1, s22;
	s19 =	sadd.s32 $0x10, s19;
	s20 =	sadd.s32 $0x10, s20;
	[tilespmem:s23+$0x0] =	vst @!p0 v0  }
0x155: {  	v0 =	vld [tilespmem:$0x3F0];
	_ =	sdelay $0x4  }
0x156: {  	_ =	swait.ge [sflag:s16], $0x400;
	v0 =	vshll.u32 v0, $0x7  }
0x157: {  	(v2sf) =	vpush v0, $0x0;
	_ =	sdelay $0xc  }
0x158: {  	[sflag:s16] =	ssyncset.done $0x0  }
0x159: {  	[sflag:s16] =	ssyncadd.s32 $0xFFFFFC00  }
0x15a: {  	v3 =	vld [tilespmem:$0x8200];
	s19 =	spop (v2sf)  }
0x15b: {  	v4 =	vld [tilespmem:$0x8210];
	s19 =	sand.u32 $0x380, s19  }
0x15c: {  	v1 =	vld [tilespmem:s19+$0x400]  }
0x15d: {  	v2 =	vld [tilespmem:s19+$0x410];
	_ =	sdelay $0x4  }
0x15e: {  	v1 =	vmul.f32 v3, v1;
	v2 =	vmul.f32 v4, v2;
	_ =	sdelay $0x1  }
0x15f: {  	v1 =	vadd.f32 v2, v1;
	_ =	sdelay $0x1  }
0x160: {  	(xrf2) =	vadd.scan.msk.f32 $0xffff, v1;
	_ =	sdelay $0x9  }
0x161: {  	v1, _, _ =	vpop (xrf2)  }
0x162: {  	_ =	swait.ge [sflag:s16], $0x400  }
0x163: {  	(v2sf) =	vpush v0, $0x1;
	_ =	sdelay $0xc  }
0x164: {  	[sflag:s16] =	ssyncset.done $0x0  }
0x165: {  	[sflag:s16] =	ssyncadd.s32 $0xFFFFFC00  }
0x166: {  	v38 =	vld [tilespmem:$0x8220];
	s28 =	spop (v2sf)  }
0x167: {  	v5 =	vld [tilespmem:$0x8230];
	s19 =	sand.u32 $0x380, s28  }
0x168: {  	v36 =	vld [tilespmem:s19+$0x800]  }
0x169: {  	v37 =	vld [tilespmem:s19+$0x810];
	_ =	sdelay $0x4  }
0x16a: {  	v2 =	vmul.f32 v38, v36;
	v3 =	vmul.f32 v5, v37;
	_ =	sdelay $0x1  }
0x16b: {  	v2 =	vadd.f32 v3, v2;
	_ =	sdelay $0x1  }
0x16c: {  	(xrf2) =	vadd.scan.msk.f32 $0xffff, v2;
	_ =	sdelay $0x9  }
0x16d: {  	v2, _, _ =	vpop (xrf2)  }
0x16e: {  	_ =	swait.ge [sflag:s16], $0x400  }
0x16f: {  	(v2sf) =	vpush v0, $0x2;
	_ =	sdelay $0xc  }
0x170: {  	[sflag:s16] =	ssyncset.done $0x0  }
0x171: {  	[sflag:s16] =	ssyncadd.s32 $0xFFFFFC00  }
0x172: {  	v41 =	vld [tilespmem:$0x8240];
	s29 =	spop (v2sf)  }
0x173: {  	v6 =	vld [tilespmem:$0x8250];
	s19 =	sand.u32 $0x380, s29  }
0x174: {  	v39 =	vld [tilespmem:s19+$0xC00]  }
0x175: {  	v40 =	vld [tilespmem:s19+$0xC10];
	_ =	sdelay $0x4  }
0x176: {  	v3 =	vmul.f32 v41, v39;
	v4 =	vmul.f32 v6, v40;
	_ =	sdelay $0x1  }
0x177: {  	v3 =	vadd.f32 v4, v3;
	_ =	sdelay $0x1  }
0x178: {  	(xrf2) =	vadd.scan.msk.f32 $0xffff, v3;
	_ =	sdelay $0x9  }
0x179: {  	v3, _, _ =	vpop (xrf2)  }
0x17a: {  	_ =	swait.ge [sflag:s16], $0x400  }
0x17b: {  	(v2sf) =	vpush v0, $0x3;
	_ =	sdelay $0xc  }
0x17c: {  	[sflag:s16] =	ssyncset.done $0x0  }
0x17d: {  	[sflag:s16] =	ssyncadd.s32 $0xFFFFFC00  }
0x17e: {  	v44 =	vld [tilespmem:$0x8260];
	s30 =	spop (v2sf)  }
0x17f: {  	v7 =	vld [tilespmem:$0x8270];
	s19 =	sand.u32 $0x380, s30  }
0x180: {  	v42 =	vld [tilespmem:s19+$0x1000]  }
0x181: {  	v43 =	vld [tilespmem:s19+$0x1010];
	_ =	sdelay $0x4  }
0x182: {  	v4 =	vmul.f32 v44, v42;
	v5 =	vmul.f32 v7, v43;
	_ =	sdelay $0x1  }
0x183: {  	v4 =	vadd.f32 v5, v4;
	_ =	sdelay $0x1  }
0x184: {  	(xrf2) =	vadd.scan.msk.f32 $0xffff, v4;
	_ =	sdelay $0x9  }
0x185: {  	v4, _, _ =	vpop (xrf2)  }
0x186: {  	_ =	swait.ge [sflag:s16], $0x400  }
0x187: {  	(v2sf) =	vpush v0, $0x4;
	_ =	sdelay $0xc  }
0x188: {  	[sflag:s16] =	ssyncset.done $0x0  }
0x189: {  	[sflag:s16] =	ssyncadd.s32 $0xFFFFFC00  }
0x18a: {  	v47 =	vld [tilespmem:$0x8280];
	s31 =	spop (v2sf)  }
0x18b: {  	v8 =	vld [tilespmem:$0x8290];
	s19 =	sand.u32 $0x380, s31  }
0x18c: {  	v45 =	vld [tilespmem:s19+$0x1400]  }
0x18d: {  	v46 =	vld [tilespmem:s19+$0x1410];
	_ =	sdelay $0x4  }
0x18e: {  	v5 =	vmul.f32 v47, v45;
	v6 =	vmul.f32 v8, v46;
	_ =	sdelay $0x1  }
0x18f: {  	v5 =	vadd.f32 v6, v5;
	_ =	sdelay $0x1  }
0x190: {  	(xrf2) =	vadd.scan.msk.f32 $0xffff, v5;
	_ =	sdelay $0x9  }
0x191: {  	v5, _, _ =	vpop (xrf2)  }
0x192: {  	_ =	swait.ge [sflag:s16], $0x400  }
0x193: {  	(v2sf) =	vpush v0, $0x5;
	_ =	sdelay $0xc  }
0x194: {  	[sflag:s16] =	ssyncset.done $0x0  }
0x195: {  	[sflag:s16] =	ssyncadd.s32 $0xFFFFFC00  }
0x196: {  	v50 =	vld [tilespmem:$0x82A0];
	s20 =	spop (v2sf)  }
0x197: {  	v9 =	vld [tilespmem:$0x82B0];
	s19 =	sand.u32 $0x380, s20  }
0x198: {  	v48 =	vld [tilespmem:s19+$0x1800]  }
0x199: {  	v49 =	vld [tilespmem:s19+$0x1810];
	_ =	sdelay $0x4  }
0x19a: {  	v6 =	vmul.f32 v50, v48;
	v7 =	vmul.f32 v9, v49;
	_ =	sdelay $0x1  }
0x19b: {  	v6 =	vadd.f32 v7, v6;
	_ =	sdelay $0x1  }
0x19c: {  	(xrf2) =	vadd.scan.msk.f32 $0xffff, v6;
	_ =	sdelay $0x9  }
0x19d: {  	v6, _, _ =	vpop (xrf2)  }
0x19e: {  	_ =	swait.ge [sflag:s16], $0x400  }
0x19f: {  	(v2sf) =	vpush v0, $0x6;
	_ =	sdelay $0xc  }
0x1a0: {  	[sflag:s16] =	ssyncset.done $0x0  }
0x1a1: {  	[sflag:s16] =	ssyncadd.s32 $0xFFFFFC00  }
0x1a2: {  	v53 =	vld [tilespmem:$0x82C0];
	s21 =	spop (v2sf)  }
0x1a3: {  	v10 =	vld [tilespmem:$0x82D0];
	s19 =	sand.u32 $0x380, s21  }
0x1a4: {  	v51 =	vld [tilespmem:s19+$0x1C00]  }
0x1a5: {  	v52 =	vld [tilespmem:s19+$0x1C10];
	_ =	sdelay $0x4  }
0x1a6: {  	v7 =	vmul.f32 v53, v51;
	v8 =	vmul.f32 v10, v52;
	_ =	sdelay $0x1  }
0x1a7: {  	v7 =	vadd.f32 v8, v7;
	_ =	sdelay $0x1  }
0x1a8: {  	(xrf2) =	vadd.scan.msk.f32 $0xffff, v7;
	_ =	sdelay $0x9  }
0x1a9: {  	v7, _, _ =	vpop (xrf2)  }
0x1aa: {  	_ =	swait.ge [sflag:s16], $0x400  }
0x1ab: {  	(v2sf) =	vpush v0, $0x7;
	_ =	sdelay $0xc  }
0x1ac: {  	[sflag:s16] =	ssyncset.done $0x0  }
0x1ad: {  	[sflag:s16] =	ssyncadd.s32 $0xFFFFFC00  }
0x1ae: {  	v56 =	vld [tilespmem:$0x82E0];
	s22 =	spop (v2sf)  }
0x1af: {  	v11 =	vld [tilespmem:$0x82F0];
	s19 =	sand.u32 $0x380, s22  }
0x1b0: {  	v54 =	vld [tilespmem:s19+$0x2000]  }
0x1b1: {  	v55 =	vld [tilespmem:s19+$0x2010];
	_ =	sdelay $0x4  }
0x1b2: {  	v8 =	vmul.f32 v56, v54;
	v9 =	vmul.f32 v11, v55;
	_ =	sdelay $0x1  }
0x1b3: {  	v8 =	vadd.f32 v9, v8;
	_ =	sdelay $0x1  }
0x1b4: {  	(xrf2) =	vadd.scan.msk.f32 $0xffff, v8;
	_ =	sdelay $0x9  }
0x1b5: {  	v8, _, _ =	vpop (xrf2)  }
0x1b6: {  	_ =	swait.ge [sflag:s16], $0x400  }
0x1b7: {  	(v2sf) =	vpush v0, $0x8;
	_ =	sdelay $0xc  }
0x1b8: {  	[sflag:s16] =	ssyncset.done $0x0  }
0x1b9: {  	[sflag:s16] =	ssyncadd.s32 $0xFFFFFC00  }
0x1ba: {  	v59 =	vld [tilespmem:$0x8300];
	s23 =	spop (v2sf)  }
0x1bb: {  	v12 =	vld [tilespmem:$0x8310];
	s19 =	sand.u32 $0x380, s23  }
0x1bc: {  	v57 =	vld [tilespmem:s19+$0x2400]  }
0x1bd: {  	v58 =	vld [tilespmem:s19+$0x2410];
	_ =	sdelay $0x4  }
0x1be: {  	v9 =	vmul.f32 v59, v57;
	v10 =	vmul.f32 v12, v58;
	_ =	sdelay $0x1  }
0x1bf: {  	v9 =	vadd.f32 v10, v9;
	_ =	sdelay $0x1  }
0x1c0: {  	(xrf2) =	vadd.scan.msk.f32 $0xffff, v9;
	_ =	sdelay $0x9  }
0x1c1: {  	v9, _, _ =	vpop (xrf2)  }
0x1c2: {  	_ =	swait.ge [sflag:s16], $0x400  }
0x1c3: {  	(v2sf) =	vpush v0, $0x9;
	_ =	sdelay $0xc  }
0x1c4: {  	[sflag:s16] =	ssyncset.done $0x0  }
0x1c5: {  	[sflag:s16] =	ssyncadd.s32 $0xFFFFFC00  }
0x1c6: {  	v62 =	vld [tilespmem:$0x8320];
	s24 =	spop (v2sf)  }
0x1c7: {  	v13 =	vld [tilespmem:$0x8330];
	s19 =	sand.u32 $0x380, s24  }
0x1c8: {  	v60 =	vld [tilespmem:s19+$0x2800]  }
0x1c9: {  	v61 =	vld [tilespmem:s19+$0x2810];
	_ =	sdelay $0x4  }
0x1ca: {  	v10 =	vmul.f32 v62, v60;
	v11 =	vmul.f32 v13, v61;
	_ =	sdelay $0x1  }
0x1cb: {  	v10 =	vadd.f32 v11, v10;
	_ =	sdelay $0x1  }
0x1cc: {  	(xrf2) =	vadd.scan.msk.f32 $0xffff, v10;
	_ =	sdelay $0x9  }
0x1cd: {  	v10, _, _ =	vpop (xrf2)  }
0x1ce: {  	_ =	swait.ge [sflag:s16], $0x400  }
0x1cf: {  	(v2sf) =	vpush v0, $0xA;
	_ =	sdelay $0xc  }
0x1d0: {  	[sflag:s16] =	ssyncset.done $0x0  }
0x1d1: {  	[sflag:s16] =	ssyncadd.s32 $0xFFFFFC00  }
0x1d2: {  	v17 =	vld [tilespmem:$0x8340];
	s25 =	spop (v2sf)  }
0x1d3: {  	v14 =	vld [tilespmem:$0x8350];
	s19 =	sand.u32 $0x380, s25  }
0x1d4: {  	v63 =	vld [tilespmem:s19+$0x2C00]  }
0x1d5: {  	v16 =	vld [tilespmem:s19+$0x2C10];
	_ =	sdelay $0x4  }
0x1d6: {  	v11 =	vmul.f32 v17, v63;
	v12 =	vmul.f32 v14, v16;
	_ =	sdelay $0x1  }
0x1d7: {  	v11 =	vadd.f32 v12, v11;
	_ =	sdelay $0x1  }
0x1d8: {  	(xrf2) =	vadd.scan.msk.f32 $0xffff, v11;
	_ =	sdelay $0x9  }
0x1d9: {  	v11, _, _ =	vpop (xrf2)  }
0x1da: {  	_ =	swait.ge [sflag:s16], $0x400  }
0x1db: {  	(v2sf) =	vpush v0, $0xB;
	_ =	sdelay $0xc  }
0x1dc: {  	[sflag:s16] =	ssyncset.done $0x0  }
0x1dd: {  	[sflag:s16] =	ssyncadd.s32 $0xFFFFFC00  }
0x1de: {  	v20 =	vld [tilespmem:$0x8360];
	s26 =	spop (v2sf)  }
0x1df: {  	v15 =	vld [tilespmem:$0x8370];
	s19 =	sand.u32 $0x380, s26  }
0x1e0: {  	v18 =	vld [tilespmem:s19+$0x3000]  }
0x1e1: {  	v19 =	vld [tilespmem:s19+$0x3010];
	_ =	sdelay $0x4  }
0x1e2: {  	v12 =	vmul.f32 v20, v18;
	v13 =	vmul.f32 v15, v19;
	_ =	sdelay $0x1  }
0x1e3: {  	v12 =	vadd.f32 v13, v12;
	_ =	sdelay $0x1  }
0x1e4: {  	(xrf2) =	vadd.scan.msk.f32 $0xffff, v12;
	_ =	sdelay $0x9  }
0x1e5: {  	v12, _, _ =	vpop (xrf2)  }
0x1e6: {  	_ =	swait.ge [sflag:s16], $0x400  }
0x1e7: {  	(v2sf) =	vpush v0, $0xC;
	_ =	sdelay $0xc  }
0x1e8: {  	[sflag:s16] =	ssyncset.done $0x0  }
0x1e9: {  	[sflag:s16] =	ssyncadd.s32 $0xFFFFFC00  }
0x1ea: {  	v23 =	vld [tilespmem:$0x8380];
	s28 =	spop (v2sf)  }
0x1eb: {  	v16 =	vld [tilespmem:$0x8390];
	s19 =	sand.u32 $0x380, s28  }
0x1ec: {  	v21 =	vld [tilespmem:s19+$0x3400]  }
0x1ed: {  	v22 =	vld [tilespmem:s19+$0x3410];
	_ =	sdelay $0x4  }
0x1ee: {  	v13 =	vmul.f32 v23, v21;
	v14 =	vmul.f32 v16, v22;
	_ =	sdelay $0x1  }
0x1ef: {  	v13 =	vadd.f32 v14, v13;
	_ =	sdelay $0x1  }
0x1f0: {  	(xrf2) =	vadd.scan.msk.f32 $0xffff, v13;
	_ =	sdelay $0x9  }
0x1f1: {  	v13, _, _ =	vpop (xrf2)  }
0x1f2: {  	_ =	swait.ge [sflag:s16], $0x400  }
0x1f3: {  	(v2sf) =	vpush v0, $0xD;
	_ =	sdelay $0xc  }
0x1f4: {  	[sflag:s16] =	ssyncset.done $0x0  }
0x1f5: {  	[sflag:s16] =	ssyncadd.s32 $0xFFFFFC00  }
0x1f6: {  	v26 =	vld [tilespmem:$0x83A0];
	s29 =	spop (v2sf)  }
0x1f7: {  	v17 =	vld [tilespmem:$0x83B0];
	s19 =	sand.u32 $0x380, s29  }
0x1f8: {  	v24 =	vld [tilespmem:s19+$0x3800]  }
0x1f9: {  	v25 =	vld [tilespmem:s19+$0x3810];
	_ =	sdelay $0x4  }
0x1fa: {  	v14 =	vmul.f32 v26, v24;
	v15 =	vmul.f32 v17, v25;
	_ =	sdelay $0x1  }
0x1fb: {  	v14 =	vadd.f32 v15, v14;
	_ =	sdelay $0x1  }
0x1fc: {  	(xrf2) =	vadd.scan.msk.f32 $0xffff, v14;
	_ =	sdelay $0x9  }
0x1fd: {  	v14, _, _ =	vpop (xrf2)  }
0x1fe: {  	_ =	swait.ge [sflag:s16], $0x400  }
0x1ff: {  	(v2sf) =	vpush v0, $0xE;
	_ =	sdelay $0xc  }
0x200: {  	[sflag:s16] =	ssyncset.done $0x0  }
0x201: {  	[sflag:s16] =	ssyncadd.s32 $0xFFFFFC00  }
0x202: {  	v29 =	vld [tilespmem:$0x83C0];
	s30 =	spop (v2sf)  }
0x203: {  	v18 =	vld [tilespmem:$0x83D0];
	s19 =	sand.u32 $0x380, s30  }
0x204: {  	v27 =	vld [tilespmem:s19+$0x3C00]  }
0x205: {  	v28 =	vld [tilespmem:s19+$0x3C10];
	_ =	sdelay $0x4  }
0x206: {  	v15 =	vmul.f32 v29, v27;
	v16 =	vmul.f32 v18, v28;
	_ =	sdelay $0x1  }
0x207: {  	v15 =	vadd.f32 v16, v15;
	_ =	sdelay $0x1  }
0x208: {  	(xrf2) =	vadd.scan.msk.f32 $0xffff, v15;
	_ =	sdelay $0x9  }
0x209: {  	v15, _, _ =	vpop (xrf2)  }
0x20a: {  	_ =	swait.ge [sflag:s16], $0x400  }
0x20b: {  	(v2sf) =	vpush v0, $0xF;
	_ =	sdelay $0x5  }
0x20c: {  	v30 =	vbroadcast v1, $0xF;
	_ =	sdelay $0x1  }
0x20d: {  	v31 =	vbroadcast v2, $0xF;
	v0 =	vnsel vm1, $0x0, v30  }
0x20e: {  	v0 =	vadd.f32 $0.0e+00, v0  }
0x20f: {  	v1 =	vnsel vm3, $0x0, v31;
	v32 =	vbroadcast v3, $0xF  }
0x210: {  	v0 =	vadd.f32 v1, v0  }
0x211: {  	v33 =	vnsel vm5, $0x0, v32;
	v34 =	vbroadcast v4, $0xF  }
0x212: {  	[sflag:s16] =	ssyncset.done $0x0;
	v0 =	vadd.f32 v33, v0  }
0x213: {  	v35 =	vnsel vm6, $0x0, v34;
	v36 =	vbroadcast v5, $0xF;
	[sflag:s16] =	ssyncadd.s32 $0xFFFFFC00  }
0x214: {  	v40 =	vld [tilespmem:$0x83E0];
	v0 =	vadd.f32 v35, v0;
	s31 =	spop (v2sf)  }
0x215: {  	v2 =	vnsel vm7, $0x0, v36;
	v38 =	vbroadcast v6, $0xF;
	v42 =	vld [tilespmem:$0x83F0];
	s19 =	sand.u32 $0x380, s31  }
0x216: {  	v0 =	vadd.f32 v2, v0;
	v37 =	vld [tilespmem:s19+$0x4000]  }
0x217: {  	v3 =	vnsel vm8, $0x0, v38;
	v41 =	vbroadcast v7, $0xF;
	v39 =	vld [tilespmem:s19+$0x4010]  }
0x218: {  	v0 =	vadd.f32 v3, v0  }
0x219: {  	v43 =	vnsel vm9, $0x0, v41;
	v44 =	vbroadcast v8, $0xF  }
0x21a: {  	v0 =	vadd.f32 v43, v0  }
0x21b: {  	v45 =	vnsel vm10, $0x0, v44;
	v46 =	vbroadcast v9, $0xF  }
0x21c: {  	v0 =	vadd.f32 v45, v0;
	v1 =	vmul.f32 v40, v37;
	v47 =	vmul.f32 v42, v39  }
0x21d: {  	v48 =	vnsel vm11, $0x0, v46;
	v49 =	vbroadcast v10, $0xF  }
0x21e: {  	v0 =	vadd.f32 v48, v0;
	v1 =	vadd.f32 v47, v1  }
0x21f: {  	v50 =	vnsel vm12, $0x0, v49;
	v51 =	vbroadcast v11, $0xF  }
0x220: {  	v0 =	vadd.f32 v50, v0;
	(xrf2) =	vadd.scan.msk.f32 $0xffff, v1  }
0x221: {  	v52 =	vnsel vm13, $0x0, v51;
	v53 =	vbroadcast v12, $0xF  }
0x222: {  	v0 =	vadd.f32 v52, v0  }
0x223: {  	v54 =	vnsel vm14, $0x0, v53;
	v55 =	vbroadcast v13, $0xF  }
0x224: {  	v0 =	vadd.f32 v54, v0  }
0x225: {  	v56 =	vnsel vm15, $0x0, v55;
	v57 =	vbroadcast v14, $0xF;
	v62 =	vld [tilespmem:$0x1FFF0]  }
0x226: {  	v0 =	vadd.f32 v56, v0  }
0x227: {  	v58 =	vnsel vm4, $0x0, v57;
	v59 =	vbroadcast v15, $0xF  }
0x228: {  	vm0 =	vcmask $0x3B38;
	v0 =	vadd.f32 v58, v0  }
0x229: {  	v60 =	vnsel vm0, $0x0, v59  }
0x22a: {  	vm0 =	vnez.u8 v62;
	v0 =	vadd.f32 v60, v0;
	v61, _, _ =	vpop (xrf2)  }
0x22b: {  	v1 =	vsel vm0, $0x0, v61  }
0x22c: {  	v0 =	vadd.f32 v1, v0;
	_ =	sdelay $0x1  }
0x22d: {  	[tilespmem:$0x89F0] =	vst v0  }
0x22e: {  	_ =	swait.ge [sflag:s15], $0x200  }
0x22f: {  	[sflag:s15] =	ssyncset.done $0x0  }
0x230: {  	[sflag:s15] =	ssyncadd.s32 $0xFFFFFE00  }
0x231: {  	_ =	swait.ge [sflag:s15], $0x200  }
0x232: {  	[sflag:s15] =	ssyncset.done $0x0  }
0x233: {  	[sflag:s15] =	ssyncadd.s32 $0xFFFFFE00  }
0x234: {  	v0 =	vld [tilespmem:$0x8800]  }
0x235: {  	v1 =	vld [tilespmem:$0x8600]  }
0x236: {  	v2 =	vld [tilespmem:$0x8400]  }
0x237: {  	v3 =	vld [tilespmem:$0x8810]  }
0x238: {  	v4 =	vld [tilespmem:$0x8610]  }
0x239: {  	v5 =	vld [tilespmem:$0x8410]  }
0x23a: {  	v6 =	vld [tilespmem:$0x8820]  }
0x23b: {  	v7 =	vld [tilespmem:$0x8620]  }
0x23c: {  	v8 =	vld [tilespmem:$0x8420]  }
0x23d: {  	v9 =	vld [tilespmem:$0x8830]  }
0x23e: {  	v10 =	vld [tilespmem:$0x8630]  }
0x23f: {  	v11 =	vld [tilespmem:$0x8430]  }
0x240: {  	v12 =	vld [tilespmem:$0x8840]  }
0x241: {  	v13 =	vld [tilespmem:$0x8640]  }
0x242: {  	v14 =	vld [tilespmem:$0x8440]  }
0x243: {  	v15 =	vld [tilespmem:$0x8850]  }
0x244: {  	v16 =	vld [tilespmem:$0x8650]  }
0x245: {  	v17 =	vld [tilespmem:$0x8450]  }
0x246: {  	v18 =	vld [tilespmem:$0x8860]  }
0x247: {  	v19 =	vld [tilespmem:$0x8660]  }
0x248: {  	v20 =	vld [tilespmem:$0x8460]  }
0x249: {  	v21 =	vld [tilespmem:$0x8870]  }
0x24a: {  	v22 =	vld [tilespmem:$0x8670]  }
0x24b: {  	v23 =	vld [tilespmem:$0x8470]  }
0x24c: {  	v24 =	vld [tilespmem:$0x8880]  }
0x24d: {  	v25 =	vld [tilespmem:$0x8680]  }
0x24e: {  	v26 =	vld [tilespmem:$0x8480]  }
0x24f: {  	v27 =	vld [tilespmem:$0x8890]  }
0x250: {  	v28 =	vld [tilespmem:$0x8690]  }
0x251: {  	v29 =	vld [tilespmem:$0x8490]  }
0x252: {  	v30 =	vld [tilespmem:$0x88A0]  }
0x253: {  	v31 =	vld [tilespmem:$0x86A0]  }
0x254: {  	v32 =	vld [tilespmem:$0x84A0]  }
0x255: {  	v33 =	vld [tilespmem:$0x88B0]  }
0x256: {  	v34 =	vld [tilespmem:$0x86B0]  }
0x257: {  	v35 =	vld [tilespmem:$0x84B0]  }
0x258: {  	v36 =	vld [tilespmem:$0x88C0]  }
0x259: {  	v37 =	vld [tilespmem:$0x86C0]  }
0x25a: {  	v38 =	vld [tilespmem:$0x84C0]  }
0x25b: {  	v39 =	vld [tilespmem:$0x88D0]  }
0x25c: {  	v40 =	vld [tilespmem:$0x86D0]  }
0x25d: {  	v41 =	vld [tilespmem:$0x84D0]  }
0x25e: {  	v42 =	vld [tilespmem:$0x88E0]  }
0x25f: {  	v43 =	vld [tilespmem:$0x86E0]  }
0x260: {  	v44 =	vld [tilespmem:$0x84E0]  }
0x261: {  	v45 =	vld [tilespmem:$0x88F0]  }
0x262: {  	v46 =	vld [tilespmem:$0x86F0]  }
0x263: {  	v47 =	vld [tilespmem:$0x84F0]  }
0x264: {  	v48 =	vld [tilespmem:$0x8900]  }
0x265: {  	v49 =	vld [tilespmem:$0x8700]  }
0x266: {  	v53 =	vld [tilespmem:$0x8500]  }
0x267: {  	v51 =	vld [tilespmem:$0x8910]  }
0x268: {  	v52 =	vld [tilespmem:$0x8710]  }
0x269: {  	v56 =	vld [tilespmem:$0x8510]  }
0x26a: {  	v54 =	vld [tilespmem:$0x8920]  }
0x26b: {  	v55 =	vld [tilespmem:$0x8720]  }
0x26c: {  	v62 =	vld [tilespmem:$0x8520]  }
0x26d: {  	v57 =	vld [tilespmem:$0x8930]  }
0x26e: {  	v58 =	vld [tilespmem:$0x8730]  }
0x26f: {  	v63 =	vld [tilespmem:$0x8540]  }
0x270: {  	v50 =	vld [tilespmem:$0x8530]  }
0x271: {  	v59 =	vld [tilespmem:$0x8550]  }
0x272: {  	v60 =	vld [tilespmem:$0x8940]  }
0x273: {  	v61 =	vld [tilespmem:$0x8740]  }
0x274: {  	[tilespmem:$0x1FFD0] =	vst v63;
	v63 =	vld [tilespmem:$0x8950]  }
0x275: {  	[tilespmem:$0x1FFC0] =	vst v50;
	v50 =	vld [tilespmem:$0x8750]  }
0x276: {  	[tilespmem:$0x1FFE0] =	vst v59;
	v59 =	vld [tilespmem:$0x8960]  }
0x277: {  	v0 =	vadd.f32 v1, v0;
	v1 =	vld [tilespmem:$0x8760]  }
0x278: {  	v3 =	vadd.f32 v4, v3;
	v4 =	vld [tilespmem:$0x8560]  }
0x279: {  	v54 =	vadd.f32 v55, v54;
	v55 =	vld [tilespmem:$0x87C0]  }
0x27a: {  	v0 =	vadd.f32 v2, v0;
	v2 =	vadd.f32 v7, v6;
	v6 =	vld [tilespmem:$0x8970]  }
0x27b: {  	v12 =	vadd.f32 v13, v12;
	v7 =	vld [tilespmem:$0x8770]  }
0x27c: {  	v3 =	vadd.f32 v5, v3;
	v5 =	vadd.f32 v10, v9;
	v9 =	vld [tilespmem:$0x8980]  }
0x27d: {  	v15 =	vadd.f32 v16, v15;
	v10 =	vld [tilespmem:$0x8780]  }
0x27e: {  	v18 =	vadd.f32 v19, v18;
	v16 =	vadd.f32 v14, v12;
	v12 =	vld [tilespmem:$0x8990];
	[tilespmem:$0x8800] =	vst v0  }
0x27f: {  	v21 =	vadd.f32 v22, v21;
	v19 =	vadd.f32 v17, v15;
	v15 =	vld [tilespmem:$0x89A0];
	[tilespmem:$0x8810] =	vst v3  }
0x280: {  	v24 =	vadd.f32 v25, v24;
	v22 =	vadd.f32 v20, v18;
	v17 =	vld [tilespmem:$0x85A0];
	[tilespmem:$0x8840] =	vst v16  }
0x281: {  	v27 =	vadd.f32 v28, v27;
	v25 =	vadd.f32 v23, v21;
	v18 =	vld [tilespmem:$0x89B0];
	[tilespmem:$0x8850] =	vst v19  }
0x282: {  	v30 =	vadd.f32 v31, v30;
	v28 =	vadd.f32 v26, v24;
	v20 =	vld [tilespmem:$0x85B0];
	[tilespmem:$0x8860] =	vst v22  }
0x283: {  	v33 =	vadd.f32 v34, v33;
	v31 =	vadd.f32 v29, v27;
	v21 =	vld [tilespmem:$0x89C0];
	[tilespmem:$0x8870] =	vst v25  }
0x284: {  	v36 =	vadd.f32 v37, v36;
	v34 =	vadd.f32 v32, v30;
	v30 =	vld [tilespmem:$0x85C0];
	[tilespmem:$0x8880] =	vst v28  }
0x285: {  	v39 =	vadd.f32 v40, v39;
	v37 =	vadd.f32 v35, v33;
	v33 =	vld [tilespmem:$0x89D0];
	[tilespmem:$0x8890] =	vst v31  }
0x286: {  	v42 =	vadd.f32 v43, v42;
	v40 =	vadd.f32 v38, v36;
	v36 =	vld [tilespmem:$0x87D0];
	[tilespmem:$0x88A0] =	vst v34  }
0x287: {  	v45 =	vadd.f32 v46, v45;
	v43 =	vadd.f32 v41, v39;
	v38 =	vld [tilespmem:$0x85D0];
	[tilespmem:$0x88B0] =	vst v37  }
0x288: {  	v48 =	vadd.f32 v49, v48;
	v46 =	vadd.f32 v44, v42;
	v39 =	vld [tilespmem:$0x1FFE0];
	[tilespmem:$0x88C0] =	vst v40  }
0x289: {  	v49 =	vadd.f32 v47, v45;
	v41 =	vld [tilespmem:$0x89E0];
	[tilespmem:$0x88D0] =	vst v43  }
0x28a: {  	v53 =	vadd.f32 v53, v48;
	v44 =	vld [tilespmem:$0x87E0];
	[tilespmem:$0x88E0] =	vst v46  }
0x28b: {  	v52 =	vadd.f32 v52, v51;
	v0 =	vadd.f32 v8, v2;
	[tilespmem:$0x88F0] =	vst v49;
	v34 =	vld [tilespmem:$0x1FFC0]  }
0x28c: {  	v29 =	vadd.f32 v58, v57;
	v13 =	vadd.f32 v11, v5;
	[tilespmem:$0x8900] =	vst v53;
	v37 =	vld [tilespmem:$0x1FFD0]  }
0x28d: {  	v8 =	vld [tilespmem:$0x8570];
	v28 =	vadd.f32 v56, v52;
	v1 =	vadd.f32 v1, v59;
	[tilespmem:$0x8820] =	vst v0  }
0x28e: {  	v32 =	vadd.f32 v61, v60;
	v11 =	vld [tilespmem:$0x8580];
	v31 =	vadd.f32 v62, v54;
	[tilespmem:$0x8830] =	vst v13  }
0x28f: {  	v47 =	vld [tilespmem:$0x89F0];
	v35 =	vadd.f32 v50, v63;
	[tilespmem:$0x8910] =	vst v28;
	v42 =	vadd.f32 v4, v1  }
0x290: {  	v16 =	vld [tilespmem:$0x87A0];
	[tilespmem:$0x8920] =	vst v31;
	v40 =	vadd.f32 v7, v6;
	v3 =	vadd.f32 v34, v29  }
0x291: {  	v53 =	vld [tilespmem:$0x85E0];
	v43 =	vadd.f32 v10, v9;
	v0 =	vadd.f32 v37, v32;
	[tilespmem:$0x8960] =	vst v42  }
0x292: {  	v19 =	vld [tilespmem:$0x87B0];
	v55 =	vadd.f32 v55, v21;
	v45 =	vadd.f32 v8, v40;
	[tilespmem:$0x8930] =	vst v3  }
0x293: {  	v50 =	vld [tilespmem:$0x87F0];
	v58 =	vadd.f32 v36, v33;
	v48 =	vadd.f32 v11, v43;
	[tilespmem:$0x8940] =	vst v0  }
0x294: {  	v13 =	vld [tilespmem:$0x8790];
	v60 =	vadd.f32 v44, v41;
	v59 =	vadd.f32 v30, v55;
	[tilespmem:$0x8970] =	vst v45  }
0x295: {  	v56 =	vld [tilespmem:$0x85F0];
	v2 =	vadd.f32 v38, v58;
	[tilespmem:$0x8980] =	vst v48  }
0x296: {  	v14 =	vld [tilespmem:$0x8590];
	v49 =	vadd.f32 v16, v15;
	v62 =	vadd.f32 v53, v60;
	[tilespmem:$0x89C0] =	vst v59  }
0x297: {  	v52 =	vadd.f32 v19, v18;
	v3 =	vadd.f32 v39, v35;
	[tilespmem:$0x89D0] =	vst v2  }
0x298: {  	v61 =	vadd.f32 v50, v47;
	v54 =	vadd.f32 v17, v49;
	[tilespmem:$0x89E0] =	vst v62  }
0x299: {  	v46 =	vadd.f32 v13, v12;
	v57 =	vadd.f32 v20, v52;
	[tilespmem:$0x8950] =	vst v3  }
0x29a: {  	v63 =	vadd.f32 v56, v61;
	[tilespmem:$0x89A0] =	vst v54  }
0x29b: {  	s18 =	sadd.s32 $0x1, s18;
	v51 =	vadd.f32 v14, v46;
	[tilespmem:$0x89B0] =	vst v57  }
0x29c: {  	p0 =	sne.s32 s18, s10;
	[tilespmem:$0x89F0] =	vst v63  }
.Ltmp1:
0x29d: {  	[tilespmem:$0x8990] =	vst v51;
	(pc) =	sbr.rel @p0 .LBB2_1-.Ltmp1, $4  }
0x29e: {  	[hbm4b:s9+s2] =	stream.linear.scatter [tilespmem:s17], [sflag:$0x3], $0x200, $0x38;
	[tilespmem:$0x8A00] =	vst v63  }
0x29f: {  	_ =	swait.ge [sflag:s11], $0x200  }
0x2a0: {  	[sflag:s11] =	ssyncset.done $0x0  }
0x2a1: {  	[sflag:s11] =	ssyncadd.s32 $0xFFFFFE00  }
0x2a2: {  	_ =	sfence.sel $0x180000  }
0x2a3: {  	[bflag:$0x0] =	sbarrier.arrive $0xFFFF  }
0x2a4: {  	p0 =	sne.s32 s0, $0x0;
	_ =	strace $0x9000004A  }
0x2a5: {  	s0 =	sadd.s32 @!p0 $0x100000, s1;
	[bflag:$0x2] =	sbarrier.arrive $0xFFFF  }
0x2a6: {  	[sflag:s0] =	ssyncadd.tile.s32 @!p0 $0x1;
	_ =	shalt  }
.Lfunc_end2:
_tile_overlayer_lowered:
.L_overlay_start_2:
0x2a7: {  	(tag) =	ssettag $0x2  }
0x2a8: {  	s0 =	rddreg [dreg:$0x0];
	s2 =	stileid.u32  }
0x2a9: {  	s1 =	rddreg [dreg:$0x1];
	p0 =	sne.s32 s2, $0x0  }
0x2aa: {  	s3 =	rddreg [dreg:$0x2];
	[bflag:$0x3] =	sbarrier.arrive $0xFFFF;
	s2 =	simm.s32 @!p0 $0x1C03  }
0x2ab: {  	[timem:s3], [sflag:s2] =	dma.local @!p0 [hbm:s0], s1  }
0x2ac: {  	s0 =	simm.s32 @!p0 $0x3  }
0x2ad: {  	_ =	swait.ge @!p0 [sflag:s0], s1  }
0x2ae: {  	s1 =	ssub.s32 @!p0 $0x0, s1;
	[sflag:s0] =	ssyncset.done @!p0 $0x0  }
0x2af: {  	[sflag:s0] =	ssyncadd.s32 @!p0 s1  }
0x2b0: {  	[bflag:$0x3] =	sbarrier.arrive $0xFFFF  }
0x2b1: {  	_ =	shalt  }

</sc_bundles>
